<compile_context>
chip_gen: v7x
topology: tpu7x:2x2x1
jax: 0.10.2.dev20260603
libtpu: 0.0.44.dev20260713+nightly
codegen_flags: <defaults>
</compile_context>

<pallas_src>
import functools

import jax
import jax.numpy as jnp
import numpy as np
from jax import lax
from jax.experimental import pallas as pl
from jax.experimental.pallas import tpu as pltpu
from jax.experimental.pallas import tpu_sc as plsc

N = 10000
E = 320000
E2 = E // 2
H = 128
HW = H // 2

NC = 2
NS = 16
NW = NC * NS
EPW = E // NW

GCH = 80
NGCH = EPW // GCH
NPAIR = NGCH // 2

SCH = 2000
NSCH = EPW // SCH

RB = 2000
BE2 = 1600

PLO = np.array([32 * (w // 16) + (w % 16) for w in range(64)], np.int32)
PHI = PLO + 16
ILV = np.empty(H, np.int32)
ILV[0::2] = PLO
ILV[1::2] = PHI



def _tables_body(h_ref, w1a_ref, w1b_ref, b1_ref, a_ref, b_ref):
    hrows = h_ref[:]
    a_ref[:] = jnp.dot(hrows, w1a_ref[:], preferred_element_type=jnp.float32)
    b_ref[:] = jnp.dot(hrows, w1b_ref[:], preferred_element_type=jnp.float32) + b1_ref[:]


def _tables(h, w1a, w1b, b1r):
    return pl.pallas_call(
        _tables_body,
        grid=(N // RB,),
        in_specs=[
            pl.BlockSpec((RB, H), lambda i: (i, 0)),
            pl.BlockSpec((H, H), lambda i: (0, 0)),
            pl.BlockSpec((H, H), lambda i: (0, 0)),
            pl.BlockSpec((1, H), lambda i: (0, 0)),
        ],
        out_specs=[
            pl.BlockSpec((RB, H), lambda i: (i, 0)),
            pl.BlockSpec((RB, H), lambda i: (i, 0)),
        ],
        out_shape=[
            jax.ShapeDtypeStruct((N, H), jnp.float32),
            jax.ShapeDtypeStruct((N, H), jnp.float32),
        ],
    )(h, w1a, w1b, b1r)



def _addpack(buf_a, buf_b, gbuf):

    def qbody(q, carry):
        for half in range(2):
            r = 2 * q + half
            for k in range(H // 32):
                s0 = buf_a[r, pl.ds(32 * k, 16)] + buf_b[r, pl.ds(32 * k, 16)]
                s1 = buf_a[r, pl.ds(32 * k + 16, 16)] + buf_b[r, pl.ds(32 * k + 16, 16)]
                u0 = plsc.bitcast(s0, jnp.uint32)
                u1 = plsc.bitcast(s1, jnp.uint32)
                r0 = (u0 + 0x7FFF + ((u0 >> 16) & 1)) >> 16
                r1 = (u1 + 0x7FFF + ((u1 >> 16) & 1)) >> 16
                w = r0 | (r1 << 16)
                gbuf[q, pl.ds(half * 64 + 16 * k, 16)] = plsc.bitcast(w, jnp.int32)
        return carry

    lax.fori_loop(0, GCH // 2, qbody, 0)


NSLOT = 4


def _gather_body(a_hbm, b_hbm, row_hbm, col_hbm, g_hbm,
                 idx_a, idx_b, buf_a, buf_b, gbuf, si_a, si_b, sg_a, sg_b, sw):
    wid = lax.axis_index("s") * NC + lax.axis_index("c")
    base = wid * EPW
    GR = GCH // 2

    def coff(c):
        return pl.multiple_of(base + c * GCH, 8)

    def goff(c):
        return pl.multiple_of((base + c * GCH) // 2, 8)

    def issue_idx(c, s):
        return (pltpu.async_copy(row_hbm.at[pl.ds(coff(c), GCH)], idx_a[s], si_a[s]),
                pltpu.async_copy(col_hbm.at[pl.ds(coff(c), GCH)], idx_b[s], si_b[s]))

    def issue_gather(s):
        pltpu.async_copy(a_hbm.at[idx_a[s]], buf_a[s], sg_a[s])
        pltpu.async_copy(b_hbm.at[idx_b[s]], buf_b[s], sg_b[s])

    def wait(buf, hbm_slice, sem):
        pltpu.make_async_copy(buf, hbm_slice, sem).wait()

    for s in range(NSLOT):
        issue_idx(s, s)
    for s in range(NSLOT):
        wait(row_hbm.at[pl.ds(0, GCH)], idx_a[s], si_a[s])
        wait(col_hbm.at[pl.ds(0, GCH)], idx_b[s], si_b[s])
        issue_gather(s)

    NMAIN = (NGCH - 1) // NSLOT

    def block(j, carry):
        for s in range(NSLOT):
            c = 4 * j + s
            wait(a_hbm.at[pl.ds(0, GCH)], buf_a[s], sg_a[s])
            wait(b_hbm.at[pl.ds(0, GCH)], buf_b[s], sg_b[s])

            @pl.when(c + NSLOT <= NGCH - 1)
            def _():
                issue_idx(c + NSLOT, s)

            @pl.when(j > 0)
            def _():
                wait(gbuf[s], g_hbm.at[pl.ds(0, GR)], sw[s])

            _addpack(buf_a[s], buf_b[s], gbuf[s])
            pltpu.async_copy(gbuf[s], g_hbm.at[pl.ds(goff(c), GR)], sw[s])

            @pl.when(c + NSLOT <= NGCH - 1)
            def _():
                wait(row_hbm.at[pl.ds(0, GCH)], idx_a[s], si_a[s])
                wait(col_hbm.at[pl.ds(0, GCH)], idx_b[s], si_b[s])
                issue_gather(s)
        return carry

    lax.fori_loop(0, NMAIN, block, 0)

    cp = NGCH - 1
    wait(a_hbm.at[pl.ds(0, GCH)], buf_a[0], sg_a[0])
    wait(b_hbm.at[pl.ds(0, GCH)], buf_b[0], sg_b[0])
    wait(gbuf[0], g_hbm.at[pl.ds(0, GR)], sw[0])
    _addpack(buf_a[0], buf_b[0], gbuf[0])
    pltpu.sync_copy(gbuf[0], g_hbm.at[pl.ds(goff(cp), GR)])
    for s in range(1, NSLOT):
        wait(gbuf[s], g_hbm.at[pl.ds(0, GR)], sw[s])


def _gather(a_tab, b_tab, row, col):
    mesh = plsc.VectorSubcoreMesh(core_axis_name="c", subcore_axis_name="s")
    return pl.kernel(
        _gather_body,
        out_type=jax.ShapeDtypeStruct((E2, H), jnp.int32),
        mesh=mesh,
        compiler_params=pltpu.CompilerParams(needs_layout_passes=False),
        scratch_types=[
            [pltpu.VMEM((GCH,), jnp.int32)] * NSLOT,
            [pltpu.VMEM((GCH,), jnp.int32)] * NSLOT,
            [pltpu.VMEM((GCH, H), jnp.float32)] * NSLOT,
            [pltpu.VMEM((GCH, H), jnp.float32)] * NSLOT,
            [pltpu.VMEM((GCH // 2, H), jnp.int32)] * NSLOT,
            [pltpu.SemaphoreType.DMA] * NSLOT,
            [pltpu.SemaphoreType.DMA] * NSLOT,
            [pltpu.SemaphoreType.DMA] * NSLOT,
            [pltpu.SemaphoreType.DMA] * NSLOT,
            [pltpu.SemaphoreType.DMA] * NSLOT,
        ],
    )(a_tab, b_tab, row, col)



def _mlp_body(g_ref, ea_ref, w1cl_ref, w1ch_ref, w2_ref, b2_ref, w3_ref, phi_ref):
    gi = g_ref[:]
    lo = jax.lax.bitcast_convert_type(gi << 16, jnp.float32)
    hi = jax.lax.bitcast_convert_type(gi & jnp.int32(-65536), jnp.float32)
    w2 = w2_ref[:]
    b2 = b2_ref[:]
    w3 = w3_ref[:]
    outs = []
    for c in range(2):
        l = lo[:, 64 * c:64 * (c + 1)]
        h = hi[:, 64 * c:64 * (c + 1)]
        eac = ea_ref[:, c:c + 1]
        x1 = jnp.concatenate(
            [jax.nn.silu(l + eac * w1cl_ref[:]),
             jax.nn.silu(h + eac * w1ch_ref[:])], axis=1).astype(jnp.bfloat16)
        x2 = jnp.dot(x1, w2, preferred_element_type=jnp.float32) + b2
        x2 = jax.nn.silu(x2).astype(jnp.bfloat16)
        outs.append(jnp.dot(x2, w3, preferred_element_type=jnp.float32))
    phi_ref[:] = jnp.concatenate(outs, axis=1)


def _mlp(g, ea2, w1cl, w1ch, w2cat, b2r, w3):
    return pl.pallas_call(
        _mlp_body,
        grid=(E2 // BE2,),
        in_specs=[
            pl.BlockSpec((BE2, H), lambda i: (i, 0)),
            pl.BlockSpec((BE2, 2), lambda i: (i, 0)),
            pl.BlockSpec((1, 64), lambda i: (0, 0)),
            pl.BlockSpec((1, 64), lambda i: (0, 0)),
            pl.BlockSpec((H, H), lambda i: (0, 0)),
            pl.BlockSpec((1, H), lambda i: (0, 0)),
            pl.BlockSpec((H, 1), lambda i: (0, 0)),
        ],
        out_specs=pl.BlockSpec((BE2, 2), lambda i: (i, 0)),
        out_shape=jax.ShapeDtypeStruct((E2, 2), jnp.float32),
    )(g, ea2, w1cl, w1ch, w2cat, b2r, w3)



def _scatter_body(phi_hbm, cd_hbm, row_hbm, part_hbm,
                  acc, idx_v, phi_v, cd_v):
    wid = lax.axis_index("s") * NC + lax.axis_index("c")
    base = wid * EPW

    zeros16 = jnp.zeros((16,), jnp.float32)

    def zbody(i, carry):
        acc[pl.ds(i * 16, 16)] = zeros16
        return carry

    lax.fori_loop(0, (3 * N) // 16, zbody, 0)

    lane3 = lax.iota(jnp.int32, 16) * 3

    def chunk(i, carry):
        off = pl.multiple_of(base + i * SCH, 8)
        pltpu.sync_copy(row_hbm.at[pl.ds(off, SCH)], idx_v)
        pltpu.sync_copy(phi_hbm.at[pl.ds(off, SCH)], phi_v)
        pltpu.sync_copy(cd_hbm.at[pl.ds(pl.multiple_of(3 * off, 8), 3 * SCH)], cd_v)

        def group(j, c2):
            sl = pl.ds(j * 16, 16)
            ii = idx_v[sl]
            p = phi_v[sl]
            flat16 = j * 48 + lane3
            for comp in range(3):
                cdc = plsc.load_gather(cd_v, [flat16 + comp])
                plsc.addupdate_scatter(acc, [ii + comp * N], cdc * p)
            return c2

        lax.fori_loop(0, SCH // 16, group, 0)
        return carry

    lax.fori_loop(0, NSCH, chunk, 0)
    pltpu.sync_copy(acc, part_hbm.at[wid])


def _scatter(phi_flat, cd, row):
    mesh = plsc.VectorSubcoreMesh(core_axis_name="c", subcore_axis_name="s")
    return pl.kernel(
        _scatter_body,
        out_type=jax.ShapeDtypeStruct((NW, 3 * N), jnp.float32),
        mesh=mesh,
        compiler_params=pltpu.CompilerParams(needs_layout_passes=False),
        scratch_types=[
            pltpu.VMEM((3 * N,), jnp.float32),
            pltpu.VMEM((SCH,), jnp.int32),
            pltpu.VMEM((SCH,), jnp.float32),
            pltpu.VMEM((3 * SCH,), jnp.float32),
        ],
    )(phi_flat, cd, row)



def _combine_body(part_ref, coordt_ref, out_ref):
    agg = jnp.sum(part_ref[:], axis=0, keepdims=True)
    out_ref[:] = coordt_ref[:] + agg * (1.0 / 100.0)


def _combine(partials, coordt):
    return pl.pallas_call(
        _combine_body,
        in_specs=[
            pl.BlockSpec((NW, 3 * N), lambda: (0, 0)),
            pl.BlockSpec((1, 3 * N), lambda: (0, 0)),
        ],
        out_specs=pl.BlockSpec((1, 3 * N), lambda: (0, 0)),
        out_shape=jax.ShapeDtypeStruct((1, 3 * N), jnp.float32),
    )(partials, coordt)



def kernel(h, coord, edge_index, coord_diff, coord_cross, edge_attr, W1, b1, W2, b2, W3):
    row = edge_index[0]
    col = edge_index[1]
    w1a = W1[:H]
    w1b = W1[H:2 * H]
    w1c = W1[2 * H:2 * H + 1]
    b1r = b1.reshape(1, H)
    b2r = b2.reshape(1, H)

    a_tab, b_tab = _tables(h, w1a, w1b, b1r)
    g = _gather(a_tab, b_tab, row, col)

    w2cat = W2[np.concatenate([PLO, PHI])].astype(jnp.bfloat16)
    phi = _mlp(g, edge_attr.reshape(E2, 2),
               w1c[:, PLO], w1c[:, PHI],
               w2cat, b2r, W3.astype(jnp.bfloat16))

    partials = _scatter(phi.reshape(E), coord_diff.reshape(3 * E), row)

    coordt = coord.T.reshape(1, 3 * N)
    out_flat = _combine(partials, coordt)
    return out_flat.reshape(3, N).T

# --- scband reference (transcript-rebuilt; emitter-appended) ---
"""Pipeline reference for scband-equivariant-update-20306605376054 (READ-ONLY COPY).

The authoritative reference and input builder live on the scoring server;
editing this copy changes nothing except your own understanding.
"""

import jax, jax.numpy as jnp
import numpy as np

N = 10000
E = 320000
H = 128
D_EDGE = 1
IN = 2 * H + D_EDGE
NORM_FACTOR = 100.0


def setup_inputs(seed: int = 0) -> dict:
    key = jax.random.key(seed)
    ks = jax.random.split(key, 10)
    h = jax.random.normal(ks[0], (N, H), dtype=jnp.float32)
    coord = jax.random.normal(ks[1], (N, 3), dtype=jnp.float32)
    edge_index = jax.random.randint(ks[2], (2, E), 0, N, dtype=jnp.int32)
    coord_diff = jax.random.normal(ks[3], (E, 3), dtype=jnp.float32)
    coord_cross = jax.random.normal(ks[4], (E, 3), dtype=jnp.float32)
    edge_attr = jax.random.normal(ks[5], (E, D_EDGE), dtype=jnp.float32)
    W1 = jax.random.normal(ks[6], (IN, H), dtype=jnp.float32) * (1.0 / np.sqrt(IN))
    b1 = jnp.zeros((H,), dtype=jnp.float32)
    W2 = jax.random.normal(ks[7], (H, H), dtype=jnp.float32) * (1.0 / np.sqrt(H))
    b2 = jnp.zeros((H,), dtype=jnp.float32)
    W3 = jax.random.normal(ks[8], (H, 1), dtype=jnp.float32) * 0.001
    return {"h": h, "coord": coord, "edge_index": edge_index, "coord_diff": coord_diff,
            "coord_cross": coord_cross, "edge_attr": edge_attr,
            "W1": W1, "b1": b1, "W2": W2, "b2": b2, "W3": W3}


def reference(h, coord, edge_index, coord_diff, coord_cross, edge_attr, W1, b1, W2, b2, W3):
    row = edge_index[0]
    col = edge_index[1]
    # coord_model: input_tensor = cat([h[row], h[col], edge_attr])
    inp = jnp.concatenate([jnp.take(h, row, axis=0), jnp.take(h, col, axis=0), edge_attr], axis=1)
    x = jax.nn.silu(inp @ W1 + b1)
    x = jax.nn.silu(x @ W2 + b2)
    phi = x @ W3  # [E, 1], no bias
    # tanh=False path
    trans = coord_diff * phi  # [E, 3]
    # reflection_equiv=True -> no cross-product branch; edge_mask=None
    # unsorted_segment_sum with aggregation_method='sum': scatter-add then / normalization_factor
    agg = jax.ops.segment_sum(trans, row, num_segments=N) / NORM_FACTOR
    coord_out = coord + agg
    # node_mask=None
    return coord_out

if __name__ == "__main__":
    import jax
    _d = setup_inputs()
    print(jax.jit(kernel)(*tuple(_d.values())))

</pallas_src>

<mosaic_0001>
#map = affine_map<(d0, d1) -> (0, 0)>
#map1 = affine_map<(d0, d1) -> (0)>
module attributes {stable_mosaic.version = 14 : i64} {
  func.func @_gather_body(%arg0: i32, %arg1: i32, %arg2: memref<10000x128xf32, #tpu.memory_space<hbm>>, %arg3: memref<10000x128xf32, #tpu.memory_space<hbm>>, %arg4: memref<320000xi32, #tpu.memory_space<hbm>>, %arg5: memref<320000xi32, #tpu.memory_space<hbm>>, %arg6: memref<160000x128xi32, #tpu.memory_space<hbm>>, %arg7: memref<80xi32, #tpu.memory_space<vmem>>, %arg8: memref<80xi32, #tpu.memory_space<vmem>>, %arg9: memref<80xi32, #tpu.memory_space<vmem>>, %arg10: memref<80xi32, #tpu.memory_space<vmem>>, %arg11: memref<80xi32, #tpu.memory_space<vmem>>, %arg12: memref<80xi32, #tpu.memory_space<vmem>>, %arg13: memref<80xi32, #tpu.memory_space<vmem>>, %arg14: memref<80xi32, #tpu.memory_space<vmem>>, %arg15: memref<80x128xf32, #tpu.memory_space<vmem>>, %arg16: memref<80x128xf32, #tpu.memory_space<vmem>>, %arg17: memref<80x128xf32, #tpu.memory_space<vmem>>, %arg18: memref<80x128xf32, #tpu.memory_space<vmem>>, %arg19: memref<80x128xf32, #tpu.memory_space<vmem>>, %arg20: memref<80x128xf32, #tpu.memory_space<vmem>>, %arg21: memref<80x128xf32, #tpu.memory_space<vmem>>, %arg22: memref<80x128xf32, #tpu.memory_space<vmem>>, %arg23: memref<40x128xi32, #tpu.memory_space<vmem>>, %arg24: memref<40x128xi32, #tpu.memory_space<vmem>>, %arg25: memref<40x128xi32, #tpu.memory_space<vmem>>, %arg26: memref<40x128xi32, #tpu.memory_space<vmem>>, %arg27: memref<!tpu.dma_semaphore, #tpu.memory_space<semaphore_mem>>, %arg28: memref<!tpu.dma_semaphore, #tpu.memory_space<semaphore_mem>>, %arg29: memref<!tpu.dma_semaphore, #tpu.memory_space<semaphore_mem>>, %arg30: memref<!tpu.dma_semaphore, #tpu.memory_space<semaphore_mem>>, %arg31: memref<!tpu.dma_semaphore, #tpu.memory_space<semaphore_mem>>, %arg32: memref<!tpu.dma_semaphore, #tpu.memory_space<semaphore_mem>>, %arg33: memref<!tpu.dma_semaphore, #tpu.memory_space<semaphore_mem>>, %arg34: memref<!tpu.dma_semaphore, #tpu.memory_space<semaphore_mem>>, %arg35: memref<!tpu.dma_semaphore, #tpu.memory_space<semaphore_mem>>, %arg36: memref<!tpu.dma_semaphore, #tpu.memory_space<semaphore_mem>>, %arg37: memref<!tpu.dma_semaphore, #tpu.memory_space<semaphore_mem>>, %arg38: memref<!tpu.dma_semaphore, #tpu.memory_space<semaphore_mem>>, %arg39: memref<!tpu.dma_semaphore, #tpu.memory_space<semaphore_mem>>, %arg40: memref<!tpu.dma_semaphore, #tpu.memory_space<semaphore_mem>>, %arg41: memref<!tpu.dma_semaphore, #tpu.memory_space<semaphore_mem>>, %arg42: memref<!tpu.dma_semaphore, #tpu.memory_space<semaphore_mem>>, %arg43: memref<!tpu.dma_semaphore, #tpu.memory_space<semaphore_mem>>, %arg44: memref<!tpu.dma_semaphore, #tpu.memory_space<semaphore_mem>>, %arg45: memref<!tpu.dma_semaphore, #tpu.memory_space<semaphore_mem>>, %arg46: memref<!tpu.dma_semaphore, #tpu.memory_space<semaphore_mem>>) attributes {dimension_semantics = [#tpu.dimension_semantics<core_parallel>, #tpu.dimension_semantics<subcore_parallel>], iteration_bounds = array<i64: 2, 16>, scalar_prefetch = 0 : i64, scratch_operands = 40 : i64, tpu.core_type = #tpu.core_type<sc_vector_subcore>, window_params = [{transform_indices = #map}, {transform_indices = #map}, {transform_indices = #map1}, {transform_indices = #map1}, {transform_indices = #map}]} {
    %mul3A = arith.constant 2 : i32
    %mul3A_0 = arith.muli %arg1, %mul3A : i32
    %add3A = arith.addi %mul3A_0, %arg0 : i32
    %mul3A_1 = arith.constant 10000 : i32
    %mul3A_2 = arith.muli %add3A, %mul3A_1 : i32
    %add3A_3 = arith.constant 0 : i32
    %add3A_4 = arith.addi %mul3A_2, %add3A_3 : i32
    %multiple_of3A = tpu.assume_multiple %add3A_4, 8 : i32
    %dma_start3A = tpu.memref_slice %arg4[%multiple_of3A] : memref<320000xi32, #tpu.memory_space<hbm>> -> memref<80xi32, #tpu.memory_space<hbm>>
    %dma_start3A_5 = tpu.memref_slice %arg4[%multiple_of3A] : memref<320000xi32, #tpu.memory_space<hbm>> -> memref<80xi32, #tpu.memory_space<hbm>>
    tpu.enqueue_dma source(%dma_start3A_5 : memref<80xi32, #tpu.memory_space<hbm>>) target(%arg7 : memref<80xi32, #tpu.memory_space<vmem>>) target_semaphore(%arg27 : memref<!tpu.dma_semaphore, #tpu.memory_space<semaphore_mem>>)
    %add3A_6 = arith.constant 0 : i32
    %add3A_7 = arith.addi %mul3A_2, %add3A_6 : i32
    %multiple_of3A_8 = tpu.assume_multiple %add3A_7, 8 : i32
    %dma_start3A_9 = tpu.memref_slice %arg5[%multiple_of3A_8] : memref<320000xi32, #tpu.memory_space<hbm>> -> memref<80xi32, #tpu.memory_space<hbm>>
    %dma_start3A_10 = tpu.memref_slice %arg5[%multiple_of3A_8] : memref<320000xi32, #tpu.memory_space<hbm>> -> memref<80xi32, #tpu.memory_space<hbm>>
    tpu.enqueue_dma source(%dma_start3A_10 : memref<80xi32, #tpu.memory_space<hbm>>) target(%arg11 : memref<80xi32, #tpu.memory_space<vmem>>) target_semaphore(%arg31 : memref<!tpu.dma_semaphore, #tpu.memory_space<semaphore_mem>>)
    %add3A_11 = arith.constant 80 : i32
    %add3A_12 = arith.addi %mul3A_2, %add3A_11 : i32
    %multiple_of3A_13 = tpu.assume_multiple %add3A_12, 8 : i32
    %dma_start3A_14 = tpu.memref_slice %arg4[%multiple_of3A_13] : memref<320000xi32, #tpu.memory_space<hbm>> -> memref<80xi32, #tpu.memory_space<hbm>>
    %dma_start3A_15 = tpu.memref_slice %arg4[%multiple_of3A_13] : memref<320000xi32, #tpu.memory_space<hbm>> -> memref<80xi32, #tpu.memory_space<hbm>>
    tpu.enqueue_dma source(%dma_start3A_15 : memref<80xi32, #tpu.memory_space<hbm>>) target(%arg8 : memref<80xi32, #tpu.memory_space<vmem>>) target_semaphore(%arg28 : memref<!tpu.dma_semaphore, #tpu.memory_space<semaphore_mem>>)
    %add3A_16 = arith.constant 80 : i32
    %add3A_17 = arith.addi %mul3A_2, %add3A_16 : i32
    %multiple_of3A_18 = tpu.assume_multiple %add3A_17, 8 : i32
    %dma_start3A_19 = tpu.memref_slice %arg5[%multiple_of3A_18] : memref<320000xi32, #tpu.memory_space<hbm>> -> memref<80xi32, #tpu.memory_space<hbm>>
    %dma_start3A_20 = tpu.memref_slice %arg5[%multiple_of3A_18] : memref<320000xi32, #tpu.memory_space<hbm>> -> memref<80xi32, #tpu.memory_space<hbm>>
    tpu.enqueue_dma source(%dma_start3A_20 : memref<80xi32, #tpu.memory_space<hbm>>) target(%arg12 : memref<80xi32, #tpu.memory_space<vmem>>) target_semaphore(%arg32 : memref<!tpu.dma_semaphore, #tpu.memory_space<semaphore_mem>>)
    %add3A_21 = arith.constant 160 : i32
    %add3A_22 = arith.addi %mul3A_2, %add3A_21 : i32
    %multiple_of3A_23 = tpu.assume_multiple %add3A_22, 8 : i32
    %dma_start3A_24 = tpu.memref_slice %arg4[%multiple_of3A_23] : memref<320000xi32, #tpu.memory_space<hbm>> -> memref<80xi32, #tpu.memory_space<hbm>>
    %dma_start3A_25 = tpu.memref_slice %arg4[%multiple_of3A_23] : memref<320000xi32, #tpu.memory_space<hbm>> -> memref<80xi32, #tpu.memory_space<hbm>>
    tpu.enqueue_dma source(%dma_start3A_25 : memref<80xi32, #tpu.memory_space<hbm>>) target(%arg9 : memref<80xi32, #tpu.memory_space<vmem>>) target_semaphore(%arg29 : memref<!tpu.dma_semaphore, #tpu.memory_space<semaphore_mem>>)
    %add3A_26 = arith.constant 160 : i32
    %add3A_27 = arith.addi %mul3A_2, %add3A_26 : i32
    %multiple_of3A_28 = tpu.assume_multiple %add3A_27, 8 : i32
    %dma_start3A_29 = tpu.memref_slice %arg5[%multiple_of3A_28] : memref<320000xi32, #tpu.memory_space<hbm>> -> memref<80xi32, #tpu.memory_space<hbm>>
    %dma_start3A_30 = tpu.memref_slice %arg5[%multiple_of3A_28] : memref<320000xi32, #tpu.memory_space<hbm>> -> memref<80xi32, #tpu.memory_space<hbm>>
    tpu.enqueue_dma source(%dma_start3A_30 : memref<80xi32, #tpu.memory_space<hbm>>) target(%arg13 : memref<80xi32, #tpu.memory_space<vmem>>) target_semaphore(%arg33 : memref<!tpu.dma_semaphore, #tpu.memory_space<semaphore_mem>>)
    %add3A_31 = arith.constant 240 : i32
    %add3A_32 = arith.addi %mul3A_2, %add3A_31 : i32
    %multiple_of3A_33 = tpu.assume_multiple %add3A_32, 8 : i32
    %dma_start3A_34 = tpu.memref_slice %arg4[%multiple_of3A_33] : memref<320000xi32, #tpu.memory_space<hbm>> -> memref<80xi32, #tpu.memory_space<hbm>>
    %dma_start3A_35 = tpu.memref_slice %arg4[%multiple_of3A_33] : memref<320000xi32, #tpu.memory_space<hbm>> -> memref<80xi32, #tpu.memory_space<hbm>>
    tpu.enqueue_dma source(%dma_start3A_35 : memref<80xi32, #tpu.memory_space<hbm>>) target(%arg10 : memref<80xi32, #tpu.memory_space<vmem>>) target_semaphore(%arg30 : memref<!tpu.dma_semaphore, #tpu.memory_space<semaphore_mem>>)
    %add3A_36 = arith.constant 240 : i32
    %add3A_37 = arith.addi %mul3A_2, %add3A_36 : i32
    %multiple_of3A_38 = tpu.assume_multiple %add3A_37, 8 : i32
    %dma_start3A_39 = tpu.memref_slice %arg5[%multiple_of3A_38] : memref<320000xi32, #tpu.memory_space<hbm>> -> memref<80xi32, #tpu.memory_space<hbm>>
    %dma_start3A_40 = tpu.memref_slice %arg5[%multiple_of3A_38] : memref<320000xi32, #tpu.memory_space<hbm>> -> memref<80xi32, #tpu.memory_space<hbm>>
    tpu.enqueue_dma source(%dma_start3A_40 : memref<80xi32, #tpu.memory_space<hbm>>) target(%arg14 : memref<80xi32, #tpu.memory_space<vmem>>) target_semaphore(%arg34 : memref<!tpu.dma_semaphore, #tpu.memory_space<semaphore_mem>>)
    %dma_wait3A = arith.constant 0 : i32
    %dma_wait3A_41 = tpu.memref_slice %arg4[%dma_wait3A] : memref<320000xi32, #tpu.memory_space<hbm>> -> memref<80xi32, #tpu.memory_space<hbm>>
    %dma_wait3A_42 = arith.constant 0 : i32
    %dma_wait3A_43 = tpu.memref_slice %arg4[%dma_wait3A_42] : memref<320000xi32, #tpu.memory_space<hbm>> -> memref<80xi32, #tpu.memory_space<hbm>>
    tpu.wait_dma2 semaphore(%arg27 : memref<!tpu.dma_semaphore, #tpu.memory_space<semaphore_mem>>) src(%dma_wait3A_43 : memref<80xi32, #tpu.memory_space<hbm>>) dst(%arg7 : memref<80xi32, #tpu.memory_space<vmem>>)
    %dma_wait3A_44 = arith.constant 0 : i32
    %dma_wait3A_45 = tpu.memref_slice %arg5[%dma_wait3A_44] : memref<320000xi32, #tpu.memory_space<hbm>> -> memref<80xi32, #tpu.memory_space<hbm>>
    %dma_wait3A_46 = arith.constant 0 : i32
    %dma_wait3A_47 = tpu.memref_slice %arg5[%dma_wait3A_46] : memref<320000xi32, #tpu.memory_space<hbm>> -> memref<80xi32, #tpu.memory_space<hbm>>
    tpu.wait_dma2 semaphore(%arg31 : memref<!tpu.dma_semaphore, #tpu.memory_space<semaphore_mem>>) src(%dma_wait3A_47 : memref<80xi32, #tpu.memory_space<hbm>>) dst(%arg11 : memref<80xi32, #tpu.memory_space<vmem>>)
    %dma_start3A_48 = arith.constant 0 : i32
    %dma_start3A_49 = arith.constant 0 : i32
    %dma_start3A_50 = tpu.memref_slice %arg2[%dma_start3A_48, %dma_start3A_49] : memref<10000x128xf32, #tpu.memory_space<hbm>> -> memref<10000x128xf32, #tpu.memory_space<hbm>>
    tpu.enqueue_indirect_dma source(%dma_start3A_50 : memref<10000x128xf32, #tpu.memory_space<hbm>>) target(%arg15 : memref<80x128xf32, #tpu.memory_space<vmem>>) offsets(%arg7 : memref<80xi32, #tpu.memory_space<vmem>>) semaphore(%arg35 : memref<!tpu.dma_semaphore, #tpu.memory_space<semaphore_mem>>)
    %dma_start3A_51 = arith.constant 0 : i32
    %dma_start3A_52 = arith.constant 0 : i32
    %dma_start3A_53 = tpu.memref_slice %arg3[%dma_start3A_51, %dma_start3A_52] : memref<10000x128xf32, #tpu.memory_space<hbm>> -> memref<10000x128xf32, #tpu.memory_space<hbm>>
    tpu.enqueue_indirect_dma source(%dma_start3A_53 : memref<10000x128xf32, #tpu.memory_space<hbm>>) target(%arg19 : memref<80x128xf32, #tpu.memory_space<vmem>>) offsets(%arg11 : memref<80xi32, #tpu.memory_space<vmem>>) semaphore(%arg39 : memref<!tpu.dma_semaphore, #tpu.memory_space<semaphore_mem>>)
    %dma_wait3A_54 = arith.constant 0 : i32
    %dma_wait3A_55 = tpu.memref_slice %arg4[%dma_wait3A_54] : memref<320000xi32, #tpu.memory_space<hbm>> -> memref<80xi32, #tpu.memory_space<hbm>>
    %dma_wait3A_56 = arith.constant 0 : i32
    %dma_wait3A_57 = tpu.memref_slice %arg4[%dma_wait3A_56] : memref<320000xi32, #tpu.memory_space<hbm>> -> memref<80xi32, #tpu.memory_space<hbm>>
    tpu.wait_dma2 semaphore(%arg28 : memref<!tpu.dma_semaphore, #tpu.memory_space<semaphore_mem>>) src(%dma_wait3A_57 : memref<80xi32, #tpu.memory_space<hbm>>) dst(%arg8 : memref<80xi32, #tpu.memory_space<vmem>>)
    %dma_wait3A_58 = arith.constant 0 : i32
    %dma_wait3A_59 = tpu.memref_slice %arg5[%dma_wait3A_58] : memref<320000xi32, #tpu.memory_space<hbm>> -> memref<80xi32, #tpu.memory_space<hbm>>
    %dma_wait3A_60 = arith.constant 0 : i32
    %dma_wait3A_61 = tpu.memref_slice %arg5[%dma_wait3A_60] : memref<320000xi32, #tpu.memory_space<hbm>> -> memref<80xi32, #tpu.memory_space<hbm>>
    tpu.wait_dma2 semaphore(%arg32 : memref<!tpu.dma_semaphore, #tpu.memory_space<semaphore_mem>>) src(%dma_wait3A_61 : memref<80xi32, #tpu.memory_space<hbm>>) dst(%arg12 : memref<80xi32, #tpu.memory_space<vmem>>)
    %dma_start3A_62 = arith.constant 0 : i32
    %dma_start3A_63 = arith.constant 0 : i32
    %dma_start3A_64 = tpu.memref_slice %arg2[%dma_start3A_62, %dma_start3A_63] : memref<10000x128xf32, #tpu.memory_space<hbm>> -> memref<10000x128xf32, #tpu.memory_space<hbm>>
    tpu.enqueue_indirect_dma source(%dma_start3A_64 : memref<10000x128xf32, #tpu.memory_space<hbm>>) target(%arg16 : memref<80x128xf32, #tpu.memory_space<vmem>>) offsets(%arg8 : memref<80xi32, #tpu.memory_space<vmem>>) semaphore(%arg36 : memref<!tpu.dma_semaphore, #tpu.memory_space<semaphore_mem>>)
    %dma_start3A_65 = arith.constant 0 : i32
    %dma_start3A_66 = arith.constant 0 : i32
    %dma_start3A_67 = tpu.memref_slice %arg3[%dma_start3A_65, %dma_start3A_66] : memref<10000x128xf32, #tpu.memory_space<hbm>> -> memref<10000x128xf32, #tpu.memory_space<hbm>>
    tpu.enqueue_indirect_dma source(%dma_start3A_67 : memref<10000x128xf32, #tpu.memory_space<hbm>>) target(%arg20 : memref<80x128xf32, #tpu.memory_space<vmem>>) offsets(%arg12 : memref<80xi32, #tpu.memory_space<vmem>>) semaphore(%arg40 : memref<!tpu.dma_semaphore, #tpu.memory_space<semaphore_mem>>)
    %dma_wait3A_68 = arith.constant 0 : i32
    %dma_wait3A_69 = tpu.memref_slice %arg4[%dma_wait3A_68] : memref<320000xi32, #tpu.memory_space<hbm>> -> memref<80xi32, #tpu.memory_space<hbm>>
    %dma_wait3A_70 = arith.constant 0 : i32
    %dma_wait3A_71 = tpu.memref_slice %arg4[%dma_wait3A_70] : memref<320000xi32, #tpu.memory_space<hbm>> -> memref<80xi32, #tpu.memory_space<hbm>>
    tpu.wait_dma2 semaphore(%arg29 : memref<!tpu.dma_semaphore, #tpu.memory_space<semaphore_mem>>) src(%dma_wait3A_71 : memref<80xi32, #tpu.memory_space<hbm>>) dst(%arg9 : memref<80xi32, #tpu.memory_space<vmem>>)
    %dma_wait3A_72 = arith.constant 0 : i32
    %dma_wait3A_73 = tpu.memref_slice %arg5[%dma_wait3A_72] : memref<320000xi32, #tpu.memory_space<hbm>> -> memref<80xi32, #tpu.memory_space<hbm>>
    %dma_wait3A_74 = arith.constant 0 : i32
    %dma_wait3A_75 = tpu.memref_slice %arg5[%dma_wait3A_74] : memref<320000xi32, #tpu.memory_space<hbm>> -> memref<80xi32, #tpu.memory_space<hbm>>
    tpu.wait_dma2 semaphore(%arg33 : memref<!tpu.dma_semaphore, #tpu.memory_space<semaphore_mem>>) src(%dma_wait3A_75 : memref<80xi32, #tpu.memory_space<hbm>>) dst(%arg13 : memref<80xi32, #tpu.memory_space<vmem>>)
    %dma_start3A_76 = arith.constant 0 : i32
    %dma_start3A_77 = arith.constant 0 : i32
    %dma_start3A_78 = tpu.memref_slice %arg2[%dma_start3A_76, %dma_start3A_77] : memref<10000x128xf32, #tpu.memory_space<hbm>> -> memref<10000x128xf32, #tpu.memory_space<hbm>>
    tpu.enqueue_indirect_dma source(%dma_start3A_78 : memref<10000x128xf32, #tpu.memory_space<hbm>>) target(%arg17 : memref<80x128xf32, #tpu.memory_space<vmem>>) offsets(%arg9 : memref<80xi32, #tpu.memory_space<vmem>>) semaphore(%arg37 : memref<!tpu.dma_semaphore, #tpu.memory_space<semaphore_mem>>)
    %dma_start3A_79 = arith.constant 0 : i32
    %dma_start3A_80 = arith.constant 0 : i32
    %dma_start3A_81 = tpu.memref_slice %arg3[%dma_start3A_79, %dma_start3A_80] : memref<10000x128xf32, #tpu.memory_space<hbm>> -> memref<10000x128xf32, #tpu.memory_space<hbm>>
    tpu.enqueue_indirect_dma source(%dma_start3A_81 : memref<10000x128xf32, #tpu.memory_space<hbm>>) target(%arg21 : memref<80x128xf32, #tpu.memory_space<vmem>>) offsets(%arg13 : memref<80xi32, #tpu.memory_space<vmem>>) semaphore(%arg41 : memref<!tpu.dma_semaphore, #tpu.memory_space<semaphore_mem>>)
    %dma_wait3A_82 = arith.constant 0 : i32
    %dma_wait3A_83 = tpu.memref_slice %arg4[%dma_wait3A_82] : memref<320000xi32, #tpu.memory_space<hbm>> -> memref<80xi32, #tpu.memory_space<hbm>>
    %dma_wait3A_84 = arith.constant 0 : i32
    %dma_wait3A_85 = tpu.memref_slice %arg4[%dma_wait3A_84] : memref<320000xi32, #tpu.memory_space<hbm>> -> memref<80xi32, #tpu.memory_space<hbm>>
    tpu.wait_dma2 semaphore(%arg30 : memref<!tpu.dma_semaphore, #tpu.memory_space<semaphore_mem>>) src(%dma_wait3A_85 : memref<80xi32, #tpu.memory_space<hbm>>) dst(%arg10 : memref<80xi32, #tpu.memory_space<vmem>>)
    %dma_wait3A_86 = arith.constant 0 : i32
    %dma_wait3A_87 = tpu.memref_slice %arg5[%dma_wait3A_86] : memref<320000xi32, #tpu.memory_space<hbm>> -> memref<80xi32, #tpu.memory_space<hbm>>
    %dma_wait3A_88 = arith.constant 0 : i32
    %dma_wait3A_89 = tpu.memref_slice %arg5[%dma_wait3A_88] : memref<320000xi32, #tpu.memory_space<hbm>> -> memref<80xi32, #tpu.memory_space<hbm>>
    tpu.wait_dma2 semaphore(%arg34 : memref<!tpu.dma_semaphore, #tpu.memory_space<semaphore_mem>>) src(%dma_wait3A_89 : memref<80xi32, #tpu.memory_space<hbm>>) dst(%arg14 : memref<80xi32, #tpu.memory_space<vmem>>)
    %dma_start3A_90 = arith.constant 0 : i32
    %dma_start3A_91 = arith.constant 0 : i32
    %dma_start3A_92 = tpu.memref_slice %arg2[%dma_start3A_90, %dma_start3A_91] : memref<10000x128xf32, #tpu.memory_space<hbm>> -> memref<10000x128xf32, #tpu.memory_space<hbm>>
    tpu.enqueue_indirect_dma source(%dma_start3A_92 : memref<10000x128xf32, #tpu.memory_space<hbm>>) target(%arg18 : memref<80x128xf32, #tpu.memory_space<vmem>>) offsets(%arg10 : memref<80xi32, #tpu.memory_space<vmem>>) semaphore(%arg38 : memref<!tpu.dma_semaphore, #tpu.memory_space<semaphore_mem>>)
    %dma_start3A_93 = arith.constant 0 : i32
    %dma_start3A_94 = arith.constant 0 : i32
    %dma_start3A_95 = tpu.memref_slice %arg3[%dma_start3A_93, %dma_start3A_94] : memref<10000x128xf32, #tpu.memory_space<hbm>> -> memref<10000x128xf32, #tpu.memory_space<hbm>>
    tpu.enqueue_indirect_dma source(%dma_start3A_95 : memref<10000x128xf32, #tpu.memory_space<hbm>>) target(%arg22 : memref<80x128xf32, #tpu.memory_space<vmem>>) offsets(%arg14 : memref<80xi32, #tpu.memory_space<vmem>>) semaphore(%arg42 : memref<!tpu.dma_semaphore, #tpu.memory_space<semaphore_mem>>)
    %scan3A = arith.constant 0 : i32
    %scan3A_96 = arith.constant 0 : i32
    %scan3A_97 = arith.constant 31 : i32
    %scan3A_98 = arith.addi %scan3A_96, %scan3A_97 : i32
    %scan3A_99 = arith.constant 1 : i32
    scf.for %scan3A_162 = %scan3A_96 to %scan3A_98 step %scan3A_99  : i32 {
      %mul3A_163 = arith.constant 4 : i32
      %mul3A_164 = arith.muli %mul3A_163, %scan3A_162 : i32
      %add3A_165 = arith.constant 0 : i32
      %add3A_166 = arith.addi %mul3A_164, %add3A_165 : i32
      %dma_wait3A_167 = arith.constant 0 : i32
      %dma_wait3A_168 = arith.constant 0 : i32
      %dma_wait3A_169 = tpu.memref_slice %arg2[%dma_wait3A_167, %dma_wait3A_168] : memref<10000x128xf32, #tpu.memory_space<hbm>> -> memref<80x128xf32, #tpu.memory_space<hbm>>
      %dma_wait3A_170 = arith.constant 0 : i32
      %dma_wait3A_171 = arith.constant 0 : i32
      %dma_wait3A_172 = tpu.memref_slice %arg2[%dma_wait3A_170, %dma_wait3A_171] : memref<10000x128xf32, #tpu.memory_space<hbm>> -> memref<80x128xf32, #tpu.memory_space<hbm>>
      tpu.wait_dma2 semaphore(%arg35 : memref<!tpu.dma_semaphore, #tpu.memory_space<semaphore_mem>>) src(%dma_wait3A_172 : memref<80x128xf32, #tpu.memory_space<hbm>>) dst(%arg15 : memref<80x128xf32, #tpu.memory_space<vmem>>)
      %dma_wait3A_173 = arith.constant 0 : i32
      %dma_wait3A_174 = arith.constant 0 : i32
      %dma_wait3A_175 = tpu.memref_slice %arg3[%dma_wait3A_173, %dma_wait3A_174] : memref<10000x128xf32, #tpu.memory_space<hbm>> -> memref<80x128xf32, #tpu.memory_space<hbm>>
      %dma_wait3A_176 = arith.constant 0 : i32
      %dma_wait3A_177 = arith.constant 0 : i32
      %dma_wait3A_178 = tpu.memref_slice %arg3[%dma_wait3A_176, %dma_wait3A_177] : memref<10000x128xf32, #tpu.memory_space<hbm>> -> memref<80x128xf32, #tpu.memory_space<hbm>>
      tpu.wait_dma2 semaphore(%arg39 : memref<!tpu.dma_semaphore, #tpu.memory_space<semaphore_mem>>) src(%dma_wait3A_178 : memref<80x128xf32, #tpu.memory_space<hbm>>) dst(%arg19 : memref<80x128xf32, #tpu.memory_space<vmem>>)
      %add3A_179 = arith.constant 4 : i32
      %add3A_180 = arith.addi %add3A_166, %add3A_179 : i32
      %le3A = arith.constant 124 : i32
      %le3A_181 = arith.cmpi sle, %add3A_180, %le3A : i32
      %convert_element_type3A = arith.extui %le3A_181 : i1 to i32
      %cond3A = arith.constant 0 : i32
      %cond3A_182 = arith.cmpi ne, %convert_element_type3A, %cond3A : i32
      scf.if %cond3A_182 {
        %add3A_451 = arith.constant 4 : i32
        %add3A_452 = arith.addi %add3A_166, %add3A_451 : i32
        %mul3A_453 = arith.constant 80 : i32
        %mul3A_454 = arith.muli %add3A_452, %mul3A_453 : i32
        %add3A_455 = arith.addi %mul3A_2, %mul3A_454 : i32
        %multiple_of3A_456 = tpu.assume_multiple %add3A_455, 8 : i32
        %dma_start3A_457 = tpu.memref_slice %arg4[%multiple_of3A_456] : memref<320000xi32, #tpu.memory_space<hbm>> -> memref<80xi32, #tpu.memory_space<hbm>>
        %dma_start3A_458 = tpu.memref_slice %arg4[%multiple_of3A_456] : memref<320000xi32, #tpu.memory_space<hbm>> -> memref<80xi32, #tpu.memory_space<hbm>>
        tpu.enqueue_dma source(%dma_start3A_458 : memref<80xi32, #tpu.memory_space<hbm>>) target(%arg7 : memref<80xi32, #tpu.memory_space<vmem>>) target_semaphore(%arg27 : memref<!tpu.dma_semaphore, #tpu.memory_space<semaphore_mem>>)
        %mul3A_459 = arith.constant 80 : i32
        %mul3A_460 = arith.muli %add3A_452, %mul3A_459 : i32
        %add3A_461 = arith.addi %mul3A_2, %mul3A_460 : i32
        %multiple_of3A_462 = tpu.assume_multiple %add3A_461, 8 : i32
        %dma_start3A_463 = tpu.memref_slice %arg5[%multiple_of3A_462] : memref<320000xi32, #tpu.memory_space<hbm>> -> memref<80xi32, #tpu.memory_space<hbm>>
        %dma_start3A_464 = tpu.memref_slice %arg5[%multiple_of3A_462] : memref<320000xi32, #tpu.memory_space<hbm>> -> memref<80xi32, #tpu.memory_space<hbm>>
        tpu.enqueue_dma source(%dma_start3A_464 : memref<80xi32, #tpu.memory_space<hbm>>) target(%arg11 : memref<80xi32, #tpu.memory_space<vmem>>) target_semaphore(%arg31 : memref<!tpu.dma_semaphore, #tpu.memory_space<semaphore_mem>>)
      } else {
      }
      %gt3A = arith.constant 0 : i32
      %gt3A_183 = arith.cmpi sgt, %scan3A_162, %gt3A : i32
      %convert_element_type3A_184 = arith.extui %gt3A_183 : i1 to i32
      %cond3A_185 = arith.constant 0 : i32
      %cond3A_186 = arith.cmpi ne, %convert_element_type3A_184, %cond3A_185 : i32
      scf.if %cond3A_186 {
        %dma_wait3A_451 = arith.constant 0 : i32
        %dma_wait3A_452 = arith.constant 0 : i32
        %dma_wait3A_453 = tpu.memref_slice %arg6[%dma_wait3A_451, %dma_wait3A_452] : memref<160000x128xi32, #tpu.memory_space<hbm>> -> memref<40x128xi32, #tpu.memory_space<hbm>>
        %dma_wait3A_454 = arith.constant 0 : i32
        %dma_wait3A_455 = arith.constant 0 : i32
        %dma_wait3A_456 = tpu.memref_slice %arg6[%dma_wait3A_454, %dma_wait3A_455] : memref<160000x128xi32, #tpu.memory_space<hbm>> -> memref<40x128xi32, #tpu.memory_space<hbm>>
        tpu.wait_dma2 semaphore(%arg43 : memref<!tpu.dma_semaphore, #tpu.memory_space<semaphore_mem>>) src(%arg23 : memref<40x128xi32, #tpu.memory_space<vmem>>) dst(%dma_wait3A_456 : memref<40x128xi32, #tpu.memory_space<hbm>>)
      } else {
      }
      %scan3A_187 = arith.constant 0 : i32
      %scan3A_188 = arith.constant 0 : i32
      %scan3A_189 = arith.constant 40 : i32
      %scan3A_190 = arith.addi %scan3A_188, %scan3A_189 : i32
      %scan3A_191 = arith.constant 1 : i32
      scf.for %scan3A_451 = %scan3A_188 to %scan3A_190 step %scan3A_191  : i32 {
        %mul3A_452 = arith.constant 2 : i32
        %mul3A_453 = arith.muli %mul3A_452, %scan3A_451 : i32
        %add3A_454 = arith.constant 0 : i32
        %add3A_455 = arith.addi %mul3A_453, %add3A_454 : i32
        %get3A = arith.index_cast %add3A_455 : i32 to index
        %get3A_456 = arith.constant 0 : index
        %get3A_457 = tpu.vector_load %arg15[%get3A, %get3A_456] {strides = array<i32>} : memref<80x128xf32, #tpu.memory_space<vmem>>, vector<16xf32>,
        %get3A_458 = arith.index_cast %add3A_455 : i32 to index
        %get3A_459 = arith.constant 0 : index
        %get3A_460 = tpu.vector_load %arg19[%get3A_458, %get3A_459] {strides = array<i32>} : memref<80x128xf32, #tpu.memory_space<vmem>>, vector<16xf32>,
        %add3A_461 = arith.addf %get3A_457, %get3A_460 : vector<16xf32>
        %get3A_462 = arith.index_cast %add3A_455 : i32 to index
        %get3A_463 = arith.constant 16 : index
        %get3A_464 = tpu.vector_load %arg15[%get3A_462, %get3A_463] {strides = array<i32>} : memref<80x128xf32, #tpu.memory_space<vmem>>, vector<16xf32>,
        %get3A_465 = arith.index_cast %add3A_455 : i32 to index
        %get3A_466 = arith.constant 16 : index
        %get3A_467 = tpu.vector_load %arg19[%get3A_465, %get3A_466] {strides = array<i32>} : memref<80x128xf32, #tpu.memory_space<vmem>>, vector<16xf32>,
        %add3A_468 = arith.addf %get3A_464, %get3A_467 : vector<16xf32>
        %bitcast3A = vector.bitcast %add3A_461 : vector<16xf32> to vector<16xi32>
        %bitcast3A_469 = vector.bitcast %add3A_468 : vector<16xf32> to vector<16xi32>
        %add3A_470 = arith.constant 32767 : i32
        %add3A_471 = vector.broadcast %add3A_470 : i32 to vector<16xi32>
        %add3A_472 = arith.addi %bitcast3A, %add3A_471 : vector<16xi32>
        %shift_right_logical3A = arith.constant 16 : i32
        %shift_right_logical3A_473 = vector.broadcast %shift_right_logical3A : i32 to vector<16xi32>
        %shift_right_logical3A_474 = arith.shrui %bitcast3A, %shift_right_logical3A_473 : vector<16xi32>
        %and3A_475 = arith.constant 1 : i32
        %and3A_476 = vector.broadcast %and3A_475 : i32 to vector<16xi32>
        %and3A_477 = arith.andi %shift_right_logical3A_474, %and3A_476 : vector<16xi32>
        %add3A_478 = arith.addi %add3A_472, %and3A_477 : vector<16xi32>
        %shift_right_logical3A_479 = arith.constant 16 : i32
        %shift_right_logical3A_480 = vector.broadcast %shift_right_logical3A_479 : i32 to vector<16xi32>
        %shift_right_logical3A_481 = arith.shrui %add3A_478, %shift_right_logical3A_480 : vector<16xi32>
        %add3A_482 = arith.constant 32767 : i32
        %add3A_483 = vector.broadcast %add3A_482 : i32 to vector<16xi32>
        %add3A_484 = arith.addi %bitcast3A_469, %add3A_483 : vector<16xi32>
        %shift_right_logical3A_485 = arith.constant 16 : i32
        %shift_right_logical3A_486 = vector.broadcast %shift_right_logical3A_485 : i32 to vector<16xi32>
        %shift_right_logical3A_487 = arith.shrui %bitcast3A_469, %shift_right_logical3A_486 : vector<16xi32>
        %and3A_488 = arith.constant 1 : i32
        %and3A_489 = vector.broadcast %and3A_488 : i32 to vector<16xi32>
        %and3A_490 = arith.andi %shift_right_logical3A_487, %and3A_489 : vector<16xi32>
        %add3A_491 = arith.addi %add3A_484, %and3A_490 : vector<16xi32>
        %shift_right_logical3A_492 = arith.constant 16 : i32
        %shift_right_logical3A_493 = vector.broadcast %shift_right_logical3A_492 : i32 to vector<16xi32>
        %shift_right_logical3A_494 = arith.shrui %add3A_491, %shift_right_logical3A_493 : vector<16xi32>
        %shift_left3A = arith.constant 16 : i32
        %shift_left3A_495 = vector.broadcast %shift_left3A : i32 to vector<16xi32>
        %shift_left3A_496 = arith.shli %shift_right_logical3A_494, %shift_left3A_495 : vector<16xi32>
        %or3A = arith.ori %shift_right_logical3A_481, %shift_left3A_496 : vector<16xi32>
        %bitcast3A_497 = vector.bitcast %or3A : vector<16xi32> to vector<16xi32>
        %swap3A = arith.index_cast %scan3A_451 : i32 to index
        %swap3A_498 = arith.constant 0 : index
        %swap3A_499 = tpu.vector_load %arg23[%swap3A, %swap3A_498] {strides = array<i32>} : memref<40x128xi32, #tpu.memory_space<vmem>>, vector<16xi32>,
        tpu.vector_store %arg23[%swap3A, %swap3A_498], %bitcast3A_497 {strides = array<i32>} : memref<40x128xi32, #tpu.memory_space<vmem>>, vector<16xi32>,
        %get3A_500 = arith.index_cast %add3A_455 : i32 to index
        %get3A_501 = arith.constant 32 : index
        %get3A_502 = tpu.vector_load %arg15[%get3A_500, %get3A_501] {strides = array<i32>} : memref<80x128xf32, #tpu.memory_space<vmem>>, vector<16xf32>,
        %get3A_503 = arith.index_cast %add3A_455 : i32 to index
        %get3A_504 = arith.constant 32 : index
        %get3A_505 = tpu.vector_load %arg19[%get3A_503, %get3A_504] {strides = array<i32>} : memref<80x128xf32, #tpu.memory_space<vmem>>, vector<16xf32>,
        %add3A_506 = arith.addf %get3A_502, %get3A_505 : vector<16xf32>
        %get3A_507 = arith.index_cast %add3A_455 : i32 to index
        %get3A_508 = arith.constant 48 : index
        %get3A_509 = tpu.vector_load %arg15[%get3A_507, %get3A_508] {strides = array<i32>} : memref<80x128xf32, #tpu.memory_space<vmem>>, vector<16xf32>,
        %get3A_510 = arith.index_cast %add3A_455 : i32 to index
        %get3A_511 = arith.constant 48 : index
        %get3A_512 = tpu.vector_load %arg19[%get3A_510, %get3A_511] {strides = array<i32>} : memref<80x128xf32, #tpu.memory_space<vmem>>, vector<16xf32>,
        %add3A_513 = arith.addf %get3A_509, %get3A_512 : vector<16xf32>
        %bitcast3A_514 = vector.bitcast %add3A_506 : vector<16xf32> to vector<16xi32>
        %bitcast3A_515 = vector.bitcast %add3A_513 : vector<16xf32> to vector<16xi32>
        %add3A_516 = arith.constant 32767 : i32
        %add3A_517 = vector.broadcast %add3A_516 : i32 to vector<16xi32>
        %add3A_518 = arith.addi %bitcast3A_514, %add3A_517 : vector<16xi32>
        %shift_right_logical3A_519 = arith.constant 16 : i32
        %shift_right_logical3A_520 = vector.broadcast %shift_right_logical3A_519 : i32 to vector<16xi32>
        %shift_right_logical3A_521 = arith.shrui %bitcast3A_514, %shift_right_logical3A_520 : vector<16xi32>
        %and3A_522 = arith.constant 1 : i32
        %and3A_523 = vector.broadcast %and3A_522 : i32 to vector<16xi32>
        %and3A_524 = arith.andi %shift_right_logical3A_521, %and3A_523 : vector<16xi32>
        %add3A_525 = arith.addi %add3A_518, %and3A_524 : vector<16xi32>
        %shift_right_logical3A_526 = arith.constant 16 : i32
        %shift_right_logical3A_527 = vector.broadcast %shift_right_logical3A_526 : i32 to vector<16xi32>
        %shift_right_logical3A_528 = arith.shrui %add3A_525, %shift_right_logical3A_527 : vector<16xi32>
        %add3A_529 = arith.constant 32767 : i32
        %add3A_530 = vector.broadcast %add3A_529 : i32 to vector<16xi32>
        %add3A_531 = arith.addi %bitcast3A_515, %add3A_530 : vector<16xi32>
        %shift_right_logical3A_532 = arith.constant 16 : i32
        %shift_right_logical3A_533 = vector.broadcast %shift_right_logical3A_532 : i32 to vector<16xi32>
        %shift_right_logical3A_534 = arith.shrui %bitcast3A_515, %shift_right_logical3A_533 : vector<16xi32>
        %and3A_535 = arith.constant 1 : i32
        %and3A_536 = vector.broadcast %and3A_535 : i32 to vector<16xi32>
        %and3A_537 = arith.andi %shift_right_logical3A_534, %and3A_536 : vector<16xi32>
        %add3A_538 = arith.addi %add3A_531, %and3A_537 : vector<16xi32>
        %shift_right_logical3A_539 = arith.constant 16 : i32
        %shift_right_logical3A_540 = vector.broadcast %shift_right_logical3A_539 : i32 to vector<16xi32>
        %shift_right_logical3A_541 = arith.shrui %add3A_538, %shift_right_logical3A_540 : vector<16xi32>
        %shift_left3A_542 = arith.constant 16 : i32
        %shift_left3A_543 = vector.broadcast %shift_left3A_542 : i32 to vector<16xi32>
        %shift_left3A_544 = arith.shli %shift_right_logical3A_541, %shift_left3A_543 : vector<16xi32>
        %or3A_545 = arith.ori %shift_right_logical3A_528, %shift_left3A_544 : vector<16xi32>
        %bitcast3A_546 = vector.bitcast %or3A_545 : vector<16xi32> to vector<16xi32>
        %swap3A_547 = arith.index_cast %scan3A_451 : i32 to index
        %swap3A_548 = arith.constant 16 : index
        %swap3A_549 = tpu.vector_load %arg23[%swap3A_547, %swap3A_548] {strides = array<i32>} : memref<40x128xi32, #tpu.memory_space<vmem>>, vector<16xi32>,
        tpu.vector_store %arg23[%swap3A_547, %swap3A_548], %bitcast3A_546 {strides = array<i32>} : memref<40x128xi32, #tpu.memory_space<vmem>>, vector<16xi32>,
        %get3A_550 = arith.index_cast %add3A_455 : i32 to index
        %get3A_551 = arith.constant 64 : index
        %get3A_552 = tpu.vector_load %arg15[%get3A_550, %get3A_551] {strides = array<i32>} : memref<80x128xf32, #tpu.memory_space<vmem>>, vector<16xf32>,
        %get3A_553 = arith.index_cast %add3A_455 : i32 to index
        %get3A_554 = arith.constant 64 : index
        %get3A_555 = tpu.vector_load %arg19[%get3A_553, %get3A_554] {strides = array<i32>} : memref<80x128xf32, #tpu.memory_space<vmem>>, vector<16xf32>,
        %add3A_556 = arith.addf %get3A_552, %get3A_555 : vector<16xf32>
        %get3A_557 = arith.index_cast %add3A_455 : i32 to index
        %get3A_558 = arith.constant 80 : index
        %get3A_559 = tpu.vector_load %arg15[%get3A_557, %get3A_558] {strides = array<i32>} : memref<80x128xf32, #tpu.memory_space<vmem>>, vector<16xf32>,
        %get3A_560 = arith.index_cast %add3A_455 : i32 to index
        %get3A_561 = arith.constant 80 : index
        %get3A_562 = tpu.vector_load %arg19[%get3A_560, %get3A_561] {strides = array<i32>} : memref<80x128xf32, #tpu.memory_space<vmem>>, vector<16xf32>,
        %add3A_563 = arith.addf %get3A_559, %get3A_562 : vector<16xf32>
        %bitcast3A_564 = vector.bitcast %add3A_556 : vector<16xf32> to vector<16xi32>
        %bitcast3A_565 = vector.bitcast %add3A_563 : vector<16xf32> to vector<16xi32>
        %add3A_566 = arith.constant 32767 : i32
        %add3A_567 = vector.broadcast %add3A_566 : i32 to vector<16xi32>
        %add3A_568 = arith.addi %bitcast3A_564, %add3A_567 : vector<16xi32>
        %shift_right_logical3A_569 = arith.constant 16 : i32
        %shift_right_logical3A_570 = vector.broadcast %shift_right_logical3A_569 : i32 to vector<16xi32>
        %shift_right_logical3A_571 = arith.shrui %bitcast3A_564, %shift_right_logical3A_570 : vector<16xi32>
        %and3A_572 = arith.constant 1 : i32
        %and3A_573 = vector.broadcast %and3A_572 : i32 to vector<16xi32>
        %and3A_574 = arith.andi %shift_right_logical3A_571, %and3A_573 : vector<16xi32>
        %add3A_575 = arith.addi %add3A_568, %and3A_574 : vector<16xi32>
        %shift_right_logical3A_576 = arith.constant 16 : i32
        %shift_right_logical3A_577 = vector.broadcast %shift_right_logical3A_576 : i32 to vector<16xi32>
        %shift_right_logical3A_578 = arith.shrui %add3A_575, %shift_right_logical3A_577 : vector<16xi32>
        %add3A_579 = arith.constant 32767 : i32
        %add3A_580 = vector.broadcast %add3A_579 : i32 to vector<16xi32>
        %add3A_581 = arith.addi %bitcast3A_565, %add3A_580 : vector<16xi32>
        %shift_right_logical3A_582 = arith.constant 16 : i32
        %shift_right_logical3A_583 = vector.broadcast %shift_right_logical3A_582 : i32 to vector<16xi32>
        %shift_right_logical3A_584 = arith.shrui %bitcast3A_565, %shift_right_logical3A_583 : vector<16xi32>
        %and3A_585 = arith.constant 1 : i32
        %and3A_586 = vector.broadcast %and3A_585 : i32 to vector<16xi32>
        %and3A_587 = arith.andi %shift_right_logical3A_584, %and3A_586 : vector<16xi32>
        %add3A_588 = arith.addi %add3A_581, %and3A_587 : vector<16xi32>
        %shift_right_logical3A_589 = arith.constant 16 : i32
        %shift_right_logical3A_590 = vector.broadcast %shift_right_logical3A_589 : i32 to vector<16xi32>
        %shift_right_logical3A_591 = arith.shrui %add3A_588, %shift_right_logical3A_590 : vector<16xi32>
        %shift_left3A_592 = arith.constant 16 : i32
        %shift_left3A_593 = vector.broadcast %shift_left3A_592 : i32 to vector<16xi32>
        %shift_left3A_594 = arith.shli %shift_right_logical3A_591, %shift_left3A_593 : vector<16xi32>
        %or3A_595 = arith.ori %shift_right_logical3A_578, %shift_left3A_594 : vector<16xi32>
        %bitcast3A_596 = vector.bitcast %or3A_595 : vector<16xi32> to vector<16xi32>
        %swap3A_597 = arith.index_cast %scan3A_451 : i32 to index
        %swap3A_598 = arith.constant 32 : index
        %swap3A_599 = tpu.vector_load %arg23[%swap3A_597, %swap3A_598] {strides = array<i32>} : memref<40x128xi32, #tpu.memory_space<vmem>>, vector<16xi32>,
        tpu.vector_store %arg23[%swap3A_597, %swap3A_598], %bitcast3A_596 {strides = array<i32>} : memref<40x128xi32, #tpu.memory_space<vmem>>, vector<16xi32>,
        %get3A_600 = arith.index_cast %add3A_455 : i32 to index
        %get3A_601 = arith.constant 96 : index
        %get3A_602 = tpu.vector_load %arg15[%get3A_600, %get3A_601] {strides = array<i32>} : memref<80x128xf32, #tpu.memory_space<vmem>>, vector<16xf32>,
        %get3A_603 = arith.index_cast %add3A_455 : i32 to index
        %get3A_604 = arith.constant 96 : index
        %get3A_605 = tpu.vector_load %arg19[%get3A_603, %get3A_604] {strides = array<i32>} : memref<80x128xf32, #tpu.memory_space<vmem>>, vector<16xf32>,
        %add3A_606 = arith.addf %get3A_602, %get3A_605 : vector<16xf32>
        %get3A_607 = arith.index_cast %add3A_455 : i32 to index
        %get3A_608 = arith.constant 112 : index
        %get3A_609 = tpu.vector_load %arg15[%get3A_607, %get3A_608] {strides = array<i32>} : memref<80x128xf32, #tpu.memory_space<vmem>>, vector<16xf32>,
        %get3A_610 = arith.index_cast %add3A_455 : i32 to index
        %get3A_611 = arith.constant 112 : index
        %get3A_612 = tpu.vector_load %arg19[%get3A_610, %get3A_611] {strides = array<i32>} : memref<80x128xf32, #tpu.memory_space<vmem>>, vector<16xf32>,
        %add3A_613 = arith.addf %get3A_609, %get3A_612 : vector<16xf32>
        %bitcast3A_614 = vector.bitcast %add3A_606 : vector<16xf32> to vector<16xi32>
        %bitcast3A_615 = vector.bitcast %add3A_613 : vector<16xf32> to vector<16xi32>
        %add3A_616 = arith.constant 32767 : i32
        %add3A_617 = vector.broadcast %add3A_616 : i32 to vector<16xi32>
        %add3A_618 = arith.addi %bitcast3A_614, %add3A_617 : vector<16xi32>
        %shift_right_logical3A_619 = arith.constant 16 : i32
        %shift_right_logical3A_620 = vector.broadcast %shift_right_logical3A_619 : i32 to vector<16xi32>
        %shift_right_logical3A_621 = arith.shrui %bitcast3A_614, %shift_right_logical3A_620 : vector<16xi32>
        %and3A_622 = arith.constant 1 : i32
        %and3A_623 = vector.broadcast %and3A_622 : i32 to vector<16xi32>
        %and3A_624 = arith.andi %shift_right_logical3A_621, %and3A_623 : vector<16xi32>
        %add3A_625 = arith.addi %add3A_618, %and3A_624 : vector<16xi32>
        %shift_right_logical3A_626 = arith.constant 16 : i32
        %shift_right_logical3A_627 = vector.broadcast %shift_right_logical3A_626 : i32 to vector<16xi32>
        %shift_right_logical3A_628 = arith.shrui %add3A_625, %shift_right_logical3A_627 : vector<16xi32>
        %add3A_629 = arith.constant 32767 : i32
        %add3A_630 = vector.broadcast %add3A_629 : i32 to vector<16xi32>
        %add3A_631 = arith.addi %bitcast3A_615, %add3A_630 : vector<16xi32>
        %shift_right_logical3A_632 = arith.constant 16 : i32
        %shift_right_logical3A_633 = vector.broadcast %shift_right_logical3A_632 : i32 to vector<16xi32>
        %shift_right_logical3A_634 = arith.shrui %bitcast3A_615, %shift_right_logical3A_633 : vector<16xi32>
        %and3A_635 = arith.constant 1 : i32
        %and3A_636 = vector.broadcast %and3A_635 : i32 to vector<16xi32>
        %and3A_637 = arith.andi %shift_right_logical3A_634, %and3A_636 : vector<16xi32>
        %add3A_638 = arith.addi %add3A_631, %and3A_637 : vector<16xi32>
        %shift_right_logical3A_639 = arith.constant 16 : i32
        %shift_right_logical3A_640 = vector.broadcast %shift_right_logical3A_639 : i32 to vector<16xi32>
        %shift_right_logical3A_641 = arith.shrui %add3A_638, %shift_right_logical3A_640 : vector<16xi32>
        %shift_left3A_642 = arith.constant 16 : i32
        %shift_left3A_643 = vector.broadcast %shift_left3A_642 : i32 to vector<16xi32>
        %shift_left3A_644 = arith.shli %shift_right_logical3A_641, %shift_left3A_643 : vector<16xi32>
        %or3A_645 = arith.ori %shift_right_logical3A_628, %shift_left3A_644 : vector<16xi32>
        %bitcast3A_646 = vector.bitcast %or3A_645 : vector<16xi32> to vector<16xi32>
        %swap3A_647 = arith.index_cast %scan3A_451 : i32 to index
        %swap3A_648 = arith.constant 48 : index
        %swap3A_649 = tpu.vector_load %arg23[%swap3A_647, %swap3A_648] {strides = array<i32>} : memref<40x128xi32, #tpu.memory_space<vmem>>, vector<16xi32>,
        tpu.vector_store %arg23[%swap3A_647, %swap3A_648], %bitcast3A_646 {strides = array<i32>} : memref<40x128xi32, #tpu.memory_space<vmem>>, vector<16xi32>,
        %mul3A_650 = arith.constant 2 : i32
        %mul3A_651 = arith.muli %mul3A_650, %scan3A_451 : i32
        %add3A_652 = arith.constant 1 : i32
        %add3A_653 = arith.addi %mul3A_651, %add3A_652 : i32
        %get3A_654 = arith.index_cast %add3A_653 : i32 to index
        %get3A_655 = arith.constant 0 : index
        %get3A_656 = tpu.vector_load %arg15[%get3A_654, %get3A_655] {strides = array<i32>} : memref<80x128xf32, #tpu.memory_space<vmem>>, vector<16xf32>,
        %get3A_657 = arith.index_cast %add3A_653 : i32 to index
        %get3A_658 = arith.constant 0 : index
        %get3A_659 = tpu.vector_load %arg19[%get3A_657, %get3A_658] {strides = array<i32>} : memref<80x128xf32, #tpu.memory_space<vmem>>, vector<16xf32>,
        %add3A_660 = arith.addf %get3A_656, %get3A_659 : vector<16xf32>
        %get3A_661 = arith.index_cast %add3A_653 : i32 to index
        %get3A_662 = arith.constant 16 : index
        %get3A_663 = tpu.vector_load %arg15[%get3A_661, %get3A_662] {strides = array<i32>} : memref<80x128xf32, #tpu.memory_space<vmem>>, vector<16xf32>,
        %get3A_664 = arith.index_cast %add3A_653 : i32 to index
        %get3A_665 = arith.constant 16 : index
        %get3A_666 = tpu.vector_load %arg19[%get3A_664, %get3A_665] {strides = array<i32>} : memref<80x128xf32, #tpu.memory_space<vmem>>, vector<16xf32>,
        %add3A_667 = arith.addf %get3A_663, %get3A_666 : vector<16xf32>
        %bitcast3A_668 = vector.bitcast %add3A_660 : vector<16xf32> to vector<16xi32>
        %bitcast3A_669 = vector.bitcast %add3A_667 : vector<16xf32> to vector<16xi32>
        %add3A_670 = arith.constant 32767 : i32
        %add3A_671 = vector.broadcast %add3A_670 : i32 to vector<16xi32>
        %add3A_672 = arith.addi %bitcast3A_668, %add3A_671 : vector<16xi32>
        %shift_right_logical3A_673 = arith.constant 16 : i32
        %shift_right_logical3A_674 = vector.broadcast %shift_right_logical3A_673 : i32 to vector<16xi32>
        %shift_right_logical3A_675 = arith.shrui %bitcast3A_668, %shift_right_logical3A_674 : vector<16xi32>
        %and3A_676 = arith.constant 1 : i32
        %and3A_677 = vector.broadcast %and3A_676 : i32 to vector<16xi32>
        %and3A_678 = arith.andi %shift_right_logical3A_675, %and3A_677 : vector<16xi32>
        %add3A_679 = arith.addi %add3A_672, %and3A_678 : vector<16xi32>
        %shift_right_logical3A_680 = arith.constant 16 : i32
        %shift_right_logical3A_681 = vector.broadcast %shift_right_logical3A_680 : i32 to vector<16xi32>
        %shift_right_logical3A_682 = arith.shrui %add3A_679, %shift_right_logical3A_681 : vector<16xi32>
        %add3A_683 = arith.constant 32767 : i32
        %add3A_684 = vector.broadcast %add3A_683 : i32 to vector<16xi32>
        %add3A_685 = arith.addi %bitcast3A_669, %add3A_684 : vector<16xi32>
        %shift_right_logical3A_686 = arith.constant 16 : i32
        %shift_right_logical3A_687 = vector.broadcast %shift_right_logical3A_686 : i32 to vector<16xi32>
        %shift_right_logical3A_688 = arith.shrui %bitcast3A_669, %shift_right_logical3A_687 : vector<16xi32>
        %and3A_689 = arith.constant 1 : i32
        %and3A_690 = vector.broadcast %and3A_689 : i32 to vector<16xi32>
        %and3A_691 = arith.andi %shift_right_logical3A_688, %and3A_690 : vector<16xi32>
        %add3A_692 = arith.addi %add3A_685, %and3A_691 : vector<16xi32>
        %shift_right_logical3A_693 = arith.constant 16 : i32
        %shift_right_logical3A_694 = vector.broadcast %shift_right_logical3A_693 : i32 to vector<16xi32>
        %shift_right_logical3A_695 = arith.shrui %add3A_692, %shift_right_logical3A_694 : vector<16xi32>
        %shift_left3A_696 = arith.constant 16 : i32
        %shift_left3A_697 = vector.broadcast %shift_left3A_696 : i32 to vector<16xi32>
        %shift_left3A_698 = arith.shli %shift_right_logical3A_695, %shift_left3A_697 : vector<16xi32>
        %or3A_699 = arith.ori %shift_right_logical3A_682, %shift_left3A_698 : vector<16xi32>
        %bitcast3A_700 = vector.bitcast %or3A_699 : vector<16xi32> to vector<16xi32>
        %swap3A_701 = arith.index_cast %scan3A_451 : i32 to index
        %swap3A_702 = arith.constant 64 : index
        %swap3A_703 = tpu.vector_load %arg23[%swap3A_701, %swap3A_702] {strides = array<i32>} : memref<40x128xi32, #tpu.memory_space<vmem>>, vector<16xi32>,
        tpu.vector_store %arg23[%swap3A_701, %swap3A_702], %bitcast3A_700 {strides = array<i32>} : memref<40x128xi32, #tpu.memory_space<vmem>>, vector<16xi32>,
        %get3A_704 = arith.index_cast %add3A_653 : i32 to index
        %get3A_705 = arith.constant 32 : index
        %get3A_706 = tpu.vector_load %arg15[%get3A_704, %get3A_705] {strides = array<i32>} : memref<80x128xf32, #tpu.memory_space<vmem>>, vector<16xf32>,
        %get3A_707 = arith.index_cast %add3A_653 : i32 to index
        %get3A_708 = arith.constant 32 : index
        %get3A_709 = tpu.vector_load %arg19[%get3A_707, %get3A_708] {strides = array<i32>} : memref<80x128xf32, #tpu.memory_space<vmem>>, vector<16xf32>,
        %add3A_710 = arith.addf %get3A_706, %get3A_709 : vector<16xf32>
        %get3A_711 = arith.index_cast %add3A_653 : i32 to index
        %get3A_712 = arith.constant 48 : index
        %get3A_713 = tpu.vector_load %arg15[%get3A_711, %get3A_712] {strides = array<i32>} : memref<80x128xf32, #tpu.memory_space<vmem>>, vector<16xf32>,
        %get3A_714 = arith.index_cast %add3A_653 : i32 to index
        %get3A_715 = arith.constant 48 : index
        %get3A_716 = tpu.vector_load %arg19[%get3A_714, %get3A_715] {strides = array<i32>} : memref<80x128xf32, #tpu.memory_space<vmem>>, vector<16xf32>,
        %add3A_717 = arith.addf %get3A_713, %get3A_716 : vector<16xf32>
        %bitcast3A_718 = vector.bitcast %add3A_710 : vector<16xf32> to vector<16xi32>
        %bitcast3A_719 = vector.bitcast %add3A_717 : vector<16xf32> to vector<16xi32>
        %add3A_720 = arith.constant 32767 : i32
        %add3A_721 = vector.broadcast %add3A_720 : i32 to vector<16xi32>
        %add3A_722 = arith.addi %bitcast3A_718, %add3A_721 : vector<16xi32>
        %shift_right_logical3A_723 = arith.constant 16 : i32
        %shift_right_logical3A_724 = vector.broadcast %shift_right_logical3A_723 : i32 to vector<16xi32>
        %shift_right_logical3A_725 = arith.shrui %bitcast3A_718, %shift_right_logical3A_724 : vector<16xi32>
        %and3A_726 = arith.constant 1 : i32
        %and3A_727 = vector.broadcast %and3A_726 : i32 to vector<16xi32>
        %and3A_728 = arith.andi %shift_right_logical3A_725, %and3A_727 : vector<16xi32>
        %add3A_729 = arith.addi %add3A_722, %and3A_728 : vector<16xi32>
        %shift_right_logical3A_730 = arith.constant 16 : i32
        %shift_right_logical3A_731 = vector.broadcast %shift_right_logical3A_730 : i32 to vector<16xi32>
        %shift_right_logical3A_732 = arith.shrui %add3A_729, %shift_right_logical3A_731 : vector<16xi32>
        %add3A_733 = arith.constant 32767 : i32
        %add3A_734 = vector.broadcast %add3A_733 : i32 to vector<16xi32>
        %add3A_735 = arith.addi %bitcast3A_719, %add3A_734 : vector<16xi32>
        %shift_right_logical3A_736 = arith.constant 16 : i32
        %shift_right_logical3A_737 = vector.broadcast %shift_right_logical3A_736 : i32 to vector<16xi32>
        %shift_right_logical3A_738 = arith.shrui %bitcast3A_719, %shift_right_logical3A_737 : vector<16xi32>
        %and3A_739 = arith.constant 1 : i32
        %and3A_740 = vector.broadcast %and3A_739 : i32 to vector<16xi32>
        %and3A_741 = arith.andi %shift_right_logical3A_738, %and3A_740 : vector<16xi32>
        %add3A_742 = arith.addi %add3A_735, %and3A_741 : vector<16xi32>
        %shift_right_logical3A_743 = arith.constant 16 : i32
        %shift_right_logical3A_744 = vector.broadcast %shift_right_logical3A_743 : i32 to vector<16xi32>
        %shift_right_logical3A_745 = arith.shrui %add3A_742, %shift_right_logical3A_744 : vector<16xi32>
        %shift_left3A_746 = arith.constant 16 : i32
        %shift_left3A_747 = vector.broadcast %shift_left3A_746 : i32 to vector<16xi32>
        %shift_left3A_748 = arith.shli %shift_right_logical3A_745, %shift_left3A_747 : vector<16xi32>
        %or3A_749 = arith.ori %shift_right_logical3A_732, %shift_left3A_748 : vector<16xi32>
        %bitcast3A_750 = vector.bitcast %or3A_749 : vector<16xi32> to vector<16xi32>
        %swap3A_751 = arith.index_cast %scan3A_451 : i32 to index
        %swap3A_752 = arith.constant 80 : index
        %swap3A_753 = tpu.vector_load %arg23[%swap3A_751, %swap3A_752] {strides = array<i32>} : memref<40x128xi32, #tpu.memory_space<vmem>>, vector<16xi32>,
        tpu.vector_store %arg23[%swap3A_751, %swap3A_752], %bitcast3A_750 {strides = array<i32>} : memref<40x128xi32, #tpu.memory_space<vmem>>, vector<16xi32>,
        %get3A_754 = arith.index_cast %add3A_653 : i32 to index
        %get3A_755 = arith.constant 64 : index
        %get3A_756 = tpu.vector_load %arg15[%get3A_754, %get3A_755] {strides = array<i32>} : memref<80x128xf32, #tpu.memory_space<vmem>>, vector<16xf32>,
        %get3A_757 = arith.index_cast %add3A_653 : i32 to index
        %get3A_758 = arith.constant 64 : index
        %get3A_759 = tpu.vector_load %arg19[%get3A_757, %get3A_758] {strides = array<i32>} : memref<80x128xf32, #tpu.memory_space<vmem>>, vector<16xf32>,
        %add3A_760 = arith.addf %get3A_756, %get3A_759 : vector<16xf32>
        %get3A_761 = arith.index_cast %add3A_653 : i32 to index
        %get3A_762 = arith.constant 80 : index
        %get3A_763 = tpu.vector_load %arg15[%get3A_761, %get3A_762] {strides = array<i32>} : memref<80x128xf32, #tpu.memory_space<vmem>>, vector<16xf32>,
        %get3A_764 = arith.index_cast %add3A_653 : i32 to index
        %get3A_765 = arith.constant 80 : index
        %get3A_766 = tpu.vector_load %arg19[%get3A_764, %get3A_765] {strides = array<i32>} : memref<80x128xf32, #tpu.memory_space<vmem>>, vector<16xf32>,
        %add3A_767 = arith.addf %get3A_763, %get3A_766 : vector<16xf32>
        %bitcast3A_768 = vector.bitcast %add3A_760 : vector<16xf32> to vector<16xi32>
        %bitcast3A_769 = vector.bitcast %add3A_767 : vector<16xf32> to vector<16xi32>
        %add3A_770 = arith.constant 32767 : i32
        %add3A_771 = vector.broadcast %add3A_770 : i32 to vector<16xi32>
        %add3A_772 = arith.addi %bitcast3A_768, %add3A_771 : vector<16xi32>
        %shift_right_logical3A_773 = arith.constant 16 : i32
        %shift_right_logical3A_774 = vector.broadcast %shift_right_logical3A_773 : i32 to vector<16xi32>
        %shift_right_logical3A_775 = arith.shrui %bitcast3A_768, %shift_right_logical3A_774 : vector<16xi32>
        %and3A_776 = arith.constant 1 : i32
        %and3A_777 = vector.broadcast %and3A_776 : i32 to vector<16xi32>
        %and3A_778 = arith.andi %shift_right_logical3A_775, %and3A_777 : vector<16xi32>
        %add3A_779 = arith.addi %add3A_772, %and3A_778 : vector<16xi32>
        %shift_right_logical3A_780 = arith.constant 16 : i32
        %shift_right_logical3A_781 = vector.broadcast %shift_right_logical3A_780 : i32 to vector<16xi32>
        %shift_right_logical3A_782 = arith.shrui %add3A_779, %shift_right_logical3A_781 : vector<16xi32>
        %add3A_783 = arith.constant 32767 : i32
        %add3A_784 = vector.broadcast %add3A_783 : i32 to vector<16xi32>
        %add3A_785 = arith.addi %bitcast3A_769, %add3A_784 : vector<16xi32>
        %shift_right_logical3A_786 = arith.constant 16 : i32
        %shift_right_logical3A_787 = vector.broadcast %shift_right_logical3A_786 : i32 to vector<16xi32>
        %shift_right_logical3A_788 = arith.shrui %bitcast3A_769, %shift_right_logical3A_787 : vector<16xi32>
        %and3A_789 = arith.constant 1 : i32
        %and3A_790 = vector.broadcast %and3A_789 : i32 to vector<16xi32>
        %and3A_791 = arith.andi %shift_right_logical3A_788, %and3A_790 : vector<16xi32>
        %add3A_792 = arith.addi %add3A_785, %and3A_791 : vector<16xi32>
        %shift_right_logical3A_793 = arith.constant 16 : i32
        %shift_right_logical3A_794 = vector.broadcast %shift_right_logical3A_793 : i32 to vector<16xi32>
        %shift_right_logical3A_795 = arith.shrui %add3A_792, %shift_right_logical3A_794 : vector<16xi32>
        %shift_left3A_796 = arith.constant 16 : i32
        %shift_left3A_797 = vector.broadcast %shift_left3A_796 : i32 to vector<16xi32>
        %shift_left3A_798 = arith.shli %shift_right_logical3A_795, %shift_left3A_797 : vector<16xi32>
        %or3A_799 = arith.ori %shift_right_logical3A_782, %shift_left3A_798 : vector<16xi32>
        %bitcast3A_800 = vector.bitcast %or3A_799 : vector<16xi32> to vector<16xi32>
        %swap3A_801 = arith.index_cast %scan3A_451 : i32 to index
        %swap3A_802 = arith.constant 96 : index
        %swap3A_803 = tpu.vector_load %arg23[%swap3A_801, %swap3A_802] {strides = array<i32>} : memref<40x128xi32, #tpu.memory_space<vmem>>, vector<16xi32>,
        tpu.vector_store %arg23[%swap3A_801, %swap3A_802], %bitcast3A_800 {strides = array<i32>} : memref<40x128xi32, #tpu.memory_space<vmem>>, vector<16xi32>,
        %get3A_804 = arith.index_cast %add3A_653 : i32 to index
        %get3A_805 = arith.constant 96 : index
        %get3A_806 = tpu.vector_load %arg15[%get3A_804, %get3A_805] {strides = array<i32>} : memref<80x128xf32, #tpu.memory_space<vmem>>, vector<16xf32>,
        %get3A_807 = arith.index_cast %add3A_653 : i32 to index
        %get3A_808 = arith.constant 96 : index
        %get3A_809 = tpu.vector_load %arg19[%get3A_807, %get3A_808] {strides = array<i32>} : memref<80x128xf32, #tpu.memory_space<vmem>>, vector<16xf32>,
        %add3A_810 = arith.addf %get3A_806, %get3A_809 : vector<16xf32>
        %get3A_811 = arith.index_cast %add3A_653 : i32 to index
        %get3A_812 = arith.constant 112 : index
        %get3A_813 = tpu.vector_load %arg15[%get3A_811, %get3A_812] {strides = array<i32>} : memref<80x128xf32, #tpu.memory_space<vmem>>, vector<16xf32>,
        %get3A_814 = arith.index_cast %add3A_653 : i32 to index
        %get3A_815 = arith.constant 112 : index
        %get3A_816 = tpu.vector_load %arg19[%get3A_814, %get3A_815] {strides = array<i32>} : memref<80x128xf32, #tpu.memory_space<vmem>>, vector<16xf32>,
        %add3A_817 = arith.addf %get3A_813, %get3A_816 : vector<16xf32>
        %bitcast3A_818 = vector.bitcast %add3A_810 : vector<16xf32> to vector<16xi32>
        %bitcast3A_819 = vector.bitcast %add3A_817 : vector<16xf32> to vector<16xi32>
        %add3A_820 = arith.constant 32767 : i32
        %add3A_821 = vector.broadcast %add3A_820 : i32 to vector<16xi32>
        %add3A_822 = arith.addi %bitcast3A_818, %add3A_821 : vector<16xi32>
        %shift_right_logical3A_823 = arith.constant 16 : i32
        %shift_right_logical3A_824 = vector.broadcast %shift_right_logical3A_823 : i32 to vector<16xi32>
        %shift_right_logical3A_825 = arith.shrui %bitcast3A_818, %shift_right_logical3A_824 : vector<16xi32>
        %and3A_826 = arith.constant 1 : i32
        %and3A_827 = vector.broadcast %and3A_826 : i32 to vector<16xi32>
        %and3A_828 = arith.andi %shift_right_logical3A_825, %and3A_827 : vector<16xi32>
        %add3A_829 = arith.addi %add3A_822, %and3A_828 : vector<16xi32>
        %shift_right_logical3A_830 = arith.constant 16 : i32
        %shift_right_logical3A_831 = vector.broadcast %shift_right_logical3A_830 : i32 to vector<16xi32>
        %shift_right_logical3A_832 = arith.shrui %add3A_829, %shift_right_logical3A_831 : vector<16xi32>
        %add3A_833 = arith.constant 32767 : i32
        %add3A_834 = vector.broadcast %add3A_833 : i32 to vector<16xi32>
        %add3A_835 = arith.addi %bitcast3A_819, %add3A_834 : vector<16xi32>
        %shift_right_logical3A_836 = arith.constant 16 : i32
        %shift_right_logical3A_837 = vector.broadcast %shift_right_logical3A_836 : i32 to vector<16xi32>
        %shift_right_logical3A_838 = arith.shrui %bitcast3A_819, %shift_right_logical3A_837 : vector<16xi32>
        %and3A_839 = arith.constant 1 : i32
        %and3A_840 = vector.broadcast %and3A_839 : i32 to vector<16xi32>
        %and3A_841 = arith.andi %shift_right_logical3A_838, %and3A_840 : vector<16xi32>
        %add3A_842 = arith.addi %add3A_835, %and3A_841 : vector<16xi32>
        %shift_right_logical3A_843 = arith.constant 16 : i32
        %shift_right_logical3A_844 = vector.broadcast %shift_right_logical3A_843 : i32 to vector<16xi32>
        %shift_right_logical3A_845 = arith.shrui %add3A_842, %shift_right_logical3A_844 : vector<16xi32>
        %shift_left3A_846 = arith.constant 16 : i32
        %shift_left3A_847 = vector.broadcast %shift_left3A_846 : i32 to vector<16xi32>
        %shift_left3A_848 = arith.shli %shift_right_logical3A_845, %shift_left3A_847 : vector<16xi32>
        %or3A_849 = arith.ori %shift_right_logical3A_832, %shift_left3A_848 : vector<16xi32>
        %bitcast3A_850 = vector.bitcast %or3A_849 : vector<16xi32> to vector<16xi32>
        %swap3A_851 = arith.index_cast %scan3A_451 : i32 to index
        %swap3A_852 = arith.constant 112 : index
        %swap3A_853 = tpu.vector_load %arg23[%swap3A_851, %swap3A_852] {strides = array<i32>} : memref<40x128xi32, #tpu.memory_space<vmem>>, vector<16xi32>,
        tpu.vector_store %arg23[%swap3A_851, %swap3A_852], %bitcast3A_850 {strides = array<i32>} : memref<40x128xi32, #tpu.memory_space<vmem>>, vector<16xi32>,
      }
      %scan3A_192 = arith.constant 40 : i32
      %mul3A_193 = arith.constant 80 : i32
      %mul3A_194 = arith.muli %add3A_166, %mul3A_193 : i32
      %add3A_195 = arith.addi %mul3A_2, %mul3A_194 : i32
      %jit3A_196 = arith.constant 2 : i32
      %div3A_197 = arith.divsi %add3A_195, %jit3A_196 : i32
      %sign3A_198 = arith.constant 0 : i32
      %sign3A_199 = arith.cmpi sgt, %add3A_195, %sign3A_198 : i32
      %sign3A_200 = arith.extui %sign3A_199 : i1 to i32
      %sign3A_201 = arith.constant 0 : i32
      %sign3A_202 = arith.cmpi slt, %add3A_195, %sign3A_201 : i32
      %sign3A_203 = arith.extui %sign3A_202 : i1 to i32
      %sign3A_204 = arith.subi %sign3A_200, %sign3A_203 : i32
      %sign3A_205 = arith.constant 0 : i32
      %sign3A_206 = arith.cmpi sgt, %jit3A_196, %sign3A_205 : i32
      %sign3A_207 = arith.extui %sign3A_206 : i1 to i32
      %sign3A_208 = arith.constant 0 : i32
      %sign3A_209 = arith.cmpi slt, %jit3A_196, %sign3A_208 : i32
      %sign3A_210 = arith.extui %sign3A_209 : i1 to i32
      %sign3A_211 = arith.subi %sign3A_207, %sign3A_210 : i32
      %ne3A_212 = arith.cmpi ne, %sign3A_204, %sign3A_211 : i32
      %rem3A_213 = arith.remsi %add3A_195, %jit3A_196 : i32
      %ne3A_214 = arith.constant 0 : i32
      %ne3A_215 = arith.cmpi ne, %rem3A_213, %ne3A_214 : i32
      %and3A_216 = arith.andi %ne3A_212, %ne3A_215 : i1
      %sub3A_217 = arith.constant 1 : i32
      %sub3A_218 = arith.subi %div3A_197, %sub3A_217 : i32
      %select_n3A_219 = arith.select %and3A_216, %sub3A_218, %div3A_197 : i32
      %multiple_of3A_220 = tpu.assume_multiple %select_n3A_219, 8 : i32
      %dma_start3A_221 = arith.constant 0 : i32
      %dma_start3A_222 = tpu.memref_slice %arg6[%multiple_of3A_220, %dma_start3A_221] : memref<160000x128xi32, #tpu.memory_space<hbm>> -> memref<40x128xi32, #tpu.memory_space<hbm>>
      %dma_start3A_223 = arith.constant 0 : i32
      %dma_start3A_224 = tpu.memref_slice %arg6[%multiple_of3A_220, %dma_start3A_223] : memref<160000x128xi32, #tpu.memory_space<hbm>> -> memref<40x128xi32, #tpu.memory_space<hbm>>
      tpu.enqueue_dma source(%arg23 : memref<40x128xi32, #tpu.memory_space<vmem>>) target(%dma_start3A_224 : memref<40x128xi32, #tpu.memory_space<hbm>>) target_semaphore(%arg43 : memref<!tpu.dma_semaphore, #tpu.memory_space<semaphore_mem>>)
      %add3A_225 = arith.constant 4 : i32
      %add3A_226 = arith.addi %add3A_166, %add3A_225 : i32
      %le3A_227 = arith.constant 124 : i32
      %le3A_228 = arith.cmpi sle, %add3A_226, %le3A_227 : i32
      %convert_element_type3A_229 = arith.extui %le3A_228 : i1 to i32
      %cond3A_230 = arith.constant 0 : i32
      %cond3A_231 = arith.cmpi ne, %convert_element_type3A_229, %cond3A_230 : i32
      scf.if %cond3A_231 {
        %dma_wait3A_451 = arith.constant 0 : i32
        %dma_wait3A_452 = tpu.memref_slice %arg4[%dma_wait3A_451] : memref<320000xi32, #tpu.memory_space<hbm>> -> memref<80xi32, #tpu.memory_space<hbm>>
        %dma_wait3A_453 = arith.constant 0 : i32
        %dma_wait3A_454 = tpu.memref_slice %arg4[%dma_wait3A_453] : memref<320000xi32, #tpu.memory_space<hbm>> -> memref<80xi32, #tpu.memory_space<hbm>>
        tpu.wait_dma2 semaphore(%arg27 : memref<!tpu.dma_semaphore, #tpu.memory_space<semaphore_mem>>) src(%dma_wait3A_454 : memref<80xi32, #tpu.memory_space<hbm>>) dst(%arg7 : memref<80xi32, #tpu.memory_space<vmem>>)
        %dma_wait3A_455 = arith.constant 0 : i32
        %dma_wait3A_456 = tpu.memref_slice %arg5[%dma_wait3A_455] : memref<320000xi32, #tpu.memory_space<hbm>> -> memref<80xi32, #tpu.memory_space<hbm>>
        %dma_wait3A_457 = arith.constant 0 : i32
        %dma_wait3A_458 = tpu.memref_slice %arg5[%dma_wait3A_457] : memref<320000xi32, #tpu.memory_space<hbm>> -> memref<80xi32, #tpu.memory_space<hbm>>
        tpu.wait_dma2 semaphore(%arg31 : memref<!tpu.dma_semaphore, #tpu.memory_space<semaphore_mem>>) src(%dma_wait3A_458 : memref<80xi32, #tpu.memory_space<hbm>>) dst(%arg11 : memref<80xi32, #tpu.memory_space<vmem>>)
        %dma_start3A_459 = arith.constant 0 : i32
        %dma_start3A_460 = arith.constant 0 : i32
        %dma_start3A_461 = tpu.memref_slice %arg2[%dma_start3A_459, %dma_start3A_460] : memref<10000x128xf32, #tpu.memory_space<hbm>> -> memref<10000x128xf32, #tpu.memory_space<hbm>>
        tpu.enqueue_indirect_dma source(%dma_start3A_461 : memref<10000x128xf32, #tpu.memory_space<hbm>>) target(%arg15 : memref<80x128xf32, #tpu.memory_space<vmem>>) offsets(%arg7 : memref<80xi32, #tpu.memory_space<vmem>>) semaphore(%arg35 : memref<!tpu.dma_semaphore, #tpu.memory_space<semaphore_mem>>)
        %dma_start3A_462 = arith.constant 0 : i32
        %dma_start3A_463 = arith.constant 0 : i32
        %dma_start3A_464 = tpu.memref_slice %arg3[%dma_start3A_462, %dma_start3A_463] : memref<10000x128xf32, #tpu.memory_space<hbm>> -> memref<10000x128xf32, #tpu.memory_space<hbm>>
        tpu.enqueue_indirect_dma source(%dma_start3A_464 : memref<10000x128xf32, #tpu.memory_space<hbm>>) target(%arg19 : memref<80x128xf32, #tpu.memory_space<vmem>>) offsets(%arg11 : memref<80xi32, #tpu.memory_space<vmem>>) semaphore(%arg39 : memref<!tpu.dma_semaphore, #tpu.memory_space<semaphore_mem>>)
      } else {
      }
      %mul3A_232 = arith.constant 4 : i32
      %mul3A_233 = arith.muli %mul3A_232, %scan3A_162 : i32
      %add3A_234 = arith.constant 1 : i32
      %add3A_235 = arith.addi %mul3A_233, %add3A_234 : i32
      %dma_wait3A_236 = arith.constant 0 : i32
      %dma_wait3A_237 = arith.constant 0 : i32
      %dma_wait3A_238 = tpu.memref_slice %arg2[%dma_wait3A_236, %dma_wait3A_237] : memref<10000x128xf32, #tpu.memory_space<hbm>> -> memref<80x128xf32, #tpu.memory_space<hbm>>
      %dma_wait3A_239 = arith.constant 0 : i32
      %dma_wait3A_240 = arith.constant 0 : i32
      %dma_wait3A_241 = tpu.memref_slice %arg2[%dma_wait3A_239, %dma_wait3A_240] : memref<10000x128xf32, #tpu.memory_space<hbm>> -> memref<80x128xf32, #tpu.memory_space<hbm>>
      tpu.wait_dma2 semaphore(%arg36 : memref<!tpu.dma_semaphore, #tpu.memory_space<semaphore_mem>>) src(%dma_wait3A_241 : memref<80x128xf32, #tpu.memory_space<hbm>>) dst(%arg16 : memref<80x128xf32, #tpu.memory_space<vmem>>)
      %dma_wait3A_242 = arith.constant 0 : i32
      %dma_wait3A_243 = arith.constant 0 : i32
      %dma_wait3A_244 = tpu.memref_slice %arg3[%dma_wait3A_242, %dma_wait3A_243] : memref<10000x128xf32, #tpu.memory_space<hbm>> -> memref<80x128xf32, #tpu.memory_space<hbm>>
      %dma_wait3A_245 = arith.constant 0 : i32
      %dma_wait3A_246 = arith.constant 0 : i32
      %dma_wait3A_247 = tpu.memref_slice %arg3[%dma_wait3A_245, %dma_wait3A_246] : memref<10000x128xf32, #tpu.memory_space<hbm>> -> memref<80x128xf32, #tpu.memory_space<hbm>>
      tpu.wait_dma2 semaphore(%arg40 : memref<!tpu.dma_semaphore, #tpu.memory_space<semaphore_mem>>) src(%dma_wait3A_247 : memref<80x128xf32, #tpu.memory_space<hbm>>) dst(%arg20 : memref<80x128xf32, #tpu.memory_space<vmem>>)
      %add3A_248 = arith.constant 4 : i32
      %add3A_249 = arith.addi %add3A_235, %add3A_248 : i32
      %le3A_250 = arith.constant 124 : i32
      %le3A_251 = arith.cmpi sle, %add3A_249, %le3A_250 : i32
      %convert_element_type3A_252 = arith.extui %le3A_251 : i1 to i32
      %cond3A_253 = arith.constant 0 : i32
      %cond3A_254 = arith.cmpi ne, %convert_element_type3A_252, %cond3A_253 : i32
      scf.if %cond3A_254 {
        %add3A_451 = arith.constant 4 : i32
        %add3A_452 = arith.addi %add3A_235, %add3A_451 : i32
        %mul3A_453 = arith.constant 80 : i32
        %mul3A_454 = arith.muli %add3A_452, %mul3A_453 : i32
        %add3A_455 = arith.addi %mul3A_2, %mul3A_454 : i32
        %multiple_of3A_456 = tpu.assume_multiple %add3A_455, 8 : i32
        %dma_start3A_457 = tpu.memref_slice %arg4[%multiple_of3A_456] : memref<320000xi32, #tpu.memory_space<hbm>> -> memref<80xi32, #tpu.memory_space<hbm>>
        %dma_start3A_458 = tpu.memref_slice %arg4[%multiple_of3A_456] : memref<320000xi32, #tpu.memory_space<hbm>> -> memref<80xi32, #tpu.memory_space<hbm>>
        tpu.enqueue_dma source(%dma_start3A_458 : memref<80xi32, #tpu.memory_space<hbm>>) target(%arg8 : memref<80xi32, #tpu.memory_space<vmem>>) target_semaphore(%arg28 : memref<!tpu.dma_semaphore, #tpu.memory_space<semaphore_mem>>)
        %mul3A_459 = arith.constant 80 : i32
        %mul3A_460 = arith.muli %add3A_452, %mul3A_459 : i32
        %add3A_461 = arith.addi %mul3A_2, %mul3A_460 : i32
        %multiple_of3A_462 = tpu.assume_multiple %add3A_461, 8 : i32
        %dma_start3A_463 = tpu.memref_slice %arg5[%multiple_of3A_462] : memref<320000xi32, #tpu.memory_space<hbm>> -> memref<80xi32, #tpu.memory_space<hbm>>
        %dma_start3A_464 = tpu.memref_slice %arg5[%multiple_of3A_462] : memref<320000xi32, #tpu.memory_space<hbm>> -> memref<80xi32, #tpu.memory_space<hbm>>
        tpu.enqueue_dma source(%dma_start3A_464 : memref<80xi32, #tpu.memory_space<hbm>>) target(%arg12 : memref<80xi32, #tpu.memory_space<vmem>>) target_semaphore(%arg32 : memref<!tpu.dma_semaphore, #tpu.memory_space<semaphore_mem>>)
      } else {
      }
      %gt3A_255 = arith.constant 0 : i32
      %gt3A_256 = arith.cmpi sgt, %scan3A_162, %gt3A_255 : i32
      %convert_element_type3A_257 = arith.extui %gt3A_256 : i1 to i32
      %cond3A_258 = arith.constant 0 : i32
      %cond3A_259 = arith.cmpi ne, %convert_element_type3A_257, %cond3A_258 : i32
      scf.if %cond3A_259 {
        %dma_wait3A_451 = arith.constant 0 : i32
        %dma_wait3A_452 = arith.constant 0 : i32
        %dma_wait3A_453 = tpu.memref_slice %arg6[%dma_wait3A_451, %dma_wait3A_452] : memref<160000x128xi32, #tpu.memory_space<hbm>> -> memref<40x128xi32, #tpu.memory_space<hbm>>
        %dma_wait3A_454 = arith.constant 0 : i32
        %dma_wait3A_455 = arith.constant 0 : i32
        %dma_wait3A_456 = tpu.memref_slice %arg6[%dma_wait3A_454, %dma_wait3A_455] : memref<160000x128xi32, #tpu.memory_space<hbm>> -> memref<40x128xi32, #tpu.memory_space<hbm>>
        tpu.wait_dma2 semaphore(%arg44 : memref<!tpu.dma_semaphore, #tpu.memory_space<semaphore_mem>>) src(%arg24 : memref<40x128xi32, #tpu.memory_space<vmem>>) dst(%dma_wait3A_456 : memref<40x128xi32, #tpu.memory_space<hbm>>)
      } else {
      }
      %scan3A_260 = arith.constant 0 : i32
      %scan3A_261 = arith.constant 0 : i32
      %scan3A_262 = arith.constant 40 : i32
      %scan3A_263 = arith.addi %scan3A_261, %scan3A_262 : i32
      %scan3A_264 = arith.constant 1 : i32
      scf.for %scan3A_451 = %scan3A_261 to %scan3A_263 step %scan3A_264  : i32 {
        %mul3A_452 = arith.constant 2 : i32
        %mul3A_453 = arith.muli %mul3A_452, %scan3A_451 : i32
        %add3A_454 = arith.constant 0 : i32
        %add3A_455 = arith.addi %mul3A_453, %add3A_454 : i32
        %get3A = arith.index_cast %add3A_455 : i32 to index
        %get3A_456 = arith.constant 0 : index
        %get3A_457 = tpu.vector_load %arg16[%get3A, %get3A_456] {strides = array<i32>} : memref<80x128xf32, #tpu.memory_space<vmem>>, vector<16xf32>,
        %get3A_458 = arith.index_cast %add3A_455 : i32 to index
        %get3A_459 = arith.constant 0 : index
        %get3A_460 = tpu.vector_load %arg20[%get3A_458, %get3A_459] {strides = array<i32>} : memref<80x128xf32, #tpu.memory_space<vmem>>, vector<16xf32>,
        %add3A_461 = arith.addf %get3A_457, %get3A_460 : vector<16xf32>
        %get3A_462 = arith.index_cast %add3A_455 : i32 to index
        %get3A_463 = arith.constant 16 : index
        %get3A_464 = tpu.vector_load %arg16[%get3A_462, %get3A_463] {strides = array<i32>} : memref<80x128xf32, #tpu.memory_space<vmem>>, vector<16xf32>,
        %get3A_465 = arith.index_cast %add3A_455 : i32 to index
        %get3A_466 = arith.constant 16 : index
        %get3A_467 = tpu.vector_load %arg20[%get3A_465, %get3A_466] {strides = array<i32>} : memref<80x128xf32, #tpu.memory_space<vmem>>, vector<16xf32>,
        %add3A_468 = arith.addf %get3A_464, %get3A_467 : vector<16xf32>
        %bitcast3A = vector.bitcast %add3A_461 : vector<16xf32> to vector<16xi32>
        %bitcast3A_469 = vector.bitcast %add3A_468 : vector<16xf32> to vector<16xi32>
        %add3A_470 = arith.constant 32767 : i32
        %add3A_471 = vector.broadcast %add3A_470 : i32 to vector<16xi32>
        %add3A_472 = arith.addi %bitcast3A, %add3A_471 : vector<16xi32>
        %shift_right_logical3A = arith.constant 16 : i32
        %shift_right_logical3A_473 = vector.broadcast %shift_right_logical3A : i32 to vector<16xi32>
        %shift_right_logical3A_474 = arith.shrui %bitcast3A, %shift_right_logical3A_473 : vector<16xi32>
        %and3A_475 = arith.constant 1 : i32
        %and3A_476 = vector.broadcast %and3A_475 : i32 to vector<16xi32>
        %and3A_477 = arith.andi %shift_right_logical3A_474, %and3A_476 : vector<16xi32>
        %add3A_478 = arith.addi %add3A_472, %and3A_477 : vector<16xi32>
        %shift_right_logical3A_479 = arith.constant 16 : i32
        %shift_right_logical3A_480 = vector.broadcast %shift_right_logical3A_479 : i32 to vector<16xi32>
        %shift_right_logical3A_481 = arith.shrui %add3A_478, %shift_right_logical3A_480 : vector<16xi32>
        %add3A_482 = arith.constant 32767 : i32
        %add3A_483 = vector.broadcast %add3A_482 : i32 to vector<16xi32>
        %add3A_484 = arith.addi %bitcast3A_469, %add3A_483 : vector<16xi32>
        %shift_right_logical3A_485 = arith.constant 16 : i32
        %shift_right_logical3A_486 = vector.broadcast %shift_right_logical3A_485 : i32 to vector<16xi32>
        %shift_right_logical3A_487 = arith.shrui %bitcast3A_469, %shift_right_logical3A_486 : vector<16xi32>
        %and3A_488 = arith.constant 1 : i32
        %and3A_489 = vector.broadcast %and3A_488 : i32 to vector<16xi32>
        %and3A_490 = arith.andi %shift_right_logical3A_487, %and3A_489 : vector<16xi32>
        %add3A_491 = arith.addi %add3A_484, %and3A_490 : vector<16xi32>
        %shift_right_logical3A_492 = arith.constant 16 : i32
        %shift_right_logical3A_493 = vector.broadcast %shift_right_logical3A_492 : i32 to vector<16xi32>
        %shift_right_logical3A_494 = arith.shrui %add3A_491, %shift_right_logical3A_493 : vector<16xi32>
        %shift_left3A = arith.constant 16 : i32
        %shift_left3A_495 = vector.broadcast %shift_left3A : i32 to vector<16xi32>
        %shift_left3A_496 = arith.shli %shift_right_logical3A_494, %shift_left3A_495 : vector<16xi32>
        %or3A = arith.ori %shift_right_logical3A_481, %shift_left3A_496 : vector<16xi32>
        %bitcast3A_497 = vector.bitcast %or3A : vector<16xi32> to vector<16xi32>
        %swap3A = arith.index_cast %scan3A_451 : i32 to index
        %swap3A_498 = arith.constant 0 : index
        %swap3A_499 = tpu.vector_load %arg24[%swap3A, %swap3A_498] {strides = array<i32>} : memref<40x128xi32, #tpu.memory_space<vmem>>, vector<16xi32>,
        tpu.vector_store %arg24[%swap3A, %swap3A_498], %bitcast3A_497 {strides = array<i32>} : memref<40x128xi32, #tpu.memory_space<vmem>>, vector<16xi32>,
        %get3A_500 = arith.index_cast %add3A_455 : i32 to index
        %get3A_501 = arith.constant 32 : index
        %get3A_502 = tpu.vector_load %arg16[%get3A_500, %get3A_501] {strides = array<i32>} : memref<80x128xf32, #tpu.memory_space<vmem>>, vector<16xf32>,
        %get3A_503 = arith.index_cast %add3A_455 : i32 to index
        %get3A_504 = arith.constant 32 : index
        %get3A_505 = tpu.vector_load %arg20[%get3A_503, %get3A_504] {strides = array<i32>} : memref<80x128xf32, #tpu.memory_space<vmem>>, vector<16xf32>,
        %add3A_506 = arith.addf %get3A_502, %get3A_505 : vector<16xf32>
        %get3A_507 = arith.index_cast %add3A_455 : i32 to index
        %get3A_508 = arith.constant 48 : index
        %get3A_509 = tpu.vector_load %arg16[%get3A_507, %get3A_508] {strides = array<i32>} : memref<80x128xf32, #tpu.memory_space<vmem>>, vector<16xf32>,
        %get3A_510 = arith.index_cast %add3A_455 : i32 to index
        %get3A_511 = arith.constant 48 : index
        %get3A_512 = tpu.vector_load %arg20[%get3A_510, %get3A_511] {strides = array<i32>} : memref<80x128xf32, #tpu.memory_space<vmem>>, vector<16xf32>,
        %add3A_513 = arith.addf %get3A_509, %get3A_512 : vector<16xf32>
        %bitcast3A_514 = vector.bitcast %add3A_506 : vector<16xf32> to vector<16xi32>
        %bitcast3A_515 = vector.bitcast %add3A_513 : vector<16xf32> to vector<16xi32>
        %add3A_516 = arith.constant 32767 : i32
        %add3A_517 = vector.broadcast %add3A_516 : i32 to vector<16xi32>
        %add3A_518 = arith.addi %bitcast3A_514, %add3A_517 : vector<16xi32>
        %shift_right_logical3A_519 = arith.constant 16 : i32
        %shift_right_logical3A_520 = vector.broadcast %shift_right_logical3A_519 : i32 to vector<16xi32>
        %shift_right_logical3A_521 = arith.shrui %bitcast3A_514, %shift_right_logical3A_520 : vector<16xi32>
        %and3A_522 = arith.constant 1 : i32
        %and3A_523 = vector.broadcast %and3A_522 : i32 to vector<16xi32>
        %and3A_524 = arith.andi %shift_right_logical3A_521, %and3A_523 : vector<16xi32>
        %add3A_525 = arith.addi %add3A_518, %and3A_524 : vector<16xi32>
        %shift_right_logical3A_526 = arith.constant 16 : i32
        %shift_right_logical3A_527 = vector.broadcast %shift_right_logical3A_526 : i32 to vector<16xi32>
        %shift_right_logical3A_528 = arith.shrui %add3A_525, %shift_right_logical3A_527 : vector<16xi32>
        %add3A_529 = arith.constant 32767 : i32
        %add3A_530 = vector.broadcast %add3A_529 : i32 to vector<16xi32>
        %add3A_531 = arith.addi %bitcast3A_515, %add3A_530 : vector<16xi32>
        %shift_right_logical3A_532 = arith.constant 16 : i32
        %shift_right_logical3A_533 = vector.broadcast %shift_right_logical3A_532 : i32 to vector<16xi32>
        %shift_right_logical3A_534 = arith.shrui %bitcast3A_515, %shift_right_logical3A_533 : vector<16xi32>
        %and3A_535 = arith.constant 1 : i32
        %and3A_536 = vector.broadcast %and3A_535 : i32 to vector<16xi32>
        %and3A_537 = arith.andi %shift_right_logical3A_534, %and3A_536 : vector<16xi32>
        %add3A_538 = arith.addi %add3A_531, %and3A_537 : vector<16xi32>
        %shift_right_logical3A_539 = arith.constant 16 : i32
        %shift_right_logical3A_540 = vector.broadcast %shift_right_logical3A_539 : i32 to vector<16xi32>
        %shift_right_logical3A_541 = arith.shrui %add3A_538, %shift_right_logical3A_540 : vector<16xi32>
        %shift_left3A_542 = arith.constant 16 : i32
        %shift_left3A_543 = vector.broadcast %shift_left3A_542 : i32 to vector<16xi32>
        %shift_left3A_544 = arith.shli %shift_right_logical3A_541, %shift_left3A_543 : vector<16xi32>
        %or3A_545 = arith.ori %shift_right_logical3A_528, %shift_left3A_544 : vector<16xi32>
        %bitcast3A_546 = vector.bitcast %or3A_545 : vector<16xi32> to vector<16xi32>
        %swap3A_547 = arith.index_cast %scan3A_451 : i32 to index
        %swap3A_548 = arith.constant 16 : index
        %swap3A_549 = tpu.vector_load %arg24[%swap3A_547, %swap3A_548] {strides = array<i32>} : memref<40x128xi32, #tpu.memory_space<vmem>>, vector<16xi32>,
        tpu.vector_store %arg24[%swap3A_547, %swap3A_548], %bitcast3A_546 {strides = array<i32>} : memref<40x128xi32, #tpu.memory_space<vmem>>, vector<16xi32>,
        %get3A_550 = arith.index_cast %add3A_455 : i32 to index
        %get3A_551 = arith.constant 64 : index
        %get3A_552 = tpu.vector_load %arg16[%get3A_550, %get3A_551] {strides = array<i32>} : memref<80x128xf32, #tpu.memory_space<vmem>>, vector<16xf32>,
        %get3A_553 = arith.index_cast %add3A_455 : i32 to index
        %get3A_554 = arith.constant 64 : index
        %get3A_555 = tpu.vector_load %arg20[%get3A_553, %get3A_554] {strides = array<i32>} : memref<80x128xf32, #tpu.memory_space<vmem>>, vector<16xf32>,
        %add3A_556 = arith.addf %get3A_552, %get3A_555 : vector<16xf32>
        %get3A_557 = arith.index_cast %add3A_455 : i32 to index
        %get3A_558 = arith.constant 80 : index
        %get3A_559 = tpu.vector_load %arg16[%get3A_557, %get3A_558] {strides = array<i32>} : memref<80x128xf32, #tpu.memory_space<vmem>>, vector<16xf32>,
        %get3A_560 = arith.index_cast %add3A_455 : i32 to index
        %get3A_561 = arith.constant 80 : index
        %get3A_562 = tpu.vector_load %arg20[%get3A_560, %get3A_561] {strides = array<i32>} : memref<80x128xf32, #tpu.memory_space<vmem>>, vector<16xf32>,
        %add3A_563 = arith.addf %get3A_559, %get3A_562 : vector<16xf32>
        %bitcast3A_564 = vector.bitcast %add3A_556 : vector<16xf32> to vector<16xi32>
        %bitcast3A_565 = vector.bitcast %add3A_563 : vector<16xf32> to vector<16xi32>
        %add3A_566 = arith.constant 32767 : i32
        %add3A_567 = vector.broadcast %add3A_566 : i32 to vector<16xi32>
        %add3A_568 = arith.addi %bitcast3A_564, %add3A_567 : vector<16xi32>
        %shift_right_logical3A_569 = arith.constant 16 : i32
        %shift_right_logical3A_570 = vector.broadcast %shift_right_logical3A_569 : i32 to vector<16xi32>
        %shift_right_logical3A_571 = arith.shrui %bitcast3A_564, %shift_right_logical3A_570 : vector<16xi32>
        %and3A_572 = arith.constant 1 : i32
        %and3A_573 = vector.broadcast %and3A_572 : i32 to vector<16xi32>
        %and3A_574 = arith.andi %shift_right_logical3A_571, %and3A_573 : vector<16xi32>
        %add3A_575 = arith.addi %add3A_568, %and3A_574 : vector<16xi32>
        %shift_right_logical3A_576 = arith.constant 16 : i32
        %shift_right_logical3A_577 = vector.broadcast %shift_right_logical3A_576 : i32 to vector<16xi32>
        %shift_right_logical3A_578 = arith.shrui %add3A_575, %shift_right_logical3A_577 : vector<16xi32>
        %add3A_579 = arith.constant 32767 : i32
        %add3A_580 = vector.broadcast %add3A_579 : i32 to vector<16xi32>
        %add3A_581 = arith.addi %bitcast3A_565, %add3A_580 : vector<16xi32>
        %shift_right_logical3A_582 = arith.constant 16 : i32
        %shift_right_logical3A_583 = vector.broadcast %shift_right_logical3A_582 : i32 to vector<16xi32>
        %shift_right_logical3A_584 = arith.shrui %bitcast3A_565, %shift_right_logical3A_583 : vector<16xi32>
        %and3A_585 = arith.constant 1 : i32
        %and3A_586 = vector.broadcast %and3A_585 : i32 to vector<16xi32>
        %and3A_587 = arith.andi %shift_right_logical3A_584, %and3A_586 : vector<16xi32>
        %add3A_588 = arith.addi %add3A_581, %and3A_587 : vector<16xi32>
        %shift_right_logical3A_589 = arith.constant 16 : i32
        %shift_right_logical3A_590 = vector.broadcast %shift_right_logical3A_589 : i32 to vector<16xi32>
        %shift_right_logical3A_591 = arith.shrui %add3A_588, %shift_right_logical3A_590 : vector<16xi32>
        %shift_left3A_592 = arith.constant 16 : i32
        %shift_left3A_593 = vector.broadcast %shift_left3A_592 : i32 to vector<16xi32>
        %shift_left3A_594 = arith.shli %shift_right_logical3A_591, %shift_left3A_593 : vector<16xi32>
        %or3A_595 = arith.ori %shift_right_logical3A_578, %shift_left3A_594 : vector<16xi32>
        %bitcast3A_596 = vector.bitcast %or3A_595 : vector<16xi32> to vector<16xi32>
        %swap3A_597 = arith.index_cast %scan3A_451 : i32 to index
        %swap3A_598 = arith.constant 32 : index
        %swap3A_599 = tpu.vector_load %arg24[%swap3A_597, %swap3A_598] {strides = array<i32>} : memref<40x128xi32, #tpu.memory_space<vmem>>, vector<16xi32>,
        tpu.vector_store %arg24[%swap3A_597, %swap3A_598], %bitcast3A_596 {strides = array<i32>} : memref<40x128xi32, #tpu.memory_space<vmem>>, vector<16xi32>,
        %get3A_600 = arith.index_cast %add3A_455 : i32 to index
        %get3A_601 = arith.constant 96 : index
        %get3A_602 = tpu.vector_load %arg16[%get3A_600, %get3A_601] {strides = array<i32>} : memref<80x128xf32, #tpu.memory_space<vmem>>, vector<16xf32>,
        %get3A_603 = arith.index_cast %add3A_455 : i32 to index
        %get3A_604 = arith.constant 96 : index
        %get3A_605 = tpu.vector_load %arg20[%get3A_603, %get3A_604] {strides = array<i32>} : memref<80x128xf32, #tpu.memory_space<vmem>>, vector<16xf32>,
        %add3A_606 = arith.addf %get3A_602, %get3A_605 : vector<16xf32>
        %get3A_607 = arith.index_cast %add3A_455 : i32 to index
        %get3A_608 = arith.constant 112 : index
        %get3A_609 = tpu.vector_load %arg16[%get3A_607, %get3A_608] {strides = array<i32>} : memref<80x128xf32, #tpu.memory_space<vmem>>, vector<16xf32>,
        %get3A_610 = arith.index_cast %add3A_455 : i32 to index
        %get3A_611 = arith.constant 112 : index
        %get3A_612 = tpu.vector_load %arg20[%get3A_610, %get3A_611] {strides = array<i32>} : memref<80x128xf32, #tpu.memory_space<vmem>>, vector<16xf32>,
        %add3A_613 = arith.addf %get3A_609, %get3A_612 : vector<16xf32>
        %bitcast3A_614 = vector.bitcast %add3A_606 : vector<16xf32> to vector<16xi32>
        %bitcast3A_615 = vector.bitcast %add3A_613 : vector<16xf32> to vector<16xi32>
        %add3A_616 = arith.constant 32767 : i32
        %add3A_617 = vector.broadcast %add3A_616 : i32 to vector<16xi32>
        %add3A_618 = arith.addi %bitcast3A_614, %add3A_617 : vector<16xi32>
        %shift_right_logical3A_619 = arith.constant 16 : i32
        %shift_right_logical3A_620 = vector.broadcast %shift_right_logical3A_619 : i32 to vector<16xi32>
        %shift_right_logical3A_621 = arith.shrui %bitcast3A_614, %shift_right_logical3A_620 : vector<16xi32>
        %and3A_622 = arith.constant 1 : i32
        %and3A_623 = vector.broadcast %and3A_622 : i32 to vector<16xi32>
        %and3A_624 = arith.andi %shift_right_logical3A_621, %and3A_623 : vector<16xi32>
        %add3A_625 = arith.addi %add3A_618, %and3A_624 : vector<16xi32>
        %shift_right_logical3A_626 = arith.constant 16 : i32
        %shift_right_logical3A_627 = vector.broadcast %shift_right_logical3A_626 : i32 to vector<16xi32>
        %shift_right_logical3A_628 = arith.shrui %add3A_625, %shift_right_logical3A_627 : vector<16xi32>
        %add3A_629 = arith.constant 32767 : i32
        %add3A_630 = vector.broadcast %add3A_629 : i32 to vector<16xi32>
        %add3A_631 = arith.addi %bitcast3A_615, %add3A_630 : vector<16xi32>
        %shift_right_logical3A_632 = arith.constant 16 : i32
        %shift_right_logical3A_633 = vector.broadcast %shift_right_logical3A_632 : i32 to vector<16xi32>
        %shift_right_logical3A_634 = arith.shrui %bitcast3A_615, %shift_right_logical3A_633 : vector<16xi32>
        %and3A_635 = arith.constant 1 : i32
        %and3A_636 = vector.broadcast %and3A_635 : i32 to vector<16xi32>
        %and3A_637 = arith.andi %shift_right_logical3A_634, %and3A_636 : vector<16xi32>
        %add3A_638 = arith.addi %add3A_631, %and3A_637 : vector<16xi32>
        %shift_right_logical3A_639 = arith.constant 16 : i32
        %shift_right_logical3A_640 = vector.broadcast %shift_right_logical3A_639 : i32 to vector<16xi32>
        %shift_right_logical3A_641 = arith.shrui %add3A_638, %shift_right_logical3A_640 : vector<16xi32>
        %shift_left3A_642 = arith.constant 16 : i32
        %shift_left3A_643 = vector.broadcast %shift_left3A_642 : i32 to vector<16xi32>
        %shift_left3A_644 = arith.shli %shift_right_logical3A_641, %shift_left3A_643 : vector<16xi32>
        %or3A_645 = arith.ori %shift_right_logical3A_628, %shift_left3A_644 : vector<16xi32>
        %bitcast3A_646 = vector.bitcast %or3A_645 : vector<16xi32> to vector<16xi32>
        %swap3A_647 = arith.index_cast %scan3A_451 : i32 to index
        %swap3A_648 = arith.constant 48 : index
        %swap3A_649 = tpu.vector_load %arg24[%swap3A_647, %swap3A_648] {strides = array<i32>} : memref<40x128xi32, #tpu.memory_space<vmem>>, vector<16xi32>,
        tpu.vector_store %arg24[%swap3A_647, %swap3A_648], %bitcast3A_646 {strides = array<i32>} : memref<40x128xi32, #tpu.memory_space<vmem>>, vector<16xi32>,
        %mul3A_650 = arith.constant 2 : i32
        %mul3A_651 = arith.muli %mul3A_650, %scan3A_451 : i32
        %add3A_652 = arith.constant 1 : i32
        %add3A_653 = arith.addi %mul3A_651, %add3A_652 : i32
        %get3A_654 = arith.index_cast %add3A_653 : i32 to index
        %get3A_655 = arith.constant 0 : index
        %get3A_656 = tpu.vector_load %arg16[%get3A_654, %get3A_655] {strides = array<i32>} : memref<80x128xf32, #tpu.memory_space<vmem>>, vector<16xf32>,
        %get3A_657 = arith.index_cast %add3A_653 : i32 to index
        %get3A_658 = arith.constant 0 : index
        %get3A_659 = tpu.vector_load %arg20[%get3A_657, %get3A_658] {strides = array<i32>} : memref<80x128xf32, #tpu.memory_space<vmem>>, vector<16xf32>,
        %add3A_660 = arith.addf %get3A_656, %get3A_659 : vector<16xf32>
        %get3A_661 = arith.index_cast %add3A_653 : i32 to index
        %get3A_662 = arith.constant 16 : index
        %get3A_663 = tpu.vector_load %arg16[%get3A_661, %get3A_662] {strides = array<i32>} : memref<80x128xf32, #tpu.memory_space<vmem>>, vector<16xf32>,
        %get3A_664 = arith.index_cast %add3A_653 : i32 to index
        %get3A_665 = arith.constant 16 : index
        %get3A_666 = tpu.vector_load %arg20[%get3A_664, %get3A_665] {strides = array<i32>} : memref<80x128xf32, #tpu.memory_space<vmem>>, vector<16xf32>,
        %add3A_667 = arith.addf %get3A_663, %get3A_666 : vector<16xf32>
        %bitcast3A_668 = vector.bitcast %add3A_660 : vector<16xf32> to vector<16xi32>
        %bitcast3A_669 = vector.bitcast %add3A_667 : vector<16xf32> to vector<16xi32>
        %add3A_670 = arith.constant 32767 : i32
        %add3A_671 = vector.broadcast %add3A_670 : i32 to vector<16xi32>
        %add3A_672 = arith.addi %bitcast3A_668, %add3A_671 : vector<16xi32>
        %shift_right_logical3A_673 = arith.constant 16 : i32
        %shift_right_logical3A_674 = vector.broadcast %shift_right_logical3A_673 : i32 to vector<16xi32>
        %shift_right_logical3A_675 = arith.shrui %bitcast3A_668, %shift_right_logical3A_674 : vector<16xi32>
        %and3A_676 = arith.constant 1 : i32
        %and3A_677 = vector.broadcast %and3A_676 : i32 to vector<16xi32>
        %and3A_678 = arith.andi %shift_right_logical3A_675, %and3A_677 : vector<16xi32>
        %add3A_679 = arith.addi %add3A_672, %and3A_678 : vector<16xi32>
        %shift_right_logical3A_680 = arith.constant 16 : i32
        %shift_right_logical3A_681 = vector.broadcast %shift_right_logical3A_680 : i32 to vector<16xi32>
        %shift_right_logical3A_682 = arith.shrui %add3A_679, %shift_right_logical3A_681 : vector<16xi32>
        %add3A_683 = arith.constant 32767 : i32
        %add3A_684 = vector.broadcast %add3A_683 : i32 to vector<16xi32>
        %add3A_685 = arith.addi %bitcast3A_669, %add3A_684 : vector<16xi32>
        %shift_right_logical3A_686 = arith.constant 16 : i32
        %shift_right_logical3A_687 = vector.broadcast %shift_right_logical3A_686 : i32 to vector<16xi32>
        %shift_right_logical3A_688 = arith.shrui %bitcast3A_669, %shift_right_logical3A_687 : vector<16xi32>
        %and3A_689 = arith.constant 1 : i32
        %and3A_690 = vector.broadcast %and3A_689 : i32 to vector<16xi32>
        %and3A_691 = arith.andi %shift_right_logical3A_688, %and3A_690 : vector<16xi32>
        %add3A_692 = arith.addi %add3A_685, %and3A_691 : vector<16xi32>
        %shift_right_logical3A_693 = arith.constant 16 : i32
        %shift_right_logical3A_694 = vector.broadcast %shift_right_logical3A_693 : i32 to vector<16xi32>
        %shift_right_logical3A_695 = arith.shrui %add3A_692, %shift_right_logical3A_694 : vector<16xi32>
        %shift_left3A_696 = arith.constant 16 : i32
        %shift_left3A_697 = vector.broadcast %shift_left3A_696 : i32 to vector<16xi32>
        %shift_left3A_698 = arith.shli %shift_right_logical3A_695, %shift_left3A_697 : vector<16xi32>
        %or3A_699 = arith.ori %shift_right_logical3A_682, %shift_left3A_698 : vector<16xi32>
        %bitcast3A_700 = vector.bitcast %or3A_699 : vector<16xi32> to vector<16xi32>
        %swap3A_701 = arith.index_cast %scan3A_451 : i32 to index
        %swap3A_702 = arith.constant 64 : index
        %swap3A_703 = tpu.vector_load %arg24[%swap3A_701, %swap3A_702] {strides = array<i32>} : memref<40x128xi32, #tpu.memory_space<vmem>>, vector<16xi32>,
        tpu.vector_store %arg24[%swap3A_701, %swap3A_702], %bitcast3A_700 {strides = array<i32>} : memref<40x128xi32, #tpu.memory_space<vmem>>, vector<16xi32>,
        %get3A_704 = arith.index_cast %add3A_653 : i32 to index
        %get3A_705 = arith.constant 32 : index
        %get3A_706 = tpu.vector_load %arg16[%get3A_704, %get3A_705] {strides = array<i32>} : memref<80x128xf32, #tpu.memory_space<vmem>>, vector<16xf32>,
        %get3A_707 = arith.index_cast %add3A_653 : i32 to index
        %get3A_708 = arith.constant 32 : index
        %get3A_709 = tpu.vector_load %arg20[%get3A_707, %get3A_708] {strides = array<i32>} : memref<80x128xf32, #tpu.memory_space<vmem>>, vector<16xf32>,
        %add3A_710 = arith.addf %get3A_706, %get3A_709 : vector<16xf32>
        %get3A_711 = arith.index_cast %add3A_653 : i32 to index
        %get3A_712 = arith.constant 48 : index
        %get3A_713 = tpu.vector_load %arg16[%get3A_711, %get3A_712] {strides = array<i32>} : memref<80x128xf32, #tpu.memory_space<vmem>>, vector<16xf32>,
        %get3A_714 = arith.index_cast %add3A_653 : i32 to index
        %get3A_715 = arith.constant 48 : index
        %get3A_716 = tpu.vector_load %arg20[%get3A_714, %get3A_715] {strides = array<i32>} : memref<80x128xf32, #tpu.memory_space<vmem>>, vector<16xf32>,
        %add3A_717 = arith.addf %get3A_713, %get3A_716 : vector<16xf32>
        %bitcast3A_718 = vector.bitcast %add3A_710 : vector<16xf32> to vector<16xi32>
        %bitcast3A_719 = vector.bitcast %add3A_717 : vector<16xf32> to vector<16xi32>
        %add3A_720 = arith.constant 32767 : i32
        %add3A_721 = vector.broadcast %add3A_720 : i32 to vector<16xi32>
        %add3A_722 = arith.addi %bitcast3A_718, %add3A_721 : vector<16xi32>
        %shift_right_logical3A_723 = arith.constant 16 : i32
        %shift_right_logical3A_724 = vector.broadcast %shift_right_logical3A_723 : i32 to vector<16xi32>
        %shift_right_logical3A_725 = arith.shrui %bitcast3A_718, %shift_right_logical3A_724 : vector<16xi32>
        %and3A_726 = arith.constant 1 : i32
        %and3A_727 = vector.broadcast %and3A_726 : i32 to vector<16xi32>
        %and3A_728 = arith.andi %shift_right_logical3A_725, %and3A_727 : vector<16xi32>
        %add3A_729 = arith.addi %add3A_722, %and3A_728 : vector<16xi32>
        %shift_right_logical3A_730 = arith.constant 16 : i32
        %shift_right_logical3A_731 = vector.broadcast %shift_right_logical3A_730 : i32 to vector<16xi32>
        %shift_right_logical3A_732 = arith.shrui %add3A_729, %shift_right_logical3A_731 : vector<16xi32>
        %add3A_733 = arith.constant 32767 : i32
        %add3A_734 = vector.broadcast %add3A_733 : i32 to vector<16xi32>
        %add3A_735 = arith.addi %bitcast3A_719, %add3A_734 : vector<16xi32>
        %shift_right_logical3A_736 = arith.constant 16 : i32
        %shift_right_logical3A_737 = vector.broadcast %shift_right_logical3A_736 : i32 to vector<16xi32>
        %shift_right_logical3A_738 = arith.shrui %bitcast3A_719, %shift_right_logical3A_737 : vector<16xi32>
        %and3A_739 = arith.constant 1 : i32
        %and3A_740 = vector.broadcast %and3A_739 : i32 to vector<16xi32>
        %and3A_741 = arith.andi %shift_right_logical3A_738, %and3A_740 : vector<16xi32>
        %add3A_742 = arith.addi %add3A_735, %and3A_741 : vector<16xi32>
        %shift_right_logical3A_743 = arith.constant 16 : i32
        %shift_right_logical3A_744 = vector.broadcast %shift_right_logical3A_743 : i32 to vector<16xi32>
        %shift_right_logical3A_745 = arith.shrui %add3A_742, %shift_right_logical3A_744 : vector<16xi32>
        %shift_left3A_746 = arith.constant 16 : i32
        %shift_left3A_747 = vector.broadcast %shift_left3A_746 : i32 to vector<16xi32>
        %shift_left3A_748 = arith.shli %shift_right_logical3A_745, %shift_left3A_747 : vector<16xi32>
        %or3A_749 = arith.ori %shift_right_logical3A_732, %shift_left3A_748 : vector<16xi32>
        %bitcast3A_750 = vector.bitcast %or3A_749 : vector<16xi32> to vector<16xi32>
        %swap3A_751 = arith.index_cast %scan3A_451 : i32 to index
        %swap3A_752 = arith.constant 80 : index
        %swap3A_753 = tpu.vector_load %arg24[%swap3A_751, %swap3A_752] {strides = array<i32>} : memref<40x128xi32, #tpu.memory_space<vmem>>, vector<16xi32>,
        tpu.vector_store %arg24[%swap3A_751, %swap3A_752], %bitcast3A_750 {strides = array<i32>} : memref<40x128xi32, #tpu.memory_space<vmem>>, vector<16xi32>,
        %get3A_754 = arith.index_cast %add3A_653 : i32 to index
        %get3A_755 = arith.constant 64 : index
        %get3A_756 = tpu.vector_load %arg16[%get3A_754, %get3A_755] {strides = array<i32>} : memref<80x128xf32, #tpu.memory_space<vmem>>, vector<16xf32>,
        %get3A_757 = arith.index_cast %add3A_653 : i32 to index
        %get3A_758 = arith.constant 64 : index
        %get3A_759 = tpu.vector_load %arg20[%get3A_757, %get3A_758] {strides = array<i32>} : memref<80x128xf32, #tpu.memory_space<vmem>>, vector<16xf32>,
        %add3A_760 = arith.addf %get3A_756, %get3A_759 : vector<16xf32>
        %get3A_761 = arith.index_cast %add3A_653 : i32 to index
        %get3A_762 = arith.constant 80 : index
        %get3A_763 = tpu.vector_load %arg16[%get3A_761, %get3A_762] {strides = array<i32>} : memref<80x128xf32, #tpu.memory_space<vmem>>, vector<16xf32>,
        %get3A_764 = arith.index_cast %add3A_653 : i32 to index
        %get3A_765 = arith.constant 80 : index
        %get3A_766 = tpu.vector_load %arg20[%get3A_764, %get3A_765] {strides = array<i32>} : memref<80x128xf32, #tpu.memory_space<vmem>>, vector<16xf32>,
        %add3A_767 = arith.addf %get3A_763, %get3A_766 : vector<16xf32>
        %bitcast3A_768 = vector.bitcast %add3A_760 : vector<16xf32> to vector<16xi32>
        %bitcast3A_769 = vector.bitcast %add3A_767 : vector<16xf32> to vector<16xi32>
        %add3A_770 = arith.constant 32767 : i32
        %add3A_771 = vector.broadcast %add3A_770 : i32 to vector<16xi32>
        %add3A_772 = arith.addi %bitcast3A_768, %add3A_771 : vector<16xi32>
        %shift_right_logical3A_773 = arith.constant 16 : i32
        %shift_right_logical3A_774 = vector.broadcast %shift_right_logical3A_773 : i32 to vector<16xi32>
        %shift_right_logical3A_775 = arith.shrui %bitcast3A_768, %shift_right_logical3A_774 : vector<16xi32>
        %and3A_776 = arith.constant 1 : i32
        %and3A_777 = vector.broadcast %and3A_776 : i32 to vector<16xi32>
        %and3A_778 = arith.andi %shift_right_logical3A_775, %and3A_777 : vector<16xi32>
        %add3A_779 = arith.addi %add3A_772, %and3A_778 : vector<16xi32>
        %shift_right_logical3A_780 = arith.constant 16 : i32
        %shift_right_logical3A_781 = vector.broadcast %shift_right_logical3A_780 : i32 to vector<16xi32>
        %shift_right_logical3A_782 = arith.shrui %add3A_779, %shift_right_logical3A_781 : vector<16xi32>
        %add3A_783 = arith.constant 32767 : i32
        %add3A_784 = vector.broadcast %add3A_783 : i32 to vector<16xi32>
        %add3A_785 = arith.addi %bitcast3A_769, %add3A_784 : vector<16xi32>
        %shift_right_logical3A_786 = arith.constant 16 : i32
        %shift_right_logical3A_787 = vector.broadcast %shift_right_logical3A_786 : i32 to vector<16xi32>
        %shift_right_logical3A_788 = arith.shrui %bitcast3A_769, %shift_right_logical3A_787 : vector<16xi32>
        %and3A_789 = arith.constant 1 : i32
        %and3A_790 = vector.broadcast %and3A_789 : i32 to vector<16xi32>
        %and3A_791 = arith.andi %shift_right_logical3A_788, %and3A_790 : vector<16xi32>
        %add3A_792 = arith.addi %add3A_785, %and3A_791 : vector<16xi32>
        %shift_right_logical3A_793 = arith.constant 16 : i32
        %shift_right_logical3A_794 = vector.broadcast %shift_right_logical3A_793 : i32 to vector<16xi32>
        %shift_right_logical3A_795 = arith.shrui %add3A_792, %shift_right_logical3A_794 : vector<16xi32>
        %shift_left3A_796 = arith.constant 16 : i32
        %shift_left3A_797 = vector.broadcast %shift_left3A_796 : i32 to vector<16xi32>
        %shift_left3A_798 = arith.shli %shift_right_logical3A_795, %shift_left3A_797 : vector<16xi32>
        %or3A_799 = arith.ori %shift_right_logical3A_782, %shift_left3A_798 : vector<16xi32>
        %bitcast3A_800 = vector.bitcast %or3A_799 : vector<16xi32> to vector<16xi32>
        %swap3A_801 = arith.index_cast %scan3A_451 : i32 to index
        %swap3A_802 = arith.constant 96 : index
        %swap3A_803 = tpu.vector_load %arg24[%swap3A_801, %swap3A_802] {strides = array<i32>} : memref<40x128xi32, #tpu.memory_space<vmem>>, vector<16xi32>,
        tpu.vector_store %arg24[%swap3A_801, %swap3A_802], %bitcast3A_800 {strides = array<i32>} : memref<40x128xi32, #tpu.memory_space<vmem>>, vector<16xi32>,
        %get3A_804 = arith.index_cast %add3A_653 : i32 to index
        %get3A_805 = arith.constant 96 : index
        %get3A_806 = tpu.vector_load %arg16[%get3A_804, %get3A_805] {strides = array<i32>} : memref<80x128xf32, #tpu.memory_space<vmem>>, vector<16xf32>,
        %get3A_807 = arith.index_cast %add3A_653 : i32 to index
        %get3A_808 = arith.constant 96 : index
        %get3A_809 = tpu.vector_load %arg20[%get3A_807, %get3A_808] {strides = array<i32>} : memref<80x128xf32, #tpu.memory_space<vmem>>, vector<16xf32>,
        %add3A_810 = arith.addf %get3A_806, %get3A_809 : vector<16xf32>
        %get3A_811 = arith.index_cast %add3A_653 : i32 to index
        %get3A_812 = arith.constant 112 : index
        %get3A_813 = tpu.vector_load %arg16[%get3A_811, %get3A_812] {strides = array<i32>} : memref<80x128xf32, #tpu.memory_space<vmem>>, vector<16xf32>,
        %get3A_814 = arith.index_cast %add3A_653 : i32 to index
        %get3A_815 = arith.constant 112 : index
        %get3A_816 = tpu.vector_load %arg20[%get3A_814, %get3A_815] {strides = array<i32>} : memref<80x128xf32, #tpu.memory_space<vmem>>, vector<16xf32>,
        %add3A_817 = arith.addf %get3A_813, %get3A_816 : vector<16xf32>
        %bitcast3A_818 = vector.bitcast %add3A_810 : vector<16xf32> to vector<16xi32>
        %bitcast3A_819 = vector.bitcast %add3A_817 : vector<16xf32> to vector<16xi32>
        %add3A_820 = arith.constant 32767 : i32
        %add3A_821 = vector.broadcast %add3A_820 : i32 to vector<16xi32>
        %add3A_822 = arith.addi %bitcast3A_818, %add3A_821 : vector<16xi32>
        %shift_right_logical3A_823 = arith.constant 16 : i32
        %shift_right_logical3A_824 = vector.broadcast %shift_right_logical3A_823 : i32 to vector<16xi32>
        %shift_right_logical3A_825 = arith.shrui %bitcast3A_818, %shift_right_logical3A_824 : vector<16xi32>
        %and3A_826 = arith.constant 1 : i32
        %and3A_827 = vector.broadcast %and3A_826 : i32 to vector<16xi32>
        %and3A_828 = arith.andi %shift_right_logical3A_825, %and3A_827 : vector<16xi32>
        %add3A_829 = arith.addi %add3A_822, %and3A_828 : vector<16xi32>
        %shift_right_logical3A_830 = arith.constant 16 : i32
        %shift_right_logical3A_831 = vector.broadcast %shift_right_logical3A_830 : i32 to vector<16xi32>
        %shift_right_logical3A_832 = arith.shrui %add3A_829, %shift_right_logical3A_831 : vector<16xi32>
        %add3A_833 = arith.constant 32767 : i32
        %add3A_834 = vector.broadcast %add3A_833 : i32 to vector<16xi32>
        %add3A_835 = arith.addi %bitcast3A_819, %add3A_834 : vector<16xi32>
        %shift_right_logical3A_836 = arith.constant 16 : i32
        %shift_right_logical3A_837 = vector.broadcast %shift_right_logical3A_836 : i32 to vector<16xi32>
        %shift_right_logical3A_838 = arith.shrui %bitcast3A_819, %shift_right_logical3A_837 : vector<16xi32>
        %and3A_839 = arith.constant 1 : i32
        %and3A_840 = vector.broadcast %and3A_839 : i32 to vector<16xi32>
        %and3A_841 = arith.andi %shift_right_logical3A_838, %and3A_840 : vector<16xi32>
        %add3A_842 = arith.addi %add3A_835, %and3A_841 : vector<16xi32>
        %shift_right_logical3A_843 = arith.constant 16 : i32
        %shift_right_logical3A_844 = vector.broadcast %shift_right_logical3A_843 : i32 to vector<16xi32>
        %shift_right_logical3A_845 = arith.shrui %add3A_842, %shift_right_logical3A_844 : vector<16xi32>
        %shift_left3A_846 = arith.constant 16 : i32
        %shift_left3A_847 = vector.broadcast %shift_left3A_846 : i32 to vector<16xi32>
        %shift_left3A_848 = arith.shli %shift_right_logical3A_845, %shift_left3A_847 : vector<16xi32>
        %or3A_849 = arith.ori %shift_right_logical3A_832, %shift_left3A_848 : vector<16xi32>
        %bitcast3A_850 = vector.bitcast %or3A_849 : vector<16xi32> to vector<16xi32>
        %swap3A_851 = arith.index_cast %scan3A_451 : i32 to index
        %swap3A_852 = arith.constant 112 : index
        %swap3A_853 = tpu.vector_load %arg24[%swap3A_851, %swap3A_852] {strides = array<i32>} : memref<40x128xi32, #tpu.memory_space<vmem>>, vector<16xi32>,
        tpu.vector_store %arg24[%swap3A_851, %swap3A_852], %bitcast3A_850 {strides = array<i32>} : memref<40x128xi32, #tpu.memory_space<vmem>>, vector<16xi32>,
      }
      %scan3A_265 = arith.constant 40 : i32
      %mul3A_266 = arith.constant 80 : i32
      %mul3A_267 = arith.muli %add3A_235, %mul3A_266 : i32
      %add3A_268 = arith.addi %mul3A_2, %mul3A_267 : i32
      %jit3A_269 = arith.constant 2 : i32
      %div3A_270 = arith.divsi %add3A_268, %jit3A_269 : i32
      %sign3A_271 = arith.constant 0 : i32
      %sign3A_272 = arith.cmpi sgt, %add3A_268, %sign3A_271 : i32
      %sign3A_273 = arith.extui %sign3A_272 : i1 to i32
      %sign3A_274 = arith.constant 0 : i32
      %sign3A_275 = arith.cmpi slt, %add3A_268, %sign3A_274 : i32
      %sign3A_276 = arith.extui %sign3A_275 : i1 to i32
      %sign3A_277 = arith.subi %sign3A_273, %sign3A_276 : i32
      %sign3A_278 = arith.constant 0 : i32
      %sign3A_279 = arith.cmpi sgt, %jit3A_269, %sign3A_278 : i32
      %sign3A_280 = arith.extui %sign3A_279 : i1 to i32
      %sign3A_281 = arith.constant 0 : i32
      %sign3A_282 = arith.cmpi slt, %jit3A_269, %sign3A_281 : i32
      %sign3A_283 = arith.extui %sign3A_282 : i1 to i32
      %sign3A_284 = arith.subi %sign3A_280, %sign3A_283 : i32
      %ne3A_285 = arith.cmpi ne, %sign3A_277, %sign3A_284 : i32
      %rem3A_286 = arith.remsi %add3A_268, %jit3A_269 : i32
      %ne3A_287 = arith.constant 0 : i32
      %ne3A_288 = arith.cmpi ne, %rem3A_286, %ne3A_287 : i32
      %and3A_289 = arith.andi %ne3A_285, %ne3A_288 : i1
      %sub3A_290 = arith.constant 1 : i32
      %sub3A_291 = arith.subi %div3A_270, %sub3A_290 : i32
      %select_n3A_292 = arith.select %and3A_289, %sub3A_291, %div3A_270 : i32
      %multiple_of3A_293 = tpu.assume_multiple %select_n3A_292, 8 : i32
      %dma_start3A_294 = arith.constant 0 : i32
      %dma_start3A_295 = tpu.memref_slice %arg6[%multiple_of3A_293, %dma_start3A_294] : memref<160000x128xi32, #tpu.memory_space<hbm>> -> memref<40x128xi32, #tpu.memory_space<hbm>>
      %dma_start3A_296 = arith.constant 0 : i32
      %dma_start3A_297 = tpu.memref_slice %arg6[%multiple_of3A_293, %dma_start3A_296] : memref<160000x128xi32, #tpu.memory_space<hbm>> -> memref<40x128xi32, #tpu.memory_space<hbm>>
      tpu.enqueue_dma source(%arg24 : memref<40x128xi32, #tpu.memory_space<vmem>>) target(%dma_start3A_297 : memref<40x128xi32, #tpu.memory_space<hbm>>) target_semaphore(%arg44 : memref<!tpu.dma_semaphore, #tpu.memory_space<semaphore_mem>>)
      %add3A_298 = arith.constant 4 : i32
      %add3A_299 = arith.addi %add3A_235, %add3A_298 : i32
      %le3A_300 = arith.constant 124 : i32
      %le3A_301 = arith.cmpi sle, %add3A_299, %le3A_300 : i32
      %convert_element_type3A_302 = arith.extui %le3A_301 : i1 to i32
      %cond3A_303 = arith.constant 0 : i32
      %cond3A_304 = arith.cmpi ne, %convert_element_type3A_302, %cond3A_303 : i32
      scf.if %cond3A_304 {
        %dma_wait3A_451 = arith.constant 0 : i32
        %dma_wait3A_452 = tpu.memref_slice %arg4[%dma_wait3A_451] : memref<320000xi32, #tpu.memory_space<hbm>> -> memref<80xi32, #tpu.memory_space<hbm>>
        %dma_wait3A_453 = arith.constant 0 : i32
        %dma_wait3A_454 = tpu.memref_slice %arg4[%dma_wait3A_453] : memref<320000xi32, #tpu.memory_space<hbm>> -> memref<80xi32, #tpu.memory_space<hbm>>
        tpu.wait_dma2 semaphore(%arg28 : memref<!tpu.dma_semaphore, #tpu.memory_space<semaphore_mem>>) src(%dma_wait3A_454 : memref<80xi32, #tpu.memory_space<hbm>>) dst(%arg8 : memref<80xi32, #tpu.memory_space<vmem>>)
        %dma_wait3A_455 = arith.constant 0 : i32
        %dma_wait3A_456 = tpu.memref_slice %arg5[%dma_wait3A_455] : memref<320000xi32, #tpu.memory_space<hbm>> -> memref<80xi32, #tpu.memory_space<hbm>>
        %dma_wait3A_457 = arith.constant 0 : i32
        %dma_wait3A_458 = tpu.memref_slice %arg5[%dma_wait3A_457] : memref<320000xi32, #tpu.memory_space<hbm>> -> memref<80xi32, #tpu.memory_space<hbm>>
        tpu.wait_dma2 semaphore(%arg32 : memref<!tpu.dma_semaphore, #tpu.memory_space<semaphore_mem>>) src(%dma_wait3A_458 : memref<80xi32, #tpu.memory_space<hbm>>) dst(%arg12 : memref<80xi32, #tpu.memory_space<vmem>>)
        %dma_start3A_459 = arith.constant 0 : i32
        %dma_start3A_460 = arith.constant 0 : i32
        %dma_start3A_461 = tpu.memref_slice %arg2[%dma_start3A_459, %dma_start3A_460] : memref<10000x128xf32, #tpu.memory_space<hbm>> -> memref<10000x128xf32, #tpu.memory_space<hbm>>
        tpu.enqueue_indirect_dma source(%dma_start3A_461 : memref<10000x128xf32, #tpu.memory_space<hbm>>) target(%arg16 : memref<80x128xf32, #tpu.memory_space<vmem>>) offsets(%arg8 : memref<80xi32, #tpu.memory_space<vmem>>) semaphore(%arg36 : memref<!tpu.dma_semaphore, #tpu.memory_space<semaphore_mem>>)
        %dma_start3A_462 = arith.constant 0 : i32
        %dma_start3A_463 = arith.constant 0 : i32
        %dma_start3A_464 = tpu.memref_slice %arg3[%dma_start3A_462, %dma_start3A_463] : memref<10000x128xf32, #tpu.memory_space<hbm>> -> memref<10000x128xf32, #tpu.memory_space<hbm>>
        tpu.enqueue_indirect_dma source(%dma_start3A_464 : memref<10000x128xf32, #tpu.memory_space<hbm>>) target(%arg20 : memref<80x128xf32, #tpu.memory_space<vmem>>) offsets(%arg12 : memref<80xi32, #tpu.memory_space<vmem>>) semaphore(%arg40 : memref<!tpu.dma_semaphore, #tpu.memory_space<semaphore_mem>>)
      } else {
      }
      %mul3A_305 = arith.constant 4 : i32
      %mul3A_306 = arith.muli %mul3A_305, %scan3A_162 : i32
      %add3A_307 = arith.constant 2 : i32
      %add3A_308 = arith.addi %mul3A_306, %add3A_307 : i32
      %dma_wait3A_309 = arith.constant 0 : i32
      %dma_wait3A_310 = arith.constant 0 : i32
      %dma_wait3A_311 = tpu.memref_slice %arg2[%dma_wait3A_309, %dma_wait3A_310] : memref<10000x128xf32, #tpu.memory_space<hbm>> -> memref<80x128xf32, #tpu.memory_space<hbm>>
      %dma_wait3A_312 = arith.constant 0 : i32
      %dma_wait3A_313 = arith.constant 0 : i32
      %dma_wait3A_314 = tpu.memref_slice %arg2[%dma_wait3A_312, %dma_wait3A_313] : memref<10000x128xf32, #tpu.memory_space<hbm>> -> memref<80x128xf32, #tpu.memory_space<hbm>>
      tpu.wait_dma2 semaphore(%arg37 : memref<!tpu.dma_semaphore, #tpu.memory_space<semaphore_mem>>) src(%dma_wait3A_314 : memref<80x128xf32, #tpu.memory_space<hbm>>) dst(%arg17 : memref<80x128xf32, #tpu.memory_space<vmem>>)
      %dma_wait3A_315 = arith.constant 0 : i32
      %dma_wait3A_316 = arith.constant 0 : i32
      %dma_wait3A_317 = tpu.memref_slice %arg3[%dma_wait3A_315, %dma_wait3A_316] : memref<10000x128xf32, #tpu.memory_space<hbm>> -> memref<80x128xf32, #tpu.memory_space<hbm>>
      %dma_wait3A_318 = arith.constant 0 : i32
      %dma_wait3A_319 = arith.constant 0 : i32
      %dma_wait3A_320 = tpu.memref_slice %arg3[%dma_wait3A_318, %dma_wait3A_319] : memref<10000x128xf32, #tpu.memory_space<hbm>> -> memref<80x128xf32, #tpu.memory_space<hbm>>
      tpu.wait_dma2 semaphore(%arg41 : memref<!tpu.dma_semaphore, #tpu.memory_space<semaphore_mem>>) src(%dma_wait3A_320 : memref<80x128xf32, #tpu.memory_space<hbm>>) dst(%arg21 : memref<80x128xf32, #tpu.memory_space<vmem>>)
      %add3A_321 = arith.constant 4 : i32
      %add3A_322 = arith.addi %add3A_308, %add3A_321 : i32
      %le3A_323 = arith.constant 124 : i32
      %le3A_324 = arith.cmpi sle, %add3A_322, %le3A_323 : i32
      %convert_element_type3A_325 = arith.extui %le3A_324 : i1 to i32
      %cond3A_326 = arith.constant 0 : i32
      %cond3A_327 = arith.cmpi ne, %convert_element_type3A_325, %cond3A_326 : i32
      scf.if %cond3A_327 {
        %add3A_451 = arith.constant 4 : i32
        %add3A_452 = arith.addi %add3A_308, %add3A_451 : i32
        %mul3A_453 = arith.constant 80 : i32
        %mul3A_454 = arith.muli %add3A_452, %mul3A_453 : i32
        %add3A_455 = arith.addi %mul3A_2, %mul3A_454 : i32
        %multiple_of3A_456 = tpu.assume_multiple %add3A_455, 8 : i32
        %dma_start3A_457 = tpu.memref_slice %arg4[%multiple_of3A_456] : memref<320000xi32, #tpu.memory_space<hbm>> -> memref<80xi32, #tpu.memory_space<hbm>>
        %dma_start3A_458 = tpu.memref_slice %arg4[%multiple_of3A_456] : memref<320000xi32, #tpu.memory_space<hbm>> -> memref<80xi32, #tpu.memory_space<hbm>>
        tpu.enqueue_dma source(%dma_start3A_458 : memref<80xi32, #tpu.memory_space<hbm>>) target(%arg9 : memref<80xi32, #tpu.memory_space<vmem>>) target_semaphore(%arg29 : memref<!tpu.dma_semaphore, #tpu.memory_space<semaphore_mem>>)
        %mul3A_459 = arith.constant 80 : i32
        %mul3A_460 = arith.muli %add3A_452, %mul3A_459 : i32
        %add3A_461 = arith.addi %mul3A_2, %mul3A_460 : i32
        %multiple_of3A_462 = tpu.assume_multiple %add3A_461, 8 : i32
        %dma_start3A_463 = tpu.memref_slice %arg5[%multiple_of3A_462] : memref<320000xi32, #tpu.memory_space<hbm>> -> memref<80xi32, #tpu.memory_space<hbm>>
        %dma_start3A_464 = tpu.memref_slice %arg5[%multiple_of3A_462] : memref<320000xi32, #tpu.memory_space<hbm>> -> memref<80xi32, #tpu.memory_space<hbm>>
        tpu.enqueue_dma source(%dma_start3A_464 : memref<80xi32, #tpu.memory_space<hbm>>) target(%arg13 : memref<80xi32, #tpu.memory_space<vmem>>) target_semaphore(%arg33 : memref<!tpu.dma_semaphore, #tpu.memory_space<semaphore_mem>>)
      } else {
      }
      %gt3A_328 = arith.constant 0 : i32
      %gt3A_329 = arith.cmpi sgt, %scan3A_162, %gt3A_328 : i32
      %convert_element_type3A_330 = arith.extui %gt3A_329 : i1 to i32
      %cond3A_331 = arith.constant 0 : i32
      %cond3A_332 = arith.cmpi ne, %convert_element_type3A_330, %cond3A_331 : i32
      scf.if %cond3A_332 {
        %dma_wait3A_451 = arith.constant 0 : i32
        %dma_wait3A_452 = arith.constant 0 : i32
        %dma_wait3A_453 = tpu.memref_slice %arg6[%dma_wait3A_451, %dma_wait3A_452] : memref<160000x128xi32, #tpu.memory_space<hbm>> -> memref<40x128xi32, #tpu.memory_space<hbm>>
        %dma_wait3A_454 = arith.constant 0 : i32
        %dma_wait3A_455 = arith.constant 0 : i32
        %dma_wait3A_456 = tpu.memref_slice %arg6[%dma_wait3A_454, %dma_wait3A_455] : memref<160000x128xi32, #tpu.memory_space<hbm>> -> memref<40x128xi32, #tpu.memory_space<hbm>>
        tpu.wait_dma2 semaphore(%arg45 : memref<!tpu.dma_semaphore, #tpu.memory_space<semaphore_mem>>) src(%arg25 : memref<40x128xi32, #tpu.memory_space<vmem>>) dst(%dma_wait3A_456 : memref<40x128xi32, #tpu.memory_space<hbm>>)
      } else {
      }
      %scan3A_333 = arith.constant 0 : i32
      %scan3A_334 = arith.constant 0 : i32
      %scan3A_335 = arith.constant 40 : i32
      %scan3A_336 = arith.addi %scan3A_334, %scan3A_335 : i32
      %scan3A_337 = arith.constant 1 : i32
      scf.for %scan3A_451 = %scan3A_334 to %scan3A_336 step %scan3A_337  : i32 {
        %mul3A_452 = arith.constant 2 : i32
        %mul3A_453 = arith.muli %mul3A_452, %scan3A_451 : i32
        %add3A_454 = arith.constant 0 : i32
        %add3A_455 = arith.addi %mul3A_453, %add3A_454 : i32
        %get3A = arith.index_cast %add3A_455 : i32 to index
        %get3A_456 = arith.constant 0 : index
        %get3A_457 = tpu.vector_load %arg17[%get3A, %get3A_456] {strides = array<i32>} : memref<80x128xf32, #tpu.memory_space<vmem>>, vector<16xf32>,
        %get3A_458 = arith.index_cast %add3A_455 : i32 to index
        %get3A_459 = arith.constant 0 : index
        %get3A_460 = tpu.vector_load %arg21[%get3A_458, %get3A_459] {strides = array<i32>} : memref<80x128xf32, #tpu.memory_space<vmem>>, vector<16xf32>,
        %add3A_461 = arith.addf %get3A_457, %get3A_460 : vector<16xf32>
        %get3A_462 = arith.index_cast %add3A_455 : i32 to index
        %get3A_463 = arith.constant 16 : index
        %get3A_464 = tpu.vector_load %arg17[%get3A_462, %get3A_463] {strides = array<i32>} : memref<80x128xf32, #tpu.memory_space<vmem>>, vector<16xf32>,
        %get3A_465 = arith.index_cast %add3A_455 : i32 to index
        %get3A_466 = arith.constant 16 : index
        %get3A_467 = tpu.vector_load %arg21[%get3A_465, %get3A_466] {strides = array<i32>} : memref<80x128xf32, #tpu.memory_space<vmem>>, vector<16xf32>,
        %add3A_468 = arith.addf %get3A_464, %get3A_467 : vector<16xf32>
        %bitcast3A = vector.bitcast %add3A_461 : vector<16xf32> to vector<16xi32>
        %bitcast3A_469 = vector.bitcast %add3A_468 : vector<16xf32> to vector<16xi32>
        %add3A_470 = arith.constant 32767 : i32
        %add3A_471 = vector.broadcast %add3A_470 : i32 to vector<16xi32>
        %add3A_472 = arith.addi %bitcast3A, %add3A_471 : vector<16xi32>
        %shift_right_logical3A = arith.constant 16 : i32
        %shift_right_logical3A_473 = vector.broadcast %shift_right_logical3A : i32 to vector<16xi32>
        %shift_right_logical3A_474 = arith.shrui %bitcast3A, %shift_right_logical3A_473 : vector<16xi32>
        %and3A_475 = arith.constant 1 : i32
        %and3A_476 = vector.broadcast %and3A_475 : i32 to vector<16xi32>
        %and3A_477 = arith.andi %shift_right_logical3A_474, %and3A_476 : vector<16xi32>
        %add3A_478 = arith.addi %add3A_472, %and3A_477 : vector<16xi32>
        %shift_right_logical3A_479 = arith.constant 16 : i32
        %shift_right_logical3A_480 = vector.broadcast %shift_right_logical3A_479 : i32 to vector<16xi32>
        %shift_right_logical3A_481 = arith.shrui %add3A_478, %shift_right_logical3A_480 : vector<16xi32>
        %add3A_482 = arith.constant 32767 : i32
        %add3A_483 = vector.broadcast %add3A_482 : i32 to vector<16xi32>
        %add3A_484 = arith.addi %bitcast3A_469, %add3A_483 : vector<16xi32>
        %shift_right_logical3A_485 = arith.constant 16 : i32
        %shift_right_logical3A_486 = vector.broadcast %shift_right_logical3A_485 : i32 to vector<16xi32>
        %shift_right_logical3A_487 = arith.shrui %bitcast3A_469, %shift_right_logical3A_486 : vector<16xi32>
        %and3A_488 = arith.constant 1 : i32
        %and3A_489 = vector.broadcast %and3A_488 : i32 to vector<16xi32>
        %and3A_490 = arith.andi %shift_right_logical3A_487, %and3A_489 : vector<16xi32>
        %add3A_491 = arith.addi %add3A_484, %and3A_490 : vector<16xi32>
        %shift_right_logical3A_492 = arith.constant 16 : i32
        %shift_right_logical3A_493 = vector.broadcast %shift_right_logical3A_492 : i32 to vector<16xi32>
        %shift_right_logical3A_494 = arith.shrui %add3A_491, %shift_right_logical3A_493 : vector<16xi32>
        %shift_left3A = arith.constant 16 : i32
        %shift_left3A_495 = vector.broadcast %shift_left3A : i32 to vector<16xi32>
        %shift_left3A_496 = arith.shli %shift_right_logical3A_494, %shift_left3A_495 : vector<16xi32>
        %or3A = arith.ori %shift_right_logical3A_481, %shift_left3A_496 : vector<16xi32>
        %bitcast3A_497 = vector.bitcast %or3A : vector<16xi32> to vector<16xi32>
        %swap3A = arith.index_cast %scan3A_451 : i32 to index
        %swap3A_498 = arith.constant 0 : index
        %swap3A_499 = tpu.vector_load %arg25[%swap3A, %swap3A_498] {strides = array<i32>} : memref<40x128xi32, #tpu.memory_space<vmem>>, vector<16xi32>,
        tpu.vector_store %arg25[%swap3A, %swap3A_498], %bitcast3A_497 {strides = array<i32>} : memref<40x128xi32, #tpu.memory_space<vmem>>, vector<16xi32>,
        %get3A_500 = arith.index_cast %add3A_455 : i32 to index
        %get3A_501 = arith.constant 32 : index
        %get3A_502 = tpu.vector_load %arg17[%get3A_500, %get3A_501] {strides = array<i32>} : memref<80x128xf32, #tpu.memory_space<vmem>>, vector<16xf32>,
        %get3A_503 = arith.index_cast %add3A_455 : i32 to index
        %get3A_504 = arith.constant 32 : index
        %get3A_505 = tpu.vector_load %arg21[%get3A_503, %get3A_504] {strides = array<i32>} : memref<80x128xf32, #tpu.memory_space<vmem>>, vector<16xf32>,
        %add3A_506 = arith.addf %get3A_502, %get3A_505 : vector<16xf32>
        %get3A_507 = arith.index_cast %add3A_455 : i32 to index
        %get3A_508 = arith.constant 48 : index
        %get3A_509 = tpu.vector_load %arg17[%get3A_507, %get3A_508] {strides = array<i32>} : memref<80x128xf32, #tpu.memory_space<vmem>>, vector<16xf32>,
        %get3A_510 = arith.index_cast %add3A_455 : i32 to index
        %get3A_511 = arith.constant 48 : index
        %get3A_512 = tpu.vector_load %arg21[%get3A_510, %get3A_511] {strides = array<i32>} : memref<80x128xf32, #tpu.memory_space<vmem>>, vector<16xf32>,
        %add3A_513 = arith.addf %get3A_509, %get3A_512 : vector<16xf32>
        %bitcast3A_514 = vector.bitcast %add3A_506 : vector<16xf32> to vector<16xi32>
        %bitcast3A_515 = vector.bitcast %add3A_513 : vector<16xf32> to vector<16xi32>
        %add3A_516 = arith.constant 32767 : i32
        %add3A_517 = vector.broadcast %add3A_516 : i32 to vector<16xi32>
        %add3A_518 = arith.addi %bitcast3A_514, %add3A_517 : vector<16xi32>
        %shift_right_logical3A_519 = arith.constant 16 : i32
        %shift_right_logical3A_520 = vector.broadcast %shift_right_logical3A_519 : i32 to vector<16xi32>
        %shift_right_logical3A_521 = arith.shrui %bitcast3A_514, %shift_right_logical3A_520 : vector<16xi32>
        %and3A_522 = arith.constant 1 : i32
        %and3A_523 = vector.broadcast %and3A_522 : i32 to vector<16xi32>
        %and3A_524 = arith.andi %shift_right_logical3A_521, %and3A_523 : vector<16xi32>
        %add3A_525 = arith.addi %add3A_518, %and3A_524 : vector<16xi32>
        %shift_right_logical3A_526 = arith.constant 16 : i32
        %shift_right_logical3A_527 = vector.broadcast %shift_right_logical3A_526 : i32 to vector<16xi32>
        %shift_right_logical3A_528 = arith.shrui %add3A_525, %shift_right_logical3A_527 : vector<16xi32>
        %add3A_529 = arith.constant 32767 : i32
        %add3A_530 = vector.broadcast %add3A_529 : i32 to vector<16xi32>
        %add3A_531 = arith.addi %bitcast3A_515, %add3A_530 : vector<16xi32>
        %shift_right_logical3A_532 = arith.constant 16 : i32
        %shift_right_logical3A_533 = vector.broadcast %shift_right_logical3A_532 : i32 to vector<16xi32>
        %shift_right_logical3A_534 = arith.shrui %bitcast3A_515, %shift_right_logical3A_533 : vector<16xi32>
        %and3A_535 = arith.constant 1 : i32
        %and3A_536 = vector.broadcast %and3A_535 : i32 to vector<16xi32>
        %and3A_537 = arith.andi %shift_right_logical3A_534, %and3A_536 : vector<16xi32>
        %add3A_538 = arith.addi %add3A_531, %and3A_537 : vector<16xi32>
        %shift_right_logical3A_539 = arith.constant 16 : i32
        %shift_right_logical3A_540 = vector.broadcast %shift_right_logical3A_539 : i32 to vector<16xi32>
        %shift_right_logical3A_541 = arith.shrui %add3A_538, %shift_right_logical3A_540 : vector<16xi32>
        %shift_left3A_542 = arith.constant 16 : i32
        %shift_left3A_543 = vector.broadcast %shift_left3A_542 : i32 to vector<16xi32>
        %shift_left3A_544 = arith.shli %shift_right_logical3A_541, %shift_left3A_543 : vector<16xi32>
        %or3A_545 = arith.ori %shift_right_logical3A_528, %shift_left3A_544 : vector<16xi32>
        %bitcast3A_546 = vector.bitcast %or3A_545 : vector<16xi32> to vector<16xi32>
        %swap3A_547 = arith.index_cast %scan3A_451 : i32 to index
        %swap3A_548 = arith.constant 16 : index
        %swap3A_549 = tpu.vector_load %arg25[%swap3A_547, %swap3A_548] {strides = array<i32>} : memref<40x128xi32, #tpu.memory_space<vmem>>, vector<16xi32>,
        tpu.vector_store %arg25[%swap3A_547, %swap3A_548], %bitcast3A_546 {strides = array<i32>} : memref<40x128xi32, #tpu.memory_space<vmem>>, vector<16xi32>,
        %get3A_550 = arith.index_cast %add3A_455 : i32 to index
        %get3A_551 = arith.constant 64 : index
        %get3A_552 = tpu.vector_load %arg17[%get3A_550, %get3A_551] {strides = array<i32>} : memref<80x128xf32, #tpu.memory_space<vmem>>, vector<16xf32>,
        %get3A_553 = arith.index_cast %add3A_455 : i32 to index
        %get3A_554 = arith.constant 64 : index
        %get3A_555 = tpu.vector_load %arg21[%get3A_553, %get3A_554] {strides = array<i32>} : memref<80x128xf32, #tpu.memory_space<vmem>>, vector<16xf32>,
        %add3A_556 = arith.addf %get3A_552, %get3A_555 : vector<16xf32>
        %get3A_557 = arith.index_cast %add3A_455 : i32 to index
        %get3A_558 = arith.constant 80 : index
        %get3A_559 = tpu.vector_load %arg17[%get3A_557, %get3A_558] {strides = array<i32>} : memref<80x128xf32, #tpu.memory_space<vmem>>, vector<16xf32>,
        %get3A_560 = arith.index_cast %add3A_455 : i32 to index
        %get3A_561 = arith.constant 80 : index
        %get3A_562 = tpu.vector_load %arg21[%get3A_560, %get3A_561] {strides = array<i32>} : memref<80x128xf32, #tpu.memory_space<vmem>>, vector<16xf32>,
        %add3A_563 = arith.addf %get3A_559, %get3A_562 : vector<16xf32>
        %bitcast3A_564 = vector.bitcast %add3A_556 : vector<16xf32> to vector<16xi32>
        %bitcast3A_565 = vector.bitcast %add3A_563 : vector<16xf32> to vector<16xi32>
        %add3A_566 = arith.constant 32767 : i32
        %add3A_567 = vector.broadcast %add3A_566 : i32 to vector<16xi32>
        %add3A_568 = arith.addi %bitcast3A_564, %add3A_567 : vector<16xi32>
        %shift_right_logical3A_569 = arith.constant 16 : i32
        %shift_right_logical3A_570 = vector.broadcast %shift_right_logical3A_569 : i32 to vector<16xi32>
        %shift_right_logical3A_571 = arith.shrui %bitcast3A_564, %shift_right_logical3A_570 : vector<16xi32>
        %and3A_572 = arith.constant 1 : i32
        %and3A_573 = vector.broadcast %and3A_572 : i32 to vector<16xi32>
        %and3A_574 = arith.andi %shift_right_logical3A_571, %and3A_573 : vector<16xi32>
        %add3A_575 = arith.addi %add3A_568, %and3A_574 : vector<16xi32>
        %shift_right_logical3A_576 = arith.constant 16 : i32
        %shift_right_logical3A_577 = vector.broadcast %shift_right_logical3A_576 : i32 to vector<16xi32>
        %shift_right_logical3A_578 = arith.shrui %add3A_575, %shift_right_logical3A_577 : vector<16xi32>
        %add3A_579 = arith.constant 32767 : i32
        %add3A_580 = vector.broadcast %add3A_579 : i32 to vector<16xi32>
        %add3A_581 = arith.addi %bitcast3A_565, %add3A_580 : vector<16xi32>
        %shift_right_logical3A_582 = arith.constant 16 : i32
        %shift_right_logical3A_583 = vector.broadcast %shift_right_logical3A_582 : i32 to vector<16xi32>
        %shift_right_logical3A_584 = arith.shrui %bitcast3A_565, %shift_right_logical3A_583 : vector<16xi32>
        %and3A_585 = arith.constant 1 : i32
        %and3A_586 = vector.broadcast %and3A_585 : i32 to vector<16xi32>
        %and3A_587 = arith.andi %shift_right_logical3A_584, %and3A_586 : vector<16xi32>
        %add3A_588 = arith.addi %add3A_581, %and3A_587 : vector<16xi32>
        %shift_right_logical3A_589 = arith.constant 16 : i32
        %shift_right_logical3A_590 = vector.broadcast %shift_right_logical3A_589 : i32 to vector<16xi32>
        %shift_right_logical3A_591 = arith.shrui %add3A_588, %shift_right_logical3A_590 : vector<16xi32>
        %shift_left3A_592 = arith.constant 16 : i32
        %shift_left3A_593 = vector.broadcast %shift_left3A_592 : i32 to vector<16xi32>
        %shift_left3A_594 = arith.shli %shift_right_logical3A_591, %shift_left3A_593 : vector<16xi32>
        %or3A_595 = arith.ori %shift_right_logical3A_578, %shift_left3A_594 : vector<16xi32>
        %bitcast3A_596 = vector.bitcast %or3A_595 : vector<16xi32> to vector<16xi32>
        %swap3A_597 = arith.index_cast %scan3A_451 : i32 to index
        %swap3A_598 = arith.constant 32 : index
        %swap3A_599 = tpu.vector_load %arg25[%swap3A_597, %swap3A_598] {strides = array<i32>} : memref<40x128xi32, #tpu.memory_space<vmem>>, vector<16xi32>,
        tpu.vector_store %arg25[%swap3A_597, %swap3A_598], %bitcast3A_596 {strides = array<i32>} : memref<40x128xi32, #tpu.memory_space<vmem>>, vector<16xi32>,
        %get3A_600 = arith.index_cast %add3A_455 : i32 to index
        %get3A_601 = arith.constant 96 : index
        %get3A_602 = tpu.vector_load %arg17[%get3A_600, %get3A_601] {strides = array<i32>} : memref<80x128xf32, #tpu.memory_space<vmem>>, vector<16xf32>,
        %get3A_603 = arith.index_cast %add3A_455 : i32 to index
        %get3A_604 = arith.constant 96 : index
        %get3A_605 = tpu.vector_load %arg21[%get3A_603, %get3A_604] {strides = array<i32>} : memref<80x128xf32, #tpu.memory_space<vmem>>, vector<16xf32>,
        %add3A_606 = arith.addf %get3A_602, %get3A_605 : vector<16xf32>
        %get3A_607 = arith.index_cast %add3A_455 : i32 to index
        %get3A_608 = arith.constant 112 : index
        %get3A_609 = tpu.vector_load %arg17[%get3A_607, %get3A_608] {strides = array<i32>} : memref<80x128xf32, #tpu.memory_space<vmem>>, vector<16xf32>,
        %get3A_610 = arith.index_cast %add3A_455 : i32 to index
        %get3A_611 = arith.constant 112 : index
        %get3A_612 = tpu.vector_load %arg21[%get3A_610, %get3A_611] {strides = array<i32>} : memref<80x128xf32, #tpu.memory_space<vmem>>, vector<16xf32>,
        %add3A_613 = arith.addf %get3A_609, %get3A_612 : vector<16xf32>
        %bitcast3A_614 = vector.bitcast %add3A_606 : vector<16xf32> to vector<16xi32>
        %bitcast3A_615 = vector.bitcast %add3A_613 : vector<16xf32> to vector<16xi32>
        %add3A_616 = arith.constant 32767 : i32
        %add3A_617 = vector.broadcast %add3A_616 : i32 to vector<16xi32>
        %add3A_618 = arith.addi %bitcast3A_614, %add3A_617 : vector<16xi32>
        %shift_right_logical3A_619 = arith.constant 16 : i32
        %shift_right_logical3A_620 = vector.broadcast %shift_right_logical3A_619 : i32 to vector<16xi32>
        %shift_right_logical3A_621 = arith.shrui %bitcast3A_614, %shift_right_logical3A_620 : vector<16xi32>
        %and3A_622 = arith.constant 1 : i32
        %and3A_623 = vector.broadcast %and3A_622 : i32 to vector<16xi32>
        %and3A_624 = arith.andi %shift_right_logical3A_621, %and3A_623 : vector<16xi32>
        %add3A_625 = arith.addi %add3A_618, %and3A_624 : vector<16xi32>
        %shift_right_logical3A_626 = arith.constant 16 : i32
        %shift_right_logical3A_627 = vector.broadcast %shift_right_logical3A_626 : i32 to vector<16xi32>
        %shift_right_logical3A_628 = arith.shrui %add3A_625, %shift_right_logical3A_627 : vector<16xi32>
        %add3A_629 = arith.constant 32767 : i32
        %add3A_630 = vector.broadcast %add3A_629 : i32 to vector<16xi32>
        %add3A_631 = arith.addi %bitcast3A_615, %add3A_630 : vector<16xi32>
        %shift_right_logical3A_632 = arith.constant 16 : i32
        %shift_right_logical3A_633 = vector.broadcast %shift_right_logical3A_632 : i32 to vector<16xi32>
        %shift_right_logical3A_634 = arith.shrui %bitcast3A_615, %shift_right_logical3A_633 : vector<16xi32>
        %and3A_635 = arith.constant 1 : i32
        %and3A_636 = vector.broadcast %and3A_635 : i32 to vector<16xi32>
        %and3A_637 = arith.andi %shift_right_logical3A_634, %and3A_636 : vector<16xi32>
        %add3A_638 = arith.addi %add3A_631, %and3A_637 : vector<16xi32>
        %shift_right_logical3A_639 = arith.constant 16 : i32
        %shift_right_logical3A_640 = vector.broadcast %shift_right_logical3A_639 : i32 to vector<16xi32>
        %shift_right_logical3A_641 = arith.shrui %add3A_638, %shift_right_logical3A_640 : vector<16xi32>
        %shift_left3A_642 = arith.constant 16 : i32
        %shift_left3A_643 = vector.broadcast %shift_left3A_642 : i32 to vector<16xi32>
        %shift_left3A_644 = arith.shli %shift_right_logical3A_641, %shift_left3A_643 : vector<16xi32>
        %or3A_645 = arith.ori %shift_right_logical3A_628, %shift_left3A_644 : vector<16xi32>
        %bitcast3A_646 = vector.bitcast %or3A_645 : vector<16xi32> to vector<16xi32>
        %swap3A_647 = arith.index_cast %scan3A_451 : i32 to index
        %swap3A_648 = arith.constant 48 : index
        %swap3A_649 = tpu.vector_load %arg25[%swap3A_647, %swap3A_648] {strides = array<i32>} : memref<40x128xi32, #tpu.memory_space<vmem>>, vector<16xi32>,
        tpu.vector_store %arg25[%swap3A_647, %swap3A_648], %bitcast3A_646 {strides = array<i32>} : memref<40x128xi32, #tpu.memory_space<vmem>>, vector<16xi32>,
        %mul3A_650 = arith.constant 2 : i32
        %mul3A_651 = arith.muli %mul3A_650, %scan3A_451 : i32
        %add3A_652 = arith.constant 1 : i32
        %add3A_653 = arith.addi %mul3A_651, %add3A_652 : i32
        %get3A_654 = arith.index_cast %add3A_653 : i32 to index
        %get3A_655 = arith.constant 0 : index
        %get3A_656 = tpu.vector_load %arg17[%get3A_654, %get3A_655] {strides = array<i32>} : memref<80x128xf32, #tpu.memory_space<vmem>>, vector<16xf32>,
        %get3A_657 = arith.index_cast %add3A_653 : i32 to index
        %get3A_658 = arith.constant 0 : index
        %get3A_659 = tpu.vector_load %arg21[%get3A_657, %get3A_658] {strides = array<i32>} : memref<80x128xf32, #tpu.memory_space<vmem>>, vector<16xf32>,
        %add3A_660 = arith.addf %get3A_656, %get3A_659 : vector<16xf32>
        %get3A_661 = arith.index_cast %add3A_653 : i32 to index
        %get3A_662 = arith.constant 16 : index
        %get3A_663 = tpu.vector_load %arg17[%get3A_661, %get3A_662] {strides = array<i32>} : memref<80x128xf32, #tpu.memory_space<vmem>>, vector<16xf32>,
        %get3A_664 = arith.index_cast %add3A_653 : i32 to index
        %get3A_665 = arith.constant 16 : index
        %get3A_666 = tpu.vector_load %arg21[%get3A_664, %get3A_665] {strides = array<i32>} : memref<80x128xf32, #tpu.memory_space<vmem>>, vector<16xf32>,
        %add3A_667 = arith.addf %get3A_663, %get3A_666 : vector<16xf32>
        %bitcast3A_668 = vector.bitcast %add3A_660 : vector<16xf32> to vector<16xi32>
        %bitcast3A_669 = vector.bitcast %add3A_667 : vector<16xf32> to vector<16xi32>
        %add3A_670 = arith.constant 32767 : i32
        %add3A_671 = vector.broadcast %add3A_670 : i32 to vector<16xi32>
        %add3A_672 = arith.addi %bitcast3A_668, %add3A_671 : vector<16xi32>
        %shift_right_logical3A_673 = arith.constant 16 : i32
        %shift_right_logical3A_674 = vector.broadcast %shift_right_logical3A_673 : i32 to vector<16xi32>
        %shift_right_logical3A_675 = arith.shrui %bitcast3A_668, %shift_right_logical3A_674 : vector<16xi32>
        %and3A_676 = arith.constant 1 : i32
        %and3A_677 = vector.broadcast %and3A_676 : i32 to vector<16xi32>
        %and3A_678 = arith.andi %shift_right_logical3A_675, %and3A_677 : vector<16xi32>
        %add3A_679 = arith.addi %add3A_672, %and3A_678 : vector<16xi32>
        %shift_right_logical3A_680 = arith.constant 16 : i32
        %shift_right_logical3A_681 = vector.broadcast %shift_right_logical3A_680 : i32 to vector<16xi32>
        %shift_right_logical3A_682 = arith.shrui %add3A_679, %shift_right_logical3A_681 : vector<16xi32>
        %add3A_683 = arith.constant 32767 : i32
        %add3A_684 = vector.broadcast %add3A_683 : i32 to vector<16xi32>
        %add3A_685 = arith.addi %bitcast3A_669, %add3A_684 : vector<16xi32>
        %shift_right_logical3A_686 = arith.constant 16 : i32
        %shift_right_logical3A_687 = vector.broadcast %shift_right_logical3A_686 : i32 to vector<16xi32>
        %shift_right_logical3A_688 = arith.shrui %bitcast3A_669, %shift_right_logical3A_687 : vector<16xi32>
        %and3A_689 = arith.constant 1 : i32
        %and3A_690 = vector.broadcast %and3A_689 : i32 to vector<16xi32>
        %and3A_691 = arith.andi %shift_right_logical3A_688, %and3A_690 : vector<16xi32>
        %add3A_692 = arith.addi %add3A_685, %and3A_691 : vector<16xi32>
        %shift_right_logical3A_693 = arith.constant 16 : i32
        %shift_right_logical3A_694 = vector.broadcast %shift_right_logical3A_693 : i32 to vector<16xi32>
        %shift_right_logical3A_695 = arith.shrui %add3A_692, %shift_right_logical3A_694 : vector<16xi32>
        %shift_left3A_696 = arith.constant 16 : i32
        %shift_left3A_697 = vector.broadcast %shift_left3A_696 : i32 to vector<16xi32>
        %shift_left3A_698 = arith.shli %shift_right_logical3A_695, %shift_left3A_697 : vector<16xi32>
        %or3A_699 = arith.ori %shift_right_logical3A_682, %shift_left3A_698 : vector<16xi32>
        %bitcast3A_700 = vector.bitcast %or3A_699 : vector<16xi32> to vector<16xi32>
        %swap3A_701 = arith.index_cast %scan3A_451 : i32 to index
        %swap3A_702 = arith.constant 64 : index
        %swap3A_703 = tpu.vector_load %arg25[%swap3A_701, %swap3A_702] {strides = array<i32>} : memref<40x128xi32, #tpu.memory_space<vmem>>, vector<16xi32>,
        tpu.vector_store %arg25[%swap3A_701, %swap3A_702], %bitcast3A_700 {strides = array<i32>} : memref<40x128xi32, #tpu.memory_space<vmem>>, vector<16xi32>,
        %get3A_704 = arith.index_cast %add3A_653 : i32 to index
        %get3A_705 = arith.constant 32 : index
        %get3A_706 = tpu.vector_load %arg17[%get3A_704, %get3A_705] {strides = array<i32>} : memref<80x128xf32, #tpu.memory_space<vmem>>, vector<16xf32>,
        %get3A_707 = arith.index_cast %add3A_653 : i32 to index
        %get3A_708 = arith.constant 32 : index
        %get3A_709 = tpu.vector_load %arg21[%get3A_707, %get3A_708] {strides = array<i32>} : memref<80x128xf32, #tpu.memory_space<vmem>>, vector<16xf32>,
        %add3A_710 = arith.addf %get3A_706, %get3A_709 : vector<16xf32>
        %get3A_711 = arith.index_cast %add3A_653 : i32 to index
        %get3A_712 = arith.constant 48 : index
        %get3A_713 = tpu.vector_load %arg17[%get3A_711, %get3A_712] {strides = array<i32>} : memref<80x128xf32, #tpu.memory_space<vmem>>, vector<16xf32>,
        %get3A_714 = arith.index_cast %add3A_653 : i32 to index
        %get3A_715 = arith.constant 48 : index
        %get3A_716 = tpu.vector_load %arg21[%get3A_714, %get3A_715] {strides = array<i32>} : memref<80x128xf32, #tpu.memory_space<vmem>>, vector<16xf32>,
        %add3A_717 = arith.addf %get3A_713, %get3A_716 : vector<16xf32>
        %bitcast3A_718 = vector.bitcast %add3A_710 : vector<16xf32> to vector<16xi32>
        %bitcast3A_719 = vector.bitcast %add3A_717 : vector<16xf32> to vector<16xi32>
        %add3A_720 = arith.constant 32767 : i32
        %add3A_721 = vector.broadcast %add3A_720 : i32 to vector<16xi32>
        %add3A_722 = arith.addi %bitcast3A_718, %add3A_721 : vector<16xi32>
        %shift_right_logical3A_723 = arith.constant 16 : i32
        %shift_right_logical3A_724 = vector.broadcast %shift_right_logical3A_723 : i32 to vector<16xi32>
        %shift_right_logical3A_725 = arith.shrui %bitcast3A_718, %shift_right_logical3A_724 : vector<16xi32>
        %and3A_726 = arith.constant 1 : i32
        %and3A_727 = vector.broadcast %and3A_726 : i32 to vector<16xi32>
        %and3A_728 = arith.andi %shift_right_logical3A_725, %and3A_727 : vector<16xi32>
        %add3A_729 = arith.addi %add3A_722, %and3A_728 : vector<16xi32>
        %shift_right_logical3A_730 = arith.constant 16 : i32
        %shift_right_logical3A_731 = vector.broadcast %shift_right_logical3A_730 : i32 to vector<16xi32>
        %shift_right_logical3A_732 = arith.shrui %add3A_729, %shift_right_logical3A_731 : vector<16xi32>
        %add3A_733 = arith.constant 32767 : i32
        %add3A_734 = vector.broadcast %add3A_733 : i32 to vector<16xi32>
        %add3A_735 = arith.addi %bitcast3A_719, %add3A_734 : vector<16xi32>
        %shift_right_logical3A_736 = arith.constant 16 : i32
        %shift_right_logical3A_737 = vector.broadcast %shift_right_logical3A_736 : i32 to vector<16xi32>
        %shift_right_logical3A_738 = arith.shrui %bitcast3A_719, %shift_right_logical3A_737 : vector<16xi32>
        %and3A_739 = arith.constant 1 : i32
        %and3A_740 = vector.broadcast %and3A_739 : i32 to vector<16xi32>
        %and3A_741 = arith.andi %shift_right_logical3A_738, %and3A_740 : vector<16xi32>
        %add3A_742 = arith.addi %add3A_735, %and3A_741 : vector<16xi32>
        %shift_right_logical3A_743 = arith.constant 16 : i32
        %shift_right_logical3A_744 = vector.broadcast %shift_right_logical3A_743 : i32 to vector<16xi32>
        %shift_right_logical3A_745 = arith.shrui %add3A_742, %shift_right_logical3A_744 : vector<16xi32>
        %shift_left3A_746 = arith.constant 16 : i32
        %shift_left3A_747 = vector.broadcast %shift_left3A_746 : i32 to vector<16xi32>
        %shift_left3A_748 = arith.shli %shift_right_logical3A_745, %shift_left3A_747 : vector<16xi32>
        %or3A_749 = arith.ori %shift_right_logical3A_732, %shift_left3A_748 : vector<16xi32>
        %bitcast3A_750 = vector.bitcast %or3A_749 : vector<16xi32> to vector<16xi32>
        %swap3A_751 = arith.index_cast %scan3A_451 : i32 to index
        %swap3A_752 = arith.constant 80 : index
        %swap3A_753 = tpu.vector_load %arg25[%swap3A_751, %swap3A_752] {strides = array<i32>} : memref<40x128xi32, #tpu.memory_space<vmem>>, vector<16xi32>,
        tpu.vector_store %arg25[%swap3A_751, %swap3A_752], %bitcast3A_750 {strides = array<i32>} : memref<40x128xi32, #tpu.memory_space<vmem>>, vector<16xi32>,
        %get3A_754 = arith.index_cast %add3A_653 : i32 to index
        %get3A_755 = arith.constant 64 : index
        %get3A_756 = tpu.vector_load %arg17[%get3A_754, %get3A_755] {strides = array<i32>} : memref<80x128xf32, #tpu.memory_space<vmem>>, vector<16xf32>,
        %get3A_757 = arith.index_cast %add3A_653 : i32 to index
        %get3A_758 = arith.constant 64 : index
        %get3A_759 = tpu.vector_load %arg21[%get3A_757, %get3A_758] {strides = array<i32>} : memref<80x128xf32, #tpu.memory_space<vmem>>, vector<16xf32>,
        %add3A_760 = arith.addf %get3A_756, %get3A_759 : vector<16xf32>
        %get3A_761 = arith.index_cast %add3A_653 : i32 to index
        %get3A_762 = arith.constant 80 : index
        %get3A_763 = tpu.vector_load %arg17[%get3A_761, %get3A_762] {strides = array<i32>} : memref<80x128xf32, #tpu.memory_space<vmem>>, vector<16xf32>,
        %get3A_764 = arith.index_cast %add3A_653 : i32 to index
        %get3A_765 = arith.constant 80 : index
        %get3A_766 = tpu.vector_load %arg21[%get3A_764, %get3A_765] {strides = array<i32>} : memref<80x128xf32, #tpu.memory_space<vmem>>, vector<16xf32>,
        %add3A_767 = arith.addf %get3A_763, %get3A_766 : vector<16xf32>
        %bitcast3A_768 = vector.bitcast %add3A_760 : vector<16xf32> to vector<16xi32>
        %bitcast3A_769 = vector.bitcast %add3A_767 : vector<16xf32> to vector<16xi32>
        %add3A_770 = arith.constant 32767 : i32
        %add3A_771 = vector.broadcast %add3A_770 : i32 to vector<16xi32>
        %add3A_772 = arith.addi %bitcast3A_768, %add3A_771 : vector<16xi32>
        %shift_right_logical3A_773 = arith.constant 16 : i32
        %shift_right_logical3A_774 = vector.broadcast %shift_right_logical3A_773 : i32 to vector<16xi32>
        %shift_right_logical3A_775 = arith.shrui %bitcast3A_768, %shift_right_logical3A_774 : vector<16xi32>
        %and3A_776 = arith.constant 1 : i32
        %and3A_777 = vector.broadcast %and3A_776 : i32 to vector<16xi32>
        %and3A_778 = arith.andi %shift_right_logical3A_775, %and3A_777 : vector<16xi32>
        %add3A_779 = arith.addi %add3A_772, %and3A_778 : vector<16xi32>
        %shift_right_logical3A_780 = arith.constant 16 : i32
        %shift_right_logical3A_781 = vector.broadcast %shift_right_logical3A_780 : i32 to vector<16xi32>
        %shift_right_logical3A_782 = arith.shrui %add3A_779, %shift_right_logical3A_781 : vector<16xi32>
        %add3A_783 = arith.constant 32767 : i32
        %add3A_784 = vector.broadcast %add3A_783 : i32 to vector<16xi32>
        %add3A_785 = arith.addi %bitcast3A_769, %add3A_784 : vector<16xi32>
        %shift_right_logical3A_786 = arith.constant 16 : i32
        %shift_right_logical3A_787 = vector.broadcast %shift_right_logical3A_786 : i32 to vector<16xi32>
        %shift_right_logical3A_788 = arith.shrui %bitcast3A_769, %shift_right_logical3A_787 : vector<16xi32>
        %and3A_789 = arith.constant 1 : i32
        %and3A_790 = vector.broadcast %and3A_789 : i32 to vector<16xi32>
        %and3A_791 = arith.andi %shift_right_logical3A_788, %and3A_790 : vector<16xi32>
        %add3A_792 = arith.addi %add3A_785, %and3A_791 : vector<16xi32>
        %shift_right_logical3A_793 = arith.constant 16 : i32
        %shift_right_logical3A_794 = vector.broadcast %shift_right_logical3A_793 : i32 to vector<16xi32>
        %shift_right_logical3A_795 = arith.shrui %add3A_792, %shift_right_logical3A_794 : vector<16xi32>
        %shift_left3A_796 = arith.constant 16 : i32
        %shift_left3A_797 = vector.broadcast %shift_left3A_796 : i32 to vector<16xi32>
        %shift_left3A_798 = arith.shli %shift_right_logical3A_795, %shift_left3A_797 : vector<16xi32>
        %or3A_799 = arith.ori %shift_right_logical3A_782, %shift_left3A_798 : vector<16xi32>
        %bitcast3A_800 = vector.bitcast %or3A_799 : vector<16xi32> to vector<16xi32>
        %swap3A_801 = arith.index_cast %scan3A_451 : i32 to index
        %swap3A_802 = arith.constant 96 : index
        %swap3A_803 = tpu.vector_load %arg25[%swap3A_801, %swap3A_802] {strides = array<i32>} : memref<40x128xi32, #tpu.memory_space<vmem>>, vector<16xi32>,
        tpu.vector_store %arg25[%swap3A_801, %swap3A_802], %bitcast3A_800 {strides = array<i32>} : memref<40x128xi32, #tpu.memory_space<vmem>>, vector<16xi32>,
        %get3A_804 = arith.index_cast %add3A_653 : i32 to index
        %get3A_805 = arith.constant 96 : index
        %get3A_806 = tpu.vector_load %arg17[%get3A_804, %get3A_805] {strides = array<i32>} : memref<80x128xf32, #tpu.memory_space<vmem>>, vector<16xf32>,
        %get3A_807 = arith.index_cast %add3A_653 : i32 to index
        %get3A_808 = arith.constant 96 : index
        %get3A_809 = tpu.vector_load %arg21[%get3A_807, %get3A_808] {strides = array<i32>} : memref<80x128xf32, #tpu.memory_space<vmem>>, vector<16xf32>,
        %add3A_810 = arith.addf %get3A_806, %get3A_809 : vector<16xf32>
        %get3A_811 = arith.index_cast %add3A_653 : i32 to index
        %get3A_812 = arith.constant 112 : index
        %get3A_813 = tpu.vector_load %arg17[%get3A_811, %get3A_812] {strides = array<i32>} : memref<80x128xf32, #tpu.memory_space<vmem>>, vector<16xf32>,
        %get3A_814 = arith.index_cast %add3A_653 : i32 to index
        %get3A_815 = arith.constant 112 : index
        %get3A_816 = tpu.vector_load %arg21[%get3A_814, %get3A_815] {strides = array<i32>} : memref<80x128xf32, #tpu.memory_space<vmem>>, vector<16xf32>,
        %add3A_817 = arith.addf %get3A_813, %get3A_816 : vector<16xf32>
        %bitcast3A_818 = vector.bitcast %add3A_810 : vector<16xf32> to vector<16xi32>
        %bitcast3A_819 = vector.bitcast %add3A_817 : vector<16xf32> to vector<16xi32>
        %add3A_820 = arith.constant 32767 : i32
        %add3A_821 = vector.broadcast %add3A_820 : i32 to vector<16xi32>
        %add3A_822 = arith.addi %bitcast3A_818, %add3A_821 : vector<16xi32>
        %shift_right_logical3A_823 = arith.constant 16 : i32
        %shift_right_logical3A_824 = vector.broadcast %shift_right_logical3A_823 : i32 to vector<16xi32>
        %shift_right_logical3A_825 = arith.shrui %bitcast3A_818, %shift_right_logical3A_824 : vector<16xi32>
        %and3A_826 = arith.constant 1 : i32
        %and3A_827 = vector.broadcast %and3A_826 : i32 to vector<16xi32>
        %and3A_828 = arith.andi %shift_right_logical3A_825, %and3A_827 : vector<16xi32>
        %add3A_829 = arith.addi %add3A_822, %and3A_828 : vector<16xi32>
        %shift_right_logical3A_830 = arith.constant 16 : i32
        %shift_right_logical3A_831 = vector.broadcast %shift_right_logical3A_830 : i32 to vector<16xi32>
        %shift_right_logical3A_832 = arith.shrui %add3A_829, %shift_right_logical3A_831 : vector<16xi32>
        %add3A_833 = arith.constant 32767 : i32
        %add3A_834 = vector.broadcast %add3A_833 : i32 to vector<16xi32>
        %add3A_835 = arith.addi %bitcast3A_819, %add3A_834 : vector<16xi32>
        %shift_right_logical3A_836 = arith.constant 16 : i32
        %shift_right_logical3A_837 = vector.broadcast %shift_right_logical3A_836 : i32 to vector<16xi32>
        %shift_right_logical3A_838 = arith.shrui %bitcast3A_819, %shift_right_logical3A_837 : vector<16xi32>
        %and3A_839 = arith.constant 1 : i32
        %and3A_840 = vector.broadcast %and3A_839 : i32 to vector<16xi32>
        %and3A_841 = arith.andi %shift_right_logical3A_838, %and3A_840 : vector<16xi32>
        %add3A_842 = arith.addi %add3A_835, %and3A_841 : vector<16xi32>
        %shift_right_logical3A_843 = arith.constant 16 : i32
        %shift_right_logical3A_844 = vector.broadcast %shift_right_logical3A_843 : i32 to vector<16xi32>
        %shift_right_logical3A_845 = arith.shrui %add3A_842, %shift_right_logical3A_844 : vector<16xi32>
        %shift_left3A_846 = arith.constant 16 : i32
        %shift_left3A_847 = vector.broadcast %shift_left3A_846 : i32 to vector<16xi32>
        %shift_left3A_848 = arith.shli %shift_right_logical3A_845, %shift_left3A_847 : vector<16xi32>
        %or3A_849 = arith.ori %shift_right_logical3A_832, %shift_left3A_848 : vector<16xi32>
        %bitcast3A_850 = vector.bitcast %or3A_849 : vector<16xi32> to vector<16xi32>
        %swap3A_851 = arith.index_cast %scan3A_451 : i32 to index
        %swap3A_852 = arith.constant 112 : index
        %swap3A_853 = tpu.vector_load %arg25[%swap3A_851, %swap3A_852] {strides = array<i32>} : memref<40x128xi32, #tpu.memory_space<vmem>>, vector<16xi32>,
        tpu.vector_store %arg25[%swap3A_851, %swap3A_852], %bitcast3A_850 {strides = array<i32>} : memref<40x128xi32, #tpu.memory_space<vmem>>, vector<16xi32>,
      }
      %scan3A_338 = arith.constant 40 : i32
      %mul3A_339 = arith.constant 80 : i32
      %mul3A_340 = arith.muli %add3A_308, %mul3A_339 : i32
      %add3A_341 = arith.addi %mul3A_2, %mul3A_340 : i32
      %jit3A_342 = arith.constant 2 : i32
      %div3A_343 = arith.divsi %add3A_341, %jit3A_342 : i32
      %sign3A_344 = arith.constant 0 : i32
      %sign3A_345 = arith.cmpi sgt, %add3A_341, %sign3A_344 : i32
      %sign3A_346 = arith.extui %sign3A_345 : i1 to i32
      %sign3A_347 = arith.constant 0 : i32
      %sign3A_348 = arith.cmpi slt, %add3A_341, %sign3A_347 : i32
      %sign3A_349 = arith.extui %sign3A_348 : i1 to i32
      %sign3A_350 = arith.subi %sign3A_346, %sign3A_349 : i32
      %sign3A_351 = arith.constant 0 : i32
      %sign3A_352 = arith.cmpi sgt, %jit3A_342, %sign3A_351 : i32
      %sign3A_353 = arith.extui %sign3A_352 : i1 to i32
      %sign3A_354 = arith.constant 0 : i32
      %sign3A_355 = arith.cmpi slt, %jit3A_342, %sign3A_354 : i32
      %sign3A_356 = arith.extui %sign3A_355 : i1 to i32
      %sign3A_357 = arith.subi %sign3A_353, %sign3A_356 : i32
      %ne3A_358 = arith.cmpi ne, %sign3A_350, %sign3A_357 : i32
      %rem3A_359 = arith.remsi %add3A_341, %jit3A_342 : i32
      %ne3A_360 = arith.constant 0 : i32
      %ne3A_361 = arith.cmpi ne, %rem3A_359, %ne3A_360 : i32
      %and3A_362 = arith.andi %ne3A_358, %ne3A_361 : i1
      %sub3A_363 = arith.constant 1 : i32
      %sub3A_364 = arith.subi %div3A_343, %sub3A_363 : i32
      %select_n3A_365 = arith.select %and3A_362, %sub3A_364, %div3A_343 : i32
      %multiple_of3A_366 = tpu.assume_multiple %select_n3A_365, 8 : i32
      %dma_start3A_367 = arith.constant 0 : i32
      %dma_start3A_368 = tpu.memref_slice %arg6[%multiple_of3A_366, %dma_start3A_367] : memref<160000x128xi32, #tpu.memory_space<hbm>> -> memref<40x128xi32, #tpu.memory_space<hbm>>
      %dma_start3A_369 = arith.constant 0 : i32
      %dma_start3A_370 = tpu.memref_slice %arg6[%multiple_of3A_366, %dma_start3A_369] : memref<160000x128xi32, #tpu.memory_space<hbm>> -> memref<40x128xi32, #tpu.memory_space<hbm>>
      tpu.enqueue_dma source(%arg25 : memref<40x128xi32, #tpu.memory_space<vmem>>) target(%dma_start3A_370 : memref<40x128xi32, #tpu.memory_space<hbm>>) target_semaphore(%arg45 : memref<!tpu.dma_semaphore, #tpu.memory_space<semaphore_mem>>)
      %add3A_371 = arith.constant 4 : i32
      %add3A_372 = arith.addi %add3A_308, %add3A_371 : i32
      %le3A_373 = arith.constant 124 : i32
      %le3A_374 = arith.cmpi sle, %add3A_372, %le3A_373 : i32
      %convert_element_type3A_375 = arith.extui %le3A_374 : i1 to i32
      %cond3A_376 = arith.constant 0 : i32
      %cond3A_377 = arith.cmpi ne, %convert_element_type3A_375, %cond3A_376 : i32
      scf.if %cond3A_377 {
        %dma_wait3A_451 = arith.constant 0 : i32
        %dma_wait3A_452 = tpu.memref_slice %arg4[%dma_wait3A_451] : memref<320000xi32, #tpu.memory_space<hbm>> -> memref<80xi32, #tpu.memory_space<hbm>>
        %dma_wait3A_453 = arith.constant 0 : i32
        %dma_wait3A_454 = tpu.memref_slice %arg4[%dma_wait3A_453] : memref<320000xi32, #tpu.memory_space<hbm>> -> memref<80xi32, #tpu.memory_space<hbm>>
        tpu.wait_dma2 semaphore(%arg29 : memref<!tpu.dma_semaphore, #tpu.memory_space<semaphore_mem>>) src(%dma_wait3A_454 : memref<80xi32, #tpu.memory_space<hbm>>) dst(%arg9 : memref<80xi32, #tpu.memory_space<vmem>>)
        %dma_wait3A_455 = arith.constant 0 : i32
        %dma_wait3A_456 = tpu.memref_slice %arg5[%dma_wait3A_455] : memref<320000xi32, #tpu.memory_space<hbm>> -> memref<80xi32, #tpu.memory_space<hbm>>
        %dma_wait3A_457 = arith.constant 0 : i32
        %dma_wait3A_458 = tpu.memref_slice %arg5[%dma_wait3A_457] : memref<320000xi32, #tpu.memory_space<hbm>> -> memref<80xi32, #tpu.memory_space<hbm>>
        tpu.wait_dma2 semaphore(%arg33 : memref<!tpu.dma_semaphore, #tpu.memory_space<semaphore_mem>>) src(%dma_wait3A_458 : memref<80xi32, #tpu.memory_space<hbm>>) dst(%arg13 : memref<80xi32, #tpu.memory_space<vmem>>)
        %dma_start3A_459 = arith.constant 0 : i32
        %dma_start3A_460 = arith.constant 0 : i32
        %dma_start3A_461 = tpu.memref_slice %arg2[%dma_start3A_459, %dma_start3A_460] : memref<10000x128xf32, #tpu.memory_space<hbm>> -> memref<10000x128xf32, #tpu.memory_space<hbm>>
        tpu.enqueue_indirect_dma source(%dma_start3A_461 : memref<10000x128xf32, #tpu.memory_space<hbm>>) target(%arg17 : memref<80x128xf32, #tpu.memory_space<vmem>>) offsets(%arg9 : memref<80xi32, #tpu.memory_space<vmem>>) semaphore(%arg37 : memref<!tpu.dma_semaphore, #tpu.memory_space<semaphore_mem>>)
        %dma_start3A_462 = arith.constant 0 : i32
        %dma_start3A_463 = arith.constant 0 : i32
        %dma_start3A_464 = tpu.memref_slice %arg3[%dma_start3A_462, %dma_start3A_463] : memref<10000x128xf32, #tpu.memory_space<hbm>> -> memref<10000x128xf32, #tpu.memory_space<hbm>>
        tpu.enqueue_indirect_dma source(%dma_start3A_464 : memref<10000x128xf32, #tpu.memory_space<hbm>>) target(%arg21 : memref<80x128xf32, #tpu.memory_space<vmem>>) offsets(%arg13 : memref<80xi32, #tpu.memory_space<vmem>>) semaphore(%arg41 : memref<!tpu.dma_semaphore, #tpu.memory_space<semaphore_mem>>)
      } else {
      }
      %mul3A_378 = arith.constant 4 : i32
      %mul3A_379 = arith.muli %mul3A_378, %scan3A_162 : i32
      %add3A_380 = arith.constant 3 : i32
      %add3A_381 = arith.addi %mul3A_379, %add3A_380 : i32
      %dma_wait3A_382 = arith.constant 0 : i32
      %dma_wait3A_383 = arith.constant 0 : i32
      %dma_wait3A_384 = tpu.memref_slice %arg2[%dma_wait3A_382, %dma_wait3A_383] : memref<10000x128xf32, #tpu.memory_space<hbm>> -> memref<80x128xf32, #tpu.memory_space<hbm>>
      %dma_wait3A_385 = arith.constant 0 : i32
      %dma_wait3A_386 = arith.constant 0 : i32
      %dma_wait3A_387 = tpu.memref_slice %arg2[%dma_wait3A_385, %dma_wait3A_386] : memref<10000x128xf32, #tpu.memory_space<hbm>> -> memref<80x128xf32, #tpu.memory_space<hbm>>
      tpu.wait_dma2 semaphore(%arg38 : memref<!tpu.dma_semaphore, #tpu.memory_space<semaphore_mem>>) src(%dma_wait3A_387 : memref<80x128xf32, #tpu.memory_space<hbm>>) dst(%arg18 : memref<80x128xf32, #tpu.memory_space<vmem>>)
      %dma_wait3A_388 = arith.constant 0 : i32
      %dma_wait3A_389 = arith.constant 0 : i32
      %dma_wait3A_390 = tpu.memref_slice %arg3[%dma_wait3A_388, %dma_wait3A_389] : memref<10000x128xf32, #tpu.memory_space<hbm>> -> memref<80x128xf32, #tpu.memory_space<hbm>>
      %dma_wait3A_391 = arith.constant 0 : i32
      %dma_wait3A_392 = arith.constant 0 : i32
      %dma_wait3A_393 = tpu.memref_slice %arg3[%dma_wait3A_391, %dma_wait3A_392] : memref<10000x128xf32, #tpu.memory_space<hbm>> -> memref<80x128xf32, #tpu.memory_space<hbm>>
      tpu.wait_dma2 semaphore(%arg42 : memref<!tpu.dma_semaphore, #tpu.memory_space<semaphore_mem>>) src(%dma_wait3A_393 : memref<80x128xf32, #tpu.memory_space<hbm>>) dst(%arg22 : memref<80x128xf32, #tpu.memory_space<vmem>>)
      %add3A_394 = arith.constant 4 : i32
      %add3A_395 = arith.addi %add3A_381, %add3A_394 : i32
      %le3A_396 = arith.constant 124 : i32
      %le3A_397 = arith.cmpi sle, %add3A_395, %le3A_396 : i32
      %convert_element_type3A_398 = arith.extui %le3A_397 : i1 to i32
      %cond3A_399 = arith.constant 0 : i32
      %cond3A_400 = arith.cmpi ne, %convert_element_type3A_398, %cond3A_399 : i32
      scf.if %cond3A_400 {
        %add3A_451 = arith.constant 4 : i32
        %add3A_452 = arith.addi %add3A_381, %add3A_451 : i32
        %mul3A_453 = arith.constant 80 : i32
        %mul3A_454 = arith.muli %add3A_452, %mul3A_453 : i32
        %add3A_455 = arith.addi %mul3A_2, %mul3A_454 : i32
        %multiple_of3A_456 = tpu.assume_multiple %add3A_455, 8 : i32
        %dma_start3A_457 = tpu.memref_slice %arg4[%multiple_of3A_456] : memref<320000xi32, #tpu.memory_space<hbm>> -> memref<80xi32, #tpu.memory_space<hbm>>
        %dma_start3A_458 = tpu.memref_slice %arg4[%multiple_of3A_456] : memref<320000xi32, #tpu.memory_space<hbm>> -> memref<80xi32, #tpu.memory_space<hbm>>
        tpu.enqueue_dma source(%dma_start3A_458 : memref<80xi32, #tpu.memory_space<hbm>>) target(%arg10 : memref<80xi32, #tpu.memory_space<vmem>>) target_semaphore(%arg30 : memref<!tpu.dma_semaphore, #tpu.memory_space<semaphore_mem>>)
        %mul3A_459 = arith.constant 80 : i32
        %mul3A_460 = arith.muli %add3A_452, %mul3A_459 : i32
        %add3A_461 = arith.addi %mul3A_2, %mul3A_460 : i32
        %multiple_of3A_462 = tpu.assume_multiple %add3A_461, 8 : i32
        %dma_start3A_463 = tpu.memref_slice %arg5[%multiple_of3A_462] : memref<320000xi32, #tpu.memory_space<hbm>> -> memref<80xi32, #tpu.memory_space<hbm>>
        %dma_start3A_464 = tpu.memref_slice %arg5[%multiple_of3A_462] : memref<320000xi32, #tpu.memory_space<hbm>> -> memref<80xi32, #tpu.memory_space<hbm>>
        tpu.enqueue_dma source(%dma_start3A_464 : memref<80xi32, #tpu.memory_space<hbm>>) target(%arg14 : memref<80xi32, #tpu.memory_space<vmem>>) target_semaphore(%arg34 : memref<!tpu.dma_semaphore, #tpu.memory_space<semaphore_mem>>)
      } else {
      }
      %gt3A_401 = arith.constant 0 : i32
      %gt3A_402 = arith.cmpi sgt, %scan3A_162, %gt3A_401 : i32
      %convert_element_type3A_403 = arith.extui %gt3A_402 : i1 to i32
      %cond3A_404 = arith.constant 0 : i32
      %cond3A_405 = arith.cmpi ne, %convert_element_type3A_403, %cond3A_404 : i32
      scf.if %cond3A_405 {
        %dma_wait3A_451 = arith.constant 0 : i32
        %dma_wait3A_452 = arith.constant 0 : i32
        %dma_wait3A_453 = tpu.memref_slice %arg6[%dma_wait3A_451, %dma_wait3A_452] : memref<160000x128xi32, #tpu.memory_space<hbm>> -> memref<40x128xi32, #tpu.memory_space<hbm>>
        %dma_wait3A_454 = arith.constant 0 : i32
        %dma_wait3A_455 = arith.constant 0 : i32
        %dma_wait3A_456 = tpu.memref_slice %arg6[%dma_wait3A_454, %dma_wait3A_455] : memref<160000x128xi32, #tpu.memory_space<hbm>> -> memref<40x128xi32, #tpu.memory_space<hbm>>
        tpu.wait_dma2 semaphore(%arg46 : memref<!tpu.dma_semaphore, #tpu.memory_space<semaphore_mem>>) src(%arg26 : memref<40x128xi32, #tpu.memory_space<vmem>>) dst(%dma_wait3A_456 : memref<40x128xi32, #tpu.memory_space<hbm>>)
      } else {
      }
      %scan3A_406 = arith.constant 0 : i32
      %scan3A_407 = arith.constant 0 : i32
      %scan3A_408 = arith.constant 40 : i32
      %scan3A_409 = arith.addi %scan3A_407, %scan3A_408 : i32
      %scan3A_410 = arith.constant 1 : i32
      scf.for %scan3A_451 = %scan3A_407 to %scan3A_409 step %scan3A_410  : i32 {
        %mul3A_452 = arith.constant 2 : i32
        %mul3A_453 = arith.muli %mul3A_452, %scan3A_451 : i32
        %add3A_454 = arith.constant 0 : i32
        %add3A_455 = arith.addi %mul3A_453, %add3A_454 : i32
        %get3A = arith.index_cast %add3A_455 : i32 to index
        %get3A_456 = arith.constant 0 : index
        %get3A_457 = tpu.vector_load %arg18[%get3A, %get3A_456] {strides = array<i32>} : memref<80x128xf32, #tpu.memory_space<vmem>>, vector<16xf32>,
        %get3A_458 = arith.index_cast %add3A_455 : i32 to index
        %get3A_459 = arith.constant 0 : index
        %get3A_460 = tpu.vector_load %arg22[%get3A_458, %get3A_459] {strides = array<i32>} : memref<80x128xf32, #tpu.memory_space<vmem>>, vector<16xf32>,
        %add3A_461 = arith.addf %get3A_457, %get3A_460 : vector<16xf32>
        %get3A_462 = arith.index_cast %add3A_455 : i32 to index
        %get3A_463 = arith.constant 16 : index
        %get3A_464 = tpu.vector_load %arg18[%get3A_462, %get3A_463] {strides = array<i32>} : memref<80x128xf32, #tpu.memory_space<vmem>>, vector<16xf32>,
        %get3A_465 = arith.index_cast %add3A_455 : i32 to index
        %get3A_466 = arith.constant 16 : index
        %get3A_467 = tpu.vector_load %arg22[%get3A_465, %get3A_466] {strides = array<i32>} : memref<80x128xf32, #tpu.memory_space<vmem>>, vector<16xf32>,
        %add3A_468 = arith.addf %get3A_464, %get3A_467 : vector<16xf32>
        %bitcast3A = vector.bitcast %add3A_461 : vector<16xf32> to vector<16xi32>
        %bitcast3A_469 = vector.bitcast %add3A_468 : vector<16xf32> to vector<16xi32>
        %add3A_470 = arith.constant 32767 : i32
        %add3A_471 = vector.broadcast %add3A_470 : i32 to vector<16xi32>
        %add3A_472 = arith.addi %bitcast3A, %add3A_471 : vector<16xi32>
        %shift_right_logical3A = arith.constant 16 : i32
        %shift_right_logical3A_473 = vector.broadcast %shift_right_logical3A : i32 to vector<16xi32>
        %shift_right_logical3A_474 = arith.shrui %bitcast3A, %shift_right_logical3A_473 : vector<16xi32>
        %and3A_475 = arith.constant 1 : i32
        %and3A_476 = vector.broadcast %and3A_475 : i32 to vector<16xi32>
        %and3A_477 = arith.andi %shift_right_logical3A_474, %and3A_476 : vector<16xi32>
        %add3A_478 = arith.addi %add3A_472, %and3A_477 : vector<16xi32>
        %shift_right_logical3A_479 = arith.constant 16 : i32
        %shift_right_logical3A_480 = vector.broadcast %shift_right_logical3A_479 : i32 to vector<16xi32>
        %shift_right_logical3A_481 = arith.shrui %add3A_478, %shift_right_logical3A_480 : vector<16xi32>
        %add3A_482 = arith.constant 32767 : i32
        %add3A_483 = vector.broadcast %add3A_482 : i32 to vector<16xi32>
        %add3A_484 = arith.addi %bitcast3A_469, %add3A_483 : vector<16xi32>
        %shift_right_logical3A_485 = arith.constant 16 : i32
        %shift_right_logical3A_486 = vector.broadcast %shift_right_logical3A_485 : i32 to vector<16xi32>
        %shift_right_logical3A_487 = arith.shrui %bitcast3A_469, %shift_right_logical3A_486 : vector<16xi32>
        %and3A_488 = arith.constant 1 : i32
        %and3A_489 = vector.broadcast %and3A_488 : i32 to vector<16xi32>
        %and3A_490 = arith.andi %shift_right_logical3A_487, %and3A_489 : vector<16xi32>
        %add3A_491 = arith.addi %add3A_484, %and3A_490 : vector<16xi32>
        %shift_right_logical3A_492 = arith.constant 16 : i32
        %shift_right_logical3A_493 = vector.broadcast %shift_right_logical3A_492 : i32 to vector<16xi32>
        %shift_right_logical3A_494 = arith.shrui %add3A_491, %shift_right_logical3A_493 : vector<16xi32>
        %shift_left3A = arith.constant 16 : i32
        %shift_left3A_495 = vector.broadcast %shift_left3A : i32 to vector<16xi32>
        %shift_left3A_496 = arith.shli %shift_right_logical3A_494, %shift_left3A_495 : vector<16xi32>
        %or3A = arith.ori %shift_right_logical3A_481, %shift_left3A_496 : vector<16xi32>
        %bitcast3A_497 = vector.bitcast %or3A : vector<16xi32> to vector<16xi32>
        %swap3A = arith.index_cast %scan3A_451 : i32 to index
        %swap3A_498 = arith.constant 0 : index
        %swap3A_499 = tpu.vector_load %arg26[%swap3A, %swap3A_498] {strides = array<i32>} : memref<40x128xi32, #tpu.memory_space<vmem>>, vector<16xi32>,
        tpu.vector_store %arg26[%swap3A, %swap3A_498], %bitcast3A_497 {strides = array<i32>} : memref<40x128xi32, #tpu.memory_space<vmem>>, vector<16xi32>,
        %get3A_500 = arith.index_cast %add3A_455 : i32 to index
        %get3A_501 = arith.constant 32 : index
        %get3A_502 = tpu.vector_load %arg18[%get3A_500, %get3A_501] {strides = array<i32>} : memref<80x128xf32, #tpu.memory_space<vmem>>, vector<16xf32>,
        %get3A_503 = arith.index_cast %add3A_455 : i32 to index
        %get3A_504 = arith.constant 32 : index
        %get3A_505 = tpu.vector_load %arg22[%get3A_503, %get3A_504] {strides = array<i32>} : memref<80x128xf32, #tpu.memory_space<vmem>>, vector<16xf32>,
        %add3A_506 = arith.addf %get3A_502, %get3A_505 : vector<16xf32>
        %get3A_507 = arith.index_cast %add3A_455 : i32 to index
        %get3A_508 = arith.constant 48 : index
        %get3A_509 = tpu.vector_load %arg18[%get3A_507, %get3A_508] {strides = array<i32>} : memref<80x128xf32, #tpu.memory_space<vmem>>, vector<16xf32>,
        %get3A_510 = arith.index_cast %add3A_455 : i32 to index
        %get3A_511 = arith.constant 48 : index
        %get3A_512 = tpu.vector_load %arg22[%get3A_510, %get3A_511] {strides = array<i32>} : memref<80x128xf32, #tpu.memory_space<vmem>>, vector<16xf32>,
        %add3A_513 = arith.addf %get3A_509, %get3A_512 : vector<16xf32>
        %bitcast3A_514 = vector.bitcast %add3A_506 : vector<16xf32> to vector<16xi32>
        %bitcast3A_515 = vector.bitcast %add3A_513 : vector<16xf32> to vector<16xi32>
        %add3A_516 = arith.constant 32767 : i32
        %add3A_517 = vector.broadcast %add3A_516 : i32 to vector<16xi32>
        %add3A_518 = arith.addi %bitcast3A_514, %add3A_517 : vector<16xi32>
        %shift_right_logical3A_519 = arith.constant 16 : i32
        %shift_right_logical3A_520 = vector.broadcast %shift_right_logical3A_519 : i32 to vector<16xi32>
        %shift_right_logical3A_521 = arith.shrui %bitcast3A_514, %shift_right_logical3A_520 : vector<16xi32>
        %and3A_522 = arith.constant 1 : i32
        %and3A_523 = vector.broadcast %and3A_522 : i32 to vector<16xi32>
        %and3A_524 = arith.andi %shift_right_logical3A_521, %and3A_523 : vector<16xi32>
        %add3A_525 = arith.addi %add3A_518, %and3A_524 : vector<16xi32>
        %shift_right_logical3A_526 = arith.constant 16 : i32
        %shift_right_logical3A_527 = vector.broadcast %shift_right_logical3A_526 : i32 to vector<16xi32>
        %shift_right_logical3A_528 = arith.shrui %add3A_525, %shift_right_logical3A_527 : vector<16xi32>
        %add3A_529 = arith.constant 32767 : i32
        %add3A_530 = vector.broadcast %add3A_529 : i32 to vector<16xi32>
        %add3A_531 = arith.addi %bitcast3A_515, %add3A_530 : vector<16xi32>
        %shift_right_logical3A_532 = arith.constant 16 : i32
        %shift_right_logical3A_533 = vector.broadcast %shift_right_logical3A_532 : i32 to vector<16xi32>
        %shift_right_logical3A_534 = arith.shrui %bitcast3A_515, %shift_right_logical3A_533 : vector<16xi32>
        %and3A_535 = arith.constant 1 : i32
        %and3A_536 = vector.broadcast %and3A_535 : i32 to vector<16xi32>
        %and3A_537 = arith.andi %shift_right_logical3A_534, %and3A_536 : vector<16xi32>
        %add3A_538 = arith.addi %add3A_531, %and3A_537 : vector<16xi32>
        %shift_right_logical3A_539 = arith.constant 16 : i32
        %shift_right_logical3A_540 = vector.broadcast %shift_right_logical3A_539 : i32 to vector<16xi32>
        %shift_right_logical3A_541 = arith.shrui %add3A_538, %shift_right_logical3A_540 : vector<16xi32>
        %shift_left3A_542 = arith.constant 16 : i32
        %shift_left3A_543 = vector.broadcast %shift_left3A_542 : i32 to vector<16xi32>
        %shift_left3A_544 = arith.shli %shift_right_logical3A_541, %shift_left3A_543 : vector<16xi32>
        %or3A_545 = arith.ori %shift_right_logical3A_528, %shift_left3A_544 : vector<16xi32>
        %bitcast3A_546 = vector.bitcast %or3A_545 : vector<16xi32> to vector<16xi32>
        %swap3A_547 = arith.index_cast %scan3A_451 : i32 to index
        %swap3A_548 = arith.constant 16 : index
        %swap3A_549 = tpu.vector_load %arg26[%swap3A_547, %swap3A_548] {strides = array<i32>} : memref<40x128xi32, #tpu.memory_space<vmem>>, vector<16xi32>,
        tpu.vector_store %arg26[%swap3A_547, %swap3A_548], %bitcast3A_546 {strides = array<i32>} : memref<40x128xi32, #tpu.memory_space<vmem>>, vector<16xi32>,
        %get3A_550 = arith.index_cast %add3A_455 : i32 to index
        %get3A_551 = arith.constant 64 : index
        %get3A_552 = tpu.vector_load %arg18[%get3A_550, %get3A_551] {strides = array<i32>} : memref<80x128xf32, #tpu.memory_space<vmem>>, vector<16xf32>,
        %get3A_553 = arith.index_cast %add3A_455 : i32 to index
        %get3A_554 = arith.constant 64 : index
        %get3A_555 = tpu.vector_load %arg22[%get3A_553, %get3A_554] {strides = array<i32>} : memref<80x128xf32, #tpu.memory_space<vmem>>, vector<16xf32>,
        %add3A_556 = arith.addf %get3A_552, %get3A_555 : vector<16xf32>
        %get3A_557 = arith.index_cast %add3A_455 : i32 to index
        %get3A_558 = arith.constant 80 : index
        %get3A_559 = tpu.vector_load %arg18[%get3A_557, %get3A_558] {strides = array<i32>} : memref<80x128xf32, #tpu.memory_space<vmem>>, vector<16xf32>,
        %get3A_560 = arith.index_cast %add3A_455 : i32 to index
        %get3A_561 = arith.constant 80 : index
        %get3A_562 = tpu.vector_load %arg22[%get3A_560, %get3A_561] {strides = array<i32>} : memref<80x128xf32, #tpu.memory_space<vmem>>, vector<16xf32>,
        %add3A_563 = arith.addf %get3A_559, %get3A_562 : vector<16xf32>
        %bitcast3A_564 = vector.bitcast %add3A_556 : vector<16xf32> to vector<16xi32>
        %bitcast3A_565 = vector.bitcast %add3A_563 : vector<16xf32> to vector<16xi32>
        %add3A_566 = arith.constant 32767 : i32
        %add3A_567 = vector.broadcast %add3A_566 : i32 to vector<16xi32>
        %add3A_568 = arith.addi %bitcast3A_564, %add3A_567 : vector<16xi32>
        %shift_right_logical3A_569 = arith.constant 16 : i32
        %shift_right_logical3A_570 = vector.broadcast %shift_right_logical3A_569 : i32 to vector<16xi32>
        %shift_right_logical3A_571 = arith.shrui %bitcast3A_564, %shift_right_logical3A_570 : vector<16xi32>
        %and3A_572 = arith.constant 1 : i32
        %and3A_573 = vector.broadcast %and3A_572 : i32 to vector<16xi32>
        %and3A_574 = arith.andi %shift_right_logical3A_571, %and3A_573 : vector<16xi32>
        %add3A_575 = arith.addi %add3A_568, %and3A_574 : vector<16xi32>
        %shift_right_logical3A_576 = arith.constant 16 : i32
        %shift_right_logical3A_577 = vector.broadcast %shift_right_logical3A_576 : i32 to vector<16xi32>
        %shift_right_logical3A_578 = arith.shrui %add3A_575, %shift_right_logical3A_577 : vector<16xi32>
        %add3A_579 = arith.constant 32767 : i32
        %add3A_580 = vector.broadcast %add3A_579 : i32 to vector<16xi32>
        %add3A_581 = arith.addi %bitcast3A_565, %add3A_580 : vector<16xi32>
        %shift_right_logical3A_582 = arith.constant 16 : i32
        %shift_right_logical3A_583 = vector.broadcast %shift_right_logical3A_582 : i32 to vector<16xi32>
        %shift_right_logical3A_584 = arith.shrui %bitcast3A_565, %shift_right_logical3A_583 : vector<16xi32>
        %and3A_585 = arith.constant 1 : i32
        %and3A_586 = vector.broadcast %and3A_585 : i32 to vector<16xi32>
        %and3A_587 = arith.andi %shift_right_logical3A_584, %and3A_586 : vector<16xi32>
        %add3A_588 = arith.addi %add3A_581, %and3A_587 : vector<16xi32>
        %shift_right_logical3A_589 = arith.constant 16 : i32
        %shift_right_logical3A_590 = vector.broadcast %shift_right_logical3A_589 : i32 to vector<16xi32>
        %shift_right_logical3A_591 = arith.shrui %add3A_588, %shift_right_logical3A_590 : vector<16xi32>
        %shift_left3A_592 = arith.constant 16 : i32
        %shift_left3A_593 = vector.broadcast %shift_left3A_592 : i32 to vector<16xi32>
        %shift_left3A_594 = arith.shli %shift_right_logical3A_591, %shift_left3A_593 : vector<16xi32>
        %or3A_595 = arith.ori %shift_right_logical3A_578, %shift_left3A_594 : vector<16xi32>
        %bitcast3A_596 = vector.bitcast %or3A_595 : vector<16xi32> to vector<16xi32>
        %swap3A_597 = arith.index_cast %scan3A_451 : i32 to index
        %swap3A_598 = arith.constant 32 : index
        %swap3A_599 = tpu.vector_load %arg26[%swap3A_597, %swap3A_598] {strides = array<i32>} : memref<40x128xi32, #tpu.memory_space<vmem>>, vector<16xi32>,
        tpu.vector_store %arg26[%swap3A_597, %swap3A_598], %bitcast3A_596 {strides = array<i32>} : memref<40x128xi32, #tpu.memory_space<vmem>>, vector<16xi32>,
        %get3A_600 = arith.index_cast %add3A_455 : i32 to index
        %get3A_601 = arith.constant 96 : index
        %get3A_602 = tpu.vector_load %arg18[%get3A_600, %get3A_601] {strides = array<i32>} : memref<80x128xf32, #tpu.memory_space<vmem>>, vector<16xf32>,
        %get3A_603 = arith.index_cast %add3A_455 : i32 to index
        %get3A_604 = arith.constant 96 : index
        %get3A_605 = tpu.vector_load %arg22[%get3A_603, %get3A_604] {strides = array<i32>} : memref<80x128xf32, #tpu.memory_space<vmem>>, vector<16xf32>,
        %add3A_606 = arith.addf %get3A_602, %get3A_605 : vector<16xf32>
        %get3A_607 = arith.index_cast %add3A_455 : i32 to index
        %get3A_608 = arith.constant 112 : index
        %get3A_609 = tpu.vector_load %arg18[%get3A_607, %get3A_608] {strides = array<i32>} : memref<80x128xf32, #tpu.memory_space<vmem>>, vector<16xf32>,
        %get3A_610 = arith.index_cast %add3A_455 : i32 to index
        %get3A_611 = arith.constant 112 : index
        %get3A_612 = tpu.vector_load %arg22[%get3A_610, %get3A_611] {strides = array<i32>} : memref<80x128xf32, #tpu.memory_space<vmem>>, vector<16xf32>,
        %add3A_613 = arith.addf %get3A_609, %get3A_612 : vector<16xf32>
        %bitcast3A_614 = vector.bitcast %add3A_606 : vector<16xf32> to vector<16xi32>
        %bitcast3A_615 = vector.bitcast %add3A_613 : vector<16xf32> to vector<16xi32>
        %add3A_616 = arith.constant 32767 : i32
        %add3A_617 = vector.broadcast %add3A_616 : i32 to vector<16xi32>
        %add3A_618 = arith.addi %bitcast3A_614, %add3A_617 : vector<16xi32>
        %shift_right_logical3A_619 = arith.constant 16 : i32
        %shift_right_logical3A_620 = vector.broadcast %shift_right_logical3A_619 : i32 to vector<16xi32>
        %shift_right_logical3A_621 = arith.shrui %bitcast3A_614, %shift_right_logical3A_620 : vector<16xi32>
        %and3A_622 = arith.constant 1 : i32
        %and3A_623 = vector.broadcast %and3A_622 : i32 to vector<16xi32>
        %and3A_624 = arith.andi %shift_right_logical3A_621, %and3A_623 : vector<16xi32>
        %add3A_625 = arith.addi %add3A_618, %and3A_624 : vector<16xi32>
        %shift_right_logical3A_626 = arith.constant 16 : i32
        %shift_right_logical3A_627 = vector.broadcast %shift_right_logical3A_626 : i32 to vector<16xi32>
        %shift_right_logical3A_628 = arith.shrui %add3A_625, %shift_right_logical3A_627 : vector<16xi32>
        %add3A_629 = arith.constant 32767 : i32
        %add3A_630 = vector.broadcast %add3A_629 : i32 to vector<16xi32>
        %add3A_631 = arith.addi %bitcast3A_615, %add3A_630 : vector<16xi32>
        %shift_right_logical3A_632 = arith.constant 16 : i32
        %shift_right_logical3A_633 = vector.broadcast %shift_right_logical3A_632 : i32 to vector<16xi32>
        %shift_right_logical3A_634 = arith.shrui %bitcast3A_615, %shift_right_logical3A_633 : vector<16xi32>
        %and3A_635 = arith.constant 1 : i32
        %and3A_636 = vector.broadcast %and3A_635 : i32 to vector<16xi32>
        %and3A_637 = arith.andi %shift_right_logical3A_634, %and3A_636 : vector<16xi32>
        %add3A_638 = arith.addi %add3A_631, %and3A_637 : vector<16xi32>
        %shift_right_logical3A_639 = arith.constant 16 : i32
        %shift_right_logical3A_640 = vector.broadcast %shift_right_logical3A_639 : i32 to vector<16xi32>
        %shift_right_logical3A_641 = arith.shrui %add3A_638, %shift_right_logical3A_640 : vector<16xi32>
        %shift_left3A_642 = arith.constant 16 : i32
        %shift_left3A_643 = vector.broadcast %shift_left3A_642 : i32 to vector<16xi32>
        %shift_left3A_644 = arith.shli %shift_right_logical3A_641, %shift_left3A_643 : vector<16xi32>
        %or3A_645 = arith.ori %shift_right_logical3A_628, %shift_left3A_644 : vector<16xi32>
        %bitcast3A_646 = vector.bitcast %or3A_645 : vector<16xi32> to vector<16xi32>
        %swap3A_647 = arith.index_cast %scan3A_451 : i32 to index
        %swap3A_648 = arith.constant 48 : index
        %swap3A_649 = tpu.vector_load %arg26[%swap3A_647, %swap3A_648] {strides = array<i32>} : memref<40x128xi32, #tpu.memory_space<vmem>>, vector<16xi32>,
        tpu.vector_store %arg26[%swap3A_647, %swap3A_648], %bitcast3A_646 {strides = array<i32>} : memref<40x128xi32, #tpu.memory_space<vmem>>, vector<16xi32>,
        %mul3A_650 = arith.constant 2 : i32
        %mul3A_651 = arith.muli %mul3A_650, %scan3A_451 : i32
        %add3A_652 = arith.constant 1 : i32
        %add3A_653 = arith.addi %mul3A_651, %add3A_652 : i32
        %get3A_654 = arith.index_cast %add3A_653 : i32 to index
        %get3A_655 = arith.constant 0 : index
        %get3A_656 = tpu.vector_load %arg18[%get3A_654, %get3A_655] {strides = array<i32>} : memref<80x128xf32, #tpu.memory_space<vmem>>, vector<16xf32>,
        %get3A_657 = arith.index_cast %add3A_653 : i32 to index
        %get3A_658 = arith.constant 0 : index
        %get3A_659 = tpu.vector_load %arg22[%get3A_657, %get3A_658] {strides = array<i32>} : memref<80x128xf32, #tpu.memory_space<vmem>>, vector<16xf32>,
        %add3A_660 = arith.addf %get3A_656, %get3A_659 : vector<16xf32>
        %get3A_661 = arith.index_cast %add3A_653 : i32 to index
        %get3A_662 = arith.constant 16 : index
        %get3A_663 = tpu.vector_load %arg18[%get3A_661, %get3A_662] {strides = array<i32>} : memref<80x128xf32, #tpu.memory_space<vmem>>, vector<16xf32>,
        %get3A_664 = arith.index_cast %add3A_653 : i32 to index
        %get3A_665 = arith.constant 16 : index
        %get3A_666 = tpu.vector_load %arg22[%get3A_664, %get3A_665] {strides = array<i32>} : memref<80x128xf32, #tpu.memory_space<vmem>>, vector<16xf32>,
        %add3A_667 = arith.addf %get3A_663, %get3A_666 : vector<16xf32>
        %bitcast3A_668 = vector.bitcast %add3A_660 : vector<16xf32> to vector<16xi32>
        %bitcast3A_669 = vector.bitcast %add3A_667 : vector<16xf32> to vector<16xi32>
        %add3A_670 = arith.constant 32767 : i32
        %add3A_671 = vector.broadcast %add3A_670 : i32 to vector<16xi32>
        %add3A_672 = arith.addi %bitcast3A_668, %add3A_671 : vector<16xi32>
        %shift_right_logical3A_673 = arith.constant 16 : i32
        %shift_right_logical3A_674 = vector.broadcast %shift_right_logical3A_673 : i32 to vector<16xi32>
        %shift_right_logical3A_675 = arith.shrui %bitcast3A_668, %shift_right_logical3A_674 : vector<16xi32>
        %and3A_676 = arith.constant 1 : i32
        %and3A_677 = vector.broadcast %and3A_676 : i32 to vector<16xi32>
        %and3A_678 = arith.andi %shift_right_logical3A_675, %and3A_677 : vector<16xi32>
        %add3A_679 = arith.addi %add3A_672, %and3A_678 : vector<16xi32>
        %shift_right_logical3A_680 = arith.constant 16 : i32
        %shift_right_logical3A_681 = vector.broadcast %shift_right_logical3A_680 : i32 to vector<16xi32>
        %shift_right_logical3A_682 = arith.shrui %add3A_679, %shift_right_logical3A_681 : vector<16xi32>
        %add3A_683 = arith.constant 32767 : i32
        %add3A_684 = vector.broadcast %add3A_683 : i32 to vector<16xi32>
        %add3A_685 = arith.addi %bitcast3A_669, %add3A_684 : vector<16xi32>
        %shift_right_logical3A_686 = arith.constant 16 : i32
        %shift_right_logical3A_687 = vector.broadcast %shift_right_logical3A_686 : i32 to vector<16xi32>
        %shift_right_logical3A_688 = arith.shrui %bitcast3A_669, %shift_right_logical3A_687 : vector<16xi32>
        %and3A_689 = arith.constant 1 : i32
        %and3A_690 = vector.broadcast %and3A_689 : i32 to vector<16xi32>
        %and3A_691 = arith.andi %shift_right_logical3A_688, %and3A_690 : vector<16xi32>
        %add3A_692 = arith.addi %add3A_685, %and3A_691 : vector<16xi32>
        %shift_right_logical3A_693 = arith.constant 16 : i32
        %shift_right_logical3A_694 = vector.broadcast %shift_right_logical3A_693 : i32 to vector<16xi32>
        %shift_right_logical3A_695 = arith.shrui %add3A_692, %shift_right_logical3A_694 : vector<16xi32>
        %shift_left3A_696 = arith.constant 16 : i32
        %shift_left3A_697 = vector.broadcast %shift_left3A_696 : i32 to vector<16xi32>
        %shift_left3A_698 = arith.shli %shift_right_logical3A_695, %shift_left3A_697 : vector<16xi32>
        %or3A_699 = arith.ori %shift_right_logical3A_682, %shift_left3A_698 : vector<16xi32>
        %bitcast3A_700 = vector.bitcast %or3A_699 : vector<16xi32> to vector<16xi32>
        %swap3A_701 = arith.index_cast %scan3A_451 : i32 to index
        %swap3A_702 = arith.constant 64 : index
        %swap3A_703 = tpu.vector_load %arg26[%swap3A_701, %swap3A_702] {strides = array<i32>} : memref<40x128xi32, #tpu.memory_space<vmem>>, vector<16xi32>,
        tpu.vector_store %arg26[%swap3A_701, %swap3A_702], %bitcast3A_700 {strides = array<i32>} : memref<40x128xi32, #tpu.memory_space<vmem>>, vector<16xi32>,
        %get3A_704 = arith.index_cast %add3A_653 : i32 to index
        %get3A_705 = arith.constant 32 : index
        %get3A_706 = tpu.vector_load %arg18[%get3A_704, %get3A_705] {strides = array<i32>} : memref<80x128xf32, #tpu.memory_space<vmem>>, vector<16xf32>,
        %get3A_707 = arith.index_cast %add3A_653 : i32 to index
        %get3A_708 = arith.constant 32 : index
        %get3A_709 = tpu.vector_load %arg22[%get3A_707, %get3A_708] {strides = array<i32>} : memref<80x128xf32, #tpu.memory_space<vmem>>, vector<16xf32>,
        %add3A_710 = arith.addf %get3A_706, %get3A_709 : vector<16xf32>
        %get3A_711 = arith.index_cast %add3A_653 : i32 to index
        %get3A_712 = arith.constant 48 : index
        %get3A_713 = tpu.vector_load %arg18[%get3A_711, %get3A_712] {strides = array<i32>} : memref<80x128xf32, #tpu.memory_space<vmem>>, vector<16xf32>,
        %get3A_714 = arith.index_cast %add3A_653 : i32 to index
        %get3A_715 = arith.constant 48 : index
        %get3A_716 = tpu.vector_load %arg22[%get3A_714, %get3A_715] {strides = array<i32>} : memref<80x128xf32, #tpu.memory_space<vmem>>, vector<16xf32>,
        %add3A_717 = arith.addf %get3A_713, %get3A_716 : vector<16xf32>
        %bitcast3A_718 = vector.bitcast %add3A_710 : vector<16xf32> to vector<16xi32>
        %bitcast3A_719 = vector.bitcast %add3A_717 : vector<16xf32> to vector<16xi32>
        %add3A_720 = arith.constant 32767 : i32
        %add3A_721 = vector.broadcast %add3A_720 : i32 to vector<16xi32>
        %add3A_722 = arith.addi %bitcast3A_718, %add3A_721 : vector<16xi32>
        %shift_right_logical3A_723 = arith.constant 16 : i32
        %shift_right_logical3A_724 = vector.broadcast %shift_right_logical3A_723 : i32 to vector<16xi32>
        %shift_right_logical3A_725 = arith.shrui %bitcast3A_718, %shift_right_logical3A_724 : vector<16xi32>
        %and3A_726 = arith.constant 1 : i32
        %and3A_727 = vector.broadcast %and3A_726 : i32 to vector<16xi32>
        %and3A_728 = arith.andi %shift_right_logical3A_725, %and3A_727 : vector<16xi32>
        %add3A_729 = arith.addi %add3A_722, %and3A_728 : vector<16xi32>
        %shift_right_logical3A_730 = arith.constant 16 : i32
        %shift_right_logical3A_731 = vector.broadcast %shift_right_logical3A_730 : i32 to vector<16xi32>
        %shift_right_logical3A_732 = arith.shrui %add3A_729, %shift_right_logical3A_731 : vector<16xi32>
        %add3A_733 = arith.constant 32767 : i32
        %add3A_734 = vector.broadcast %add3A_733 : i32 to vector<16xi32>
        %add3A_735 = arith.addi %bitcast3A_719, %add3A_734 : vector<16xi32>
        %shift_right_logical3A_736 = arith.constant 16 : i32
        %shift_right_logical3A_737 = vector.broadcast %shift_right_logical3A_736 : i32 to vector<16xi32>
        %shift_right_logical3A_738 = arith.shrui %bitcast3A_719, %shift_right_logical3A_737 : vector<16xi32>
        %and3A_739 = arith.constant 1 : i32
        %and3A_740 = vector.broadcast %and3A_739 : i32 to vector<16xi32>
        %and3A_741 = arith.andi %shift_right_logical3A_738, %and3A_740 : vector<16xi32>
        %add3A_742 = arith.addi %add3A_735, %and3A_741 : vector<16xi32>
        %shift_right_logical3A_743 = arith.constant 16 : i32
        %shift_right_logical3A_744 = vector.broadcast %shift_right_logical3A_743 : i32 to vector<16xi32>
        %shift_right_logical3A_745 = arith.shrui %add3A_742, %shift_right_logical3A_744 : vector<16xi32>
        %shift_left3A_746 = arith.constant 16 : i32
        %shift_left3A_747 = vector.broadcast %shift_left3A_746 : i32 to vector<16xi32>
        %shift_left3A_748 = arith.shli %shift_right_logical3A_745, %shift_left3A_747 : vector<16xi32>
        %or3A_749 = arith.ori %shift_right_logical3A_732, %shift_left3A_748 : vector<16xi32>
        %bitcast3A_750 = vector.bitcast %or3A_749 : vector<16xi32> to vector<16xi32>
        %swap3A_751 = arith.index_cast %scan3A_451 : i32 to index
        %swap3A_752 = arith.constant 80 : index
        %swap3A_753 = tpu.vector_load %arg26[%swap3A_751, %swap3A_752] {strides = array<i32>} : memref<40x128xi32, #tpu.memory_space<vmem>>, vector<16xi32>,
        tpu.vector_store %arg26[%swap3A_751, %swap3A_752], %bitcast3A_750 {strides = array<i32>} : memref<40x128xi32, #tpu.memory_space<vmem>>, vector<16xi32>,
        %get3A_754 = arith.index_cast %add3A_653 : i32 to index
        %get3A_755 = arith.constant 64 : index
        %get3A_756 = tpu.vector_load %arg18[%get3A_754, %get3A_755] {strides = array<i32>} : memref<80x128xf32, #tpu.memory_space<vmem>>, vector<16xf32>,
        %get3A_757 = arith.index_cast %add3A_653 : i32 to index
        %get3A_758 = arith.constant 64 : index
        %get3A_759 = tpu.vector_load %arg22[%get3A_757, %get3A_758] {strides = array<i32>} : memref<80x128xf32, #tpu.memory_space<vmem>>, vector<16xf32>,
        %add3A_760 = arith.addf %get3A_756, %get3A_759 : vector<16xf32>
        %get3A_761 = arith.index_cast %add3A_653 : i32 to index
        %get3A_762 = arith.constant 80 : index
        %get3A_763 = tpu.vector_load %arg18[%get3A_761, %get3A_762] {strides = array<i32>} : memref<80x128xf32, #tpu.memory_space<vmem>>, vector<16xf32>,
        %get3A_764 = arith.index_cast %add3A_653 : i32 to index
        %get3A_765 = arith.constant 80 : index
        %get3A_766 = tpu.vector_load %arg22[%get3A_764, %get3A_765] {strides = array<i32>} : memref<80x128xf32, #tpu.memory_space<vmem>>, vector<16xf32>,
        %add3A_767 = arith.addf %get3A_763, %get3A_766 : vector<16xf32>
        %bitcast3A_768 = vector.bitcast %add3A_760 : vector<16xf32> to vector<16xi32>
        %bitcast3A_769 = vector.bitcast %add3A_767 : vector<16xf32> to vector<16xi32>
        %add3A_770 = arith.constant 32767 : i32
        %add3A_771 = vector.broadcast %add3A_770 : i32 to vector<16xi32>
        %add3A_772 = arith.addi %bitcast3A_768, %add3A_771 : vector<16xi32>
        %shift_right_logical3A_773 = arith.constant 16 : i32
        %shift_right_logical3A_774 = vector.broadcast %shift_right_logical3A_773 : i32 to vector<16xi32>
        %shift_right_logical3A_775 = arith.shrui %bitcast3A_768, %shift_right_logical3A_774 : vector<16xi32>
        %and3A_776 = arith.constant 1 : i32
        %and3A_777 = vector.broadcast %and3A_776 : i32 to vector<16xi32>
        %and3A_778 = arith.andi %shift_right_logical3A_775, %and3A_777 : vector<16xi32>
        %add3A_779 = arith.addi %add3A_772, %and3A_778 : vector<16xi32>
        %shift_right_logical3A_780 = arith.constant 16 : i32
        %shift_right_logical3A_781 = vector.broadcast %shift_right_logical3A_780 : i32 to vector<16xi32>
        %shift_right_logical3A_782 = arith.shrui %add3A_779, %shift_right_logical3A_781 : vector<16xi32>
        %add3A_783 = arith.constant 32767 : i32
        %add3A_784 = vector.broadcast %add3A_783 : i32 to vector<16xi32>
        %add3A_785 = arith.addi %bitcast3A_769, %add3A_784 : vector<16xi32>
        %shift_right_logical3A_786 = arith.constant 16 : i32
        %shift_right_logical3A_787 = vector.broadcast %shift_right_logical3A_786 : i32 to vector<16xi32>
        %shift_right_logical3A_788 = arith.shrui %bitcast3A_769, %shift_right_logical3A_787 : vector<16xi32>
        %and3A_789 = arith.constant 1 : i32
        %and3A_790 = vector.broadcast %and3A_789 : i32 to vector<16xi32>
        %and3A_791 = arith.andi %shift_right_logical3A_788, %and3A_790 : vector<16xi32>
        %add3A_792 = arith.addi %add3A_785, %and3A_791 : vector<16xi32>
        %shift_right_logical3A_793 = arith.constant 16 : i32
        %shift_right_logical3A_794 = vector.broadcast %shift_right_logical3A_793 : i32 to vector<16xi32>
        %shift_right_logical3A_795 = arith.shrui %add3A_792, %shift_right_logical3A_794 : vector<16xi32>
        %shift_left3A_796 = arith.constant 16 : i32
        %shift_left3A_797 = vector.broadcast %shift_left3A_796 : i32 to vector<16xi32>
        %shift_left3A_798 = arith.shli %shift_right_logical3A_795, %shift_left3A_797 : vector<16xi32>
        %or3A_799 = arith.ori %shift_right_logical3A_782, %shift_left3A_798 : vector<16xi32>
        %bitcast3A_800 = vector.bitcast %or3A_799 : vector<16xi32> to vector<16xi32>
        %swap3A_801 = arith.index_cast %scan3A_451 : i32 to index
        %swap3A_802 = arith.constant 96 : index
        %swap3A_803 = tpu.vector_load %arg26[%swap3A_801, %swap3A_802] {strides = array<i32>} : memref<40x128xi32, #tpu.memory_space<vmem>>, vector<16xi32>,
        tpu.vector_store %arg26[%swap3A_801, %swap3A_802], %bitcast3A_800 {strides = array<i32>} : memref<40x128xi32, #tpu.memory_space<vmem>>, vector<16xi32>,
        %get3A_804 = arith.index_cast %add3A_653 : i32 to index
        %get3A_805 = arith.constant 96 : index
        %get3A_806 = tpu.vector_load %arg18[%get3A_804, %get3A_805] {strides = array<i32>} : memref<80x128xf32, #tpu.memory_space<vmem>>, vector<16xf32>,
        %get3A_807 = arith.index_cast %add3A_653 : i32 to index
        %get3A_808 = arith.constant 96 : index
        %get3A_809 = tpu.vector_load %arg22[%get3A_807, %get3A_808] {strides = array<i32>} : memref<80x128xf32, #tpu.memory_space<vmem>>, vector<16xf32>,
        %add3A_810 = arith.addf %get3A_806, %get3A_809 : vector<16xf32>
        %get3A_811 = arith.index_cast %add3A_653 : i32 to index
        %get3A_812 = arith.constant 112 : index
        %get3A_813 = tpu.vector_load %arg18[%get3A_811, %get3A_812] {strides = array<i32>} : memref<80x128xf32, #tpu.memory_space<vmem>>, vector<16xf32>,
        %get3A_814 = arith.index_cast %add3A_653 : i32 to index
        %get3A_815 = arith.constant 112 : index
        %get3A_816 = tpu.vector_load %arg22[%get3A_814, %get3A_815] {strides = array<i32>} : memref<80x128xf32, #tpu.memory_space<vmem>>, vector<16xf32>,
        %add3A_817 = arith.addf %get3A_813, %get3A_816 : vector<16xf32>
        %bitcast3A_818 = vector.bitcast %add3A_810 : vector<16xf32> to vector<16xi32>
        %bitcast3A_819 = vector.bitcast %add3A_817 : vector<16xf32> to vector<16xi32>
        %add3A_820 = arith.constant 32767 : i32
        %add3A_821 = vector.broadcast %add3A_820 : i32 to vector<16xi32>
        %add3A_822 = arith.addi %bitcast3A_818, %add3A_821 : vector<16xi32>
        %shift_right_logical3A_823 = arith.constant 16 : i32
        %shift_right_logical3A_824 = vector.broadcast %shift_right_logical3A_823 : i32 to vector<16xi32>
        %shift_right_logical3A_825 = arith.shrui %bitcast3A_818, %shift_right_logical3A_824 : vector<16xi32>
        %and3A_826 = arith.constant 1 : i32
        %and3A_827 = vector.broadcast %and3A_826 : i32 to vector<16xi32>
        %and3A_828 = arith.andi %shift_right_logical3A_825, %and3A_827 : vector<16xi32>
        %add3A_829 = arith.addi %add3A_822, %and3A_828 : vector<16xi32>
        %shift_right_logical3A_830 = arith.constant 16 : i32
        %shift_right_logical3A_831 = vector.broadcast %shift_right_logical3A_830 : i32 to vector<16xi32>
        %shift_right_logical3A_832 = arith.shrui %add3A_829, %shift_right_logical3A_831 : vector<16xi32>
        %add3A_833 = arith.constant 32767 : i32
        %add3A_834 = vector.broadcast %add3A_833 : i32 to vector<16xi32>
        %add3A_835 = arith.addi %bitcast3A_819, %add3A_834 : vector<16xi32>
        %shift_right_logical3A_836 = arith.constant 16 : i32
        %shift_right_logical3A_837 = vector.broadcast %shift_right_logical3A_836 : i32 to vector<16xi32>
        %shift_right_logical3A_838 = arith.shrui %bitcast3A_819, %shift_right_logical3A_837 : vector<16xi32>
        %and3A_839 = arith.constant 1 : i32
        %and3A_840 = vector.broadcast %and3A_839 : i32 to vector<16xi32>
        %and3A_841 = arith.andi %shift_right_logical3A_838, %and3A_840 : vector<16xi32>
        %add3A_842 = arith.addi %add3A_835, %and3A_841 : vector<16xi32>
        %shift_right_logical3A_843 = arith.constant 16 : i32
        %shift_right_logical3A_844 = vector.broadcast %shift_right_logical3A_843 : i32 to vector<16xi32>
        %shift_right_logical3A_845 = arith.shrui %add3A_842, %shift_right_logical3A_844 : vector<16xi32>
        %shift_left3A_846 = arith.constant 16 : i32
        %shift_left3A_847 = vector.broadcast %shift_left3A_846 : i32 to vector<16xi32>
        %shift_left3A_848 = arith.shli %shift_right_logical3A_845, %shift_left3A_847 : vector<16xi32>
        %or3A_849 = arith.ori %shift_right_logical3A_832, %shift_left3A_848 : vector<16xi32>
        %bitcast3A_850 = vector.bitcast %or3A_849 : vector<16xi32> to vector<16xi32>
        %swap3A_851 = arith.index_cast %scan3A_451 : i32 to index
        %swap3A_852 = arith.constant 112 : index
        %swap3A_853 = tpu.vector_load %arg26[%swap3A_851, %swap3A_852] {strides = array<i32>} : memref<40x128xi32, #tpu.memory_space<vmem>>, vector<16xi32>,
        tpu.vector_store %arg26[%swap3A_851, %swap3A_852], %bitcast3A_850 {strides = array<i32>} : memref<40x128xi32, #tpu.memory_space<vmem>>, vector<16xi32>,
      }
      %scan3A_411 = arith.constant 40 : i32
      %mul3A_412 = arith.constant 80 : i32
      %mul3A_413 = arith.muli %add3A_381, %mul3A_412 : i32
      %add3A_414 = arith.addi %mul3A_2, %mul3A_413 : i32
      %jit3A_415 = arith.constant 2 : i32
      %div3A_416 = arith.divsi %add3A_414, %jit3A_415 : i32
      %sign3A_417 = arith.constant 0 : i32
      %sign3A_418 = arith.cmpi sgt, %add3A_414, %sign3A_417 : i32
      %sign3A_419 = arith.extui %sign3A_418 : i1 to i32
      %sign3A_420 = arith.constant 0 : i32
      %sign3A_421 = arith.cmpi slt, %add3A_414, %sign3A_420 : i32
      %sign3A_422 = arith.extui %sign3A_421 : i1 to i32
      %sign3A_423 = arith.subi %sign3A_419, %sign3A_422 : i32
      %sign3A_424 = arith.constant 0 : i32
      %sign3A_425 = arith.cmpi sgt, %jit3A_415, %sign3A_424 : i32
      %sign3A_426 = arith.extui %sign3A_425 : i1 to i32
      %sign3A_427 = arith.constant 0 : i32
      %sign3A_428 = arith.cmpi slt, %jit3A_415, %sign3A_427 : i32
      %sign3A_429 = arith.extui %sign3A_428 : i1 to i32
      %sign3A_430 = arith.subi %sign3A_426, %sign3A_429 : i32
      %ne3A_431 = arith.cmpi ne, %sign3A_423, %sign3A_430 : i32
      %rem3A_432 = arith.remsi %add3A_414, %jit3A_415 : i32
      %ne3A_433 = arith.constant 0 : i32
      %ne3A_434 = arith.cmpi ne, %rem3A_432, %ne3A_433 : i32
      %and3A_435 = arith.andi %ne3A_431, %ne3A_434 : i1
      %sub3A_436 = arith.constant 1 : i32
      %sub3A_437 = arith.subi %div3A_416, %sub3A_436 : i32
      %select_n3A_438 = arith.select %and3A_435, %sub3A_437, %div3A_416 : i32
      %multiple_of3A_439 = tpu.assume_multiple %select_n3A_438, 8 : i32
      %dma_start3A_440 = arith.constant 0 : i32
      %dma_start3A_441 = tpu.memref_slice %arg6[%multiple_of3A_439, %dma_start3A_440] : memref<160000x128xi32, #tpu.memory_space<hbm>> -> memref<40x128xi32, #tpu.memory_space<hbm>>
      %dma_start3A_442 = arith.constant 0 : i32
      %dma_start3A_443 = tpu.memref_slice %arg6[%multiple_of3A_439, %dma_start3A_442] : memref<160000x128xi32, #tpu.memory_space<hbm>> -> memref<40x128xi32, #tpu.memory_space<hbm>>
      tpu.enqueue_dma source(%arg26 : memref<40x128xi32, #tpu.memory_space<vmem>>) target(%dma_start3A_443 : memref<40x128xi32, #tpu.memory_space<hbm>>) target_semaphore(%arg46 : memref<!tpu.dma_semaphore, #tpu.memory_space<semaphore_mem>>)
      %add3A_444 = arith.constant 4 : i32
      %add3A_445 = arith.addi %add3A_381, %add3A_444 : i32
      %le3A_446 = arith.constant 124 : i32
      %le3A_447 = arith.cmpi sle, %add3A_445, %le3A_446 : i32
      %convert_element_type3A_448 = arith.extui %le3A_447 : i1 to i32
      %cond3A_449 = arith.constant 0 : i32
      %cond3A_450 = arith.cmpi ne, %convert_element_type3A_448, %cond3A_449 : i32
      scf.if %cond3A_450 {
        %dma_wait3A_451 = arith.constant 0 : i32
        %dma_wait3A_452 = tpu.memref_slice %arg4[%dma_wait3A_451] : memref<320000xi32, #tpu.memory_space<hbm>> -> memref<80xi32, #tpu.memory_space<hbm>>
        %dma_wait3A_453 = arith.constant 0 : i32
        %dma_wait3A_454 = tpu.memref_slice %arg4[%dma_wait3A_453] : memref<320000xi32, #tpu.memory_space<hbm>> -> memref<80xi32, #tpu.memory_space<hbm>>
        tpu.wait_dma2 semaphore(%arg30 : memref<!tpu.dma_semaphore, #tpu.memory_space<semaphore_mem>>) src(%dma_wait3A_454 : memref<80xi32, #tpu.memory_space<hbm>>) dst(%arg10 : memref<80xi32, #tpu.memory_space<vmem>>)
        %dma_wait3A_455 = arith.constant 0 : i32
        %dma_wait3A_456 = tpu.memref_slice %arg5[%dma_wait3A_455] : memref<320000xi32, #tpu.memory_space<hbm>> -> memref<80xi32, #tpu.memory_space<hbm>>
        %dma_wait3A_457 = arith.constant 0 : i32
        %dma_wait3A_458 = tpu.memref_slice %arg5[%dma_wait3A_457] : memref<320000xi32, #tpu.memory_space<hbm>> -> memref<80xi32, #tpu.memory_space<hbm>>
        tpu.wait_dma2 semaphore(%arg34 : memref<!tpu.dma_semaphore, #tpu.memory_space<semaphore_mem>>) src(%dma_wait3A_458 : memref<80xi32, #tpu.memory_space<hbm>>) dst(%arg14 : memref<80xi32, #tpu.memory_space<vmem>>)
        %dma_start3A_459 = arith.constant 0 : i32
        %dma_start3A_460 = arith.constant 0 : i32
        %dma_start3A_461 = tpu.memref_slice %arg2[%dma_start3A_459, %dma_start3A_460] : memref<10000x128xf32, #tpu.memory_space<hbm>> -> memref<10000x128xf32, #tpu.memory_space<hbm>>
        tpu.enqueue_indirect_dma source(%dma_start3A_461 : memref<10000x128xf32, #tpu.memory_space<hbm>>) target(%arg18 : memref<80x128xf32, #tpu.memory_space<vmem>>) offsets(%arg10 : memref<80xi32, #tpu.memory_space<vmem>>) semaphore(%arg38 : memref<!tpu.dma_semaphore, #tpu.memory_space<semaphore_mem>>)
        %dma_start3A_462 = arith.constant 0 : i32
        %dma_start3A_463 = arith.constant 0 : i32
        %dma_start3A_464 = tpu.memref_slice %arg3[%dma_start3A_462, %dma_start3A_463] : memref<10000x128xf32, #tpu.memory_space<hbm>> -> memref<10000x128xf32, #tpu.memory_space<hbm>>
        tpu.enqueue_indirect_dma source(%dma_start3A_464 : memref<10000x128xf32, #tpu.memory_space<hbm>>) target(%arg22 : memref<80x128xf32, #tpu.memory_space<vmem>>) offsets(%arg14 : memref<80xi32, #tpu.memory_space<vmem>>) semaphore(%arg42 : memref<!tpu.dma_semaphore, #tpu.memory_space<semaphore_mem>>)
      } else {
      }
    }
    %scan3A_100 = arith.constant 31 : i32
    %dma_wait3A_101 = arith.constant 0 : i32
    %dma_wait3A_102 = arith.constant 0 : i32
    %dma_wait3A_103 = tpu.memref_slice %arg2[%dma_wait3A_101, %dma_wait3A_102] : memref<10000x128xf32, #tpu.memory_space<hbm>> -> memref<80x128xf32, #tpu.memory_space<hbm>>
    %dma_wait3A_104 = arith.constant 0 : i32
    %dma_wait3A_105 = arith.constant 0 : i32
    %dma_wait3A_106 = tpu.memref_slice %arg2[%dma_wait3A_104, %dma_wait3A_105] : memref<10000x128xf32, #tpu.memory_space<hbm>> -> memref<80x128xf32, #tpu.memory_space<hbm>>
    tpu.wait_dma2 semaphore(%arg35 : memref<!tpu.dma_semaphore, #tpu.memory_space<semaphore_mem>>) src(%dma_wait3A_106 : memref<80x128xf32, #tpu.memory_space<hbm>>) dst(%arg15 : memref<80x128xf32, #tpu.memory_space<vmem>>)
    %dma_wait3A_107 = arith.constant 0 : i32
    %dma_wait3A_108 = arith.constant 0 : i32
    %dma_wait3A_109 = tpu.memref_slice %arg3[%dma_wait3A_107, %dma_wait3A_108] : memref<10000x128xf32, #tpu.memory_space<hbm>> -> memref<80x128xf32, #tpu.memory_space<hbm>>
    %dma_wait3A_110 = arith.constant 0 : i32
    %dma_wait3A_111 = arith.constant 0 : i32
    %dma_wait3A_112 = tpu.memref_slice %arg3[%dma_wait3A_110, %dma_wait3A_111] : memref<10000x128xf32, #tpu.memory_space<hbm>> -> memref<80x128xf32, #tpu.memory_space<hbm>>
    tpu.wait_dma2 semaphore(%arg39 : memref<!tpu.dma_semaphore, #tpu.memory_space<semaphore_mem>>) src(%dma_wait3A_112 : memref<80x128xf32, #tpu.memory_space<hbm>>) dst(%arg19 : memref<80x128xf32, #tpu.memory_space<vmem>>)
    %dma_wait3A_113 = arith.constant 0 : i32
    %dma_wait3A_114 = arith.constant 0 : i32
    %dma_wait3A_115 = tpu.memref_slice %arg6[%dma_wait3A_113, %dma_wait3A_114] : memref<160000x128xi32, #tpu.memory_space<hbm>> -> memref<40x128xi32, #tpu.memory_space<hbm>>
    %dma_wait3A_116 = arith.constant 0 : i32
    %dma_wait3A_117 = arith.constant 0 : i32
    %dma_wait3A_118 = tpu.memref_slice %arg6[%dma_wait3A_116, %dma_wait3A_117] : memref<160000x128xi32, #tpu.memory_space<hbm>> -> memref<40x128xi32, #tpu.memory_space<hbm>>
    tpu.wait_dma2 semaphore(%arg43 : memref<!tpu.dma_semaphore, #tpu.memory_space<semaphore_mem>>) src(%arg23 : memref<40x128xi32, #tpu.memory_space<vmem>>) dst(%dma_wait3A_118 : memref<40x128xi32, #tpu.memory_space<hbm>>)
    %scan3A_119 = arith.constant 0 : i32
    %scan3A_120 = arith.constant 0 : i32
    %scan3A_121 = arith.constant 40 : i32
    %scan3A_122 = arith.addi %scan3A_120, %scan3A_121 : i32
    %scan3A_123 = arith.constant 1 : i32
    scf.for %scan3A_162 = %scan3A_120 to %scan3A_122 step %scan3A_123  : i32 {
      %mul3A_163 = arith.constant 2 : i32
      %mul3A_164 = arith.muli %mul3A_163, %scan3A_162 : i32
      %add3A_165 = arith.constant 0 : i32
      %add3A_166 = arith.addi %mul3A_164, %add3A_165 : i32
      %get3A = arith.index_cast %add3A_166 : i32 to index
      %get3A_167 = arith.constant 0 : index
      %get3A_168 = tpu.vector_load %arg15[%get3A, %get3A_167] {strides = array<i32>} : memref<80x128xf32, #tpu.memory_space<vmem>>, vector<16xf32>,
      %get3A_169 = arith.index_cast %add3A_166 : i32 to index
      %get3A_170 = arith.constant 0 : index
      %get3A_171 = tpu.vector_load %arg19[%get3A_169, %get3A_170] {strides = array<i32>} : memref<80x128xf32, #tpu.memory_space<vmem>>, vector<16xf32>,
      %add3A_172 = arith.addf %get3A_168, %get3A_171 : vector<16xf32>
      %get3A_173 = arith.index_cast %add3A_166 : i32 to index
      %get3A_174 = arith.constant 16 : index
      %get3A_175 = tpu.vector_load %arg15[%get3A_173, %get3A_174] {strides = array<i32>} : memref<80x128xf32, #tpu.memory_space<vmem>>, vector<16xf32>,
      %get3A_176 = arith.index_cast %add3A_166 : i32 to index
      %get3A_177 = arith.constant 16 : index
      %get3A_178 = tpu.vector_load %arg19[%get3A_176, %get3A_177] {strides = array<i32>} : memref<80x128xf32, #tpu.memory_space<vmem>>, vector<16xf32>,
      %add3A_179 = arith.addf %get3A_175, %get3A_178 : vector<16xf32>
      %bitcast3A = vector.bitcast %add3A_172 : vector<16xf32> to vector<16xi32>
      %bitcast3A_180 = vector.bitcast %add3A_179 : vector<16xf32> to vector<16xi32>
      %add3A_181 = arith.constant 32767 : i32
      %add3A_182 = vector.broadcast %add3A_181 : i32 to vector<16xi32>
      %add3A_183 = arith.addi %bitcast3A, %add3A_182 : vector<16xi32>
      %shift_right_logical3A = arith.constant 16 : i32
      %shift_right_logical3A_184 = vector.broadcast %shift_right_logical3A : i32 to vector<16xi32>
      %shift_right_logical3A_185 = arith.shrui %bitcast3A, %shift_right_logical3A_184 : vector<16xi32>
      %and3A_186 = arith.constant 1 : i32
      %and3A_187 = vector.broadcast %and3A_186 : i32 to vector<16xi32>
      %and3A_188 = arith.andi %shift_right_logical3A_185, %and3A_187 : vector<16xi32>
      %add3A_189 = arith.addi %add3A_183, %and3A_188 : vector<16xi32>
      %shift_right_logical3A_190 = arith.constant 16 : i32
      %shift_right_logical3A_191 = vector.broadcast %shift_right_logical3A_190 : i32 to vector<16xi32>
      %shift_right_logical3A_192 = arith.shrui %add3A_189, %shift_right_logical3A_191 : vector<16xi32>
      %add3A_193 = arith.constant 32767 : i32
      %add3A_194 = vector.broadcast %add3A_193 : i32 to vector<16xi32>
      %add3A_195 = arith.addi %bitcast3A_180, %add3A_194 : vector<16xi32>
      %shift_right_logical3A_196 = arith.constant 16 : i32
      %shift_right_logical3A_197 = vector.broadcast %shift_right_logical3A_196 : i32 to vector<16xi32>
      %shift_right_logical3A_198 = arith.shrui %bitcast3A_180, %shift_right_logical3A_197 : vector<16xi32>
      %and3A_199 = arith.constant 1 : i32
      %and3A_200 = vector.broadcast %and3A_199 : i32 to vector<16xi32>
      %and3A_201 = arith.andi %shift_right_logical3A_198, %and3A_200 : vector<16xi32>
      %add3A_202 = arith.addi %add3A_195, %and3A_201 : vector<16xi32>
      %shift_right_logical3A_203 = arith.constant 16 : i32
      %shift_right_logical3A_204 = vector.broadcast %shift_right_logical3A_203 : i32 to vector<16xi32>
      %shift_right_logical3A_205 = arith.shrui %add3A_202, %shift_right_logical3A_204 : vector<16xi32>
      %shift_left3A = arith.constant 16 : i32
      %shift_left3A_206 = vector.broadcast %shift_left3A : i32 to vector<16xi32>
      %shift_left3A_207 = arith.shli %shift_right_logical3A_205, %shift_left3A_206 : vector<16xi32>
      %or3A = arith.ori %shift_right_logical3A_192, %shift_left3A_207 : vector<16xi32>
      %bitcast3A_208 = vector.bitcast %or3A : vector<16xi32> to vector<16xi32>
      %swap3A = arith.index_cast %scan3A_162 : i32 to index
      %swap3A_209 = arith.constant 0 : index
      %swap3A_210 = tpu.vector_load %arg23[%swap3A, %swap3A_209] {strides = array<i32>} : memref<40x128xi32, #tpu.memory_space<vmem>>, vector<16xi32>,
      tpu.vector_store %arg23[%swap3A, %swap3A_209], %bitcast3A_208 {strides = array<i32>} : memref<40x128xi32, #tpu.memory_space<vmem>>, vector<16xi32>,
      %get3A_211 = arith.index_cast %add3A_166 : i32 to index
      %get3A_212 = arith.constant 32 : index
      %get3A_213 = tpu.vector_load %arg15[%get3A_211, %get3A_212] {strides = array<i32>} : memref<80x128xf32, #tpu.memory_space<vmem>>, vector<16xf32>,
      %get3A_214 = arith.index_cast %add3A_166 : i32 to index
      %get3A_215 = arith.constant 32 : index
      %get3A_216 = tpu.vector_load %arg19[%get3A_214, %get3A_215] {strides = array<i32>} : memref<80x128xf32, #tpu.memory_space<vmem>>, vector<16xf32>,
      %add3A_217 = arith.addf %get3A_213, %get3A_216 : vector<16xf32>
      %get3A_218 = arith.index_cast %add3A_166 : i32 to index
      %get3A_219 = arith.constant 48 : index
      %get3A_220 = tpu.vector_load %arg15[%get3A_218, %get3A_219] {strides = array<i32>} : memref<80x128xf32, #tpu.memory_space<vmem>>, vector<16xf32>,
      %get3A_221 = arith.index_cast %add3A_166 : i32 to index
      %get3A_222 = arith.constant 48 : index
      %get3A_223 = tpu.vector_load %arg19[%get3A_221, %get3A_222] {strides = array<i32>} : memref<80x128xf32, #tpu.memory_space<vmem>>, vector<16xf32>,
      %add3A_224 = arith.addf %get3A_220, %get3A_223 : vector<16xf32>
      %bitcast3A_225 = vector.bitcast %add3A_217 : vector<16xf32> to vector<16xi32>
      %bitcast3A_226 = vector.bitcast %add3A_224 : vector<16xf32> to vector<16xi32>
      %add3A_227 = arith.constant 32767 : i32
      %add3A_228 = vector.broadcast %add3A_227 : i32 to vector<16xi32>
      %add3A_229 = arith.addi %bitcast3A_225, %add3A_228 : vector<16xi32>
      %shift_right_logical3A_230 = arith.constant 16 : i32
      %shift_right_logical3A_231 = vector.broadcast %shift_right_logical3A_230 : i32 to vector<16xi32>
      %shift_right_logical3A_232 = arith.shrui %bitcast3A_225, %shift_right_logical3A_231 : vector<16xi32>
      %and3A_233 = arith.constant 1 : i32
      %and3A_234 = vector.broadcast %and3A_233 : i32 to vector<16xi32>
      %and3A_235 = arith.andi %shift_right_logical3A_232, %and3A_234 : vector<16xi32>
      %add3A_236 = arith.addi %add3A_229, %and3A_235 : vector<16xi32>
      %shift_right_logical3A_237 = arith.constant 16 : i32
      %shift_right_logical3A_238 = vector.broadcast %shift_right_logical3A_237 : i32 to vector<16xi32>
      %shift_right_logical3A_239 = arith.shrui %add3A_236, %shift_right_logical3A_238 : vector<16xi32>
      %add3A_240 = arith.constant 32767 : i32
      %add3A_241 = vector.broadcast %add3A_240 : i32 to vector<16xi32>
      %add3A_242 = arith.addi %bitcast3A_226, %add3A_241 : vector<16xi32>
      %shift_right_logical3A_243 = arith.constant 16 : i32
      %shift_right_logical3A_244 = vector.broadcast %shift_right_logical3A_243 : i32 to vector<16xi32>
      %shift_right_logical3A_245 = arith.shrui %bitcast3A_226, %shift_right_logical3A_244 : vector<16xi32>
      %and3A_246 = arith.constant 1 : i32
      %and3A_247 = vector.broadcast %and3A_246 : i32 to vector<16xi32>
      %and3A_248 = arith.andi %shift_right_logical3A_245, %and3A_247 : vector<16xi32>
      %add3A_249 = arith.addi %add3A_242, %and3A_248 : vector<16xi32>
      %shift_right_logical3A_250 = arith.constant 16 : i32
      %shift_right_logical3A_251 = vector.broadcast %shift_right_logical3A_250 : i32 to vector<16xi32>
      %shift_right_logical3A_252 = arith.shrui %add3A_249, %shift_right_logical3A_251 : vector<16xi32>
      %shift_left3A_253 = arith.constant 16 : i32
      %shift_left3A_254 = vector.broadcast %shift_left3A_253 : i32 to vector<16xi32>
      %shift_left3A_255 = arith.shli %shift_right_logical3A_252, %shift_left3A_254 : vector<16xi32>
      %or3A_256 = arith.ori %shift_right_logical3A_239, %shift_left3A_255 : vector<16xi32>
      %bitcast3A_257 = vector.bitcast %or3A_256 : vector<16xi32> to vector<16xi32>
      %swap3A_258 = arith.index_cast %scan3A_162 : i32 to index
      %swap3A_259 = arith.constant 16 : index
      %swap3A_260 = tpu.vector_load %arg23[%swap3A_258, %swap3A_259] {strides = array<i32>} : memref<40x128xi32, #tpu.memory_space<vmem>>, vector<16xi32>,
      tpu.vector_store %arg23[%swap3A_258, %swap3A_259], %bitcast3A_257 {strides = array<i32>} : memref<40x128xi32, #tpu.memory_space<vmem>>, vector<16xi32>,
      %get3A_261 = arith.index_cast %add3A_166 : i32 to index
      %get3A_262 = arith.constant 64 : index
      %get3A_263 = tpu.vector_load %arg15[%get3A_261, %get3A_262] {strides = array<i32>} : memref<80x128xf32, #tpu.memory_space<vmem>>, vector<16xf32>,
      %get3A_264 = arith.index_cast %add3A_166 : i32 to index
      %get3A_265 = arith.constant 64 : index
      %get3A_266 = tpu.vector_load %arg19[%get3A_264, %get3A_265] {strides = array<i32>} : memref<80x128xf32, #tpu.memory_space<vmem>>, vector<16xf32>,
      %add3A_267 = arith.addf %get3A_263, %get3A_266 : vector<16xf32>
      %get3A_268 = arith.index_cast %add3A_166 : i32 to index
      %get3A_269 = arith.constant 80 : index
      %get3A_270 = tpu.vector_load %arg15[%get3A_268, %get3A_269] {strides = array<i32>} : memref<80x128xf32, #tpu.memory_space<vmem>>, vector<16xf32>,
      %get3A_271 = arith.index_cast %add3A_166 : i32 to index
      %get3A_272 = arith.constant 80 : index
      %get3A_273 = tpu.vector_load %arg19[%get3A_271, %get3A_272] {strides = array<i32>} : memref<80x128xf32, #tpu.memory_space<vmem>>, vector<16xf32>,
      %add3A_274 = arith.addf %get3A_270, %get3A_273 : vector<16xf32>
      %bitcast3A_275 = vector.bitcast %add3A_267 : vector<16xf32> to vector<16xi32>
      %bitcast3A_276 = vector.bitcast %add3A_274 : vector<16xf32> to vector<16xi32>
      %add3A_277 = arith.constant 32767 : i32
      %add3A_278 = vector.broadcast %add3A_277 : i32 to vector<16xi32>
      %add3A_279 = arith.addi %bitcast3A_275, %add3A_278 : vector<16xi32>
      %shift_right_logical3A_280 = arith.constant 16 : i32
      %shift_right_logical3A_281 = vector.broadcast %shift_right_logical3A_280 : i32 to vector<16xi32>
      %shift_right_logical3A_282 = arith.shrui %bitcast3A_275, %shift_right_logical3A_281 : vector<16xi32>
      %and3A_283 = arith.constant 1 : i32
      %and3A_284 = vector.broadcast %and3A_283 : i32 to vector<16xi32>
      %and3A_285 = arith.andi %shift_right_logical3A_282, %and3A_284 : vector<16xi32>
      %add3A_286 = arith.addi %add3A_279, %and3A_285 : vector<16xi32>
      %shift_right_logical3A_287 = arith.constant 16 : i32
      %shift_right_logical3A_288 = vector.broadcast %shift_right_logical3A_287 : i32 to vector<16xi32>
      %shift_right_logical3A_289 = arith.shrui %add3A_286, %shift_right_logical3A_288 : vector<16xi32>
      %add3A_290 = arith.constant 32767 : i32
      %add3A_291 = vector.broadcast %add3A_290 : i32 to vector<16xi32>
      %add3A_292 = arith.addi %bitcast3A_276, %add3A_291 : vector<16xi32>
      %shift_right_logical3A_293 = arith.constant 16 : i32
      %shift_right_logical3A_294 = vector.broadcast %shift_right_logical3A_293 : i32 to vector<16xi32>
      %shift_right_logical3A_295 = arith.shrui %bitcast3A_276, %shift_right_logical3A_294 : vector<16xi32>
      %and3A_296 = arith.constant 1 : i32
      %and3A_297 = vector.broadcast %and3A_296 : i32 to vector<16xi32>
      %and3A_298 = arith.andi %shift_right_logical3A_295, %and3A_297 : vector<16xi32>
      %add3A_299 = arith.addi %add3A_292, %and3A_298 : vector<16xi32>
      %shift_right_logical3A_300 = arith.constant 16 : i32
      %shift_right_logical3A_301 = vector.broadcast %shift_right_logical3A_300 : i32 to vector<16xi32>
      %shift_right_logical3A_302 = arith.shrui %add3A_299, %shift_right_logical3A_301 : vector<16xi32>
      %shift_left3A_303 = arith.constant 16 : i32
      %shift_left3A_304 = vector.broadcast %shift_left3A_303 : i32 to vector<16xi32>
      %shift_left3A_305 = arith.shli %shift_right_logical3A_302, %shift_left3A_304 : vector<16xi32>
      %or3A_306 = arith.ori %shift_right_logical3A_289, %shift_left3A_305 : vector<16xi32>
      %bitcast3A_307 = vector.bitcast %or3A_306 : vector<16xi32> to vector<16xi32>
      %swap3A_308 = arith.index_cast %scan3A_162 : i32 to index
      %swap3A_309 = arith.constant 32 : index
      %swap3A_310 = tpu.vector_load %arg23[%swap3A_308, %swap3A_309] {strides = array<i32>} : memref<40x128xi32, #tpu.memory_space<vmem>>, vector<16xi32>,
      tpu.vector_store %arg23[%swap3A_308, %swap3A_309], %bitcast3A_307 {strides = array<i32>} : memref<40x128xi32, #tpu.memory_space<vmem>>, vector<16xi32>,
      %get3A_311 = arith.index_cast %add3A_166 : i32 to index
      %get3A_312 = arith.constant 96 : index
      %get3A_313 = tpu.vector_load %arg15[%get3A_311, %get3A_312] {strides = array<i32>} : memref<80x128xf32, #tpu.memory_space<vmem>>, vector<16xf32>,
      %get3A_314 = arith.index_cast %add3A_166 : i32 to index
      %get3A_315 = arith.constant 96 : index
      %get3A_316 = tpu.vector_load %arg19[%get3A_314, %get3A_315] {strides = array<i32>} : memref<80x128xf32, #tpu.memory_space<vmem>>, vector<16xf32>,
      %add3A_317 = arith.addf %get3A_313, %get3A_316 : vector<16xf32>
      %get3A_318 = arith.index_cast %add3A_166 : i32 to index
      %get3A_319 = arith.constant 112 : index
      %get3A_320 = tpu.vector_load %arg15[%get3A_318, %get3A_319] {strides = array<i32>} : memref<80x128xf32, #tpu.memory_space<vmem>>, vector<16xf32>,
      %get3A_321 = arith.index_cast %add3A_166 : i32 to index
      %get3A_322 = arith.constant 112 : index
      %get3A_323 = tpu.vector_load %arg19[%get3A_321, %get3A_322] {strides = array<i32>} : memref<80x128xf32, #tpu.memory_space<vmem>>, vector<16xf32>,
      %add3A_324 = arith.addf %get3A_320, %get3A_323 : vector<16xf32>
      %bitcast3A_325 = vector.bitcast %add3A_317 : vector<16xf32> to vector<16xi32>
      %bitcast3A_326 = vector.bitcast %add3A_324 : vector<16xf32> to vector<16xi32>
      %add3A_327 = arith.constant 32767 : i32
      %add3A_328 = vector.broadcast %add3A_327 : i32 to vector<16xi32>
      %add3A_329 = arith.addi %bitcast3A_325, %add3A_328 : vector<16xi32>
      %shift_right_logical3A_330 = arith.constant 16 : i32
      %shift_right_logical3A_331 = vector.broadcast %shift_right_logical3A_330 : i32 to vector<16xi32>
      %shift_right_logical3A_332 = arith.shrui %bitcast3A_325, %shift_right_logical3A_331 : vector<16xi32>
      %and3A_333 = arith.constant 1 : i32
      %and3A_334 = vector.broadcast %and3A_333 : i32 to vector<16xi32>
      %and3A_335 = arith.andi %shift_right_logical3A_332, %and3A_334 : vector<16xi32>
      %add3A_336 = arith.addi %add3A_329, %and3A_335 : vector<16xi32>
      %shift_right_logical3A_337 = arith.constant 16 : i32
      %shift_right_logical3A_338 = vector.broadcast %shift_right_logical3A_337 : i32 to vector<16xi32>
      %shift_right_logical3A_339 = arith.shrui %add3A_336, %shift_right_logical3A_338 : vector<16xi32>
      %add3A_340 = arith.constant 32767 : i32
      %add3A_341 = vector.broadcast %add3A_340 : i32 to vector<16xi32>
      %add3A_342 = arith.addi %bitcast3A_326, %add3A_341 : vector<16xi32>
      %shift_right_logical3A_343 = arith.constant 16 : i32
      %shift_right_logical3A_344 = vector.broadcast %shift_right_logical3A_343 : i32 to vector<16xi32>
      %shift_right_logical3A_345 = arith.shrui %bitcast3A_326, %shift_right_logical3A_344 : vector<16xi32>
      %and3A_346 = arith.constant 1 : i32
      %and3A_347 = vector.broadcast %and3A_346 : i32 to vector<16xi32>
      %and3A_348 = arith.andi %shift_right_logical3A_345, %and3A_347 : vector<16xi32>
      %add3A_349 = arith.addi %add3A_342, %and3A_348 : vector<16xi32>
      %shift_right_logical3A_350 = arith.constant 16 : i32
      %shift_right_logical3A_351 = vector.broadcast %shift_right_logical3A_350 : i32 to vector<16xi32>
      %shift_right_logical3A_352 = arith.shrui %add3A_349, %shift_right_logical3A_351 : vector<16xi32>
      %shift_left3A_353 = arith.constant 16 : i32
      %shift_left3A_354 = vector.broadcast %shift_left3A_353 : i32 to vector<16xi32>
      %shift_left3A_355 = arith.shli %shift_right_logical3A_352, %shift_left3A_354 : vector<16xi32>
      %or3A_356 = arith.ori %shift_right_logical3A_339, %shift_left3A_355 : vector<16xi32>
      %bitcast3A_357 = vector.bitcast %or3A_356 : vector<16xi32> to vector<16xi32>
      %swap3A_358 = arith.index_cast %scan3A_162 : i32 to index
      %swap3A_359 = arith.constant 48 : index
      %swap3A_360 = tpu.vector_load %arg23[%swap3A_358, %swap3A_359] {strides = array<i32>} : memref<40x128xi32, #tpu.memory_space<vmem>>, vector<16xi32>,
      tpu.vector_store %arg23[%swap3A_358, %swap3A_359], %bitcast3A_357 {strides = array<i32>} : memref<40x128xi32, #tpu.memory_space<vmem>>, vector<16xi32>,
      %mul3A_361 = arith.constant 2 : i32
      %mul3A_362 = arith.muli %mul3A_361, %scan3A_162 : i32
      %add3A_363 = arith.constant 1 : i32
      %add3A_364 = arith.addi %mul3A_362, %add3A_363 : i32
      %get3A_365 = arith.index_cast %add3A_364 : i32 to index
      %get3A_366 = arith.constant 0 : index
      %get3A_367 = tpu.vector_load %arg15[%get3A_365, %get3A_366] {strides = array<i32>} : memref<80x128xf32, #tpu.memory_space<vmem>>, vector<16xf32>,
      %get3A_368 = arith.index_cast %add3A_364 : i32 to index
      %get3A_369 = arith.constant 0 : index
      %get3A_370 = tpu.vector_load %arg19[%get3A_368, %get3A_369] {strides = array<i32>} : memref<80x128xf32, #tpu.memory_space<vmem>>, vector<16xf32>,
      %add3A_371 = arith.addf %get3A_367, %get3A_370 : vector<16xf32>
      %get3A_372 = arith.index_cast %add3A_364 : i32 to index
      %get3A_373 = arith.constant 16 : index
      %get3A_374 = tpu.vector_load %arg15[%get3A_372, %get3A_373] {strides = array<i32>} : memref<80x128xf32, #tpu.memory_space<vmem>>, vector<16xf32>,
      %get3A_375 = arith.index_cast %add3A_364 : i32 to index
      %get3A_376 = arith.constant 16 : index
      %get3A_377 = tpu.vector_load %arg19[%get3A_375, %get3A_376] {strides = array<i32>} : memref<80x128xf32, #tpu.memory_space<vmem>>, vector<16xf32>,
      %add3A_378 = arith.addf %get3A_374, %get3A_377 : vector<16xf32>
      %bitcast3A_379 = vector.bitcast %add3A_371 : vector<16xf32> to vector<16xi32>
      %bitcast3A_380 = vector.bitcast %add3A_378 : vector<16xf32> to vector<16xi32>
      %add3A_381 = arith.constant 32767 : i32
      %add3A_382 = vector.broadcast %add3A_381 : i32 to vector<16xi32>
      %add3A_383 = arith.addi %bitcast3A_379, %add3A_382 : vector<16xi32>
      %shift_right_logical3A_384 = arith.constant 16 : i32
      %shift_right_logical3A_385 = vector.broadcast %shift_right_logical3A_384 : i32 to vector<16xi32>
      %shift_right_logical3A_386 = arith.shrui %bitcast3A_379, %shift_right_logical3A_385 : vector<16xi32>
      %and3A_387 = arith.constant 1 : i32
      %and3A_388 = vector.broadcast %and3A_387 : i32 to vector<16xi32>
      %and3A_389 = arith.andi %shift_right_logical3A_386, %and3A_388 : vector<16xi32>
      %add3A_390 = arith.addi %add3A_383, %and3A_389 : vector<16xi32>
      %shift_right_logical3A_391 = arith.constant 16 : i32
      %shift_right_logical3A_392 = vector.broadcast %shift_right_logical3A_391 : i32 to vector<16xi32>
      %shift_right_logical3A_393 = arith.shrui %add3A_390, %shift_right_logical3A_392 : vector<16xi32>
      %add3A_394 = arith.constant 32767 : i32
      %add3A_395 = vector.broadcast %add3A_394 : i32 to vector<16xi32>
      %add3A_396 = arith.addi %bitcast3A_380, %add3A_395 : vector<16xi32>
      %shift_right_logical3A_397 = arith.constant 16 : i32
      %shift_right_logical3A_398 = vector.broadcast %shift_right_logical3A_397 : i32 to vector<16xi32>
      %shift_right_logical3A_399 = arith.shrui %bitcast3A_380, %shift_right_logical3A_398 : vector<16xi32>
      %and3A_400 = arith.constant 1 : i32
      %and3A_401 = vector.broadcast %and3A_400 : i32 to vector<16xi32>
      %and3A_402 = arith.andi %shift_right_logical3A_399, %and3A_401 : vector<16xi32>
      %add3A_403 = arith.addi %add3A_396, %and3A_402 : vector<16xi32>
      %shift_right_logical3A_404 = arith.constant 16 : i32
      %shift_right_logical3A_405 = vector.broadcast %shift_right_logical3A_404 : i32 to vector<16xi32>
      %shift_right_logical3A_406 = arith.shrui %add3A_403, %shift_right_logical3A_405 : vector<16xi32>
      %shift_left3A_407 = arith.constant 16 : i32
      %shift_left3A_408 = vector.broadcast %shift_left3A_407 : i32 to vector<16xi32>
      %shift_left3A_409 = arith.shli %shift_right_logical3A_406, %shift_left3A_408 : vector<16xi32>
      %or3A_410 = arith.ori %shift_right_logical3A_393, %shift_left3A_409 : vector<16xi32>
      %bitcast3A_411 = vector.bitcast %or3A_410 : vector<16xi32> to vector<16xi32>
      %swap3A_412 = arith.index_cast %scan3A_162 : i32 to index
      %swap3A_413 = arith.constant 64 : index
      %swap3A_414 = tpu.vector_load %arg23[%swap3A_412, %swap3A_413] {strides = array<i32>} : memref<40x128xi32, #tpu.memory_space<vmem>>, vector<16xi32>,
      tpu.vector_store %arg23[%swap3A_412, %swap3A_413], %bitcast3A_411 {strides = array<i32>} : memref<40x128xi32, #tpu.memory_space<vmem>>, vector<16xi32>,
      %get3A_415 = arith.index_cast %add3A_364 : i32 to index
      %get3A_416 = arith.constant 32 : index
      %get3A_417 = tpu.vector_load %arg15[%get3A_415, %get3A_416] {strides = array<i32>} : memref<80x128xf32, #tpu.memory_space<vmem>>, vector<16xf32>,
      %get3A_418 = arith.index_cast %add3A_364 : i32 to index
      %get3A_419 = arith.constant 32 : index
      %get3A_420 = tpu.vector_load %arg19[%get3A_418, %get3A_419] {strides = array<i32>} : memref<80x128xf32, #tpu.memory_space<vmem>>, vector<16xf32>,
      %add3A_421 = arith.addf %get3A_417, %get3A_420 : vector<16xf32>
      %get3A_422 = arith.index_cast %add3A_364 : i32 to index
      %get3A_423 = arith.constant 48 : index
      %get3A_424 = tpu.vector_load %arg15[%get3A_422, %get3A_423] {strides = array<i32>} : memref<80x128xf32, #tpu.memory_space<vmem>>, vector<16xf32>,
      %get3A_425 = arith.index_cast %add3A_364 : i32 to index
      %get3A_426 = arith.constant 48 : index
      %get3A_427 = tpu.vector_load %arg19[%get3A_425, %get3A_426] {strides = array<i32>} : memref<80x128xf32, #tpu.memory_space<vmem>>, vector<16xf32>,
      %add3A_428 = arith.addf %get3A_424, %get3A_427 : vector<16xf32>
      %bitcast3A_429 = vector.bitcast %add3A_421 : vector<16xf32> to vector<16xi32>
      %bitcast3A_430 = vector.bitcast %add3A_428 : vector<16xf32> to vector<16xi32>
      %add3A_431 = arith.constant 32767 : i32
      %add3A_432 = vector.broadcast %add3A_431 : i32 to vector<16xi32>
      %add3A_433 = arith.addi %bitcast3A_429, %add3A_432 : vector<16xi32>
      %shift_right_logical3A_434 = arith.constant 16 : i32
      %shift_right_logical3A_435 = vector.broadcast %shift_right_logical3A_434 : i32 to vector<16xi32>
      %shift_right_logical3A_436 = arith.shrui %bitcast3A_429, %shift_right_logical3A_435 : vector<16xi32>
      %and3A_437 = arith.constant 1 : i32
      %and3A_438 = vector.broadcast %and3A_437 : i32 to vector<16xi32>
      %and3A_439 = arith.andi %shift_right_logical3A_436, %and3A_438 : vector<16xi32>
      %add3A_440 = arith.addi %add3A_433, %and3A_439 : vector<16xi32>
      %shift_right_logical3A_441 = arith.constant 16 : i32
      %shift_right_logical3A_442 = vector.broadcast %shift_right_logical3A_441 : i32 to vector<16xi32>
      %shift_right_logical3A_443 = arith.shrui %add3A_440, %shift_right_logical3A_442 : vector<16xi32>
      %add3A_444 = arith.constant 32767 : i32
      %add3A_445 = vector.broadcast %add3A_444 : i32 to vector<16xi32>
      %add3A_446 = arith.addi %bitcast3A_430, %add3A_445 : vector<16xi32>
      %shift_right_logical3A_447 = arith.constant 16 : i32
      %shift_right_logical3A_448 = vector.broadcast %shift_right_logical3A_447 : i32 to vector<16xi32>
      %shift_right_logical3A_449 = arith.shrui %bitcast3A_430, %shift_right_logical3A_448 : vector<16xi32>
      %and3A_450 = arith.constant 1 : i32
      %and3A_451 = vector.broadcast %and3A_450 : i32 to vector<16xi32>
      %and3A_452 = arith.andi %shift_right_logical3A_449, %and3A_451 : vector<16xi32>
      %add3A_453 = arith.addi %add3A_446, %and3A_452 : vector<16xi32>
      %shift_right_logical3A_454 = arith.constant 16 : i32
      %shift_right_logical3A_455 = vector.broadcast %shift_right_logical3A_454 : i32 to vector<16xi32>
      %shift_right_logical3A_456 = arith.shrui %add3A_453, %shift_right_logical3A_455 : vector<16xi32>
      %shift_left3A_457 = arith.constant 16 : i32
      %shift_left3A_458 = vector.broadcast %shift_left3A_457 : i32 to vector<16xi32>
      %shift_left3A_459 = arith.shli %shift_right_logical3A_456, %shift_left3A_458 : vector<16xi32>
      %or3A_460 = arith.ori %shift_right_logical3A_443, %shift_left3A_459 : vector<16xi32>
      %bitcast3A_461 = vector.bitcast %or3A_460 : vector<16xi32> to vector<16xi32>
      %swap3A_462 = arith.index_cast %scan3A_162 : i32 to index
      %swap3A_463 = arith.constant 80 : index
      %swap3A_464 = tpu.vector_load %arg23[%swap3A_462, %swap3A_463] {strides = array<i32>} : memref<40x128xi32, #tpu.memory_space<vmem>>, vector<16xi32>,
      tpu.vector_store %arg23[%swap3A_462, %swap3A_463], %bitcast3A_461 {strides = array<i32>} : memref<40x128xi32, #tpu.memory_space<vmem>>, vector<16xi32>,
      %get3A_465 = arith.index_cast %add3A_364 : i32 to index
      %get3A_466 = arith.constant 64 : index
      %get3A_467 = tpu.vector_load %arg15[%get3A_465, %get3A_466] {strides = array<i32>} : memref<80x128xf32, #tpu.memory_space<vmem>>, vector<16xf32>,
      %get3A_468 = arith.index_cast %add3A_364 : i32 to index
      %get3A_469 = arith.constant 64 : index
      %get3A_470 = tpu.vector_load %arg19[%get3A_468, %get3A_469] {strides = array<i32>} : memref<80x128xf32, #tpu.memory_space<vmem>>, vector<16xf32>,
      %add3A_471 = arith.addf %get3A_467, %get3A_470 : vector<16xf32>
      %get3A_472 = arith.index_cast %add3A_364 : i32 to index
      %get3A_473 = arith.constant 80 : index
      %get3A_474 = tpu.vector_load %arg15[%get3A_472, %get3A_473] {strides = array<i32>} : memref<80x128xf32, #tpu.memory_space<vmem>>, vector<16xf32>,
      %get3A_475 = arith.index_cast %add3A_364 : i32 to index
      %get3A_476 = arith.constant 80 : index
      %get3A_477 = tpu.vector_load %arg19[%get3A_475, %get3A_476] {strides = array<i32>} : memref<80x128xf32, #tpu.memory_space<vmem>>, vector<16xf32>,
      %add3A_478 = arith.addf %get3A_474, %get3A_477 : vector<16xf32>
      %bitcast3A_479 = vector.bitcast %add3A_471 : vector<16xf32> to vector<16xi32>
      %bitcast3A_480 = vector.bitcast %add3A_478 : vector<16xf32> to vector<16xi32>
      %add3A_481 = arith.constant 32767 : i32
      %add3A_482 = vector.broadcast %add3A_481 : i32 to vector<16xi32>
      %add3A_483 = arith.addi %bitcast3A_479, %add3A_482 : vector<16xi32>
      %shift_right_logical3A_484 = arith.constant 16 : i32
      %shift_right_logical3A_485 = vector.broadcast %shift_right_logical3A_484 : i32 to vector<16xi32>
      %shift_right_logical3A_486 = arith.shrui %bitcast3A_479, %shift_right_logical3A_485 : vector<16xi32>
      %and3A_487 = arith.constant 1 : i32
      %and3A_488 = vector.broadcast %and3A_487 : i32 to vector<16xi32>
      %and3A_489 = arith.andi %shift_right_logical3A_486, %and3A_488 : vector<16xi32>
      %add3A_490 = arith.addi %add3A_483, %and3A_489 : vector<16xi32>
      %shift_right_logical3A_491 = arith.constant 16 : i32
      %shift_right_logical3A_492 = vector.broadcast %shift_right_logical3A_491 : i32 to vector<16xi32>
      %shift_right_logical3A_493 = arith.shrui %add3A_490, %shift_right_logical3A_492 : vector<16xi32>
      %add3A_494 = arith.constant 32767 : i32
      %add3A_495 = vector.broadcast %add3A_494 : i32 to vector<16xi32>
      %add3A_496 = arith.addi %bitcast3A_480, %add3A_495 : vector<16xi32>
      %shift_right_logical3A_497 = arith.constant 16 : i32
      %shift_right_logical3A_498 = vector.broadcast %shift_right_logical3A_497 : i32 to vector<16xi32>
      %shift_right_logical3A_499 = arith.shrui %bitcast3A_480, %shift_right_logical3A_498 : vector<16xi32>
      %and3A_500 = arith.constant 1 : i32
      %and3A_501 = vector.broadcast %and3A_500 : i32 to vector<16xi32>
      %and3A_502 = arith.andi %shift_right_logical3A_499, %and3A_501 : vector<16xi32>
      %add3A_503 = arith.addi %add3A_496, %and3A_502 : vector<16xi32>
      %shift_right_logical3A_504 = arith.constant 16 : i32
      %shift_right_logical3A_505 = vector.broadcast %shift_right_logical3A_504 : i32 to vector<16xi32>
      %shift_right_logical3A_506 = arith.shrui %add3A_503, %shift_right_logical3A_505 : vector<16xi32>
      %shift_left3A_507 = arith.constant 16 : i32
      %shift_left3A_508 = vector.broadcast %shift_left3A_507 : i32 to vector<16xi32>
      %shift_left3A_509 = arith.shli %shift_right_logical3A_506, %shift_left3A_508 : vector<16xi32>
      %or3A_510 = arith.ori %shift_right_logical3A_493, %shift_left3A_509 : vector<16xi32>
      %bitcast3A_511 = vector.bitcast %or3A_510 : vector<16xi32> to vector<16xi32>
      %swap3A_512 = arith.index_cast %scan3A_162 : i32 to index
      %swap3A_513 = arith.constant 96 : index
      %swap3A_514 = tpu.vector_load %arg23[%swap3A_512, %swap3A_513] {strides = array<i32>} : memref<40x128xi32, #tpu.memory_space<vmem>>, vector<16xi32>,
      tpu.vector_store %arg23[%swap3A_512, %swap3A_513], %bitcast3A_511 {strides = array<i32>} : memref<40x128xi32, #tpu.memory_space<vmem>>, vector<16xi32>,
      %get3A_515 = arith.index_cast %add3A_364 : i32 to index
      %get3A_516 = arith.constant 96 : index
      %get3A_517 = tpu.vector_load %arg15[%get3A_515, %get3A_516] {strides = array<i32>} : memref<80x128xf32, #tpu.memory_space<vmem>>, vector<16xf32>,
      %get3A_518 = arith.index_cast %add3A_364 : i32 to index
      %get3A_519 = arith.constant 96 : index
      %get3A_520 = tpu.vector_load %arg19[%get3A_518, %get3A_519] {strides = array<i32>} : memref<80x128xf32, #tpu.memory_space<vmem>>, vector<16xf32>,
      %add3A_521 = arith.addf %get3A_517, %get3A_520 : vector<16xf32>
      %get3A_522 = arith.index_cast %add3A_364 : i32 to index
      %get3A_523 = arith.constant 112 : index
      %get3A_524 = tpu.vector_load %arg15[%get3A_522, %get3A_523] {strides = array<i32>} : memref<80x128xf32, #tpu.memory_space<vmem>>, vector<16xf32>,
      %get3A_525 = arith.index_cast %add3A_364 : i32 to index
      %get3A_526 = arith.constant 112 : index
      %get3A_527 = tpu.vector_load %arg19[%get3A_525, %get3A_526] {strides = array<i32>} : memref<80x128xf32, #tpu.memory_space<vmem>>, vector<16xf32>,
      %add3A_528 = arith.addf %get3A_524, %get3A_527 : vector<16xf32>
      %bitcast3A_529 = vector.bitcast %add3A_521 : vector<16xf32> to vector<16xi32>
      %bitcast3A_530 = vector.bitcast %add3A_528 : vector<16xf32> to vector<16xi32>
      %add3A_531 = arith.constant 32767 : i32
      %add3A_532 = vector.broadcast %add3A_531 : i32 to vector<16xi32>
      %add3A_533 = arith.addi %bitcast3A_529, %add3A_532 : vector<16xi32>
      %shift_right_logical3A_534 = arith.constant 16 : i32
      %shift_right_logical3A_535 = vector.broadcast %shift_right_logical3A_534 : i32 to vector<16xi32>
      %shift_right_logical3A_536 = arith.shrui %bitcast3A_529, %shift_right_logical3A_535 : vector<16xi32>
      %and3A_537 = arith.constant 1 : i32
      %and3A_538 = vector.broadcast %and3A_537 : i32 to vector<16xi32>
      %and3A_539 = arith.andi %shift_right_logical3A_536, %and3A_538 : vector<16xi32>
      %add3A_540 = arith.addi %add3A_533, %and3A_539 : vector<16xi32>
      %shift_right_logical3A_541 = arith.constant 16 : i32
      %shift_right_logical3A_542 = vector.broadcast %shift_right_logical3A_541 : i32 to vector<16xi32>
      %shift_right_logical3A_543 = arith.shrui %add3A_540, %shift_right_logical3A_542 : vector<16xi32>
      %add3A_544 = arith.constant 32767 : i32
      %add3A_545 = vector.broadcast %add3A_544 : i32 to vector<16xi32>
      %add3A_546 = arith.addi %bitcast3A_530, %add3A_545 : vector<16xi32>
      %shift_right_logical3A_547 = arith.constant 16 : i32
      %shift_right_logical3A_548 = vector.broadcast %shift_right_logical3A_547 : i32 to vector<16xi32>
      %shift_right_logical3A_549 = arith.shrui %bitcast3A_530, %shift_right_logical3A_548 : vector<16xi32>
      %and3A_550 = arith.constant 1 : i32
      %and3A_551 = vector.broadcast %and3A_550 : i32 to vector<16xi32>
      %and3A_552 = arith.andi %shift_right_logical3A_549, %and3A_551 : vector<16xi32>
      %add3A_553 = arith.addi %add3A_546, %and3A_552 : vector<16xi32>
      %shift_right_logical3A_554 = arith.constant 16 : i32
      %shift_right_logical3A_555 = vector.broadcast %shift_right_logical3A_554 : i32 to vector<16xi32>
      %shift_right_logical3A_556 = arith.shrui %add3A_553, %shift_right_logical3A_555 : vector<16xi32>
      %shift_left3A_557 = arith.constant 16 : i32
      %shift_left3A_558 = vector.broadcast %shift_left3A_557 : i32 to vector<16xi32>
      %shift_left3A_559 = arith.shli %shift_right_logical3A_556, %shift_left3A_558 : vector<16xi32>
      %or3A_560 = arith.ori %shift_right_logical3A_543, %shift_left3A_559 : vector<16xi32>
      %bitcast3A_561 = vector.bitcast %or3A_560 : vector<16xi32> to vector<16xi32>
      %swap3A_562 = arith.index_cast %scan3A_162 : i32 to index
      %swap3A_563 = arith.constant 112 : index
      %swap3A_564 = tpu.vector_load %arg23[%swap3A_562, %swap3A_563] {strides = array<i32>} : memref<40x128xi32, #tpu.memory_space<vmem>>, vector<16xi32>,
      tpu.vector_store %arg23[%swap3A_562, %swap3A_563], %bitcast3A_561 {strides = array<i32>} : memref<40x128xi32, #tpu.memory_space<vmem>>, vector<16xi32>,
    }
    %scan3A_124 = arith.constant 40 : i32
    %add3A_125 = arith.constant 9920 : i32
    %add3A_126 = arith.addi %mul3A_2, %add3A_125 : i32
    %jit3A = arith.constant 2 : i32
    %div3A = arith.divsi %add3A_126, %jit3A : i32
    %sign3A = arith.constant 0 : i32
    %sign3A_127 = arith.cmpi sgt, %add3A_126, %sign3A : i32
    %sign3A_128 = arith.extui %sign3A_127 : i1 to i32
    %sign3A_129 = arith.constant 0 : i32
    %sign3A_130 = arith.cmpi slt, %add3A_126, %sign3A_129 : i32
    %sign3A_131 = arith.extui %sign3A_130 : i1 to i32
    %sign3A_132 = arith.subi %sign3A_128, %sign3A_131 : i32
    %sign3A_133 = arith.constant 0 : i32
    %sign3A_134 = arith.cmpi sgt, %jit3A, %sign3A_133 : i32
    %sign3A_135 = arith.extui %sign3A_134 : i1 to i32
    %sign3A_136 = arith.constant 0 : i32
    %sign3A_137 = arith.cmpi slt, %jit3A, %sign3A_136 : i32
    %sign3A_138 = arith.extui %sign3A_137 : i1 to i32
    %sign3A_139 = arith.subi %sign3A_135, %sign3A_138 : i32
    %ne3A = arith.cmpi ne, %sign3A_132, %sign3A_139 : i32
    %rem3A = arith.remsi %add3A_126, %jit3A : i32
    %ne3A_140 = arith.constant 0 : i32
    %ne3A_141 = arith.cmpi ne, %rem3A, %ne3A_140 : i32
    %and3A = arith.andi %ne3A, %ne3A_141 : i1
    %sub3A = arith.constant 1 : i32
    %sub3A_142 = arith.subi %div3A, %sub3A : i32
    %select_n3A = arith.select %and3A, %sub3A_142, %div3A : i32
    %multiple_of3A_143 = tpu.assume_multiple %select_n3A, 8 : i32
    "tpu.region"() ({
      %run_scoped3A = tpu.sem_alloc : memref<!tpu.dma_semaphore, #tpu.memory_space<semaphore_mem>>
      %dma_start3A_162 = arith.constant 0 : i32
      %dma_start3A_163 = tpu.memref_slice %arg6[%multiple_of3A_143, %dma_start3A_162] : memref<160000x128xi32, #tpu.memory_space<hbm>> -> memref<40x128xi32, #tpu.memory_space<hbm>>
      %dma_start3A_164 = arith.constant 0 : i32
      %dma_start3A_165 = tpu.memref_slice %arg6[%multiple_of3A_143, %dma_start3A_164] : memref<160000x128xi32, #tpu.memory_space<hbm>> -> memref<40x128xi32, #tpu.memory_space<hbm>>
      tpu.enqueue_dma source(%arg23 : memref<40x128xi32, #tpu.memory_space<vmem>>) target(%dma_start3A_165 : memref<40x128xi32, #tpu.memory_space<hbm>>) target_semaphore(%run_scoped3A : memref<!tpu.dma_semaphore, #tpu.memory_space<semaphore_mem>>)
      %dma_wait3A_166 = arith.constant 0 : i32
      %dma_wait3A_167 = tpu.memref_slice %arg6[%multiple_of3A_143, %dma_wait3A_166] : memref<160000x128xi32, #tpu.memory_space<hbm>> -> memref<40x128xi32, #tpu.memory_space<hbm>>
      %dma_wait3A_168 = arith.constant 0 : i32
      %dma_wait3A_169 = tpu.memref_slice %arg6[%multiple_of3A_143, %dma_wait3A_168] : memref<160000x128xi32, #tpu.memory_space<hbm>> -> memref<40x128xi32, #tpu.memory_space<hbm>>
      tpu.wait_dma2 semaphore(%run_scoped3A : memref<!tpu.dma_semaphore, #tpu.memory_space<semaphore_mem>>) src(%arg23 : memref<40x128xi32, #tpu.memory_space<vmem>>) dst(%dma_wait3A_169 : memref<40x128xi32, #tpu.memory_space<hbm>>)
      tpu.yield
    }) : () -> ()
    %dma_wait3A_144 = arith.constant 0 : i32
    %dma_wait3A_145 = arith.constant 0 : i32
    %dma_wait3A_146 = tpu.memref_slice %arg6[%dma_wait3A_144, %dma_wait3A_145] : memref<160000x128xi32, #tpu.memory_space<hbm>> -> memref<40x128xi32, #tpu.memory_space<hbm>>
    %dma_wait3A_147 = arith.constant 0 : i32
    %dma_wait3A_148 = arith.constant 0 : i32
    %dma_wait3A_149 = tpu.memref_slice %arg6[%dma_wait3A_147, %dma_wait3A_148] : memref<160000x128xi32, #tpu.memory_space<hbm>> -> memref<40x128xi32, #tpu.memory_space<hbm>>
    tpu.wait_dma2 semaphore(%arg44 : memref<!tpu.dma_semaphore, #tpu.memory_space<semaphore_mem>>) src(%arg24 : memref<40x128xi32, #tpu.memory_space<vmem>>) dst(%dma_wait3A_149 : memref<40x128xi32, #tpu.memory_space<hbm>>)
    %dma_wait3A_150 = arith.constant 0 : i32
    %dma_wait3A_151 = arith.constant 0 : i32
    %dma_wait3A_152 = tpu.memref_slice %arg6[%dma_wait3A_150, %dma_wait3A_151] : memref<160000x128xi32, #tpu.memory_space<hbm>> -> memref<40x128xi32, #tpu.memory_space<hbm>>
    %dma_wait3A_153 = arith.constant 0 : i32
    %dma_wait3A_154 = arith.constant 0 : i32
    %dma_wait3A_155 = tpu.memref_slice %arg6[%dma_wait3A_153, %dma_wait3A_154] : memref<160000x128xi32, #tpu.memory_space<hbm>> -> memref<40x128xi32, #tpu.memory_space<hbm>>
    tpu.wait_dma2 semaphore(%arg45 : memref<!tpu.dma_semaphore, #tpu.memory_space<semaphore_mem>>) src(%arg25 : memref<40x128xi32, #tpu.memory_space<vmem>>) dst(%dma_wait3A_155 : memref<40x128xi32, #tpu.memory_space<hbm>>)
    %dma_wait3A_156 = arith.constant 0 : i32
    %dma_wait3A_157 = arith.constant 0 : i32
    %dma_wait3A_158 = tpu.memref_slice %arg6[%dma_wait3A_156, %dma_wait3A_157] : memref<160000x128xi32, #tpu.memory_space<hbm>> -> memref<40x128xi32, #tpu.memory_space<hbm>>
    %dma_wait3A_159 = arith.constant 0 : i32
    %dma_wait3A_160 = arith.constant 0 : i32
    %dma_wait3A_161 = tpu.memref_slice %arg6[%dma_wait3A_159, %dma_wait3A_160] : memref<160000x128xi32, #tpu.memory_space<hbm>> -> memref<40x128xi32, #tpu.memory_space<hbm>>
    tpu.wait_dma2 semaphore(%arg46 : memref<!tpu.dma_semaphore, #tpu.memory_space<semaphore_mem>>) src(%arg26 : memref<40x128xi32, #tpu.memory_space<vmem>>) dst(%dma_wait3A_161 : memref<40x128xi32, #tpu.memory_space<hbm>>)
    return
  }
}

#map = affine_map<(d0, d1) -> (0)>
#map1 = affine_map<(d0, d1) -> (0, 0)>
module attributes {stable_mosaic.version = 14 : i64} {
  func.func @_scatter_body(%arg0: i32, %arg1: i32, %arg2: memref<320000xf32, #tpu.memory_space<hbm>>, %arg3: memref<960000xf32, #tpu.memory_space<hbm>>, %arg4: memref<320000xi32, #tpu.memory_space<hbm>>, %arg5: memref<32x30000xf32, #tpu.memory_space<hbm>>, %arg6: memref<30000xf32, #tpu.memory_space<vmem>>, %arg7: memref<2000xi32, #tpu.memory_space<vmem>>, %arg8: memref<2000xf32, #tpu.memory_space<vmem>>, %arg9: memref<6000xf32, #tpu.memory_space<vmem>>) attributes {dimension_semantics = [#tpu.dimension_semantics<core_parallel>, #tpu.dimension_semantics<subcore_parallel>], iteration_bounds = array<i64: 2, 16>, scalar_prefetch = 0 : i64, scratch_operands = 4 : i64, tpu.core_type = #tpu.core_type<sc_vector_subcore>, window_params = [{transform_indices = #map}, {transform_indices = #map}, {transform_indices = #map}, {transform_indices = #map1}]} {
    %mul3A = arith.constant 2 : i32
    %mul3A_0 = arith.muli %arg1, %mul3A : i32
    %add3A = arith.addi %mul3A_0, %arg0 : i32
    %mul3A_1 = arith.constant 10000 : i32
    %mul3A_2 = arith.muli %add3A, %mul3A_1 : i32
    %broadcast_in_dim3A = arith.constant 0.000000e+00 : f32
    %broadcast_in_dim3A_3 = vector.broadcast %broadcast_in_dim3A : f32 to vector<16xf32>
    %scan3A = arith.constant 0 : i32
    %scan3A_4 = arith.constant 0 : i32
    %scan3A_5 = arith.constant 1875 : i32
    %scan3A_6 = arith.addi %scan3A_4, %scan3A_5 : i32
    %scan3A_7 = arith.constant 1 : i32
    scf.for %scan3A_18 = %scan3A_4 to %scan3A_6 step %scan3A_7  : i32 {
      %mul3A_19 = arith.constant 16 : i32
      %mul3A_20 = arith.muli %scan3A_18, %mul3A_19 : i32
      %swap3A = arith.index_cast %mul3A_20 : i32 to index
      %swap3A_21 = tpu.vector_load %arg6[%swap3A] {strides = array<i32>} : memref<30000xf32, #tpu.memory_space<vmem>>, vector<16xf32>,
      tpu.vector_store %arg6[%swap3A], %broadcast_in_dim3A_3 {strides = array<i32>} : memref<30000xf32, #tpu.memory_space<vmem>>, vector<16xf32>,
    }
    %scan3A_8 = arith.constant 1875 : i32
    %iota3A = tpu.iota {dimensions = array<i32: 0>} : vector<16xi32>
    %mul3A_9 = arith.constant 3 : i32
    %mul3A_10 = vector.broadcast %mul3A_9 : i32 to vector<16xi32>
    %mul3A_11 = arith.muli %iota3A, %mul3A_10 : vector<16xi32>
    %scan3A_12 = arith.constant 0 : i32
    %scan3A_13 = arith.constant 0 : i32
    %scan3A_14 = arith.constant 5 : i32
    %scan3A_15 = arith.addi %scan3A_13, %scan3A_14 : i32
    %scan3A_16 = arith.constant 1 : i32
    scf.for %scan3A_18 = %scan3A_13 to %scan3A_15 step %scan3A_16  : i32 {
      %mul3A_19 = arith.constant 2000 : i32
      %mul3A_20 = arith.muli %scan3A_18, %mul3A_19 : i32
      %add3A_21 = arith.addi %mul3A_2, %mul3A_20 : i32
      %multiple_of3A = tpu.assume_multiple %add3A_21, 8 : i32
      "tpu.region"() ({
        %run_scoped3A = tpu.sem_alloc : memref<!tpu.dma_semaphore, #tpu.memory_space<semaphore_mem>>
        %dma_start3A = tpu.memref_slice %arg4[%multiple_of3A] : memref<320000xi32, #tpu.memory_space<hbm>> -> memref<2000xi32, #tpu.memory_space<hbm>>
        %dma_start3A_31 = tpu.memref_slice %arg4[%multiple_of3A] : memref<320000xi32, #tpu.memory_space<hbm>> -> memref<2000xi32, #tpu.memory_space<hbm>>
        tpu.enqueue_dma source(%dma_start3A_31 : memref<2000xi32, #tpu.memory_space<hbm>>) target(%arg7 : memref<2000xi32, #tpu.memory_space<vmem>>) target_semaphore(%run_scoped3A : memref<!tpu.dma_semaphore, #tpu.memory_space<semaphore_mem>>)
        %dma_wait3A = tpu.memref_slice %arg4[%multiple_of3A] : memref<320000xi32, #tpu.memory_space<hbm>> -> memref<2000xi32, #tpu.memory_space<hbm>>
        %dma_wait3A_32 = tpu.memref_slice %arg4[%multiple_of3A] : memref<320000xi32, #tpu.memory_space<hbm>> -> memref<2000xi32, #tpu.memory_space<hbm>>
        tpu.wait_dma2 semaphore(%run_scoped3A : memref<!tpu.dma_semaphore, #tpu.memory_space<semaphore_mem>>) src(%dma_wait3A_32 : memref<2000xi32, #tpu.memory_space<hbm>>) dst(%arg7 : memref<2000xi32, #tpu.memory_space<vmem>>)
        tpu.yield
      }) : () -> ()
      "tpu.region"() ({
        %run_scoped3A = tpu.sem_alloc : memref<!tpu.dma_semaphore, #tpu.memory_space<semaphore_mem>>
        %dma_start3A = tpu.memref_slice %arg2[%multiple_of3A] : memref<320000xf32, #tpu.memory_space<hbm>> -> memref<2000xf32, #tpu.memory_space<hbm>>
        %dma_start3A_31 = tpu.memref_slice %arg2[%multiple_of3A] : memref<320000xf32, #tpu.memory_space<hbm>> -> memref<2000xf32, #tpu.memory_space<hbm>>
        tpu.enqueue_dma source(%dma_start3A_31 : memref<2000xf32, #tpu.memory_space<hbm>>) target(%arg8 : memref<2000xf32, #tpu.memory_space<vmem>>) target_semaphore(%run_scoped3A : memref<!tpu.dma_semaphore, #tpu.memory_space<semaphore_mem>>)
        %dma_wait3A = tpu.memref_slice %arg2[%multiple_of3A] : memref<320000xf32, #tpu.memory_space<hbm>> -> memref<2000xf32, #tpu.memory_space<hbm>>
        %dma_wait3A_32 = tpu.memref_slice %arg2[%multiple_of3A] : memref<320000xf32, #tpu.memory_space<hbm>> -> memref<2000xf32, #tpu.memory_space<hbm>>
        tpu.wait_dma2 semaphore(%run_scoped3A : memref<!tpu.dma_semaphore, #tpu.memory_space<semaphore_mem>>) src(%dma_wait3A_32 : memref<2000xf32, #tpu.memory_space<hbm>>) dst(%arg8 : memref<2000xf32, #tpu.memory_space<vmem>>)
        tpu.yield
      }) : () -> ()
      %mul3A_22 = arith.constant 3 : i32
      %mul3A_23 = arith.muli %mul3A_22, %multiple_of3A : i32
      %multiple_of3A_24 = tpu.assume_multiple %mul3A_23, 8 : i32
      "tpu.region"() ({
        %run_scoped3A = tpu.sem_alloc : memref<!tpu.dma_semaphore, #tpu.memory_space<semaphore_mem>>
        %dma_start3A = tpu.memref_slice %arg3[%multiple_of3A_24] : memref<960000xf32, #tpu.memory_space<hbm>> -> memref<6000xf32, #tpu.memory_space<hbm>>
        %dma_start3A_31 = tpu.memref_slice %arg3[%multiple_of3A_24] : memref<960000xf32, #tpu.memory_space<hbm>> -> memref<6000xf32, #tpu.memory_space<hbm>>
        tpu.enqueue_dma source(%dma_start3A_31 : memref<6000xf32, #tpu.memory_space<hbm>>) target(%arg9 : memref<6000xf32, #tpu.memory_space<vmem>>) target_semaphore(%run_scoped3A : memref<!tpu.dma_semaphore, #tpu.memory_space<semaphore_mem>>)
        %dma_wait3A = tpu.memref_slice %arg3[%multiple_of3A_24] : memref<960000xf32, #tpu.memory_space<hbm>> -> memref<6000xf32, #tpu.memory_space<hbm>>
        %dma_wait3A_32 = tpu.memref_slice %arg3[%multiple_of3A_24] : memref<960000xf32, #tpu.memory_space<hbm>> -> memref<6000xf32, #tpu.memory_space<hbm>>
        tpu.wait_dma2 semaphore(%run_scoped3A : memref<!tpu.dma_semaphore, #tpu.memory_space<semaphore_mem>>) src(%dma_wait3A_32 : memref<6000xf32, #tpu.memory_space<hbm>>) dst(%arg9 : memref<6000xf32, #tpu.memory_space<vmem>>)
        tpu.yield
      }) : () -> ()
      %scan3A_25 = arith.constant 0 : i32
      %scan3A_26 = arith.constant 0 : i32
      %scan3A_27 = arith.constant 125 : i32
      %scan3A_28 = arith.addi %scan3A_26, %scan3A_27 : i32
      %scan3A_29 = arith.constant 1 : i32
      scf.for %scan3A_31 = %scan3A_26 to %scan3A_28 step %scan3A_29  : i32 {
        %mul3A_32 = arith.constant 16 : i32
        %mul3A_33 = arith.muli %scan3A_31, %mul3A_32 : i32
        %get3A = arith.index_cast %mul3A_33 : i32 to index
        %get3A_34 = tpu.vector_load %arg7[%get3A] {strides = array<i32>} : memref<2000xi32, #tpu.memory_space<vmem>>, vector<16xi32>,
        %get3A_35 = arith.index_cast %mul3A_33 : i32 to index
        %get3A_36 = tpu.vector_load %arg8[%get3A_35] {strides = array<i32>} : memref<2000xf32, #tpu.memory_space<vmem>>, vector<16xf32>,
        %mul3A_37 = arith.constant 48 : i32
        %mul3A_38 = arith.muli %scan3A_31, %mul3A_37 : i32
        %add3A_39 = vector.broadcast %mul3A_38 : i32 to vector<16xi32>
        %add3A_40 = arith.addi %add3A_39, %mul3A_11 : vector<16xi32>
        %add3A_41 = arith.constant 0 : i32
        %add3A_42 = vector.broadcast %add3A_41 : i32 to vector<16xi32>
        %add3A_43 = arith.addi %add3A_40, %add3A_42 : vector<16xi32>
        %gather3A = tpu.vector_load_idx %arg9[%add3A_43] : memref<6000xf32, #tpu.memory_space<vmem>>[vector<16xi32>], vector<16xf32>,
        %add3A_44 = arith.constant 0 : i32
        %add3A_45 = vector.broadcast %add3A_44 : i32 to vector<16xi32>
        %add3A_46 = arith.addi %get3A_34, %add3A_45 : vector<16xi32>
        %mul3A_47 = arith.mulf %gather3A, %get3A_36 : vector<16xf32>
        tpu.vector_store_idx %arg6[%add3A_46], %mul3A_47 {add = true} : memref<30000xf32, #tpu.memory_space<vmem>>[vector<16xi32>], vector<16xf32>,
        %add3A_48 = arith.constant 1 : i32
        %add3A_49 = vector.broadcast %add3A_48 : i32 to vector<16xi32>
        %add3A_50 = arith.addi %add3A_40, %add3A_49 : vector<16xi32>
        %gather3A_51 = tpu.vector_load_idx %arg9[%add3A_50] : memref<6000xf32, #tpu.memory_space<vmem>>[vector<16xi32>], vector<16xf32>,
        %add3A_52 = arith.constant 10000 : i32
        %add3A_53 = vector.broadcast %add3A_52 : i32 to vector<16xi32>
        %add3A_54 = arith.addi %get3A_34, %add3A_53 : vector<16xi32>
        %mul3A_55 = arith.mulf %gather3A_51, %get3A_36 : vector<16xf32>
        tpu.vector_store_idx %arg6[%add3A_54], %mul3A_55 {add = true} : memref<30000xf32, #tpu.memory_space<vmem>>[vector<16xi32>], vector<16xf32>,
        %add3A_56 = arith.constant 2 : i32
        %add3A_57 = vector.broadcast %add3A_56 : i32 to vector<16xi32>
        %add3A_58 = arith.addi %add3A_40, %add3A_57 : vector<16xi32>
        %gather3A_59 = tpu.vector_load_idx %arg9[%add3A_58] : memref<6000xf32, #tpu.memory_space<vmem>>[vector<16xi32>], vector<16xf32>,
        %add3A_60 = arith.constant 20000 : i32
        %add3A_61 = vector.broadcast %add3A_60 : i32 to vector<16xi32>
        %add3A_62 = arith.addi %get3A_34, %add3A_61 : vector<16xi32>
        %mul3A_63 = arith.mulf %gather3A_59, %get3A_36 : vector<16xf32>
        tpu.vector_store_idx %arg6[%add3A_62], %mul3A_63 {add = true} : memref<30000xf32, #tpu.memory_space<vmem>>[vector<16xi32>], vector<16xf32>,
      }
      %scan3A_30 = arith.constant 125 : i32
    }
    %scan3A_17 = arith.constant 5 : i32
    "tpu.region"() ({
      %run_scoped3A = tpu.sem_alloc : memref<!tpu.dma_semaphore, #tpu.memory_space<semaphore_mem>>
      %dma_start3A = arith.constant 0 : i32
      %dma_start3A_18 = tpu.memref_slice %arg5[%add3A, %dma_start3A] : memref<32x30000xf32, #tpu.memory_space<hbm>> -> memref<1x30000xf32, #tpu.memory_space<hbm>>
      %dma_start3A_19 = tpu.memref_squeeze %dma_start3A_18 : memref<1x30000xf32, #tpu.memory_space<hbm>> -> memref<30000xf32, #tpu.memory_space<hbm>>
      %dma_start3A_20 = arith.constant 0 : i32
      %dma_start3A_21 = tpu.memref_slice %arg5[%add3A, %dma_start3A_20] : memref<32x30000xf32, #tpu.memory_space<hbm>> -> memref<1x30000xf32, #tpu.memory_space<hbm>>
      %dma_start3A_22 = tpu.memref_squeeze %dma_start3A_21 : memref<1x30000xf32, #tpu.memory_space<hbm>> -> memref<30000xf32, #tpu.memory_space<hbm>>
      tpu.enqueue_dma source(%arg6 : memref<30000xf32, #tpu.memory_space<vmem>>) target(%dma_start3A_22 : memref<30000xf32, #tpu.memory_space<hbm>>) target_semaphore(%run_scoped3A : memref<!tpu.dma_semaphore, #tpu.memory_space<semaphore_mem>>)
      %dma_wait3A = arith.constant 0 : i32
      %dma_wait3A_23 = tpu.memref_slice %arg5[%add3A, %dma_wait3A] : memref<32x30000xf32, #tpu.memory_space<hbm>> -> memref<1x30000xf32, #tpu.memory_space<hbm>>
      %dma_wait3A_24 = tpu.memref_squeeze %dma_wait3A_23 : memref<1x30000xf32, #tpu.memory_space<hbm>> -> memref<30000xf32, #tpu.memory_space<hbm>>
      %dma_wait3A_25 = arith.constant 0 : i32
      %dma_wait3A_26 = tpu.memref_slice %arg5[%add3A, %dma_wait3A_25] : memref<32x30000xf32, #tpu.memory_space<hbm>> -> memref<1x30000xf32, #tpu.memory_space<hbm>>
      %dma_wait3A_27 = tpu.memref_squeeze %dma_wait3A_26 : memref<1x30000xf32, #tpu.memory_space<hbm>> -> memref<30000xf32, #tpu.memory_space<hbm>>
      tpu.wait_dma2 semaphore(%run_scoped3A : memref<!tpu.dma_semaphore, #tpu.memory_space<semaphore_mem>>) src(%arg6 : memref<30000xf32, #tpu.memory_space<vmem>>) dst(%dma_wait3A_27 : memref<30000xf32, #tpu.memory_space<hbm>>)
      tpu.yield
    }) : () -> ()
    return
  }
}

module attributes {stable_mosaic.version = 14 : i64} {
  func.func @_tables_body(%arg0: i32, %arg1: memref<2000x128xf32, #tpu.memory_space<vmem>>, %arg2: memref<128x128xf32, #tpu.memory_space<vmem>>, %arg3: memref<128x128xf32, #tpu.memory_space<vmem>>, %arg4: memref<1x128xf32, #tpu.memory_space<vmem>>, %arg5: memref<2000x128xf32, #tpu.memory_space<vmem>>, %arg6: memref<2000x128xf32, #tpu.memory_space<vmem>>) attributes {dimension_semantics = [#tpu.dimension_semantics<arbitrary>], iteration_bounds = array<i64: 5>, scalar_prefetch = 0 : i64, scratch_operands = 0 : i64, tpu.core_type = #tpu.core_type<tc>, window_params = [{transform_indices = @transform_0, window_bounds = array<i64: 2000, 128>}, {pipeline_mode = #tpu.pipeline_mode<synchronous>, transform_indices = @transform_1, window_bounds = array<i64: 128, 128>}, {pipeline_mode = #tpu.pipeline_mode<synchronous>, transform_indices = @transform_2, window_bounds = array<i64: 128, 128>}, {pipeline_mode = #tpu.pipeline_mode<synchronous>, transform_indices = @transform_3, window_bounds = array<i64: 1, 128>}, {transform_indices = @transform_4, window_bounds = array<i64: 2000, 128>}, {transform_indices = @transform_5, window_bounds = array<i64: 2000, 128>}]} {
    %get3A = arith.constant 0 : index
    %get3A_0 = arith.constant 0 : index
    %get3A_1 = vector.load %arg1[%get3A, %get3A_0] : memref<2000x128xf32, #tpu.memory_space<vmem>>, vector<2000x128xf32>
    %get3A_2 = arith.constant 0 : index
    %get3A_3 = arith.constant 0 : index
    %get3A_4 = vector.load %arg2[%get3A_2, %get3A_3] : memref<128x128xf32, #tpu.memory_space<vmem>>, vector<128x128xf32>
    %dot_general3A = arith.constant dense<0.000000e+00> : vector<2000x128xf32>
    %dot_general3A_5 = tpu.matmul %get3A_1, %get3A_4, %dot_general3A {dimension_numbers = #tpu.dot_dimension_numbers<[1], [0], [0], [1], [0, 0, 1, 1], [], []>, transpose_lhs_hint = false} : vector<2000x128xf32>, vector<128x128xf32>, vector<2000x128xf32> -> vector<2000x128xf32>
    %swap3A = arith.constant 0 : index
    %swap3A_6 = arith.constant 0 : index
    %swap3A_7 = vector.load %arg5[%swap3A, %swap3A_6] : memref<2000x128xf32, #tpu.memory_space<vmem>>, vector<2000x128xf32>
    tpu.vector_store %arg5[%swap3A, %swap3A_6], %dot_general3A_5 {strides = array<i32>} : memref<2000x128xf32, #tpu.memory_space<vmem>>, vector<2000x128xf32>,
    %get3A_8 = arith.constant 0 : index
    %get3A_9 = arith.constant 0 : index
    %get3A_10 = vector.load %arg3[%get3A_8, %get3A_9] : memref<128x128xf32, #tpu.memory_space<vmem>>, vector<128x128xf32>
    %dot_general3A_11 = arith.constant dense<0.000000e+00> : vector<2000x128xf32>
    %dot_general3A_12 = tpu.matmul %get3A_1, %get3A_10, %dot_general3A_11 {dimension_numbers = #tpu.dot_dimension_numbers<[1], [0], [0], [1], [0, 0, 1, 1], [], []>, transpose_lhs_hint = false} : vector<2000x128xf32>, vector<128x128xf32>, vector<2000x128xf32> -> vector<2000x128xf32>
    %get3A_13 = arith.constant 0 : index
    %get3A_14 = arith.constant 0 : index
    %get3A_15 = vector.load %arg4[%get3A_13, %get3A_14] : memref<1x128xf32, #tpu.memory_space<vmem>>, vector<1x128xf32>
    %add3A = vector.broadcast %get3A_15 : vector<1x128xf32> to vector<2000x128xf32>
    %add3A_16 = arith.addf %dot_general3A_12, %add3A : vector<2000x128xf32>
    %swap3A_17 = arith.constant 0 : index
    %swap3A_18 = arith.constant 0 : index
    %swap3A_19 = vector.load %arg6[%swap3A_17, %swap3A_18] : memref<2000x128xf32, #tpu.memory_space<vmem>>, vector<2000x128xf32>
    tpu.vector_store %arg6[%swap3A_17, %swap3A_18], %add3A_16 {strides = array<i32>} : memref<2000x128xf32, #tpu.memory_space<vmem>>, vector<2000x128xf32>,
    return
  }
  func.func @transform_0(%arg0: i32) -> (i32, i32) {
    %c0_i32 = arith.constant 0 : i32
    %c0_i32_0 = arith.constant 0 : i32
    return %arg0, %c0_i32 : i32, i32
  }
  func.func @transform_1(%arg0: i32) -> (i32, i32) {
    %c0_i32 = arith.constant 0 : i32
    %c0_i32_0 = arith.constant 0 : i32
    %c0_i32_1 = arith.constant 0 : i32
    return %c0_i32, %c0_i32_0 : i32, i32
  }
  func.func @transform_2(%arg0: i32) -> (i32, i32) {
    %c0_i32 = arith.constant 0 : i32
    %c0_i32_0 = arith.constant 0 : i32
    %c0_i32_1 = arith.constant 0 : i32
    return %c0_i32, %c0_i32_0 : i32, i32
  }
  func.func @transform_3(%arg0: i32) -> (i32, i32) {
    %c0_i32 = arith.constant 0 : i32
    %c0_i32_0 = arith.constant 0 : i32
    %c0_i32_1 = arith.constant 0 : i32
    return %c0_i32, %c0_i32_0 : i32, i32
  }
  func.func @transform_4(%arg0: i32) -> (i32, i32) {
    %c0_i32 = arith.constant 0 : i32
    %c0_i32_0 = arith.constant 0 : i32
    return %arg0, %c0_i32 : i32, i32
  }
  func.func @transform_5(%arg0: i32) -> (i32, i32) {
    %c0_i32 = arith.constant 0 : i32
    %c0_i32_0 = arith.constant 0 : i32
    return %arg0, %c0_i32 : i32, i32
  }
}

module attributes {stable_mosaic.version = 14 : i64} {
  func.func @_mlp_body(%arg0: i32, %arg1: memref<1600x128xi32, #tpu.memory_space<vmem>>, %arg2: memref<1600x2xf32, #tpu.memory_space<vmem>>, %arg3: memref<1x64xf32, #tpu.memory_space<vmem>>, %arg4: memref<1x64xf32, #tpu.memory_space<vmem>>, %arg5: memref<128x128xbf16, #tpu.memory_space<vmem>>, %arg6: memref<1x128xf32, #tpu.memory_space<vmem>>, %arg7: memref<128x1xbf16, #tpu.memory_space<vmem>>, %arg8: memref<1600x2xf32, #tpu.memory_space<vmem>>) attributes {dimension_semantics = [#tpu.dimension_semantics<arbitrary>], iteration_bounds = array<i64: 100>, scalar_prefetch = 0 : i64, scratch_operands = 0 : i64, tpu.core_type = #tpu.core_type<tc>, window_params = [{transform_indices = @transform_0, window_bounds = array<i64: 1600, 128>}, {transform_indices = @transform_1, window_bounds = array<i64: 1600, 2>}, {pipeline_mode = #tpu.pipeline_mode<synchronous>, transform_indices = @transform_2, window_bounds = array<i64: 1, 64>}, {pipeline_mode = #tpu.pipeline_mode<synchronous>, transform_indices = @transform_3, window_bounds = array<i64: 1, 64>}, {pipeline_mode = #tpu.pipeline_mode<synchronous>, transform_indices = @transform_4, window_bounds = array<i64: 128, 128>}, {pipeline_mode = #tpu.pipeline_mode<synchronous>, transform_indices = @transform_5, window_bounds = array<i64: 1, 128>}, {pipeline_mode = #tpu.pipeline_mode<synchronous>, transform_indices = @transform_6, window_bounds = array<i64: 128, 1>}, {transform_indices = @transform_7, window_bounds = array<i64: 1600, 2>}]} {
    %get3A = arith.constant 0 : index
    %get3A_0 = arith.constant 0 : index
    %get3A_1 = vector.load %arg1[%get3A, %get3A_0] : memref<1600x128xi32, #tpu.memory_space<vmem>>, vector<1600x128xi32>
    %shift_left3A = arith.constant 16 : i32
    %shift_left3A_2 = vector.broadcast %shift_left3A : i32 to vector<1600x128xi32>
    %shift_left3A_3 = arith.shli %get3A_1, %shift_left3A_2 : vector<1600x128xi32>
    %bitcast_convert_type3A = tpu.bitcast %shift_left3A_3 : vector<1600x128xi32> -> vector<1600x128xf32>
    %and3A = arith.constant -65536 : i32
    %and3A_4 = vector.broadcast %and3A : i32 to vector<1600x128xi32>
    %and3A_5 = arith.andi %get3A_1, %and3A_4 : vector<1600x128xi32>
    %bitcast_convert_type3A_6 = tpu.bitcast %and3A_5 : vector<1600x128xi32> -> vector<1600x128xf32>
    %get3A_7 = arith.constant 0 : index
    %get3A_8 = arith.constant 0 : index
    %get3A_9 = vector.load %arg5[%get3A_7, %get3A_8] : memref<128x128xbf16, #tpu.memory_space<vmem>>, vector<128x128xbf16>
    %get3A_10 = arith.constant 0 : index
    %get3A_11 = arith.constant 0 : index
    %get3A_12 = vector.load %arg6[%get3A_10, %get3A_11] : memref<1x128xf32, #tpu.memory_space<vmem>>, vector<1x128xf32>
    %get3A_13 = arith.constant 0 : index
    %get3A_14 = arith.constant 0 : index
    %get3A_15 = vector.load %arg7[%get3A_13, %get3A_14] : memref<128x1xbf16, #tpu.memory_space<vmem>>, vector<128x1xbf16>
    %slice3A = vector.extract_strided_slice %bitcast_convert_type3A {offsets = [0, 0], sizes = [1600, 64], strides = [1, 1]} : vector<1600x128xf32> to vector<1600x64xf32>
    %slice3A_16 = vector.extract_strided_slice %bitcast_convert_type3A_6 {offsets = [0, 0], sizes = [1600, 64], strides = [1, 1]} : vector<1600x128xf32> to vector<1600x64xf32>
    %get3A_17 = arith.constant 0 : index
    %get3A_18 = arith.constant 0 : index
    %get3A_19 = vector.load %arg2[%get3A_17, %get3A_18] : memref<1600x2xf32, #tpu.memory_space<vmem>>, vector<1600x1xf32>
    %get3A_20 = arith.constant 0 : index
    %get3A_21 = arith.constant 0 : index
    %get3A_22 = vector.load %arg3[%get3A_20, %get3A_21] : memref<1x64xf32, #tpu.memory_space<vmem>>, vector<1x64xf32>
    %mul3A = vector.broadcast %get3A_19 : vector<1600x1xf32> to vector<1600x64xf32>
    %mul3A_23 = vector.broadcast %get3A_22 : vector<1x64xf32> to vector<1600x64xf32>
    %mul3A_24 = arith.mulf %mul3A, %mul3A_23 : vector<1600x64xf32>
    %add3A = arith.addf %slice3A, %mul3A_24 : vector<1600x64xf32>
    %logistic3A = arith.negf %add3A : vector<1600x64xf32>
    %logistic3A_25 = math.exp %logistic3A : vector<1600x64xf32>
    %logistic3A_26 = arith.constant 1.000000e+00 : f32
    %logistic3A_27 = vector.broadcast %logistic3A_26 : f32 to vector<1600x64xf32>
    %logistic3A_28 = arith.addf %logistic3A_27, %logistic3A_25 : vector<1600x64xf32>
    %logistic3A_29 = arith.divf %logistic3A_27, %logistic3A_28 : vector<1600x64xf32>
    %mul3A_30 = arith.mulf %add3A, %logistic3A_29 : vector<1600x64xf32>
    %get3A_31 = arith.constant 0 : index
    %get3A_32 = arith.constant 0 : index
    %get3A_33 = vector.load %arg4[%get3A_31, %get3A_32] : memref<1x64xf32, #tpu.memory_space<vmem>>, vector<1x64xf32>
    %mul3A_34 = vector.broadcast %get3A_19 : vector<1600x1xf32> to vector<1600x64xf32>
    %mul3A_35 = vector.broadcast %get3A_33 : vector<1x64xf32> to vector<1600x64xf32>
    %mul3A_36 = arith.mulf %mul3A_34, %mul3A_35 : vector<1600x64xf32>
    %add3A_37 = arith.addf %slice3A_16, %mul3A_36 : vector<1600x64xf32>
    %logistic3A_38 = arith.negf %add3A_37 : vector<1600x64xf32>
    %logistic3A_39 = math.exp %logistic3A_38 : vector<1600x64xf32>
    %logistic3A_40 = arith.constant 1.000000e+00 : f32
    %logistic3A_41 = vector.broadcast %logistic3A_40 : f32 to vector<1600x64xf32>
    %logistic3A_42 = arith.addf %logistic3A_41, %logistic3A_39 : vector<1600x64xf32>
    %logistic3A_43 = arith.divf %logistic3A_41, %logistic3A_42 : vector<1600x64xf32>
    %mul3A_44 = arith.mulf %add3A_37, %logistic3A_43 : vector<1600x64xf32>
    %concatenate3A = tpu.concatenate %mul3A_30, %mul3A_44 in 1 : vector<1600x64xf32>, vector<1600x64xf32> -> vector<1600x128xf32>
    %convert_element_type3A = arith.truncf %concatenate3A : vector<1600x128xf32> to vector<1600x128xbf16>
    %dot_general3A = arith.constant dense<0.000000e+00> : vector<1600x128xf32>
    %dot_general3A_45 = tpu.matmul %convert_element_type3A, %get3A_9, %dot_general3A {dimension_numbers = #tpu.dot_dimension_numbers<[1], [0], [0], [1], [0, 0, 1, 1], [], []>, transpose_lhs_hint = false} : vector<1600x128xbf16>, vector<128x128xbf16>, vector<1600x128xf32> -> vector<1600x128xf32>
    %add3A_46 = vector.broadcast %get3A_12 : vector<1x128xf32> to vector<1600x128xf32>
    %add3A_47 = arith.addf %dot_general3A_45, %add3A_46 : vector<1600x128xf32>
    %logistic3A_48 = arith.negf %add3A_47 : vector<1600x128xf32>
    %logistic3A_49 = math.exp %logistic3A_48 : vector<1600x128xf32>
    %logistic3A_50 = arith.constant 1.000000e+00 : f32
    %logistic3A_51 = vector.broadcast %logistic3A_50 : f32 to vector<1600x128xf32>
    %logistic3A_52 = arith.addf %logistic3A_51, %logistic3A_49 : vector<1600x128xf32>
    %logistic3A_53 = arith.divf %logistic3A_51, %logistic3A_52 : vector<1600x128xf32>
    %mul3A_54 = arith.mulf %add3A_47, %logistic3A_53 : vector<1600x128xf32>
    %convert_element_type3A_55 = arith.truncf %mul3A_54 : vector<1600x128xf32> to vector<1600x128xbf16>
    %dot_general3A_56 = arith.constant dense<0.000000e+00> : vector<1600x1xf32>
    %dot_general3A_57 = tpu.matmul %convert_element_type3A_55, %get3A_15, %dot_general3A_56 {dimension_numbers = #tpu.dot_dimension_numbers<[1], [0], [0], [1], [0, 0, 1, 1], [], []>, transpose_lhs_hint = false} : vector<1600x128xbf16>, vector<128x1xbf16>, vector<1600x1xf32> -> vector<1600x1xf32>
    %slice3A_58 = vector.extract_strided_slice %bitcast_convert_type3A {offsets = [0, 64], sizes = [1600, 64], strides = [1, 1]} : vector<1600x128xf32> to vector<1600x64xf32>
    %slice3A_59 = vector.extract_strided_slice %bitcast_convert_type3A_6 {offsets = [0, 64], sizes = [1600, 64], strides = [1, 1]} : vector<1600x128xf32> to vector<1600x64xf32>
    %get3A_60 = arith.constant 0 : index
    %get3A_61 = arith.constant 1 : index
    %get3A_62 = vector.load %arg2[%get3A_60, %get3A_61] : memref<1600x2xf32, #tpu.memory_space<vmem>>, vector<1600x1xf32>
    %get3A_63 = arith.constant 0 : index
    %get3A_64 = arith.constant 0 : index
    %get3A_65 = vector.load %arg3[%get3A_63, %get3A_64] : memref<1x64xf32, #tpu.memory_space<vmem>>, vector<1x64xf32>
    %mul3A_66 = vector.broadcast %get3A_62 : vector<1600x1xf32> to vector<1600x64xf32>
    %mul3A_67 = vector.broadcast %get3A_65 : vector<1x64xf32> to vector<1600x64xf32>
    %mul3A_68 = arith.mulf %mul3A_66, %mul3A_67 : vector<1600x64xf32>
    %add3A_69 = arith.addf %slice3A_58, %mul3A_68 : vector<1600x64xf32>
    %logistic3A_70 = arith.negf %add3A_69 : vector<1600x64xf32>
    %logistic3A_71 = math.exp %logistic3A_70 : vector<1600x64xf32>
    %logistic3A_72 = arith.constant 1.000000e+00 : f32
    %logistic3A_73 = vector.broadcast %logistic3A_72 : f32 to vector<1600x64xf32>
    %logistic3A_74 = arith.addf %logistic3A_73, %logistic3A_71 : vector<1600x64xf32>
    %logistic3A_75 = arith.divf %logistic3A_73, %logistic3A_74 : vector<1600x64xf32>
    %mul3A_76 = arith.mulf %add3A_69, %logistic3A_75 : vector<1600x64xf32>
    %get3A_77 = arith.constant 0 : index
    %get3A_78 = arith.constant 0 : index
    %get3A_79 = vector.load %arg4[%get3A_77, %get3A_78] : memref<1x64xf32, #tpu.memory_space<vmem>>, vector<1x64xf32>
    %mul3A_80 = vector.broadcast %get3A_62 : vector<1600x1xf32> to vector<1600x64xf32>
    %mul3A_81 = vector.broadcast %get3A_79 : vector<1x64xf32> to vector<1600x64xf32>
    %mul3A_82 = arith.mulf %mul3A_80, %mul3A_81 : vector<1600x64xf32>
    %add3A_83 = arith.addf %slice3A_59, %mul3A_82 : vector<1600x64xf32>
    %logistic3A_84 = arith.negf %add3A_83 : vector<1600x64xf32>
    %logistic3A_85 = math.exp %logistic3A_84 : vector<1600x64xf32>
    %logistic3A_86 = arith.constant 1.000000e+00 : f32
    %logistic3A_87 = vector.broadcast %logistic3A_86 : f32 to vector<1600x64xf32>
    %logistic3A_88 = arith.addf %logistic3A_87, %logistic3A_85 : vector<1600x64xf32>
    %logistic3A_89 = arith.divf %logistic3A_87, %logistic3A_88 : vector<1600x64xf32>
    %mul3A_90 = arith.mulf %add3A_83, %logistic3A_89 : vector<1600x64xf32>
    %concatenate3A_91 = tpu.concatenate %mul3A_76, %mul3A_90 in 1 : vector<1600x64xf32>, vector<1600x64xf32> -> vector<1600x128xf32>
    %convert_element_type3A_92 = arith.truncf %concatenate3A_91 : vector<1600x128xf32> to vector<1600x128xbf16>
    %dot_general3A_93 = arith.constant dense<0.000000e+00> : vector<1600x128xf32>
    %dot_general3A_94 = tpu.matmul %convert_element_type3A_92, %get3A_9, %dot_general3A_93 {dimension_numbers = #tpu.dot_dimension_numbers<[1], [0], [0], [1], [0, 0, 1, 1], [], []>, transpose_lhs_hint = false} : vector<1600x128xbf16>, vector<128x128xbf16>, vector<1600x128xf32> -> vector<1600x128xf32>
    %add3A_95 = vector.broadcast %get3A_12 : vector<1x128xf32> to vector<1600x128xf32>
    %add3A_96 = arith.addf %dot_general3A_94, %add3A_95 : vector<1600x128xf32>
    %logistic3A_97 = arith.negf %add3A_96 : vector<1600x128xf32>
    %logistic3A_98 = math.exp %logistic3A_97 : vector<1600x128xf32>
    %logistic3A_99 = arith.constant 1.000000e+00 : f32
    %logistic3A_100 = vector.broadcast %logistic3A_99 : f32 to vector<1600x128xf32>
    %logistic3A_101 = arith.addf %logistic3A_100, %logistic3A_98 : vector<1600x128xf32>
    %logistic3A_102 = arith.divf %logistic3A_100, %logistic3A_101 : vector<1600x128xf32>
    %mul3A_103 = arith.mulf %add3A_96, %logistic3A_102 : vector<1600x128xf32>
    %convert_element_type3A_104 = arith.truncf %mul3A_103 : vector<1600x128xf32> to vector<1600x128xbf16>
    %dot_general3A_105 = arith.constant dense<0.000000e+00> : vector<1600x1xf32>
    %dot_general3A_106 = tpu.matmul %convert_element_type3A_104, %get3A_15, %dot_general3A_105 {dimension_numbers = #tpu.dot_dimension_numbers<[1], [0], [0], [1], [0, 0, 1, 1], [], []>, transpose_lhs_hint = false} : vector<1600x128xbf16>, vector<128x1xbf16>, vector<1600x1xf32> -> vector<1600x1xf32>
    %concatenate3A_107 = tpu.concatenate %dot_general3A_57, %dot_general3A_106 in 1 : vector<1600x1xf32>, vector<1600x1xf32> -> vector<1600x2xf32>
    %swap3A = arith.constant 0 : index
    %swap3A_108 = arith.constant 0 : index
    %swap3A_109 = vector.load %arg8[%swap3A, %swap3A_108] : memref<1600x2xf32, #tpu.memory_space<vmem>>, vector<1600x2xf32>
    tpu.vector_store %arg8[%swap3A, %swap3A_108], %concatenate3A_107 {strides = array<i32>} : memref<1600x2xf32, #tpu.memory_space<vmem>>, vector<1600x2xf32>,
    return
  }
  func.func @transform_0(%arg0: i32) -> (i32, i32) {
    %c0_i32 = arith.constant 0 : i32
    %c0_i32_0 = arith.constant 0 : i32
    return %arg0, %c0_i32 : i32, i32
  }
  func.func @transform_1(%arg0: i32) -> (i32, i32) {
    %c0_i32 = arith.constant 0 : i32
    %c0_i32_0 = arith.constant 0 : i32
    return %arg0, %c0_i32 : i32, i32
  }
  func.func @transform_2(%arg0: i32) -> (i32, i32) {
    %c0_i32 = arith.constant 0 : i32
    %c0_i32_0 = arith.constant 0 : i32
    %c0_i32_1 = arith.constant 0 : i32
    return %c0_i32, %c0_i32_0 : i32, i32
  }
  func.func @transform_3(%arg0: i32) -> (i32, i32) {
    %c0_i32 = arith.constant 0 : i32
    %c0_i32_0 = arith.constant 0 : i32
    %c0_i32_1 = arith.constant 0 : i32
    return %c0_i32, %c0_i32_0 : i32, i32
  }
  func.func @transform_4(%arg0: i32) -> (i32, i32) {
    %c0_i32 = arith.constant 0 : i32
    %c0_i32_0 = arith.constant 0 : i32
    %c0_i32_1 = arith.constant 0 : i32
    return %c0_i32, %c0_i32_0 : i32, i32
  }
  func.func @transform_5(%arg0: i32) -> (i32, i32) {
    %c0_i32 = arith.constant 0 : i32
    %c0_i32_0 = arith.constant 0 : i32
    %c0_i32_1 = arith.constant 0 : i32
    return %c0_i32, %c0_i32_0 : i32, i32
  }
  func.func @transform_6(%arg0: i32) -> (i32, i32) {
    %c0_i32 = arith.constant 0 : i32
    %c0_i32_0 = arith.constant 0 : i32
    %c0_i32_1 = arith.constant 0 : i32
    return %c0_i32, %c0_i32_0 : i32, i32
  }
  func.func @transform_7(%arg0: i32) -> (i32, i32) {
    %c0_i32 = arith.constant 0 : i32
    %c0_i32_0 = arith.constant 0 : i32
    return %arg0, %c0_i32 : i32, i32
  }
}

module attributes {stable_mosaic.version = 14 : i64} {
  func.func @_combine_body(%arg0: memref<32x30000xf32, #tpu.memory_space<vmem>>, %arg1: memref<1x30000xf32, #tpu.memory_space<vmem>>, %arg2: memref<1x30000xf32, #tpu.memory_space<vmem>>) attributes {dimension_semantics = [], scalar_prefetch = 0 : i64, scratch_operands = 0 : i64, tpu.core_type = #tpu.core_type<tc>} {
    %get3A = arith.constant 0 : index
    %get3A_0 = arith.constant 0 : index
    %get3A_1 = vector.load %arg0[%get3A, %get3A_0] : memref<32x30000xf32, #tpu.memory_space<vmem>>, vector<32x30000xf32>
    %reduce_sum3A = arith.constant dense<0.000000e+00> : vector<30000xf32>
    %reduce_sum3A_2 = vector.multi_reduction <add>, %get3A_1, %reduce_sum3A [0] : vector<32x30000xf32> to vector<30000xf32>
    %broadcast_in_dim3A = vector.shape_cast %reduce_sum3A_2 : vector<30000xf32> to vector<1x30000xf32>
    %get3A_3 = arith.constant 0 : index
    %get3A_4 = arith.constant 0 : index
    %get3A_5 = vector.load %arg1[%get3A_3, %get3A_4] : memref<1x30000xf32, #tpu.memory_space<vmem>>, vector<1x30000xf32>
    %mul3A = arith.constant 0.00999999977 : f32
    %mul3A_6 = vector.broadcast %mul3A : f32 to vector<1x30000xf32>
    %mul3A_7 = arith.mulf %broadcast_in_dim3A, %mul3A_6 : vector<1x30000xf32>
    %add3A = arith.addf %get3A_5, %mul3A_7 : vector<1x30000xf32>
    %swap3A = arith.constant 0 : index
    %swap3A_8 = arith.constant 0 : index
    %swap3A_9 = vector.load %arg2[%swap3A, %swap3A_8] : memref<1x30000xf32, #tpu.memory_space<vmem>>, vector<1x30000xf32>
    tpu.vector_store %arg2[%swap3A, %swap3A_8], %add3A {strides = array<i32>} : memref<1x30000xf32, #tpu.memory_space<vmem>>, vector<1x30000xf32>,
    return
  }
}

</mosaic_0001>

<sc_bundles>
// kernel: kernel.10.cloned.1.call-start
scs
__scs_entry_jumppad:
0x0: {  	(pc) =	sbr.rel $0x88, $3  }
0x1: {  	(tag) =	ssettag $0x0;
	lr =	simm.s32 $0x1  }
0x2: {  	[smem:$0x3F97] =	sst lr;
	_ =	strace $0xD0000000  }
0x3: {  	_ = 	snop  }
0x4: {  	_ = 	snop  }
0x5: {  	_ = 	snop  }
0x6: {  	_ = 	snop  }
0x7: {  	_ = 	snop  }
__scs_overlays_trampoline_lowered:
0x8: {  	[smem:$0x3FA6] =	sst s0  }
0x9: {  	[smem:$0x3FA7] =	sst s1  }
0xa: {  	[smem:$0x3FA8] =	sst s2  }
0xb: {  	[smem:$0x3FA9] =	sst s3  }
0xc: {  	[smem:$0x3FAA] =	sst s4  }
0xd: {  	[smem:$0x3FAB] =	sst s5  }
0xe: {  	[smem:$0x3FAC] =	sst s6  }
0xf: {  	[smem:$0x3FAD] =	sst s7  }
0x10: {  	[smem:$0x3FAE] =	sst s8  }
0x11: {  	[smem:$0x3FAF] =	sst s9;
	s0 =	simm.s32 @!p0 $0x0  }
0x12: {  	s1 =	sld [smem:$0x3F95];
	s0 =	simm.s32 @p0 $0x1  }
0x13: {  	[smem:$0x3FB0] =	sst s0;
	s0 =	simm.s32 @!p1 $0x0  }
0x14: {  	s2 =	sld [smem:$0x3F94];
	s0 =	simm.s32 @p1 $0x1  }
0x15: {  	[smem:$0x3FB1] =	sst s0;
	s0 =	simm.s32 @!p2 $0x0  }
0x16: {  	s3 =	sld [smem:$0x3FDB];
	s0 =	simm.s32 @p2 $0x1  }
0x17: {  	s4 =	simm.s32 $0x1BF5;
	[smem:$0x3FB3] =	sst s0  }
0x18: {  	s0 =	sld [smem:$0x3F96];
	_ =	swait.ge [sflag:s4], $0x0  }
0x19: {  	s7 =	sld [smem:$0x3F97]  }
0x1a: {  	s8 =	sadd.s32 $0xFFFFE003, lr  }
0x1b: {  	s9 =	sadd.s32 $0xFFFFFEF7, lr;
	s5 =	simm.s32 $0xFFFFFFFF;
	p2 =	slt.u32 s8, $0xFFFFF086  }
0x1c: {  	p1 =	slt.u32 s9, $0xF7A;
	s5 =	simm.s32 @!p2 $0x0  }
0x1d: {  	s5 =	simm.s32 @p1 $0x1;
	p0 =	seq.s32 s7, s2  }
0x1e: {  	s7 =	smul.u32 @!p0 $0xF7A, s2;
	p2 =	seq.s32 @!p0 s5, $0x0  }
0x1f: {  	s9 =	smul.u32 $0xF7A, s1;
	s8 =	simm.s32 @!p0 $0x1BF5;
	p2 =	por !p2, p0  }
0x20: {  	[sflag:s8] =	ssyncset.s32 @!p0 $0xFFFFF086;
	s6 =	sadd.s32 @!p0 s3, s7;
	s7 =	simm.s32 @!p0 $0x108  }
0x21: {  	s3 =	sadd.s32 s3, s9;
	s6 =	sadd.s32 @!p0 $0x88, s6;
	s7 =	simm.s32 @p2 $0x1082  }
0x22: {  	[simem:s7], [sflag:s8] =	dma.local @!p0 [hbm:s6], $0xF7A  }
0x23: {  	s9 =	sor.u32 $0xD0000000, s2;
	s6 =	simm.s32 $0x108;
	_ =	swait.ge @!p0 [sflag:s8], $0x0  }
0x24: {  	s3 =	sadd.s32 $0x88, s3;
	s6 =	simm.s32 @!p1 $0x1082;
	[sflag:s4] =	ssyncset.s32 $0xFFFFF086  }
0x25: {  	[simem:s6], [sflag:s4] =	dma.local [hbm:s3], $0xF7A  }
0x26: {  	[smem:$0x3F97] =	sst s1;
	(tag) =	ssettag s2;
	_ =	strace s9  }
0x27: {  	s1 =	sld [smem:$0x3FA7]  }
0x28: {  	s2 =	sld [smem:$0x3FA8]  }
0x29: {  	s4 =	sld [smem:$0x3FAA]  }
0x2a: {  	p0 =	seq.s32 s5, $0x0;
	s5 =	sld [smem:$0x3FAB]  }
0x2b: {  	s6 =	sld [smem:$0x3FAC]  }
0x2c: {  	s7 =	sld [smem:$0x3FAD]  }
0x2d: {  	s3 =	simm.s32 $0x108;
	s8 =	sld [smem:$0x3FAE]  }
0x2e: {  	s3 =	simm.s32 @!p0 $0x1082;
	s9 =	sld [smem:$0x3FAF]  }
0x2f: {  	lr =	sadd.s32 s0, s3;
	s0 =	sld [smem:$0x3FA6]  }
0x30: {  	s3 =	sld [smem:$0x3FA9]  }
0x31: {  	[smem:$0x3FB2] =	sst s10  }
0x32: {  	s10 =	sld [smem:$0x3FB0];
	_ =	sdelay $0x3  }
0x33: {  	p0 =	seq.s32 s10, $0x1;
	s10 =	sld [smem:$0x3FB2];
	_ =	sdelay $0x3  }
0x34: {  	[smem:$0x3FB2] =	sst s10  }
0x35: {  	s10 =	sld [smem:$0x3FB1];
	_ =	sdelay $0x3  }
0x36: {  	p1 =	seq.s32 s10, $0x1;
	s10 =	sld [smem:$0x3FB2];
	_ =	sdelay $0x3  }
0x37: {  	[smem:$0x3FB2] =	sst s10  }
0x38: {  	s10 =	sld [smem:$0x3FB3]  }
0x39: {  	_ = 	snop;
	(pc) =	sbr.ind lr, $3  }
0x3a: {  	_ = 	snop  }
0x3b: {  	_ = 	snop  }
0x3c: {  	p2 =	seq.s32 s10, $0x1;
	s10 =	sld [smem:$0x3FB2]  }
0x3d: {  	_ =	shalt  }
0x3e: {  	_ =	shalt  }
0x3f: {  	_ =	shalt  }
0x40: {  	_ =	shalt  }
0x41: {  	_ =	shalt  }
0x42: {  	_ =	shalt  }
0x43: {  	_ =	shalt  }
0x44: {  	_ =	shalt  }
0x45: {  	_ =	shalt  }
0x46: {  	_ =	shalt  }
0x47: {  	_ =	shalt  }
0x48: {  	_ =	shalt  }
0x49: {  	_ =	shalt  }
0x4a: {  	_ =	shalt  }
0x4b: {  	_ =	shalt  }
0x4c: {  	_ =	shalt  }
0x4d: {  	_ =	shalt  }
0x4e: {  	_ =	shalt  }
0x4f: {  	_ =	shalt  }
0x50: {  	_ =	shalt  }
0x51: {  	_ =	shalt  }
0x52: {  	_ =	shalt  }
0x53: {  	_ =	shalt  }
0x54: {  	_ =	shalt  }
0x55: {  	_ =	shalt  }
0x56: {  	_ =	shalt  }
0x57: {  	_ =	shalt  }
0x58: {  	_ =	shalt  }
0x59: {  	_ =	shalt  }
0x5a: {  	_ =	shalt  }
0x5b: {  	_ =	shalt  }
0x5c: {  	_ =	shalt  }
0x5d: {  	_ =	shalt  }
0x5e: {  	_ =	shalt  }
0x5f: {  	_ =	shalt  }
0x60: {  	_ =	shalt  }
0x61: {  	_ =	shalt  }
0x62: {  	_ =	shalt  }
0x63: {  	_ =	shalt  }
0x64: {  	_ =	shalt  }
0x65: {  	_ =	shalt  }
0x66: {  	_ =	shalt  }
0x67: {  	_ =	shalt  }
0x68: {  	_ =	shalt  }
0x69: {  	_ =	shalt  }
0x6a: {  	_ =	shalt  }
0x6b: {  	_ =	shalt  }
0x6c: {  	_ =	shalt  }
0x6d: {  	_ =	shalt  }
0x6e: {  	_ =	shalt  }
0x6f: {  	_ =	shalt  }
0x70: {  	_ =	shalt  }
0x71: {  	_ =	shalt  }
0x72: {  	_ =	shalt  }
0x73: {  	_ =	shalt  }
0x74: {  	_ =	shalt  }
0x75: {  	_ =	shalt  }
0x76: {  	_ =	shalt  }
0x77: {  	_ =	shalt  }
0x78: {  	_ =	shalt  }
0x79: {  	_ =	shalt  }
0x7a: {  	_ =	shalt  }
0x7b: {  	_ =	shalt  }
0x7c: {  	_ =	shalt  }
0x7d: {  	_ =	shalt  }
0x7e: {  	_ =	shalt  }
0x7f: {  	_ =	shalt  }
0x80: {  	_ =	shalt  }
0x81: {  	_ =	shalt  }
0x82: {  	_ =	shalt  }
0x83: {  	_ =	shalt  }
0x84: {  	_ =	shalt  }
0x85: {  	_ =	shalt  }
0x86: {  	_ =	shalt  }
0x87: {  	_ =	shalt  }
.Lfunc_end0:
.L_simem_size_0:
called_computation.1_lowered:
.L_overlay_start_0:
0x88: {  	s2 =	sld [smem:$0x3FD9]  }
0x89: {  	s3 =	sld [smem:$0x3FFE];
	_ =	sdelay $0x1  }
0x8a: {  	s1 =	srdreg.scid  }
0x8b: {  	s0 =	sand.u32 $0x1, s1  }
0x8c: {  	s16 =	sshll.u32 s0, $0xA;
	s2 =	sadd.s32 s3, s2  }
0x8d: {  	s2 =	sadd.s32 s2, s16  }
0x8e: {  	[smem:$0x3FBE] =	sst s2  }
0x8f: {  	_ = 	snop  }
0x90: {  	(tm) =	ssettm $0x1  }
0x91: {  	s17 =	sld [smem:$0x3FFB];
	_ =	sdelay $0x3  }
0x92: {  	_ =	strace s17  }
0x93: {  	s2 =	sld [smem:$0x3FFC];
	_ =	sdelay $0x3  }
0x94: {  	_ =	strace s2  }
0x95: {  	s2 =	sld [smem:$0x3FFD];
	_ =	sdelay $0x3  }
0x96: {  	_ =	strace s2  }
0x97: {  	_ =	strace $0x8FFFFFFF  }
0x98: {  	s18 =	sld [smem:$0x3FDB];
	_ =	sdelay $0x1  }
0x99: {  	s19 =	simm.s32 $_scs_section_size  }
0x9a: {  	s4 =	simm.s32 $_size__tile_overlayer_lowered;
	s5 =	simm.s32 $_tile_overlayer_lowered  }
0x9b: {  	s22 =	simm.s32 $0x1BFF;
	s21 =	sshll.u32 s5, $0x1;
	s2 =	sadd.s32 s19, s18  }
0x9c: {  	s6 =	simm.s32 $0x0;
	s20 =	sshll.u32 s4, $0x1;
	s4 =	sadd.s32 s21, s2  }
0x9d: {  	[timem:s6], [sflag:s22] =	dma.local [hbm:s4], s20  }
0x9e: {  	_ =	swait.ge [sflag:s22], s20  }
0x9f: {  	s3 =	ssub.s32 $0x0, s20;
	[sflag:s22] =	ssyncset.done $0x0  }
0xa0: {  	[sflag:s22] =	ssyncadd.s32 s3;
	_ =	sdelay $0x1  }
0xa1: {  	s23 =	simm.s32 $0x1B8B  }
0xa2: {  	_ =	swait.ge [sflag:s23], $0x1  }
0xa3: {  	[sflag:s23] =	ssyncset.done $0x0  }
0xa4: {  	s25 =	simm.s32 $0x1B8E;
	s24 =	sld [smem:$0x3FFE];
	[sflag:s23] =	ssyncadd.s32 $0xFFFFFFFF  }
0xa5: {  	s26 =	simm.s32 $execute0_lowered;
	[smem:$0x3FD2] =	sst s25  }
0xa6: {  	s4 =	sshll.u32 s26, $0x1;
	_ =	strace $0x80000049;
	[dreg:$0x1] =	wrdreg $0xFFFFFFFF  }
0xa7: {  	s28 =	simm.s32 $_size_execute0_lowered;
	s2 =	sadd.s32 s2, s4;
	[dreg:$0x0] =	wrdreg $0x0  }
0xa8: {  	s4 =	sshll.u32 s28, $0x1;
	[dreg:$0x2] =	wrdreg s2  }
0xa9: {  	[dreg:$0x3] =	wrdreg s4  }
0xaa: {  	[dreg:$0x4] =	wrdreg $0xC0  }
0xab: {  	_ =	task [dreg:s6], $0x5FFFF  }
0xac: {  	[dreg:$0x1] =	wrdreg $0xFFFFFFFF  }
0xad: {  	[dreg:$0x0] =	wrdreg $0x60  }
0xae: {  	[dreg:$0x2] =	wrdreg s24  }
0xaf: {  	[dreg:$0x3] =	wrdreg $0x9  }
0xb0: {  	_ =	task.clear_ibuf [dreg:s6], $0x4FFFF;
	_ =	strace $0x90000049  }
0xb1: {  	s29 =	simm.s32 $0x9;
	_ =	strace $0x8000004B  }
0xb2: {  	_ =	swait.ge [sflag:s29], $0x1  }
0xb3: {  	[sflag:s29] =	ssyncadd.s32 $0xFFFFFFFF  }
0xb4: {  	_ =	strace $0x9000004B  }
0xb5: {  	_ =	sfence  }
0xb6: {  	s30 =	sld [smem:$0x0];
	_ =	sdelay $0x2  }
0xb7: {  	s31 =	sshll.u32 s1, $0xD;
	s1 =	sshrl.u32 s1, $0x2  }
0xb8: {  	s3 =	sand.u32 $0x4000, s31;
	s1 =	sadd.s32 s1, s30  }
0xb9: {  	s0 =	sor.u32 s3, s0;
	s1 =	sshll.u32 s1, $0x11  }
0xba: {  	s0 =	sor.u32 s1, s0  }
0xbb: {  	s0 =	sadd.s32 $0x8F2B, s0  }
0xbc: {  	[sflag:s0] =	ssyncadd.remote.s32 $0x1  }
0xbd: {  	_ =	sfence.sel $0xFFFF  }
0xbe: {  	[dreg:$0x0] =	wrdreg $0xFFFFFFFF;
	(pc) =	sbr.abs _section_cstart, $3  }
0xbf: {  	[dreg:$0x1] =	wrdreg $0xFFFFFFFF  }
0xc0: {  	_ =	task.clear_ibuf [dreg:s6], $0x2FFFF;
	_ =	strace $0x9FFFFFFF  }
0xc1: {  	(tm) =	ssettm $0x7FFFFFFF  }
tec
execute0_lowered:
.L_overlay_start_1:
0x0: {  	(tag) =	ssettag $0x1  }
0x1: {  	s1 =	srdreg.scid  }
0x2: {  	s0 =	stileid.u32;
	s6 =	rddreg [dreg:$0x0];
	s10 =	simm.s32 $0x8580  }
0x3: {  	s11 =	simm.s32 $0x80;
	s12 =	simm.s32 $0x400;
	s13 =	simm.s32 $0x0  }
0x4: {  	s5 =	sand.u32 $0x1, s1;
	s2 =	sshll.u32 s0, $0x1;
	s1 =	rddreg [dreg:$0x1]  }
0x5: {  	s3 =	sshrl.u32 s0, $0x2;
	s7 =	sor.u32 s5, s2;
	s2 =	simm.s32 $0x0  }
0x6: {  	s4 =	smul.u32 $0x3AC00, s3;
	s3 =	sadd.s32 $0x1A00, s6;
	s30 =	sshll.u32 s7, $0x7  }
0x7: {  	s9 =	ssub.s32 $0x2, s5;
	s5 =	sadd.s32 $0xB800, s6;
	s8 =	sand.u32 $0x380, s30  }
0x8: {  	v0 =	vlaneseq.u32;
	[smem:$0x7FF] =	sst s2;
	s31 =	sshrl.u32 s9, $0x1;
	s8 =	sor.u32 s4, s8  }
0x9: {  	v0 =	vmul.u32 $0x3, v0;
	_ =	strace $0x8000004A;
	s9 =	ssub.s32 s9, s31;
	s8 =	sshrl.u32 s8, $0x3  }
0xa: {  	s4 =	sadd.s32 $0xA27A00, s6;
	s8 =	sadd.s32 s8, s6;
	s6 =	smul.u32 $0x2710, s7  }
0xb: {  	v1 =	vimm.f32 $0.0e+00;
	v2 =	vadd.s32 $0x1, v0;
	v3 =	vadd.s32 $0x2, v0;
	s7 =	sadd.s32 $0x15600, s8;
	s8 =	smax.u32 s9, $0x1;
	s9 =	simm.s32 $0x1  }
.LBB2_1:
0xc: {  	s14 =	simm.s32 $0x40;
	s15 =	simm.s32 $0x0  }
.LBB2_2:
0xd: {  	p0 =	sne.s32 s14, $0x1D480;
	[tilespmem:s15+$0x0] =	vst v1;
	s15 =	smov.u32 s14;
	s14 =	sadd.s32 $0x40, s14  }
.Ltmp0:
0xe: {  	(pc) =	sbr.rel @p0 .LBB2_2-.Ltmp0, $2  }
0xf: {  	_ =	sdelay $0x2  }
0x10: {  	s15 =	sshra.s32 s15, $0x2  }
0x11: {  	[tilespmem:s15+$0x0] =	vst v1;
	s14 =	simm.s32 $0x0;
	s15 =	simm.s32 $0x0  }
.LBB2_4:
0x12: {  	s16 =	smul.u32 $0x7D0, s15;
	_ =	sdelay $0x1  }
0x13: {  	s18 =	sadd.s32 s6, s16  }
0x14: {  	s17 =	sshrl.u32 s18, $0x3  }
0x15: {  	s16 =	simm.s32 $0x7580;
	s19 =	sadd.s32 s5, s17  }
0x16: {  	[tilespmem:s16], [sflag:$0x1] =	stream.linear.gather [hbm4b:s19+s14], $0x7D0, $0x38;
	[tilespmem:$0x9D00] =	vst v63  }
0x17: {  	_ =	swait.ge [sflag:s9], $0x7D0  }
0x18: {  	s18 =	smul.u32 $0x3, s18;
	[sflag:s9] =	ssyncset.done $0x0  }
0x19: {  	s31 =	sadd.s32 s3, s17;
	s17 =	simm.s32 $0x7D80;
	[sflag:s9] =	ssyncadd.s32 $0xFFFFF830  }
0x1a: {  	[tilespmem:s17], [sflag:$0x1] =	stream.linear.gather [hbm4b:s31+s14], $0x7D0, $0x38;
	[tilespmem:$0x9D00] =	vst v63  }
0x1b: {  	_ =	swait.ge [sflag:s9], $0x7D0  }
0x1c: {  	s18 =	sshrl.u32 s18, $0x3;
	[sflag:s9] =	ssyncset.done $0x0  }
0x1d: {  	v4 =	vadd.s32 s14, v0;
	s18 =	sadd.s32 s4, s18;
	[sflag:s9] =	ssyncadd.s32 $0xFFFFF830  }
0x1e: {  	[tilespmem:s10], [sflag:$0x1] =	stream.linear.gather [hbm4b:s18+s14], $0x1770, $0x38;
	[tilespmem:$0x9D00] =	vst v63  }
0x1f: {  	_ =	swait.ge [sflag:s9], $0x1770  }
0x20: {  	[sflag:s9] =	ssyncset.done $0x0  }
0x21: {  	[sflag:s9] =	ssyncadd.s32 $0xFFFFE890  }
0x22: {  	v5 =	vld.idx.msk [tilespmem:v4+s10+$0x0], $0xffff  }
0x23: {  	v6 =	vld [tilespmem:s16+$0x0]  }
0x24: {  	v4 =	vld [tilespmem:s17+$0x0];
	_ =	sdelay $0x2  }
0x25: {  	v7 =	vadd.s32 s14, v2;
	_ =	sdelay $0x1  }
0x26: {  	v5 =	vmul.f32 v5, v4;
	_ =	sdelay $0x1  }
0x27: {  	[tilespmem:v6+s2+$0x0] =	vst.idx.add.f32.msk $0xffff, v5  }
0x28: {  	v5 =	vld.idx.msk [tilespmem:v7+s10+$0x0], $0xffff;
	_ =	sdelay $0x1  }
0x29: {  	v7 =	vadd.s32 $0x2710, v6  }
0x2a: {  	v8 =	vadd.s32 s14, v3;
	_ =	sdelay $0x1  }
0x2b: {  	v5 =	vmul.f32 v5, v4;
	_ =	sdelay $0x1  }
0x2c: {  	[tilespmem:v7+s2+$0x0] =	vst.idx.add.f32.msk $0xffff, v5  }
0x2d: {  	v7 =	vld.idx.msk [tilespmem:v8+s10+$0x0], $0xffff;
	_ =	sdelay $0x1  }
0x2e: {  	s18 =	simm.s32 $0x30;
	v5 =	vadd.s32 $0x4E20, v6  }
0x2f: {  	v6 =	vadd.s32 s18, v0  }
0x30: {  	s19 =	simm.s32 $0x60  }
.LBB2_5:
0x31: {  	p0 =	sne.s32 s19, $0x1740;
	v4 =	vmul.f32 v7, v4;
	_ =	sdelay $0x1  }
0x32: {  	[tilespmem:v5+s2+$0x0] =	vst.idx.add.f32.msk $0xffff, v4  }
0x33: {  	s16 =	sadd.s32 $0x10, s16;
	v6 =	vld.idx.msk [tilespmem:v6+s10+$0x0], $0xffff  }
0x34: {  	s17 =	sadd.s32 $0x10, s17;
	v7 =	vld [tilespmem:s16+$0x0]  }
0x35: {  	v4 =	vld [tilespmem:s17+$0x0];
	_ =	sdelay $0x2  }
0x36: {  	v8 =	vadd.s32 s18, v2  }
0x37: {  	v5 =	vadd.s32 $0x4E20, v7  }
0x38: {  	v6 =	vmul.f32 v6, v4;
	_ =	sdelay $0x1  }
0x39: {  	[tilespmem:v7+s2+$0x0] =	vst.idx.add.f32.msk $0xffff, v6  }
0x3a: {  	v6 =	vld.idx.msk [tilespmem:v8+s10+$0x0], $0xffff;
	_ =	sdelay $0x2  }
0x3b: {  	v7 =	vadd.s32 $0x2710, v7  }
0x3c: {  	v8 =	vadd.s32 s18, v3;
	s18 =	smov.u32 s19;
	_ =	sdelay $0x1  }
0x3d: {  	v6 =	vmul.f32 v6, v4;
	_ =	sdelay $0x1  }
0x3e: {  	[tilespmem:v7+s2+$0x0] =	vst.idx.add.f32.msk $0xffff, v6  }
0x3f: {  	v7 =	vld.idx.msk [tilespmem:v8+s10+$0x0], $0xffff  }
.Ltmp1:
0x40: {  	(pc) =	sbr.rel @p0 .LBB2_5-.Ltmp1, $3  }
0x41: {  	_ =	sdelay $0x1  }
0x42: {  	v6 =	vadd.s32 s19, v0  }
0x43: {  	s19 =	sadd.s32 $0x30, s19  }
0x44: {  	_ =	sdelay $0x1  }
0x45: {  	v4 =	vmul.f32 v7, v4;
	_ =	sdelay $0x1  }
0x46: {  	[tilespmem:v5+s2+$0x0] =	vst.idx.add.f32.msk $0xffff, v4  }
0x47: {  	s16 =	sadd.s32 $0x10, s16;
	v4 =	vld.idx.msk [tilespmem:v6+s10+$0x0], $0xffff  }
0x48: {  	s31 =	sadd.s32 $0x10, s17;
	v5 =	vld [tilespmem:s16+$0x0]  }
0x49: {  	v61 =	vld [tilespmem:s31+$0x0];
	_ =	sdelay $0x2  }
0x4a: {  	v62 =	vadd.s32 s18, v2;
	_ =	sdelay $0x1  }
0x4b: {  	v4 =	vmul.f32 v4, v61;
	_ =	sdelay $0x1  }
0x4c: {  	[tilespmem:v5+s2+$0x0] =	vst.idx.add.f32.msk $0xffff, v4  }
0x4d: {  	v4 =	vld.idx.msk [tilespmem:v62+s10+$0x0], $0xffff;
	_ =	sdelay $0x1  }
0x4e: {  	v63 =	vadd.s32 $0x2710, v5  }
0x4f: {  	v8 =	vadd.s32 s18, v3;
	_ =	sdelay $0x1  }
0x50: {  	v4 =	vmul.f32 v4, v61;
	_ =	sdelay $0x1  }
0x51: {  	[tilespmem:v63+s2+$0x0] =	vst.idx.add.f32.msk $0xffff, v4  }
0x52: {  	v4 =	vld.idx.msk [tilespmem:v8+s10+$0x0], $0xffff  }
0x53: {  	s15 =	sadd.s32 $0x1, s15  }
0x54: {  	p0 =	sne.s32 s15, $0x5;
	v5 =	vadd.s32 $0x4E20, v5  }
.Ltmp2:
0x55: {  	_ = 	snop;
	(pc) =	sbr.rel @p0 .LBB2_4-.Ltmp2, $3  }
0x56: {  	_ = 	snop  }
0x57: {  	v4 =	vmul.f32 v4, v61;
	_ =	sdelay $0x1  }
0x58: {  	[tilespmem:v5+s2+$0x0] =	vst.idx.add.f32.msk $0xffff, v4  }
0x59: {  	s13 =	sadd.s32 $0x1, s13  }
0x5a: {  	p0 =	sne.s32 s13, s8  }
.Ltmp3:
0x5b: {  	_ = 	snop;
	(pc) =	sbr.rel @p0 .LBB2_1-.Ltmp3, $4  }
0x5c: {  	[hbm4b:s7+s11] =	stream.strided.scatter [tilespmem:s2], [sflag:$0x1], $0x7580, s12, s11, $0x38;
	[tilespmem:$0x9D00] =	vst v63  }
0x5d: {  	_ =	swait.ge [sflag:s9], $0x7580  }
0x5e: {  	[sflag:s9] =	ssyncset.done $0x0  }
0x5f: {  	[sflag:s9] =	ssyncadd.s32 $0xFFFF8A80  }
0x60: {  	_ =	sfence.sel $0x180000  }
0x61: {  	[bflag:$0x0] =	sbarrier.arrive $0xFFFF  }
0x62: {  	p0 =	sne.s32 s0, $0x0;
	_ =	strace $0x9000004A  }
0x63: {  	s0 =	sadd.s32 @!p0 $0x100000, s1;
	[bflag:$0x2] =	sbarrier.arrive $0xFFFF  }
0x64: {  	[sflag:s0] =	ssyncadd.tile.s32 @!p0 $0x1;
	_ =	shalt  }
.Lfunc_end2:
_tile_overlayer_lowered:
.L_overlay_start_2:
0x65: {  	(tag) =	ssettag $0x2  }
0x66: {  	s0 =	rddreg [dreg:$0x0];
	s2 =	stileid.u32  }
0x67: {  	s1 =	rddreg [dreg:$0x1];
	p0 =	sne.s32 s2, $0x0  }
0x68: {  	s3 =	rddreg [dreg:$0x2];
	[bflag:$0x3] =	sbarrier.arrive $0xFFFF;
	s2 =	simm.s32 @!p0 $0x1C01  }
0x69: {  	[timem:s3], [sflag:s2] =	dma.local @!p0 [hbm:s0], s1  }
0x6a: {  	s0 =	simm.s32 @!p0 $0x1  }
0x6b: {  	_ =	swait.ge @!p0 [sflag:s0], s1  }
0x6c: {  	s1 =	ssub.s32 @!p0 $0x0, s1;
	[sflag:s0] =	ssyncset.done @!p0 $0x0  }
0x6d: {  	[sflag:s0] =	ssyncadd.s32 @!p0 s1  }
0x6e: {  	[bflag:$0x3] =	sbarrier.arrive $0xFFFF  }
0x6f: {  	_ =	shalt  }

// kernel: kernel.7.cloned.1.call-start
scs
__scs_entry_jumppad:
0x0: {  	(pc) =	sbr.rel $0x88, $3  }
0x1: {  	(tag) =	ssettag $0x0;
	lr =	simm.s32 $0x1  }
0x2: {  	[smem:$0x3F97] =	sst lr;
	_ =	strace $0xD0000000  }
0x3: {  	_ = 	snop  }
0x4: {  	_ = 	snop  }
0x5: {  	_ = 	snop  }
0x6: {  	_ = 	snop  }
0x7: {  	_ = 	snop  }
__scs_overlays_trampoline_lowered:
0x8: {  	[smem:$0x3FA6] =	sst s0  }
0x9: {  	[smem:$0x3FA7] =	sst s1  }
0xa: {  	[smem:$0x3FA8] =	sst s2  }
0xb: {  	[smem:$0x3FA9] =	sst s3  }
0xc: {  	[smem:$0x3FAA] =	sst s4  }
0xd: {  	[smem:$0x3FAB] =	sst s5  }
0xe: {  	[smem:$0x3FAC] =	sst s6  }
0xf: {  	[smem:$0x3FAD] =	sst s7  }
0x10: {  	[smem:$0x3FAE] =	sst s8  }
0x11: {  	[smem:$0x3FAF] =	sst s9;
	s0 =	simm.s32 @!p0 $0x0  }
0x12: {  	s1 =	sld [smem:$0x3F95];
	s0 =	simm.s32 @p0 $0x1  }
0x13: {  	[smem:$0x3FB0] =	sst s0;
	s0 =	simm.s32 @!p1 $0x0  }
0x14: {  	s2 =	sld [smem:$0x3F94];
	s0 =	simm.s32 @p1 $0x1  }
0x15: {  	[smem:$0x3FB1] =	sst s0;
	s0 =	simm.s32 @!p2 $0x0  }
0x16: {  	s3 =	sld [smem:$0x3FDB];
	s0 =	simm.s32 @p2 $0x1  }
0x17: {  	s4 =	simm.s32 $0x1BF5;
	[smem:$0x3FB3] =	sst s0  }
0x18: {  	s0 =	sld [smem:$0x3F96];
	_ =	swait.ge [sflag:s4], $0x0  }
0x19: {  	s7 =	sld [smem:$0x3F97]  }
0x1a: {  	s8 =	sadd.s32 $0xFFFFE003, lr  }
0x1b: {  	s9 =	sadd.s32 $0xFFFFFEF7, lr;
	s5 =	simm.s32 $0xFFFFFFFF;
	p2 =	slt.u32 s8, $0xFFFFF086  }
0x1c: {  	p1 =	slt.u32 s9, $0xF7A;
	s5 =	simm.s32 @!p2 $0x0  }
0x1d: {  	s5 =	simm.s32 @p1 $0x1;
	p0 =	seq.s32 s7, s2  }
0x1e: {  	s7 =	smul.u32 @!p0 $0xF7A, s2;
	p2 =	seq.s32 @!p0 s5, $0x0  }
0x1f: {  	s9 =	smul.u32 $0xF7A, s1;
	s8 =	simm.s32 @!p0 $0x1BF5;
	p2 =	por !p2, p0  }
0x20: {  	[sflag:s8] =	ssyncset.s32 @!p0 $0xFFFFF086;
	s6 =	sadd.s32 @!p0 s3, s7;
	s7 =	simm.s32 @!p0 $0x108  }
0x21: {  	s3 =	sadd.s32 s3, s9;
	s6 =	sadd.s32 @!p0 $0x88, s6;
	s7 =	simm.s32 @p2 $0x1082  }
0x22: {  	[simem:s7], [sflag:s8] =	dma.local @!p0 [hbm:s6], $0xF7A  }
0x23: {  	s9 =	sor.u32 $0xD0000000, s2;
	s6 =	simm.s32 $0x108;
	_ =	swait.ge @!p0 [sflag:s8], $0x0  }
0x24: {  	s3 =	sadd.s32 $0x88, s3;
	s6 =	simm.s32 @!p1 $0x1082;
	[sflag:s4] =	ssyncset.s32 $0xFFFFF086  }
0x25: {  	[simem:s6], [sflag:s4] =	dma.local [hbm:s3], $0xF7A  }
0x26: {  	[smem:$0x3F97] =	sst s1;
	(tag) =	ssettag s2;
	_ =	strace s9  }
0x27: {  	s1 =	sld [smem:$0x3FA7]  }
0x28: {  	s2 =	sld [smem:$0x3FA8]  }
0x29: {  	s4 =	sld [smem:$0x3FAA]  }
0x2a: {  	p0 =	seq.s32 s5, $0x0;
	s5 =	sld [smem:$0x3FAB]  }
0x2b: {  	s6 =	sld [smem:$0x3FAC]  }
0x2c: {  	s7 =	sld [smem:$0x3FAD]  }
0x2d: {  	s3 =	simm.s32 $0x108;
	s8 =	sld [smem:$0x3FAE]  }
0x2e: {  	s3 =	simm.s32 @!p0 $0x1082;
	s9 =	sld [smem:$0x3FAF]  }
0x2f: {  	lr =	sadd.s32 s0, s3;
	s0 =	sld [smem:$0x3FA6]  }
0x30: {  	s3 =	sld [smem:$0x3FA9]  }
0x31: {  	[smem:$0x3FB2] =	sst s10  }
0x32: {  	s10 =	sld [smem:$0x3FB0];
	_ =	sdelay $0x3  }
0x33: {  	p0 =	seq.s32 s10, $0x1;
	s10 =	sld [smem:$0x3FB2];
	_ =	sdelay $0x3  }
0x34: {  	[smem:$0x3FB2] =	sst s10  }
0x35: {  	s10 =	sld [smem:$0x3FB1];
	_ =	sdelay $0x3  }
0x36: {  	p1 =	seq.s32 s10, $0x1;
	s10 =	sld [smem:$0x3FB2];
	_ =	sdelay $0x3  }
0x37: {  	[smem:$0x3FB2] =	sst s10  }
0x38: {  	s10 =	sld [smem:$0x3FB3]  }
0x39: {  	_ = 	snop;
	(pc) =	sbr.ind lr, $3  }
0x3a: {  	_ = 	snop  }
0x3b: {  	_ = 	snop  }
0x3c: {  	p2 =	seq.s32 s10, $0x1;
	s10 =	sld [smem:$0x3FB2]  }
0x3d: {  	_ =	shalt  }
0x3e: {  	_ =	shalt  }
0x3f: {  	_ =	shalt  }
0x40: {  	_ =	shalt  }
0x41: {  	_ =	shalt  }
0x42: {  	_ =	shalt  }
0x43: {  	_ =	shalt  }
0x44: {  	_ =	shalt  }
0x45: {  	_ =	shalt  }
0x46: {  	_ =	shalt  }
0x47: {  	_ =	shalt  }
0x48: {  	_ =	shalt  }
0x49: {  	_ =	shalt  }
0x4a: {  	_ =	shalt  }
0x4b: {  	_ =	shalt  }
0x4c: {  	_ =	shalt  }
0x4d: {  	_ =	shalt  }
0x4e: {  	_ =	shalt  }
0x4f: {  	_ =	shalt  }
0x50: {  	_ =	shalt  }
0x51: {  	_ =	shalt  }
0x52: {  	_ =	shalt  }
0x53: {  	_ =	shalt  }
0x54: {  	_ =	shalt  }
0x55: {  	_ =	shalt  }
0x56: {  	_ =	shalt  }
0x57: {  	_ =	shalt  }
0x58: {  	_ =	shalt  }
0x59: {  	_ =	shalt  }
0x5a: {  	_ =	shalt  }
0x5b: {  	_ =	shalt  }
0x5c: {  	_ =	shalt  }
0x5d: {  	_ =	shalt  }
0x5e: {  	_ =	shalt  }
0x5f: {  	_ =	shalt  }
0x60: {  	_ =	shalt  }
0x61: {  	_ =	shalt  }
0x62: {  	_ =	shalt  }
0x63: {  	_ =	shalt  }
0x64: {  	_ =	shalt  }
0x65: {  	_ =	shalt  }
0x66: {  	_ =	shalt  }
0x67: {  	_ =	shalt  }
0x68: {  	_ =	shalt  }
0x69: {  	_ =	shalt  }
0x6a: {  	_ =	shalt  }
0x6b: {  	_ =	shalt  }
0x6c: {  	_ =	shalt  }
0x6d: {  	_ =	shalt  }
0x6e: {  	_ =	shalt  }
0x6f: {  	_ =	shalt  }
0x70: {  	_ =	shalt  }
0x71: {  	_ =	shalt  }
0x72: {  	_ =	shalt  }
0x73: {  	_ =	shalt  }
0x74: {  	_ =	shalt  }
0x75: {  	_ =	shalt  }
0x76: {  	_ =	shalt  }
0x77: {  	_ =	shalt  }
0x78: {  	_ =	shalt  }
0x79: {  	_ =	shalt  }
0x7a: {  	_ =	shalt  }
0x7b: {  	_ =	shalt  }
0x7c: {  	_ =	shalt  }
0x7d: {  	_ =	shalt  }
0x7e: {  	_ =	shalt  }
0x7f: {  	_ =	shalt  }
0x80: {  	_ =	shalt  }
0x81: {  	_ =	shalt  }
0x82: {  	_ =	shalt  }
0x83: {  	_ =	shalt  }
0x84: {  	_ =	shalt  }
0x85: {  	_ =	shalt  }
0x86: {  	_ =	shalt  }
0x87: {  	_ =	shalt  }
.Lfunc_end0:
.L_simem_size_0:
called_computation_lowered:
.L_overlay_start_0:
0x88: {  	s2 =	sld [smem:$0x3FD9]  }
0x89: {  	s3 =	sld [smem:$0x3FFE];
	_ =	sdelay $0x1  }
0x8a: {  	s1 =	srdreg.scid  }
0x8b: {  	s0 =	sand.u32 $0x1, s1  }
0x8c: {  	s16 =	sshll.u32 s0, $0xA;
	s2 =	sadd.s32 s3, s2  }
0x8d: {  	s2 =	sadd.s32 s2, s16  }
0x8e: {  	[smem:$0x3FBE] =	sst s2  }
0x8f: {  	_ = 	snop  }
0x90: {  	(tm) =	ssettm $0x1  }
0x91: {  	s17 =	sld [smem:$0x3FFB];
	_ =	sdelay $0x3  }
0x92: {  	_ =	strace s17  }
0x93: {  	s2 =	sld [smem:$0x3FFC];
	_ =	sdelay $0x3  }
0x94: {  	_ =	strace s2  }
0x95: {  	s2 =	sld [smem:$0x3FFD];
	_ =	sdelay $0x3  }
0x96: {  	_ =	strace s2  }
0x97: {  	_ =	strace $0x8FFFFFFF  }
0x98: {  	s18 =	sld [smem:$0x3FDB];
	_ =	sdelay $0x1  }
0x99: {  	s19 =	simm.s32 $_scs_section_size  }
0x9a: {  	s4 =	simm.s32 $_size__tile_overlayer_lowered;
	s5 =	simm.s32 $_tile_overlayer_lowered  }
0x9b: {  	s22 =	simm.s32 $0x1BFF;
	s21 =	sshll.u32 s5, $0x1;
	s2 =	sadd.s32 s19, s18  }
0x9c: {  	s6 =	simm.s32 $0x0;
	s20 =	sshll.u32 s4, $0x1;
	s4 =	sadd.s32 s21, s2  }
0x9d: {  	[timem:s6], [sflag:s22] =	dma.local [hbm:s4], s20  }
0x9e: {  	_ =	swait.ge [sflag:s22], s20  }
0x9f: {  	s3 =	ssub.s32 $0x0, s20;
	[sflag:s22] =	ssyncset.done $0x0  }
0xa0: {  	[sflag:s22] =	ssyncadd.s32 s3;
	_ =	sdelay $0x1  }
0xa1: {  	s23 =	simm.s32 $0x1B8B  }
0xa2: {  	_ =	swait.ge [sflag:s23], $0x1  }
0xa3: {  	[sflag:s23] =	ssyncset.done $0x0  }
0xa4: {  	s25 =	simm.s32 $0x1B8E;
	s24 =	sld [smem:$0x3FFE];
	[sflag:s23] =	ssyncadd.s32 $0xFFFFFFFF  }
0xa5: {  	s26 =	simm.s32 $execute0_lowered;
	[smem:$0x3FD2] =	sst s25  }
0xa6: {  	s4 =	sshll.u32 s26, $0x1;
	_ =	strace $0x80000046;
	[dreg:$0x1] =	wrdreg $0xFFFFFFFF  }
0xa7: {  	s28 =	simm.s32 $_size_execute0_lowered;
	s2 =	sadd.s32 s2, s4;
	[dreg:$0x0] =	wrdreg $0x0  }
0xa8: {  	s4 =	sshll.u32 s28, $0x1;
	[dreg:$0x2] =	wrdreg s2  }
0xa9: {  	[dreg:$0x3] =	wrdreg s4  }
0xaa: {  	[dreg:$0x4] =	wrdreg $0xC0  }
0xab: {  	_ =	task [dreg:s6], $0x5FFFF  }
0xac: {  	[dreg:$0x1] =	wrdreg $0xFFFFFFFF  }
0xad: {  	[dreg:$0x0] =	wrdreg $0x60  }
0xae: {  	[dreg:$0x2] =	wrdreg s24  }
0xaf: {  	[dreg:$0x3] =	wrdreg $0x9  }
0xb0: {  	_ =	task.clear_ibuf [dreg:s6], $0x4FFFF;
	_ =	strace $0x90000046  }
0xb1: {  	s29 =	simm.s32 $0x9;
	_ =	strace $0x80000048  }
0xb2: {  	_ =	swait.ge [sflag:s29], $0x1  }
0xb3: {  	[sflag:s29] =	ssyncadd.s32 $0xFFFFFFFF  }
0xb4: {  	_ =	strace $0x90000048  }
0xb5: {  	_ =	sfence  }
0xb6: {  	s30 =	sld [smem:$0x0];
	_ =	sdelay $0x2  }
0xb7: {  	s31 =	sshll.u32 s1, $0xD;
	s1 =	sshrl.u32 s1, $0x2  }
0xb8: {  	s3 =	sand.u32 $0x4000, s31;
	s1 =	sadd.s32 s1, s30  }
0xb9: {  	s0 =	sor.u32 s3, s0;
	s1 =	sshll.u32 s1, $0x11  }
0xba: {  	s0 =	sor.u32 s1, s0  }
0xbb: {  	s0 =	sadd.s32 $0x8F2B, s0  }
0xbc: {  	[sflag:s0] =	ssyncadd.remote.s32 $0x1  }
0xbd: {  	_ =	sfence.sel $0xFFFF  }
0xbe: {  	[dreg:$0x0] =	wrdreg $0xFFFFFFFF;
	(pc) =	sbr.abs _section_cstart, $3  }
0xbf: {  	[dreg:$0x1] =	wrdreg $0xFFFFFFFF  }
0xc0: {  	_ =	task.clear_ibuf [dreg:s6], $0x2FFFF;
	_ =	strace $0x9FFFFFFF  }
0xc1: {  	(tm) =	ssettm $0x7FFFFFFF  }
tec
execute0_lowered:
.L_overlay_start_1:
0x0: {  	(tag) =	ssettag $0x1  }
0x1: {  	s0 =	rddreg [dreg:$0x0];
	s2 =	simm.s32 $0x0  }
0x2: {  	s1 =	srdreg.scid;
	s3 =	stileid.u32;
	s28 =	simm.s32 $0x8  }
0x3: {  	s29 =	simm.s32 $0xD;
	s30 =	simm.s32 $0xF;
	s31 =	simm.s32 $0x13  }
0x4: {  	[smem:$0x7FF] =	sst s2;
	s1 =	sand.u32 $0x1, s1;
	s3 =	sshll.u32 s3, $0x1  }
0x5: {  	s4 =	sadd.s32 $0x3C800, s0;
	s6 =	sadd.s32 $0xB800, s0;
	s7 =	sadd.s32 $0x1A00, s0  }
0x6: {  	s8 =	sadd.s32 $0x63A00, s0;
	s5 =	sor.u32 s1, s3;
	s1 =	ssub.s32 $0x2, s1  }
0x7: {  	_ =	strace $0x80000047;
	s10 =	smul.u32 $0x2710, s5;
	s12 =	sshrl.u32 s1, $0x1  }
0x8: {  	s3 =	sadd.s32 $0x15600, s0;
	s5 =	smul.u32 $0x9C400, s5;
	s0 =	ssub.s32 s1, s12  }
0x9: {  	s12 =	simm.s32 $0x50;
	s9 =	sadd.s32 $0x50, s10;
	s13 =	sshrl.u32 s10, $0x3  }
0xa: {  	s16 =	sadd.s32 $0xA0, s10;
	s17 =	sadd.s32 $0xF0, s10;
	[dreg:$0x6] =	wrdreg s9  }
0xb: {  	s22 =	sadd.s32 $0x140, s10;
	s23 =	sshrl.u32 s5, $0x3;
	[dreg:$0x7] =	wrdreg s16  }
0xc: {  	s24 =	sadd.s32 $0x190, s10;
	s25 =	sadd.s32 $0x1E0, s10;
	[dreg:$0xc] =	wrdreg s22  }
0xd: {  	s26 =	sadd.s32 $0x230, s10;
	s0 =	smax.u32 s0, $0x1;
	[dreg:$0xd] =	wrdreg s24  }
0xe: {  	s9 =	sshrl.u32 s9, $0x3;
	s11 =	sadd.s32 s6, s13;
	[dreg:$0xe] =	wrdreg s25  }
0xf: {  	s1 =	sadd.s32 s7, s13;
	s18 =	smov.u32 s17;
	[dreg:$0xf] =	wrdreg s26  }
0x10: {  	[dreg:$0x11] =	wrdreg s0;
	s26 =	simm.s32 $0x200;
	s24 =	simm.s32 $0x4  }
0x11: {  	s13 =	simm.s32 $0xA;
	s22 =	simm.s32 $0xB;
	[dreg:$0x2] =	wrdreg s11  }
0x12: {  	s0 =	simm.s32 $0xC;
	[dreg:$0x3] =	wrdreg s1;
	s14 =	sadd.s32 s6, s9  }
0x13: {  	s15 =	sadd.s32 s7, s9;
	s1 =	sshrl.u32 s16, $0x3;
	[dreg:$0x4] =	wrdreg s14  }
0x14: {  	s9 =	sshrl.u32 s17, $0x3;
	[dreg:$0x5] =	wrdreg s15;
	s19 =	sadd.s32 s6, s1  }
0x15: {  	s11 =	simm.s32 $0x5;
	s1 =	sadd.s32 s7, s1;
	[dreg:$0x8] =	wrdreg s19  }
0x16: {  	s16 =	simm.s32 $0xE;
	s20 =	sadd.s32 s6, s9;
	[dreg:$0x9] =	wrdreg s1  }
0x17: {  	s17 =	simm.s32 $0x14;
	s21 =	sadd.s32 s7, s9;
	[dreg:$0xa] =	wrdreg s20  }
0x18: {  	s9 =	simm.s32 $0x0;
	[dreg:$0xb] =	wrdreg s21;
	s1 =	sadd.s32 s8, s23  }
0x19: {  	s21 =	smov.u32 s10;
	s10 =	simm.s32 $0x1;
	s1 =	sadd.s32 $0x13600, s1  }
0x1a: {  	s23 =	simm.s32 $0x9;
	[dreg:$0x10] =	wrdreg s1;
	s1 =	simm.s32 $0x10  }
.LBB2_1:
0x1b: {  	[dreg:$0x12] =	wrdreg s9  }
0x1c: {  	s5 =	rddreg [dreg:$0x2]  }
0x1d: {  	[tilespmem:s2], [sflag:$0x1] =	stream.linear.gather [hbm4b:s5+s2], $0x50, $0x38;
	[tilespmem:$0x19400] =	vst v63  }
0x1e: {  	s9 =	rddreg [dreg:$0x3]  }
0x1f: {  	[tilespmem:s26], [sflag:$0x5] =	stream.linear.gather [hbm4b:s9+s2], $0x50, $0x38;
	[tilespmem:$0x19400] =	vst v63  }
0x20: {  	s14 =	rddreg [dreg:$0x4];
	s9 =	simm.s32 $0x80  }
0x21: {  	[tilespmem:s9], [sflag:$0x2] =	stream.linear.gather [hbm4b:s14+s2], $0x50, $0x38;
	[tilespmem:$0x19400] =	vst v63  }
0x22: {  	s15 =	rddreg [dreg:$0x5];
	s14 =	simm.s32 $0x280  }
0x23: {  	[tilespmem:s14], [sflag:$0x6] =	stream.linear.gather [hbm4b:s15+s2], $0x50, $0x38;
	[tilespmem:$0x19400] =	vst v63  }
0x24: {  	s19 =	rddreg [dreg:$0x8];
	s15 =	simm.s32 $0x100  }
0x25: {  	[tilespmem:s15], [sflag:$0x3] =	stream.linear.gather [hbm4b:s19+s2], $0x50, $0x38;
	[tilespmem:$0x19400] =	vst v63  }
0x26: {  	s20 =	rddreg [dreg:$0x9];
	s19 =	simm.s32 $0x300  }
0x27: {  	[tilespmem:s19], [sflag:$0x7] =	stream.linear.gather [hbm4b:s20+s2], $0x50, $0x38;
	[tilespmem:$0x19400] =	vst v63  }
0x28: {  	s25 =	rddreg [dreg:$0xa];
	s20 =	simm.s32 $0x180  }
0x29: {  	[tilespmem:s20], [sflag:$0x4] =	stream.linear.gather [hbm4b:s25+s2], $0x50, $0x38;
	[tilespmem:$0x19400] =	vst v63  }
0x2a: {  	s5 =	rddreg [dreg:$0xb];
	s25 =	simm.s32 $0x380  }
0x2b: {  	[tilespmem:s25], [sflag:$0x8] =	stream.linear.gather [hbm4b:s5+s2], $0x50, $0x38;
	[tilespmem:$0x19400] =	vst v63  }
0x2c: {  	_ =	swait.ge [sflag:s10], $0x50  }
0x2d: {  	[sflag:s10] =	ssyncset.done $0x0  }
0x2e: {  	[sflag:s10] =	ssyncadd.s32 $0xFFFFFFB0  }
0x2f: {  	_ =	swait.ge [sflag:s11], $0x50  }
0x30: {  	[sflag:s11] =	ssyncset.done $0x0  }
0x31: {  	s5 =	simm.s32 $0x400;
	[sflag:s11] =	ssyncadd.s32 $0xFFFFFFB0  }
0x32: {  	[tilespmem:s5], [sflag:$0x9] =	stream.indirect.gather [hbm4b:s3+s12], $0x80, s2, s12, $0xb8;
	[tilespmem:$0x19400] =	vst v63  }
0x33: {  	s5 =	simm.s32 $0xA400  }
0x34: {  	[tilespmem:s5], [sflag:$0xD] =	stream.indirect.gather [hbm4b:s4+s12], $0x80, s26, s12, $0xb8;
	[tilespmem:$0x19400] =	vst v63  }
0x35: {  	s5 =	simm.s32 $0x2  }
0x36: {  	_ =	swait.ge [sflag:s5], $0x50  }
0x37: {  	[sflag:s5] =	ssyncset.done $0x0  }
0x38: {  	[sflag:s5] =	ssyncadd.s32 $0xFFFFFFB0;
	s5 =	simm.s32 $0x6  }
0x39: {  	_ =	swait.ge [sflag:s5], $0x50  }
0x3a: {  	[sflag:s5] =	ssyncset.done $0x0  }
0x3b: {  	[sflag:s5] =	ssyncadd.s32 $0xFFFFFFB0;
	s5 =	simm.s32 $0x2C00  }
0x3c: {  	[tilespmem:s5], [sflag:$0xA] =	stream.indirect.gather [hbm4b:s3+s12], $0x80, s9, s12, $0xb8;
	[tilespmem:$0x19400] =	vst v63  }
0x3d: {  	s9 =	simm.s32 $0xCC00  }
0x3e: {  	[tilespmem:s9], [sflag:$0xE] =	stream.indirect.gather [hbm4b:s4+s12], $0x80, s14, s12, $0xb8;
	[tilespmem:$0x19400] =	vst v63  }
0x3f: {  	s14 =	simm.s32 $0x3  }
0x40: {  	_ =	swait.ge [sflag:s14], $0x50  }
0x41: {  	[sflag:s14] =	ssyncset.done $0x0  }
0x42: {  	s9 =	simm.s32 $0x7;
	[sflag:s14] =	ssyncadd.s32 $0xFFFFFFB0  }
0x43: {  	_ =	swait.ge [sflag:s9], $0x50  }
0x44: {  	[sflag:s9] =	ssyncset.done $0x0  }
0x45: {  	s14 =	simm.s32 $0x5400;
	[sflag:s9] =	ssyncadd.s32 $0xFFFFFFB0  }
0x46: {  	[tilespmem:s14], [sflag:$0xB] =	stream.indirect.gather [hbm4b:s3+s12], $0x80, s15, s12, $0xb8;
	[tilespmem:$0x19400] =	vst v63  }
0x47: {  	s15 =	simm.s32 $0xF400  }
0x48: {  	[tilespmem:s15], [sflag:$0xF] =	stream.indirect.gather [hbm4b:s4+s12], $0x80, s19, s12, $0xb8;
	[tilespmem:$0x19400] =	vst v63  }
0x49: {  	_ =	swait.ge [sflag:s24], $0x50  }
0x4a: {  	[sflag:s24] =	ssyncset.done $0x0  }
0x4b: {  	[sflag:s24] =	ssyncadd.s32 $0xFFFFFFB0  }
0x4c: {  	_ =	swait.ge [sflag:s28], $0x50  }
0x4d: {  	[sflag:s28] =	ssyncset.done $0x0  }
0x4e: {  	s19 =	simm.s32 $0x7C00;
	[sflag:s28] =	ssyncadd.s32 $0xFFFFFFB0  }
0x4f: {  	[tilespmem:s19], [sflag:$0xC] =	stream.indirect.gather [hbm4b:s3+s12], $0x80, s20, s12, $0xb8;
	[tilespmem:$0x19400] =	vst v63  }
0x50: {  	s20 =	simm.s32 $0x11C00  }
0x51: {  	[tilespmem:s20], [sflag:$0x10] =	stream.indirect.gather [hbm4b:s4+s12], $0x80, s25, s12, $0xb8;
	[tilespmem:$0x19400] =	vst v63  }
0x52: {  	s25 =	simm.s32 $0x0  }
.LBB2_2:
0x53: {  	_ =	swait.ge [sflag:s23], $0x2800  }
0x54: {  	[sflag:s23] =	ssyncset.done $0x0  }
0x55: {  	[sflag:s23] =	ssyncadd.s32 $0xFFFFD800  }
0x56: {  	s19 =	smul.u32 $0x140, s25;
	_ =	swait.ge [sflag:s29], $0x2800  }
0x57: {  	s5 =	rddreg [dreg:$0xc]  }
0x58: {  	s5 =	sadd.s32 s19, s5  }
0x59: {  	[sflag:s29] =	ssyncset.done $0x0;
	s5 =	sshrl.u32 s5, $0x3  }
0x5a: {  	[sflag:s29] =	ssyncadd.s32 $0xFFFFD800;
	s9 =	sadd.s32 s6, s5  }
0x5b: {  	[tilespmem:s2], [sflag:$0x1] =	stream.linear.gather [hbm4b:s9+s2], $0x50, $0x38;
	[tilespmem:$0x19400] =	vst v63  }
0x5c: {  	p0 =	seq.s32 s25, $0x0;
	s5 =	sadd.s32 s7, s5  }
0x5d: {  	[tilespmem:s26], [sflag:$0x5] =	stream.linear.gather [hbm4b:s5+s2], $0x50, $0x38;
	[tilespmem:$0x19400] =	vst v63  }
0x5e: {  	s5 =	simm.s32 @!p0 $0x11  }
0x5f: {  	_ =	swait.ge @!p0 [sflag:s5], $0x1400  }
0x60: {  	[sflag:s5] =	ssyncset.done @!p0 $0x0  }
0x61: {  	s9 =	simm.s32 $0xF0;
	[sflag:s5] =	ssyncadd.s32 @!p0 $0xFFFFEC00  }
0x62: {  	v0 =	vld [tilespmem:s9+$0xA320]  }
0x63: {  	v1 =	vld [tilespmem:s9+$0x310]  }
0x64: {  	v2 =	vld [tilespmem:s9+$0x320]  }
0x65: {  	v3 =	vld [tilespmem:s9+$0xA310];
	_ =	sdelay $0x4  }
0x66: {  	v0 =	vadd.f32 v0, v2;
	v1 =	vadd.f32 v3, v1;
	_ =	sdelay $0x1  }
0x67: {  	v2 =	vshrl.u32 v0, $0x10;
	v3 =	vshrl.u32 v1, $0x10  }
0x68: {  	v2 =	vand.u32 $0x1, v2;
	v3 =	vand.u32 $0x1, v3  }
0x69: {  	v0 =	vadd.s32 v2, v0;
	v1 =	vadd.s32 v3, v1  }
0x6a: {  	v0 =	vadd.s32 $0x7FFF, v0;
	v1 =	vadd.s32 $0x7FFF, v1  }
0x6b: {  	v0 =	vand.u32 $0xFFFF0000, v0;
	v1 =	vshrl.u32 v1, $0x10  }
0x6c: {  	s14 =	simm.s32 $0x14440;
	v0 =	vor.u32 v1, v0  }
0x6d: {  	[tilespmem:s14+$0xFFFFFFC0] =	vst v0  }
0x6e: {  	v0 =	vld [tilespmem:s9+$0xA340]  }
0x6f: {  	v1 =	vld [tilespmem:s9+$0xA330]  }
0x70: {  	v2 =	vld [tilespmem:s9+$0x330]  }
0x71: {  	v3 =	vld [tilespmem:s9+$0x340];
	_ =	sdelay $0x4  }
0x72: {  	v1 =	vadd.f32 v1, v2;
	v0 =	vadd.f32 v0, v3;
	_ =	sdelay $0x1  }
0x73: {  	v2 =	vshrl.u32 v1, $0x10;
	v3 =	vshrl.u32 v0, $0x10  }
0x74: {  	v2 =	vand.u32 $0x1, v2;
	v3 =	vand.u32 $0x1, v3  }
0x75: {  	v1 =	vadd.s32 v2, v1;
	v0 =	vadd.s32 v3, v0  }
0x76: {  	v1 =	vadd.s32 $0x7FFF, v1;
	v0 =	vadd.s32 $0x7FFF, v0  }
0x77: {  	v1 =	vshrl.u32 v1, $0x10;
	v0 =	vand.u32 $0xFFFF0000, v0  }
0x78: {  	v0 =	vor.u32 v1, v0  }
0x79: {  	[tilespmem:s14+$0xFFFFFFD0] =	vst v0  }
0x7a: {  	v0 =	vld [tilespmem:s9+$0xA350]  }
0x7b: {  	v1 =	vld [tilespmem:s9+$0xA360]  }
0x7c: {  	v2 =	vld [tilespmem:s9+$0x360]  }
0x7d: {  	v3 =	vld [tilespmem:s9+$0x350];
	_ =	sdelay $0x4  }
0x7e: {  	v1 =	vadd.f32 v1, v2;
	v0 =	vadd.f32 v0, v3;
	_ =	sdelay $0x1  }
0x7f: {  	v2 =	vshrl.u32 v1, $0x10;
	v3 =	vshrl.u32 v0, $0x10  }
0x80: {  	v2 =	vand.u32 $0x1, v2;
	v3 =	vand.u32 $0x1, v3  }
0x81: {  	v1 =	vadd.s32 v2, v1;
	v0 =	vadd.s32 v3, v0  }
0x82: {  	v1 =	vadd.s32 $0x7FFF, v1;
	v0 =	vadd.s32 $0x7FFF, v0  }
0x83: {  	v1 =	vand.u32 $0xFFFF0000, v1;
	v0 =	vshrl.u32 v0, $0x10  }
0x84: {  	v0 =	vor.u32 v0, v1  }
0x85: {  	[tilespmem:s14+$0xFFFFFFE0] =	vst v0  }
0x86: {  	v0 =	vld [tilespmem:s9+$0x370]  }
0x87: {  	v1 =	vld [tilespmem:s9+$0xA370]  }
0x88: {  	v2 =	vld [tilespmem:s9+$0xA380]  }
0x89: {  	v3 =	vld [tilespmem:s9+$0x380];
	_ =	sdelay $0x4  }
0x8a: {  	v0 =	vadd.f32 v1, v0;
	v1 =	vadd.f32 v2, v3;
	_ =	sdelay $0x1  }
0x8b: {  	v2 =	vshrl.u32 v0, $0x10;
	v3 =	vshrl.u32 v1, $0x10  }
0x8c: {  	v2 =	vand.u32 $0x1, v2;
	v3 =	vand.u32 $0x1, v3  }
0x8d: {  	v0 =	vadd.s32 v2, v0;
	v1 =	vadd.s32 v3, v1  }
0x8e: {  	v0 =	vadd.s32 $0x7FFF, v0;
	v1 =	vadd.s32 $0x7FFF, v1  }
0x8f: {  	v0 =	vshrl.u32 v0, $0x10;
	v1 =	vand.u32 $0xFFFF0000, v1  }
0x90: {  	v0 =	vor.u32 v0, v1  }
0x91: {  	[tilespmem:s14+$0xFFFFFFF0] =	vst v0  }
0x92: {  	v0 =	vld [tilespmem:s9+$0xA3A0]  }
0x93: {  	v1 =	vld [tilespmem:s9+$0x390]  }
0x94: {  	v2 =	vld [tilespmem:s9+$0x3A0]  }
0x95: {  	v3 =	vld [tilespmem:s9+$0xA390];
	_ =	sdelay $0x4  }
0x96: {  	v0 =	vadd.f32 v0, v2;
	v1 =	vadd.f32 v3, v1;
	_ =	sdelay $0x1  }
0x97: {  	v2 =	vshrl.u32 v0, $0x10;
	v3 =	vshrl.u32 v1, $0x10  }
0x98: {  	v2 =	vand.u32 $0x1, v2;
	v3 =	vand.u32 $0x1, v3  }
0x99: {  	v0 =	vadd.s32 v2, v0;
	v1 =	vadd.s32 v3, v1  }
0x9a: {  	v0 =	vadd.s32 $0x7FFF, v0;
	v1 =	vadd.s32 $0x7FFF, v1  }
0x9b: {  	v0 =	vand.u32 $0xFFFF0000, v0;
	v1 =	vshrl.u32 v1, $0x10  }
0x9c: {  	v0 =	vor.u32 v1, v0  }
0x9d: {  	[tilespmem:s14+$0x0] =	vst v0  }
0x9e: {  	v0 =	vld [tilespmem:s9+$0xA3C0]  }
0x9f: {  	v1 =	vld [tilespmem:s9+$0xA3B0]  }
0xa0: {  	v2 =	vld [tilespmem:s9+$0x3B0]  }
0xa1: {  	v3 =	vld [tilespmem:s9+$0x3C0];
	_ =	sdelay $0x4  }
0xa2: {  	v1 =	vadd.f32 v1, v2;
	v0 =	vadd.f32 v0, v3;
	_ =	sdelay $0x1  }
0xa3: {  	v2 =	vshrl.u32 v1, $0x10;
	v3 =	vshrl.u32 v0, $0x10  }
0xa4: {  	v2 =	vand.u32 $0x1, v2;
	v3 =	vand.u32 $0x1, v3  }
0xa5: {  	v1 =	vadd.s32 v2, v1;
	v0 =	vadd.s32 v3, v0  }
0xa6: {  	v1 =	vadd.s32 $0x7FFF, v1;
	v0 =	vadd.s32 $0x7FFF, v0  }
0xa7: {  	v1 =	vshrl.u32 v1, $0x10;
	v0 =	vand.u32 $0xFFFF0000, v0  }
0xa8: {  	v0 =	vor.u32 v1, v0  }
0xa9: {  	[tilespmem:s14+$0x10] =	vst v0  }
0xaa: {  	v0 =	vld [tilespmem:s9+$0x3D0]  }
0xab: {  	v1 =	vld [tilespmem:s9+$0xA3D0]  }
0xac: {  	v2 =	vld [tilespmem:s9+$0x3E0]  }
0xad: {  	v3 =	vld [tilespmem:s9+$0xA3E0];
	_ =	sdelay $0x2  }
0xae: {  	v0 =	vadd.f32 v1, v0;
	_ =	sdelay $0x1  }
0xaf: {  	s15 =	simm.s32 $0x14440;
	s5 =	simm.s32 $0x7C0;
	v1 =	vadd.f32 v3, v2;
	v2 =	vshrl.u32 v0, $0x10  }
.LBB2_3:
0xb0: {  	p1 =	sne.s32 s5, $0x9FC0  }
0xb1: {  	s14 =	sadd.s32 $0x80, s14;
	s20 =	smov.u32 s5;
	s5 =	sadd.s32 $0x400, s5  }
0xb2: {  	v3 =	vshrl.u32 v1, $0x10  }
0xb3: {  	v2 =	vand.u32 $0x1, v2;
	v3 =	vand.u32 $0x1, v3  }
0xb4: {  	v0 =	vadd.s32 v2, v0;
	v1 =	vadd.s32 v3, v1  }
0xb5: {  	v0 =	vadd.s32 $0x7FFF, v0;
	v1 =	vadd.s32 $0x7FFF, v1  }
0xb6: {  	v0 =	vshrl.u32 v0, $0x10;
	v1 =	vand.u32 $0xFFFF0000, v1  }
0xb7: {  	v0 =	vor.u32 v0, v1  }
0xb8: {  	[tilespmem:s15+$0x20] =	vst v0  }
0xb9: {  	v0 =	vld [tilespmem:s9+$0xA400]  }
0xba: {  	v1 =	vld [tilespmem:s9+$0x3F0]  }
0xbb: {  	v2 =	vld [tilespmem:s9+$0x400]  }
0xbc: {  	v3 =	vld [tilespmem:s9+$0xA3F0];
	_ =	sdelay $0x3  }
0xbd: {  	v0 =	vadd.f32 v0, v2  }
0xbe: {  	v1 =	vadd.f32 v3, v1  }
0xbf: {  	v2 =	vshrl.u32 v0, $0x10  }
0xc0: {  	v3 =	vshrl.u32 v1, $0x10;
	v2 =	vand.u32 $0x1, v2  }
0xc1: {  	v3 =	vand.u32 $0x1, v3;
	v0 =	vadd.s32 v2, v0  }
0xc2: {  	v1 =	vadd.s32 v3, v1;
	v0 =	vadd.s32 $0x7FFF, v0  }
0xc3: {  	v1 =	vadd.s32 $0x7FFF, v1;
	v0 =	vand.u32 $0xFFFF0000, v0  }
0xc4: {  	v1 =	vshrl.u32 v1, $0x10  }
0xc5: {  	v0 =	vor.u32 v1, v0  }
0xc6: {  	s9 =	sshra.s32 s20, $0x2;
	[tilespmem:s15+$0x30] =	vst v0;
	s15 =	smov.u32 s14  }
0xc7: {  	v0 =	vld [tilespmem:s9+$0xA320]  }
0xc8: {  	v1 =	vld [tilespmem:s9+$0x310]  }
0xc9: {  	v2 =	vld [tilespmem:s9+$0x320]  }
0xca: {  	v3 =	vld [tilespmem:s9+$0xA310];
	_ =	sdelay $0x3  }
0xcb: {  	v0 =	vadd.f32 v0, v2  }
0xcc: {  	v1 =	vadd.f32 v3, v1  }
0xcd: {  	v2 =	vshrl.u32 v0, $0x10  }
0xce: {  	v3 =	vshrl.u32 v1, $0x10;
	v2 =	vand.u32 $0x1, v2  }
0xcf: {  	v3 =	vand.u32 $0x1, v3;
	v0 =	vadd.s32 v2, v0  }
0xd0: {  	v1 =	vadd.s32 v3, v1;
	v0 =	vadd.s32 $0x7FFF, v0  }
0xd1: {  	v1 =	vadd.s32 $0x7FFF, v1;
	v0 =	vand.u32 $0xFFFF0000, v0  }
0xd2: {  	v1 =	vshrl.u32 v1, $0x10  }
0xd3: {  	v0 =	vor.u32 v1, v0  }
0xd4: {  	[tilespmem:s14+$0xFFFFFFC0] =	vst v0  }
0xd5: {  	v0 =	vld [tilespmem:s9+$0xA340]  }
0xd6: {  	v1 =	vld [tilespmem:s9+$0xA330]  }
0xd7: {  	v2 =	vld [tilespmem:s9+$0x330]  }
0xd8: {  	v3 =	vld [tilespmem:s9+$0x340];
	_ =	sdelay $0x3  }
0xd9: {  	v1 =	vadd.f32 v1, v2  }
0xda: {  	v0 =	vadd.f32 v0, v3  }
0xdb: {  	v2 =	vshrl.u32 v1, $0x10  }
0xdc: {  	v2 =	vand.u32 $0x1, v2;
	v3 =	vshrl.u32 v0, $0x10  }
0xdd: {  	v1 =	vadd.s32 v2, v1;
	v2 =	vand.u32 $0x1, v3  }
0xde: {  	v1 =	vadd.s32 $0x7FFF, v1;
	v0 =	vadd.s32 v2, v0  }
0xdf: {  	v0 =	vadd.s32 $0x7FFF, v0  }
0xe0: {  	v1 =	vshrl.u32 v1, $0x10;
	v0 =	vand.u32 $0xFFFF0000, v0  }
0xe1: {  	v0 =	vor.u32 v1, v0  }
0xe2: {  	[tilespmem:s14+$0xFFFFFFD0] =	vst v0  }
0xe3: {  	v0 =	vld [tilespmem:s9+$0xA350]  }
0xe4: {  	v1 =	vld [tilespmem:s9+$0xA360]  }
0xe5: {  	v2 =	vld [tilespmem:s9+$0x360]  }
0xe6: {  	v3 =	vld [tilespmem:s9+$0x350];
	_ =	sdelay $0x3  }
0xe7: {  	v1 =	vadd.f32 v1, v2  }
0xe8: {  	v0 =	vadd.f32 v0, v3  }
0xe9: {  	v2 =	vshrl.u32 v1, $0x10  }
0xea: {  	v3 =	vshrl.u32 v0, $0x10;
	v2 =	vand.u32 $0x1, v2  }
0xeb: {  	v3 =	vand.u32 $0x1, v3;
	v1 =	vadd.s32 v2, v1  }
0xec: {  	v0 =	vadd.s32 v3, v0;
	v1 =	vadd.s32 $0x7FFF, v1  }
0xed: {  	v0 =	vadd.s32 $0x7FFF, v0;
	v1 =	vand.u32 $0xFFFF0000, v1  }
0xee: {  	v0 =	vshrl.u32 v0, $0x10  }
0xef: {  	v0 =	vor.u32 v0, v1  }
0xf0: {  	[tilespmem:s14+$0xFFFFFFE0] =	vst v0  }
0xf1: {  	v0 =	vld [tilespmem:s9+$0x370]  }
0xf2: {  	v1 =	vld [tilespmem:s9+$0xA370]  }
0xf3: {  	v2 =	vld [tilespmem:s9+$0xA380]  }
0xf4: {  	v3 =	vld [tilespmem:s9+$0x380];
	_ =	sdelay $0x2  }
0xf5: {  	v0 =	vadd.f32 v1, v0;
	_ =	sdelay $0x1  }
0xf6: {  	v1 =	vadd.f32 v2, v3;
	v2 =	vshrl.u32 v0, $0x10  }
0xf7: {  	v2 =	vand.u32 $0x1, v2  }
0xf8: {  	v0 =	vadd.s32 v2, v0;
	v2 =	vshrl.u32 v1, $0x10  }
0xf9: {  	v0 =	vadd.s32 $0x7FFF, v0;
	v2 =	vand.u32 $0x1, v2  }
0xfa: {  	v0 =	vshrl.u32 v0, $0x10;
	v1 =	vadd.s32 v2, v1  }
0xfb: {  	v1 =	vadd.s32 $0x7FFF, v1  }
0xfc: {  	v1 =	vand.u32 $0xFFFF0000, v1  }
0xfd: {  	v0 =	vor.u32 v0, v1  }
0xfe: {  	[tilespmem:s14+$0xFFFFFFF0] =	vst v0  }
0xff: {  	v0 =	vld [tilespmem:s9+$0xA3A0]  }
0x100: {  	v1 =	vld [tilespmem:s9+$0x390]  }
0x101: {  	v2 =	vld [tilespmem:s9+$0x3A0]  }
0x102: {  	v3 =	vld [tilespmem:s9+$0xA390];
	_ =	sdelay $0x3  }
0x103: {  	v0 =	vadd.f32 v0, v2  }
0x104: {  	v1 =	vadd.f32 v3, v1  }
0x105: {  	v2 =	vshrl.u32 v0, $0x10  }
0x106: {  	v3 =	vshrl.u32 v1, $0x10;
	v2 =	vand.u32 $0x1, v2  }
0x107: {  	v3 =	vand.u32 $0x1, v3;
	v0 =	vadd.s32 v2, v0  }
0x108: {  	v1 =	vadd.s32 v3, v1;
	v0 =	vadd.s32 $0x7FFF, v0  }
0x109: {  	v1 =	vadd.s32 $0x7FFF, v1;
	v0 =	vand.u32 $0xFFFF0000, v0  }
0x10a: {  	v1 =	vshrl.u32 v1, $0x10  }
0x10b: {  	v0 =	vor.u32 v1, v0  }
0x10c: {  	[tilespmem:s14+$0x0] =	vst v0  }
0x10d: {  	v0 =	vld [tilespmem:s9+$0xA3C0]  }
0x10e: {  	v1 =	vld [tilespmem:s9+$0xA3B0]  }
0x10f: {  	v2 =	vld [tilespmem:s9+$0x3B0]  }
0x110: {  	v3 =	vld [tilespmem:s9+$0x3C0];
	_ =	sdelay $0x3  }
0x111: {  	v1 =	vadd.f32 v1, v2  }
0x112: {  	v0 =	vadd.f32 v0, v3  }
0x113: {  	v2 =	vshrl.u32 v1, $0x10  }
0x114: {  	v2 =	vand.u32 $0x1, v2;
	v3 =	vshrl.u32 v0, $0x10  }
0x115: {  	v1 =	vadd.s32 v2, v1;
	v2 =	vand.u32 $0x1, v3  }
0x116: {  	v1 =	vadd.s32 $0x7FFF, v1;
	v0 =	vadd.s32 v2, v0  }
0x117: {  	v0 =	vadd.s32 $0x7FFF, v0  }
0x118: {  	v1 =	vshrl.u32 v1, $0x10;
	v0 =	vand.u32 $0xFFFF0000, v0  }
0x119: {  	v0 =	vor.u32 v1, v0  }
0x11a: {  	[tilespmem:s14+$0x10] =	vst v0  }
0x11b: {  	v0 =	vld [tilespmem:s9+$0x3D0]  }
0x11c: {  	v1 =	vld [tilespmem:s9+$0xA3D0]  }
0x11d: {  	v2 =	vld [tilespmem:s9+$0x3E0]  }
0x11e: {  	v3 =	vld [tilespmem:s9+$0xA3E0]  }
.Ltmp0:
0x11f: {  	(pc) =	sbr.rel @p1 .LBB2_3-.Ltmp0, $3  }
0x120: {  	_ = 	snop  }
0x121: {  	v0 =	vadd.f32 v1, v0;
	_ =	sdelay $0x1  }
0x122: {  	v1 =	vadd.f32 v3, v2;
	v2 =	vshrl.u32 v0, $0x10  }
0x123: {  	_ = 	snop  }
0x124: {  	v3 =	vshrl.u32 v1, $0x10  }
0x125: {  	v2 =	vand.u32 $0x1, v2;
	v3 =	vand.u32 $0x1, v3  }
0x126: {  	v0 =	vadd.s32 v2, v0;
	v1 =	vadd.s32 v3, v1  }
0x127: {  	v0 =	vadd.s32 $0x7FFF, v0;
	v1 =	vadd.s32 $0x7FFF, v1  }
0x128: {  	v0 =	vshrl.u32 v0, $0x10;
	v1 =	vand.u32 $0xFFFF0000, v1  }
0x129: {  	v0 =	vor.u32 v0, v1  }
0x12a: {  	[tilespmem:s15+$0x20] =	vst v0  }
0x12b: {  	v0 =	vld [tilespmem:s9+$0xA400]  }
0x12c: {  	v1 =	vld [tilespmem:s9+$0x3F0]  }
0x12d: {  	v2 =	vld [tilespmem:s9+$0x400]  }
0x12e: {  	v3 =	vld [tilespmem:s9+$0xA3F0];
	_ =	sdelay $0x4  }
0x12f: {  	v0 =	vadd.f32 v0, v2;
	v1 =	vadd.f32 v3, v1;
	_ =	sdelay $0x1  }
0x130: {  	v2 =	vshrl.u32 v0, $0x10;
	v3 =	vshrl.u32 v1, $0x10  }
0x131: {  	v2 =	vand.u32 $0x1, v2;
	v3 =	vand.u32 $0x1, v3  }
0x132: {  	v0 =	vadd.s32 v2, v0;
	v1 =	vadd.s32 v3, v1  }
0x133: {  	v0 =	vadd.s32 $0x7FFF, v0;
	v1 =	vadd.s32 $0x7FFF, v1  }
0x134: {  	s5 =	sadd.s32 s21, s19;
	v0 =	vand.u32 $0xFFFF0000, v0;
	v1 =	vshrl.u32 v1, $0x10  }
0x135: {  	s5 =	sshll.u32 s5, $0x3;
	v0 =	vor.u32 v1, v0  }
0x136: {  	s14 =	simm.s32 $0x14400;
	s5 =	sadd.s32 s8, s5;
	[tilespmem:s15+$0x30] =	vst v0  }
0x137: {  	[hbm4b:s5+s2] =	stream.linear.scatter [tilespmem:s14], [sflag:$0x11], $0x1400, $0x38;
	[tilespmem:$0x19400] =	vst v63  }
0x138: {  	_ =	swait.ge [sflag:s10], $0x50  }
0x139: {  	[sflag:s10] =	ssyncset.done $0x0  }
0x13a: {  	[sflag:s10] =	ssyncadd.s32 $0xFFFFFFB0  }
0x13b: {  	_ =	swait.ge [sflag:s11], $0x50  }
0x13c: {  	[sflag:s11] =	ssyncset.done $0x0  }
0x13d: {  	s15 =	simm.s32 $0x400;
	[sflag:s11] =	ssyncadd.s32 $0xFFFFFFB0  }
0x13e: {  	[tilespmem:s15], [sflag:$0x9] =	stream.indirect.gather [hbm4b:s3+s12], $0x80, s2, s12, $0xb8;
	[tilespmem:$0x19400] =	vst v63  }
0x13f: {  	s20 =	simm.s32 $0xA400  }
0x140: {  	[tilespmem:s20], [sflag:$0xD] =	stream.indirect.gather [hbm4b:s4+s12], $0x80, s26, s12, $0xb8;
	[tilespmem:$0x19400] =	vst v63  }
0x141: {  	_ =	swait.ge [sflag:s13], $0x2800  }
0x142: {  	[sflag:s13] =	ssyncset.done $0x0  }
0x143: {  	[sflag:s13] =	ssyncadd.s32 $0xFFFFD800  }
0x144: {  	_ =	swait.ge [sflag:s16], $0x2800  }
0x145: {  	p1 =	seq.s32 s25, $0x1E;
	s5 =	rddreg [dreg:$0xd]  }
0x146: {  	p2 =	seq.s32 @!p1 s25, $0x0;
	s5 =	sadd.s32 @!p1 s19, s5  }
0x147: {  	s14 =	simm.s32 @!p1 $0x0;
	[sflag:s16] =	ssyncset.done $0x0;
	s5 =	sshrl.u32 @!p1 s5, $0x3  }
0x148: {  	s15 =	simm.s32 @!p1 $0x80;
	[sflag:s16] =	ssyncadd.s32 $0xFFFFD800;
	s9 =	sadd.s32 @!p1 s6, s5  }
0x149: {  	[tilespmem:s15], [sflag:$0x2] =	stream.linear.gather @!p1 [hbm4b:s9+s14], $0x50, $0x38;
	[tilespmem:$0x19400] =	vst v63  }
0x14a: {  	p2 =	por p1, !p2;
	s5 =	sadd.s32 @!p1 s7, s5;
	s9 =	simm.s32 @!p1 $0x280  }
0x14b: {  	[tilespmem:s9], [sflag:$0x6] =	stream.linear.gather @!p1 [hbm4b:s5+s14], $0x50, $0x38;
	[tilespmem:$0x19400] =	vst v63  }
0x14c: {  	s5 =	simm.s32 @p2 $0x12  }
0x14d: {  	_ =	swait.ge @p2 [sflag:s5], $0x1400  }
0x14e: {  	[sflag:s5] =	ssyncset.done @p2 $0x0  }
0x14f: {  	s9 =	simm.s32 $0xF0;
	[sflag:s5] =	ssyncadd.s32 @p2 $0xFFFFEC00  }
0x150: {  	v0 =	vld [tilespmem:s9+$0xCB20]  }
0x151: {  	v1 =	vld [tilespmem:s9+$0x2B10]  }
0x152: {  	v2 =	vld [tilespmem:s9+$0x2B20]  }
0x153: {  	v3 =	vld [tilespmem:s9+$0xCB10];
	_ =	sdelay $0x4  }
0x154: {  	v0 =	vadd.f32 v0, v2;
	v1 =	vadd.f32 v3, v1;
	_ =	sdelay $0x1  }
0x155: {  	v2 =	vshrl.u32 v0, $0x10;
	v3 =	vshrl.u32 v1, $0x10  }
0x156: {  	v2 =	vand.u32 $0x1, v2;
	v3 =	vand.u32 $0x1, v3  }
0x157: {  	v0 =	vadd.s32 v2, v0;
	v1 =	vadd.s32 v3, v1  }
0x158: {  	v0 =	vadd.s32 $0x7FFF, v0;
	v1 =	vadd.s32 $0x7FFF, v1  }
0x159: {  	v0 =	vand.u32 $0xFFFF0000, v0;
	v1 =	vshrl.u32 v1, $0x10  }
0x15a: {  	s14 =	simm.s32 $0x15840;
	v0 =	vor.u32 v1, v0  }
0x15b: {  	[tilespmem:s14+$0xFFFFFFC0] =	vst v0  }
0x15c: {  	v0 =	vld [tilespmem:s9+$0xCB40]  }
0x15d: {  	v1 =	vld [tilespmem:s9+$0xCB30]  }
0x15e: {  	v2 =	vld [tilespmem:s9+$0x2B30]  }
0x15f: {  	v3 =	vld [tilespmem:s9+$0x2B40];
	_ =	sdelay $0x4  }
0x160: {  	v1 =	vadd.f32 v1, v2;
	v0 =	vadd.f32 v0, v3;
	_ =	sdelay $0x1  }
0x161: {  	v2 =	vshrl.u32 v1, $0x10;
	v3 =	vshrl.u32 v0, $0x10  }
0x162: {  	v2 =	vand.u32 $0x1, v2;
	v3 =	vand.u32 $0x1, v3  }
0x163: {  	v1 =	vadd.s32 v2, v1;
	v0 =	vadd.s32 v3, v0  }
0x164: {  	v1 =	vadd.s32 $0x7FFF, v1;
	v0 =	vadd.s32 $0x7FFF, v0  }
0x165: {  	v1 =	vshrl.u32 v1, $0x10;
	v0 =	vand.u32 $0xFFFF0000, v0  }
0x166: {  	v0 =	vor.u32 v1, v0  }
0x167: {  	[tilespmem:s14+$0xFFFFFFD0] =	vst v0  }
0x168: {  	v0 =	vld [tilespmem:s9+$0xCB50]  }
0x169: {  	v1 =	vld [tilespmem:s9+$0xCB60]  }
0x16a: {  	v2 =	vld [tilespmem:s9+$0x2B60]  }
0x16b: {  	v3 =	vld [tilespmem:s9+$0x2B50];
	_ =	sdelay $0x4  }
0x16c: {  	v1 =	vadd.f32 v1, v2;
	v0 =	vadd.f32 v0, v3;
	_ =	sdelay $0x1  }
0x16d: {  	v2 =	vshrl.u32 v1, $0x10;
	v3 =	vshrl.u32 v0, $0x10  }
0x16e: {  	v2 =	vand.u32 $0x1, v2;
	v3 =	vand.u32 $0x1, v3  }
0x16f: {  	v1 =	vadd.s32 v2, v1;
	v0 =	vadd.s32 v3, v0  }
0x170: {  	v1 =	vadd.s32 $0x7FFF, v1;
	v0 =	vadd.s32 $0x7FFF, v0  }
0x171: {  	v1 =	vand.u32 $0xFFFF0000, v1;
	v0 =	vshrl.u32 v0, $0x10  }
0x172: {  	v0 =	vor.u32 v0, v1  }
0x173: {  	[tilespmem:s14+$0xFFFFFFE0] =	vst v0  }
0x174: {  	v0 =	vld [tilespmem:s9+$0x2B70]  }
0x175: {  	v1 =	vld [tilespmem:s9+$0xCB70]  }
0x176: {  	v2 =	vld [tilespmem:s9+$0xCB80]  }
0x177: {  	v3 =	vld [tilespmem:s9+$0x2B80];
	_ =	sdelay $0x4  }
0x178: {  	v0 =	vadd.f32 v1, v0;
	v1 =	vadd.f32 v2, v3;
	_ =	sdelay $0x1  }
0x179: {  	v2 =	vshrl.u32 v0, $0x10;
	v3 =	vshrl.u32 v1, $0x10  }
0x17a: {  	v2 =	vand.u32 $0x1, v2;
	v3 =	vand.u32 $0x1, v3  }
0x17b: {  	v0 =	vadd.s32 v2, v0;
	v1 =	vadd.s32 v3, v1  }
0x17c: {  	v0 =	vadd.s32 $0x7FFF, v0;
	v1 =	vadd.s32 $0x7FFF, v1  }
0x17d: {  	v0 =	vshrl.u32 v0, $0x10;
	v1 =	vand.u32 $0xFFFF0000, v1  }
0x17e: {  	v0 =	vor.u32 v0, v1  }
0x17f: {  	[tilespmem:s14+$0xFFFFFFF0] =	vst v0  }
0x180: {  	v0 =	vld [tilespmem:s9+$0xCBA0]  }
0x181: {  	v1 =	vld [tilespmem:s9+$0x2B90]  }
0x182: {  	v2 =	vld [tilespmem:s9+$0x2BA0]  }
0x183: {  	v3 =	vld [tilespmem:s9+$0xCB90];
	_ =	sdelay $0x4  }
0x184: {  	v0 =	vadd.f32 v0, v2;
	v1 =	vadd.f32 v3, v1;
	_ =	sdelay $0x1  }
0x185: {  	v2 =	vshrl.u32 v0, $0x10;
	v3 =	vshrl.u32 v1, $0x10  }
0x186: {  	v2 =	vand.u32 $0x1, v2;
	v3 =	vand.u32 $0x1, v3  }
0x187: {  	v0 =	vadd.s32 v2, v0;
	v1 =	vadd.s32 v3, v1  }
0x188: {  	v0 =	vadd.s32 $0x7FFF, v0;
	v1 =	vadd.s32 $0x7FFF, v1  }
0x189: {  	v0 =	vand.u32 $0xFFFF0000, v0;
	v1 =	vshrl.u32 v1, $0x10  }
0x18a: {  	v0 =	vor.u32 v1, v0  }
0x18b: {  	[tilespmem:s14+$0x0] =	vst v0  }
0x18c: {  	v0 =	vld [tilespmem:s9+$0xCBC0]  }
0x18d: {  	v1 =	vld [tilespmem:s9+$0xCBB0]  }
0x18e: {  	v2 =	vld [tilespmem:s9+$0x2BB0]  }
0x18f: {  	v3 =	vld [tilespmem:s9+$0x2BC0];
	_ =	sdelay $0x4  }
0x190: {  	v1 =	vadd.f32 v1, v2;
	v0 =	vadd.f32 v0, v3;
	_ =	sdelay $0x1  }
0x191: {  	v2 =	vshrl.u32 v1, $0x10;
	v3 =	vshrl.u32 v0, $0x10  }
0x192: {  	v2 =	vand.u32 $0x1, v2;
	v3 =	vand.u32 $0x1, v3  }
0x193: {  	v1 =	vadd.s32 v2, v1;
	v0 =	vadd.s32 v3, v0  }
0x194: {  	v1 =	vadd.s32 $0x7FFF, v1;
	v0 =	vadd.s32 $0x7FFF, v0  }
0x195: {  	v1 =	vshrl.u32 v1, $0x10;
	v0 =	vand.u32 $0xFFFF0000, v0  }
0x196: {  	v0 =	vor.u32 v1, v0  }
0x197: {  	[tilespmem:s14+$0x10] =	vst v0  }
0x198: {  	v0 =	vld [tilespmem:s9+$0x2BD0]  }
0x199: {  	v1 =	vld [tilespmem:s9+$0xCBD0]  }
0x19a: {  	v2 =	vld [tilespmem:s9+$0x2BE0]  }
0x19b: {  	v3 =	vld [tilespmem:s9+$0xCBE0];
	_ =	sdelay $0x2  }
0x19c: {  	v0 =	vadd.f32 v1, v0;
	_ =	sdelay $0x1  }
0x19d: {  	s15 =	simm.s32 $0x15840;
	s5 =	simm.s32 $0x7C0;
	v1 =	vadd.f32 v3, v2;
	v2 =	vshrl.u32 v0, $0x10  }
.LBB2_5:
0x19e: {  	p2 =	sne.s32 s5, $0x9FC0  }
0x19f: {  	s14 =	sadd.s32 $0x80, s14;
	s20 =	smov.u32 s5;
	s5 =	sadd.s32 $0x400, s5  }
0x1a0: {  	v3 =	vshrl.u32 v1, $0x10  }
0x1a1: {  	v2 =	vand.u32 $0x1, v2;
	v3 =	vand.u32 $0x1, v3  }
0x1a2: {  	v0 =	vadd.s32 v2, v0;
	v1 =	vadd.s32 v3, v1  }
0x1a3: {  	v0 =	vadd.s32 $0x7FFF, v0;
	v1 =	vadd.s32 $0x7FFF, v1  }
0x1a4: {  	v0 =	vshrl.u32 v0, $0x10;
	v1 =	vand.u32 $0xFFFF0000, v1  }
0x1a5: {  	v0 =	vor.u32 v0, v1  }
0x1a6: {  	[tilespmem:s15+$0x20] =	vst v0  }
0x1a7: {  	v0 =	vld [tilespmem:s9+$0xCC00]  }
0x1a8: {  	v1 =	vld [tilespmem:s9+$0x2BF0]  }
0x1a9: {  	v2 =	vld [tilespmem:s9+$0x2C00]  }
0x1aa: {  	v3 =	vld [tilespmem:s9+$0xCBF0];
	_ =	sdelay $0x3  }
0x1ab: {  	v0 =	vadd.f32 v0, v2  }
0x1ac: {  	v1 =	vadd.f32 v3, v1  }
0x1ad: {  	v2 =	vshrl.u32 v0, $0x10  }
0x1ae: {  	v3 =	vshrl.u32 v1, $0x10;
	v2 =	vand.u32 $0x1, v2  }
0x1af: {  	v3 =	vand.u32 $0x1, v3;
	v0 =	vadd.s32 v2, v0  }
0x1b0: {  	v1 =	vadd.s32 v3, v1;
	v0 =	vadd.s32 $0x7FFF, v0  }
0x1b1: {  	v1 =	vadd.s32 $0x7FFF, v1;
	v0 =	vand.u32 $0xFFFF0000, v0  }
0x1b2: {  	v1 =	vshrl.u32 v1, $0x10  }
0x1b3: {  	v0 =	vor.u32 v1, v0  }
0x1b4: {  	s9 =	sshra.s32 s20, $0x2;
	[tilespmem:s15+$0x30] =	vst v0;
	s15 =	smov.u32 s14  }
0x1b5: {  	v0 =	vld [tilespmem:s9+$0xCB20]  }
0x1b6: {  	v1 =	vld [tilespmem:s9+$0x2B10]  }
0x1b7: {  	v2 =	vld [tilespmem:s9+$0x2B20]  }
0x1b8: {  	v3 =	vld [tilespmem:s9+$0xCB10];
	_ =	sdelay $0x3  }
0x1b9: {  	v0 =	vadd.f32 v0, v2  }
0x1ba: {  	v1 =	vadd.f32 v3, v1  }
0x1bb: {  	v2 =	vshrl.u32 v0, $0x10  }
0x1bc: {  	v3 =	vshrl.u32 v1, $0x10;
	v2 =	vand.u32 $0x1, v2  }
0x1bd: {  	v3 =	vand.u32 $0x1, v3;
	v0 =	vadd.s32 v2, v0  }
0x1be: {  	v1 =	vadd.s32 v3, v1;
	v0 =	vadd.s32 $0x7FFF, v0  }
0x1bf: {  	v1 =	vadd.s32 $0x7FFF, v1;
	v0 =	vand.u32 $0xFFFF0000, v0  }
0x1c0: {  	v1 =	vshrl.u32 v1, $0x10  }
0x1c1: {  	v0 =	vor.u32 v1, v0  }
0x1c2: {  	[tilespmem:s14+$0xFFFFFFC0] =	vst v0  }
0x1c3: {  	v0 =	vld [tilespmem:s9+$0xCB40]  }
0x1c4: {  	v1 =	vld [tilespmem:s9+$0xCB30]  }
0x1c5: {  	v2 =	vld [tilespmem:s9+$0x2B30]  }
0x1c6: {  	v3 =	vld [tilespmem:s9+$0x2B40];
	_ =	sdelay $0x3  }
0x1c7: {  	v1 =	vadd.f32 v1, v2  }
0x1c8: {  	v0 =	vadd.f32 v0, v3  }
0x1c9: {  	v2 =	vshrl.u32 v1, $0x10  }
0x1ca: {  	v2 =	vand.u32 $0x1, v2;
	v3 =	vshrl.u32 v0, $0x10  }
0x1cb: {  	v1 =	vadd.s32 v2, v1;
	v2 =	vand.u32 $0x1, v3  }
0x1cc: {  	v1 =	vadd.s32 $0x7FFF, v1;
	v0 =	vadd.s32 v2, v0  }
0x1cd: {  	v0 =	vadd.s32 $0x7FFF, v0  }
0x1ce: {  	v1 =	vshrl.u32 v1, $0x10;
	v0 =	vand.u32 $0xFFFF0000, v0  }
0x1cf: {  	v0 =	vor.u32 v1, v0  }
0x1d0: {  	[tilespmem:s14+$0xFFFFFFD0] =	vst v0  }
0x1d1: {  	v0 =	vld [tilespmem:s9+$0xCB50]  }
0x1d2: {  	v1 =	vld [tilespmem:s9+$0xCB60]  }
0x1d3: {  	v2 =	vld [tilespmem:s9+$0x2B60]  }
0x1d4: {  	v3 =	vld [tilespmem:s9+$0x2B50];
	_ =	sdelay $0x3  }
0x1d5: {  	v1 =	vadd.f32 v1, v2  }
0x1d6: {  	v0 =	vadd.f32 v0, v3  }
0x1d7: {  	v2 =	vshrl.u32 v1, $0x10  }
0x1d8: {  	v3 =	vshrl.u32 v0, $0x10;
	v2 =	vand.u32 $0x1, v2  }
0x1d9: {  	v3 =	vand.u32 $0x1, v3;
	v1 =	vadd.s32 v2, v1  }
0x1da: {  	v0 =	vadd.s32 v3, v0;
	v1 =	vadd.s32 $0x7FFF, v1  }
0x1db: {  	v0 =	vadd.s32 $0x7FFF, v0;
	v1 =	vand.u32 $0xFFFF0000, v1  }
0x1dc: {  	v0 =	vshrl.u32 v0, $0x10  }
0x1dd: {  	v0 =	vor.u32 v0, v1  }
0x1de: {  	[tilespmem:s14+$0xFFFFFFE0] =	vst v0  }
0x1df: {  	v0 =	vld [tilespmem:s9+$0x2B70]  }
0x1e0: {  	v1 =	vld [tilespmem:s9+$0xCB70]  }
0x1e1: {  	v2 =	vld [tilespmem:s9+$0xCB80]  }
0x1e2: {  	v3 =	vld [tilespmem:s9+$0x2B80];
	_ =	sdelay $0x2  }
0x1e3: {  	v0 =	vadd.f32 v1, v0;
	_ =	sdelay $0x1  }
0x1e4: {  	v1 =	vadd.f32 v2, v3;
	v2 =	vshrl.u32 v0, $0x10  }
0x1e5: {  	v2 =	vand.u32 $0x1, v2  }
0x1e6: {  	v0 =	vadd.s32 v2, v0;
	v2 =	vshrl.u32 v1, $0x10  }
0x1e7: {  	v0 =	vadd.s32 $0x7FFF, v0;
	v2 =	vand.u32 $0x1, v2  }
0x1e8: {  	v0 =	vshrl.u32 v0, $0x10;
	v1 =	vadd.s32 v2, v1  }
0x1e9: {  	v1 =	vadd.s32 $0x7FFF, v1  }
0x1ea: {  	v1 =	vand.u32 $0xFFFF0000, v1  }
0x1eb: {  	v0 =	vor.u32 v0, v1  }
0x1ec: {  	[tilespmem:s14+$0xFFFFFFF0] =	vst v0  }
0x1ed: {  	v0 =	vld [tilespmem:s9+$0xCBA0]  }
0x1ee: {  	v1 =	vld [tilespmem:s9+$0x2B90]  }
0x1ef: {  	v2 =	vld [tilespmem:s9+$0x2BA0]  }
0x1f0: {  	v3 =	vld [tilespmem:s9+$0xCB90];
	_ =	sdelay $0x3  }
0x1f1: {  	v0 =	vadd.f32 v0, v2  }
0x1f2: {  	v1 =	vadd.f32 v3, v1  }
0x1f3: {  	v2 =	vshrl.u32 v0, $0x10  }
0x1f4: {  	v3 =	vshrl.u32 v1, $0x10;
	v2 =	vand.u32 $0x1, v2  }
0x1f5: {  	v3 =	vand.u32 $0x1, v3;
	v0 =	vadd.s32 v2, v0  }
0x1f6: {  	v1 =	vadd.s32 v3, v1;
	v0 =	vadd.s32 $0x7FFF, v0  }
0x1f7: {  	v1 =	vadd.s32 $0x7FFF, v1;
	v0 =	vand.u32 $0xFFFF0000, v0  }
0x1f8: {  	v1 =	vshrl.u32 v1, $0x10  }
0x1f9: {  	v0 =	vor.u32 v1, v0  }
0x1fa: {  	[tilespmem:s14+$0x0] =	vst v0  }
0x1fb: {  	v0 =	vld [tilespmem:s9+$0xCBC0]  }
0x1fc: {  	v1 =	vld [tilespmem:s9+$0xCBB0]  }
0x1fd: {  	v2 =	vld [tilespmem:s9+$0x2BB0]  }
0x1fe: {  	v3 =	vld [tilespmem:s9+$0x2BC0];
	_ =	sdelay $0x3  }
0x1ff: {  	v1 =	vadd.f32 v1, v2  }
0x200: {  	v0 =	vadd.f32 v0, v3  }
0x201: {  	v2 =	vshrl.u32 v1, $0x10  }
0x202: {  	v2 =	vand.u32 $0x1, v2;
	v3 =	vshrl.u32 v0, $0x10  }
0x203: {  	v1 =	vadd.s32 v2, v1;
	v2 =	vand.u32 $0x1, v3  }
0x204: {  	v1 =	vadd.s32 $0x7FFF, v1;
	v0 =	vadd.s32 v2, v0  }
0x205: {  	v0 =	vadd.s32 $0x7FFF, v0  }
0x206: {  	v1 =	vshrl.u32 v1, $0x10;
	v0 =	vand.u32 $0xFFFF0000, v0  }
0x207: {  	v0 =	vor.u32 v1, v0  }
0x208: {  	[tilespmem:s14+$0x10] =	vst v0  }
0x209: {  	v0 =	vld [tilespmem:s9+$0x2BD0]  }
0x20a: {  	v1 =	vld [tilespmem:s9+$0xCBD0]  }
0x20b: {  	v2 =	vld [tilespmem:s9+$0x2BE0]  }
0x20c: {  	v3 =	vld [tilespmem:s9+$0xCBE0]  }
.Ltmp1:
0x20d: {  	(pc) =	sbr.rel @p2 .LBB2_5-.Ltmp1, $3  }
0x20e: {  	_ = 	snop  }
0x20f: {  	v0 =	vadd.f32 v1, v0;
	_ =	sdelay $0x1  }
0x210: {  	v1 =	vadd.f32 v3, v2;
	v2 =	vshrl.u32 v0, $0x10  }
0x211: {  	_ = 	snop  }
0x212: {  	v3 =	vshrl.u32 v1, $0x10  }
0x213: {  	v2 =	vand.u32 $0x1, v2;
	v3 =	vand.u32 $0x1, v3  }
0x214: {  	v0 =	vadd.s32 v2, v0;
	v60 =	vadd.s32 v3, v1  }
0x215: {  	v0 =	vadd.s32 $0x7FFF, v0;
	v1 =	vadd.s32 $0x7FFF, v60  }
0x216: {  	v0 =	vshrl.u32 v0, $0x10;
	v1 =	vand.u32 $0xFFFF0000, v1  }
0x217: {  	v0 =	vor.u32 v0, v1  }
0x218: {  	[tilespmem:s15+$0x20] =	vst v0  }
0x219: {  	v0 =	vld [tilespmem:s9+$0xCC00]  }
0x21a: {  	v61 =	vld [tilespmem:s9+$0x2BF0]  }
0x21b: {  	v62 =	vld [tilespmem:s9+$0x2C00]  }
0x21c: {  	v63 =	vld [tilespmem:s9+$0xCBF0];
	_ =	sdelay $0x4  }
0x21d: {  	v0 =	vadd.f32 v0, v62;
	v1 =	vadd.f32 v63, v61;
	_ =	sdelay $0x1  }
0x21e: {  	v2 =	vshrl.u32 v0, $0x10;
	v3 =	vshrl.u32 v1, $0x10  }
0x21f: {  	v2 =	vand.u32 $0x1, v2;
	v3 =	vand.u32 $0x1, v3  }
0x220: {  	v0 =	vadd.s32 v2, v0;
	v1 =	vadd.s32 v3, v1  }
.Ltmp2:
0x221: {  	s5 =	rddreg [dreg:$0x6];
	v0 =	vadd.s32 $0x7FFF, v0;
	v1 =	vadd.s32 $0x7FFF, v1;
	(pc) =	sbr.rel @!p1 .LBB2_7-.Ltmp2, $4  }
0x222: {  	s5 =	sadd.s32 s19, s5;
	v0 =	vand.u32 $0xFFFF0000, v0;
	v1 =	vshrl.u32 v1, $0x10  }
0x223: {  	s5 =	sshll.u32 s5, $0x3;
	v0 =	vor.u32 v1, v0  }
0x224: {  	s20 =	simm.s32 $0x15800;
	s5 =	sadd.s32 s8, s5;
	[tilespmem:s15+$0x30] =	vst v0  }
0x225: {  	[hbm4b:s5+s2] =	stream.linear.scatter [tilespmem:s20], [sflag:$0x12], $0x1400, $0x38;
	[tilespmem:$0x19400] =	vst v63  }
0x226: {  	_ =	swait.ge [sflag:s22], $0x2800  }
.Ltmp3:
0x227: {  	[sflag:s22] =	ssyncset.done $0x0;
	(pc) =	sbr.rel .LBB2_9-.Ltmp3, $4  }
0x228: {  	[sflag:s22] =	ssyncadd.s32 $0xFFFFD800  }
0x229: {  	_ =	swait.ge [sflag:s30], $0x2800  }
0x22a: {  	[sflag:s30] =	ssyncset.done $0x0  }
0x22b: {  	[sflag:s30] =	ssyncadd.s32 $0xFFFFD800  }
.LBB2_7:
0x22c: {  	s5 =	simm.s32 $0x2  }
0x22d: {  	_ =	swait.ge [sflag:s5], $0x50  }
0x22e: {  	[sflag:s5] =	ssyncset.done $0x0  }
0x22f: {  	s9 =	simm.s32 $0x6;
	[sflag:s5] =	ssyncadd.s32 $0xFFFFFFB0  }
0x230: {  	_ =	swait.ge [sflag:s9], $0x50  }
0x231: {  	[sflag:s9] =	ssyncset.done $0x0  }
0x232: {  	s14 =	simm.s32 $0x80;
	[sflag:s9] =	ssyncadd.s32 $0xFFFFFFB0;
	s9 =	simm.s32 $0x2C00  }
0x233: {  	[tilespmem:s9], [sflag:$0xA] =	stream.indirect.gather [hbm4b:s3+s12], $0x80, s14, s12, $0xb8;
	[tilespmem:$0x19400] =	vst v63  }
0x234: {  	s15 =	simm.s32 $0x280;
	s20 =	simm.s32 $0xCC00  }
0x235: {  	[tilespmem:s20], [sflag:$0xE] =	stream.indirect.gather [hbm4b:s4+s12], $0x80, s15, s12, $0xb8;
	[tilespmem:$0x19400] =	vst v63  }
0x236: {  	_ =	swait.ge [sflag:s22], $0x2800  }
0x237: {  	[sflag:s22] =	ssyncset.done $0x0  }
0x238: {  	[sflag:s22] =	ssyncadd.s32 $0xFFFFD800  }
0x239: {  	_ =	swait.ge [sflag:s30], $0x2800  }
0x23a: {  	s14 =	rddreg [dreg:$0xe]  }
0x23b: {  	s5 =	sadd.s32 s19, s14  }
.Ltmp4:
0x23c: {  	[sflag:s30] =	ssyncset.done $0x0;
	s5 =	sshrl.u32 s5, $0x3;
	(pc) =	sbr.rel @p0 .LBB2_10-.Ltmp4, $4  }
0x23d: {  	[sflag:s30] =	ssyncadd.s32 $0xFFFFD800;
	s14 =	simm.s32 $0x100;
	s15 =	sadd.s32 s6, s5  }
0x23e: {  	[tilespmem:s14], [sflag:$0x3] =	stream.linear.gather [hbm4b:s15+s2], $0x50, $0x38;
	[tilespmem:$0x19400] =	vst v63  }
0x23f: {  	s20 =	simm.s32 $0x300;
	s5 =	sadd.s32 s7, s5  }
0x240: {  	[tilespmem:s20], [sflag:$0x7] =	stream.linear.gather [hbm4b:s5+s2], $0x50, $0x38;
	[tilespmem:$0x19400] =	vst v63  }
.LBB2_9:
0x241: {  	_ =	swait.ge [sflag:s31], $0x1400  }
0x242: {  	[sflag:s31] =	ssyncset.done $0x0  }
0x243: {  	[sflag:s31] =	ssyncadd.s32 $0xFFFFEC00  }
.LBB2_10:
0x244: {  	s9 =	simm.s32 $0xF0  }
0x245: {  	v0 =	vld [tilespmem:s9+$0xF320]  }
0x246: {  	v1 =	vld [tilespmem:s9+$0x5310]  }
0x247: {  	v2 =	vld [tilespmem:s9+$0x5320]  }
0x248: {  	v3 =	vld [tilespmem:s9+$0xF310];
	_ =	sdelay $0x4  }
0x249: {  	v0 =	vadd.f32 v0, v2;
	v1 =	vadd.f32 v3, v1;
	_ =	sdelay $0x1  }
0x24a: {  	v2 =	vshrl.u32 v0, $0x10;
	v3 =	vshrl.u32 v1, $0x10  }
0x24b: {  	v2 =	vand.u32 $0x1, v2;
	v3 =	vand.u32 $0x1, v3  }
0x24c: {  	v0 =	vadd.s32 v2, v0;
	v1 =	vadd.s32 v3, v1  }
0x24d: {  	v0 =	vadd.s32 $0x7FFF, v0;
	v1 =	vadd.s32 $0x7FFF, v1  }
0x24e: {  	v0 =	vand.u32 $0xFFFF0000, v0;
	v1 =	vshrl.u32 v1, $0x10  }
0x24f: {  	s14 =	simm.s32 $0x16C40;
	v0 =	vor.u32 v1, v0  }
0x250: {  	[tilespmem:s14+$0xFFFFFFC0] =	vst v0  }
0x251: {  	v0 =	vld [tilespmem:s9+$0xF340]  }
0x252: {  	v1 =	vld [tilespmem:s9+$0xF330]  }
0x253: {  	v2 =	vld [tilespmem:s9+$0x5330]  }
0x254: {  	v3 =	vld [tilespmem:s9+$0x5340];
	_ =	sdelay $0x4  }
0x255: {  	v1 =	vadd.f32 v1, v2;
	v0 =	vadd.f32 v0, v3;
	_ =	sdelay $0x1  }
0x256: {  	v2 =	vshrl.u32 v1, $0x10;
	v3 =	vshrl.u32 v0, $0x10  }
0x257: {  	v2 =	vand.u32 $0x1, v2;
	v3 =	vand.u32 $0x1, v3  }
0x258: {  	v1 =	vadd.s32 v2, v1;
	v0 =	vadd.s32 v3, v0  }
0x259: {  	v1 =	vadd.s32 $0x7FFF, v1;
	v0 =	vadd.s32 $0x7FFF, v0  }
0x25a: {  	v1 =	vshrl.u32 v1, $0x10;
	v0 =	vand.u32 $0xFFFF0000, v0  }
0x25b: {  	v0 =	vor.u32 v1, v0  }
0x25c: {  	[tilespmem:s14+$0xFFFFFFD0] =	vst v0  }
0x25d: {  	v0 =	vld [tilespmem:s9+$0xF350]  }
0x25e: {  	v1 =	vld [tilespmem:s9+$0xF360]  }
0x25f: {  	v2 =	vld [tilespmem:s9+$0x5360]  }
0x260: {  	v3 =	vld [tilespmem:s9+$0x5350];
	_ =	sdelay $0x4  }
0x261: {  	v1 =	vadd.f32 v1, v2;
	v0 =	vadd.f32 v0, v3;
	_ =	sdelay $0x1  }
0x262: {  	v2 =	vshrl.u32 v1, $0x10;
	v3 =	vshrl.u32 v0, $0x10  }
0x263: {  	v2 =	vand.u32 $0x1, v2;
	v3 =	vand.u32 $0x1, v3  }
0x264: {  	v1 =	vadd.s32 v2, v1;
	v0 =	vadd.s32 v3, v0  }
0x265: {  	v1 =	vadd.s32 $0x7FFF, v1;
	v0 =	vadd.s32 $0x7FFF, v0  }
0x266: {  	v1 =	vand.u32 $0xFFFF0000, v1;
	v0 =	vshrl.u32 v0, $0x10  }
0x267: {  	v0 =	vor.u32 v0, v1  }
0x268: {  	[tilespmem:s14+$0xFFFFFFE0] =	vst v0  }
0x269: {  	v0 =	vld [tilespmem:s9+$0x5370]  }
0x26a: {  	v1 =	vld [tilespmem:s9+$0xF370]  }
0x26b: {  	v2 =	vld [tilespmem:s9+$0xF380]  }
0x26c: {  	v3 =	vld [tilespmem:s9+$0x5380];
	_ =	sdelay $0x4  }
0x26d: {  	v0 =	vadd.f32 v1, v0;
	v1 =	vadd.f32 v2, v3;
	_ =	sdelay $0x1  }
0x26e: {  	v2 =	vshrl.u32 v0, $0x10;
	v3 =	vshrl.u32 v1, $0x10  }
0x26f: {  	v2 =	vand.u32 $0x1, v2;
	v3 =	vand.u32 $0x1, v3  }
0x270: {  	v0 =	vadd.s32 v2, v0;
	v1 =	vadd.s32 v3, v1  }
0x271: {  	v0 =	vadd.s32 $0x7FFF, v0;
	v1 =	vadd.s32 $0x7FFF, v1  }
0x272: {  	v0 =	vshrl.u32 v0, $0x10;
	v1 =	vand.u32 $0xFFFF0000, v1  }
0x273: {  	v0 =	vor.u32 v0, v1  }
0x274: {  	[tilespmem:s14+$0xFFFFFFF0] =	vst v0  }
0x275: {  	v0 =	vld [tilespmem:s9+$0xF3A0]  }
0x276: {  	v1 =	vld [tilespmem:s9+$0x5390]  }
0x277: {  	v2 =	vld [tilespmem:s9+$0x53A0]  }
0x278: {  	v3 =	vld [tilespmem:s9+$0xF390];
	_ =	sdelay $0x4  }
0x279: {  	v0 =	vadd.f32 v0, v2;
	v1 =	vadd.f32 v3, v1;
	_ =	sdelay $0x1  }
0x27a: {  	v2 =	vshrl.u32 v0, $0x10;
	v3 =	vshrl.u32 v1, $0x10  }
0x27b: {  	v2 =	vand.u32 $0x1, v2;
	v3 =	vand.u32 $0x1, v3  }
0x27c: {  	v0 =	vadd.s32 v2, v0;
	v1 =	vadd.s32 v3, v1  }
0x27d: {  	v0 =	vadd.s32 $0x7FFF, v0;
	v1 =	vadd.s32 $0x7FFF, v1  }
0x27e: {  	v0 =	vand.u32 $0xFFFF0000, v0;
	v1 =	vshrl.u32 v1, $0x10  }
0x27f: {  	v0 =	vor.u32 v1, v0  }
0x280: {  	[tilespmem:s14+$0x0] =	vst v0  }
0x281: {  	v0 =	vld [tilespmem:s9+$0xF3C0]  }
0x282: {  	v1 =	vld [tilespmem:s9+$0xF3B0]  }
0x283: {  	v2 =	vld [tilespmem:s9+$0x53B0]  }
0x284: {  	v3 =	vld [tilespmem:s9+$0x53C0];
	_ =	sdelay $0x4  }
0x285: {  	v1 =	vadd.f32 v1, v2;
	v0 =	vadd.f32 v0, v3;
	_ =	sdelay $0x1  }
0x286: {  	v2 =	vshrl.u32 v1, $0x10;
	v3 =	vshrl.u32 v0, $0x10  }
0x287: {  	v2 =	vand.u32 $0x1, v2;
	v3 =	vand.u32 $0x1, v3  }
0x288: {  	v1 =	vadd.s32 v2, v1;
	v0 =	vadd.s32 v3, v0  }
0x289: {  	v1 =	vadd.s32 $0x7FFF, v1;
	v0 =	vadd.s32 $0x7FFF, v0  }
0x28a: {  	v1 =	vshrl.u32 v1, $0x10;
	v0 =	vand.u32 $0xFFFF0000, v0  }
0x28b: {  	v0 =	vor.u32 v1, v0  }
0x28c: {  	[tilespmem:s14+$0x10] =	vst v0  }
0x28d: {  	v0 =	vld [tilespmem:s9+$0x53D0]  }
0x28e: {  	v1 =	vld [tilespmem:s9+$0xF3D0]  }
0x28f: {  	v2 =	vld [tilespmem:s9+$0x53E0]  }
0x290: {  	v3 =	vld [tilespmem:s9+$0xF3E0];
	_ =	sdelay $0x2  }
0x291: {  	v0 =	vadd.f32 v1, v0;
	_ =	sdelay $0x1  }
0x292: {  	s5 =	simm.s32 $0x7C0;
	s15 =	simm.s32 $0x16C40;
	v1 =	vadd.f32 v3, v2;
	v2 =	vshrl.u32 v0, $0x10  }
.LBB2_11:
0x293: {  	p2 =	sne.s32 s5, $0x9FC0  }
0x294: {  	s14 =	sadd.s32 $0x80, s14;
	s20 =	smov.u32 s5;
	s5 =	sadd.s32 $0x400, s5  }
0x295: {  	v3 =	vshrl.u32 v1, $0x10  }
0x296: {  	v2 =	vand.u32 $0x1, v2;
	v3 =	vand.u32 $0x1, v3  }
0x297: {  	v0 =	vadd.s32 v2, v0;
	v1 =	vadd.s32 v3, v1  }
0x298: {  	v0 =	vadd.s32 $0x7FFF, v0;
	v1 =	vadd.s32 $0x7FFF, v1  }
0x299: {  	v0 =	vshrl.u32 v0, $0x10;
	v1 =	vand.u32 $0xFFFF0000, v1  }
0x29a: {  	v0 =	vor.u32 v0, v1  }
0x29b: {  	[tilespmem:s15+$0x20] =	vst v0  }
0x29c: {  	v0 =	vld [tilespmem:s9+$0xF400]  }
0x29d: {  	v1 =	vld [tilespmem:s9+$0x53F0]  }
0x29e: {  	v2 =	vld [tilespmem:s9+$0x5400]  }
0x29f: {  	v3 =	vld [tilespmem:s9+$0xF3F0];
	_ =	sdelay $0x3  }
0x2a0: {  	v0 =	vadd.f32 v0, v2  }
0x2a1: {  	v1 =	vadd.f32 v3, v1  }
0x2a2: {  	v2 =	vshrl.u32 v0, $0x10  }
0x2a3: {  	v3 =	vshrl.u32 v1, $0x10;
	v2 =	vand.u32 $0x1, v2  }
0x2a4: {  	v3 =	vand.u32 $0x1, v3;
	v0 =	vadd.s32 v2, v0  }
0x2a5: {  	v1 =	vadd.s32 v3, v1;
	v0 =	vadd.s32 $0x7FFF, v0  }
0x2a6: {  	v1 =	vadd.s32 $0x7FFF, v1;
	v0 =	vand.u32 $0xFFFF0000, v0  }
0x2a7: {  	v1 =	vshrl.u32 v1, $0x10  }
0x2a8: {  	v0 =	vor.u32 v1, v0  }
0x2a9: {  	s9 =	sshra.s32 s20, $0x2;
	[tilespmem:s15+$0x30] =	vst v0;
	s15 =	smov.u32 s14  }
0x2aa: {  	v0 =	vld [tilespmem:s9+$0xF320]  }
0x2ab: {  	v1 =	vld [tilespmem:s9+$0x5310]  }
0x2ac: {  	v2 =	vld [tilespmem:s9+$0x5320]  }
0x2ad: {  	v3 =	vld [tilespmem:s9+$0xF310];
	_ =	sdelay $0x3  }
0x2ae: {  	v0 =	vadd.f32 v0, v2  }
0x2af: {  	v1 =	vadd.f32 v3, v1  }
0x2b0: {  	v2 =	vshrl.u32 v0, $0x10  }
0x2b1: {  	v3 =	vshrl.u32 v1, $0x10;
	v2 =	vand.u32 $0x1, v2  }
0x2b2: {  	v3 =	vand.u32 $0x1, v3;
	v0 =	vadd.s32 v2, v0  }
0x2b3: {  	v1 =	vadd.s32 v3, v1;
	v0 =	vadd.s32 $0x7FFF, v0  }
0x2b4: {  	v1 =	vadd.s32 $0x7FFF, v1;
	v0 =	vand.u32 $0xFFFF0000, v0  }
0x2b5: {  	v1 =	vshrl.u32 v1, $0x10  }
0x2b6: {  	v0 =	vor.u32 v1, v0  }
0x2b7: {  	[tilespmem:s14+$0xFFFFFFC0] =	vst v0  }
0x2b8: {  	v0 =	vld [tilespmem:s9+$0xF340]  }
0x2b9: {  	v1 =	vld [tilespmem:s9+$0xF330]  }
0x2ba: {  	v2 =	vld [tilespmem:s9+$0x5330]  }
0x2bb: {  	v3 =	vld [tilespmem:s9+$0x5340];
	_ =	sdelay $0x3  }
0x2bc: {  	v1 =	vadd.f32 v1, v2  }
0x2bd: {  	v0 =	vadd.f32 v0, v3  }
0x2be: {  	v2 =	vshrl.u32 v1, $0x10  }
0x2bf: {  	v2 =	vand.u32 $0x1, v2;
	v3 =	vshrl.u32 v0, $0x10  }
0x2c0: {  	v1 =	vadd.s32 v2, v1;
	v2 =	vand.u32 $0x1, v3  }
0x2c1: {  	v1 =	vadd.s32 $0x7FFF, v1;
	v0 =	vadd.s32 v2, v0  }
0x2c2: {  	v0 =	vadd.s32 $0x7FFF, v0  }
0x2c3: {  	v1 =	vshrl.u32 v1, $0x10;
	v0 =	vand.u32 $0xFFFF0000, v0  }
0x2c4: {  	v0 =	vor.u32 v1, v0  }
0x2c5: {  	[tilespmem:s14+$0xFFFFFFD0] =	vst v0  }
0x2c6: {  	v0 =	vld [tilespmem:s9+$0xF350]  }
0x2c7: {  	v1 =	vld [tilespmem:s9+$0xF360]  }
0x2c8: {  	v2 =	vld [tilespmem:s9+$0x5360]  }
0x2c9: {  	v3 =	vld [tilespmem:s9+$0x5350];
	_ =	sdelay $0x3  }
0x2ca: {  	v1 =	vadd.f32 v1, v2  }
0x2cb: {  	v0 =	vadd.f32 v0, v3  }
0x2cc: {  	v2 =	vshrl.u32 v1, $0x10  }
0x2cd: {  	v3 =	vshrl.u32 v0, $0x10;
	v2 =	vand.u32 $0x1, v2  }
0x2ce: {  	v3 =	vand.u32 $0x1, v3;
	v1 =	vadd.s32 v2, v1  }
0x2cf: {  	v0 =	vadd.s32 v3, v0;
	v1 =	vadd.s32 $0x7FFF, v1  }
0x2d0: {  	v0 =	vadd.s32 $0x7FFF, v0;
	v1 =	vand.u32 $0xFFFF0000, v1  }
0x2d1: {  	v0 =	vshrl.u32 v0, $0x10  }
0x2d2: {  	v0 =	vor.u32 v0, v1  }
0x2d3: {  	[tilespmem:s14+$0xFFFFFFE0] =	vst v0  }
0x2d4: {  	v0 =	vld [tilespmem:s9+$0x5370]  }
0x2d5: {  	v1 =	vld [tilespmem:s9+$0xF370]  }
0x2d6: {  	v2 =	vld [tilespmem:s9+$0xF380]  }
0x2d7: {  	v3 =	vld [tilespmem:s9+$0x5380];
	_ =	sdelay $0x2  }
0x2d8: {  	v0 =	vadd.f32 v1, v0;
	_ =	sdelay $0x1  }
0x2d9: {  	v1 =	vadd.f32 v2, v3;
	v2 =	vshrl.u32 v0, $0x10  }
0x2da: {  	v2 =	vand.u32 $0x1, v2  }
0x2db: {  	v0 =	vadd.s32 v2, v0;
	v2 =	vshrl.u32 v1, $0x10  }
0x2dc: {  	v0 =	vadd.s32 $0x7FFF, v0;
	v2 =	vand.u32 $0x1, v2  }
0x2dd: {  	v0 =	vshrl.u32 v0, $0x10;
	v1 =	vadd.s32 v2, v1  }
0x2de: {  	v1 =	vadd.s32 $0x7FFF, v1  }
0x2df: {  	v1 =	vand.u32 $0xFFFF0000, v1  }
0x2e0: {  	v0 =	vor.u32 v0, v1  }
0x2e1: {  	[tilespmem:s14+$0xFFFFFFF0] =	vst v0  }
0x2e2: {  	v0 =	vld [tilespmem:s9+$0xF3A0]  }
0x2e3: {  	v1 =	vld [tilespmem:s9+$0x5390]  }
0x2e4: {  	v2 =	vld [tilespmem:s9+$0x53A0]  }
0x2e5: {  	v3 =	vld [tilespmem:s9+$0xF390];
	_ =	sdelay $0x3  }
0x2e6: {  	v0 =	vadd.f32 v0, v2  }
0x2e7: {  	v1 =	vadd.f32 v3, v1  }
0x2e8: {  	v2 =	vshrl.u32 v0, $0x10  }
0x2e9: {  	v3 =	vshrl.u32 v1, $0x10;
	v2 =	vand.u32 $0x1, v2  }
0x2ea: {  	v3 =	vand.u32 $0x1, v3;
	v0 =	vadd.s32 v2, v0  }
0x2eb: {  	v1 =	vadd.s32 v3, v1;
	v0 =	vadd.s32 $0x7FFF, v0  }
0x2ec: {  	v1 =	vadd.s32 $0x7FFF, v1;
	v0 =	vand.u32 $0xFFFF0000, v0  }
0x2ed: {  	v1 =	vshrl.u32 v1, $0x10  }
0x2ee: {  	v0 =	vor.u32 v1, v0  }
0x2ef: {  	[tilespmem:s14+$0x0] =	vst v0  }
0x2f0: {  	v0 =	vld [tilespmem:s9+$0xF3C0]  }
0x2f1: {  	v1 =	vld [tilespmem:s9+$0xF3B0]  }
0x2f2: {  	v2 =	vld [tilespmem:s9+$0x53B0]  }
0x2f3: {  	v3 =	vld [tilespmem:s9+$0x53C0];
	_ =	sdelay $0x3  }
0x2f4: {  	v1 =	vadd.f32 v1, v2  }
0x2f5: {  	v0 =	vadd.f32 v0, v3  }
0x2f6: {  	v2 =	vshrl.u32 v1, $0x10  }
0x2f7: {  	v2 =	vand.u32 $0x1, v2;
	v3 =	vshrl.u32 v0, $0x10  }
0x2f8: {  	v1 =	vadd.s32 v2, v1;
	v2 =	vand.u32 $0x1, v3  }
0x2f9: {  	v1 =	vadd.s32 $0x7FFF, v1;
	v0 =	vadd.s32 v2, v0  }
0x2fa: {  	v0 =	vadd.s32 $0x7FFF, v0  }
0x2fb: {  	v1 =	vshrl.u32 v1, $0x10;
	v0 =	vand.u32 $0xFFFF0000, v0  }
0x2fc: {  	v0 =	vor.u32 v1, v0  }
0x2fd: {  	[tilespmem:s14+$0x10] =	vst v0  }
0x2fe: {  	v0 =	vld [tilespmem:s9+$0x53D0]  }
0x2ff: {  	v1 =	vld [tilespmem:s9+$0xF3D0]  }
0x300: {  	v2 =	vld [tilespmem:s9+$0x53E0]  }
0x301: {  	v3 =	vld [tilespmem:s9+$0xF3E0]  }
.Ltmp5:
0x302: {  	(pc) =	sbr.rel @p2 .LBB2_11-.Ltmp5, $3  }
0x303: {  	_ = 	snop  }
0x304: {  	v0 =	vadd.f32 v1, v0;
	_ =	sdelay $0x1  }
0x305: {  	v1 =	vadd.f32 v3, v2;
	v2 =	vshrl.u32 v0, $0x10  }
0x306: {  	_ = 	snop  }
0x307: {  	v3 =	vshrl.u32 v1, $0x10  }
0x308: {  	v2 =	vand.u32 $0x1, v2;
	v3 =	vand.u32 $0x1, v3  }
0x309: {  	v0 =	vadd.s32 v2, v0;
	v60 =	vadd.s32 v3, v1  }
0x30a: {  	v0 =	vadd.s32 $0x7FFF, v0;
	v1 =	vadd.s32 $0x7FFF, v60  }
0x30b: {  	v0 =	vshrl.u32 v0, $0x10;
	v1 =	vand.u32 $0xFFFF0000, v1  }
0x30c: {  	v0 =	vor.u32 v0, v1  }
0x30d: {  	[tilespmem:s15+$0x20] =	vst v0  }
0x30e: {  	v0 =	vld [tilespmem:s9+$0xF400]  }
0x30f: {  	v61 =	vld [tilespmem:s9+$0x53F0]  }
0x310: {  	v62 =	vld [tilespmem:s9+$0x5400]  }
0x311: {  	v63 =	vld [tilespmem:s9+$0xF3F0];
	_ =	sdelay $0x4  }
0x312: {  	v0 =	vadd.f32 v0, v62;
	v1 =	vadd.f32 v63, v61;
	_ =	sdelay $0x1  }
0x313: {  	v2 =	vshrl.u32 v0, $0x10;
	v3 =	vshrl.u32 v1, $0x10  }
0x314: {  	v2 =	vand.u32 $0x1, v2;
	v3 =	vand.u32 $0x1, v3  }
0x315: {  	v0 =	vadd.s32 v2, v0;
	v1 =	vadd.s32 v3, v1  }
.Ltmp6:
0x316: {  	s5 =	rddreg [dreg:$0x7];
	v0 =	vadd.s32 $0x7FFF, v0;
	v1 =	vadd.s32 $0x7FFF, v1;
	(pc) =	sbr.rel @!p1 .LBB2_13-.Ltmp6, $4  }
0x317: {  	s5 =	sadd.s32 s19, s5;
	v0 =	vand.u32 $0xFFFF0000, v0;
	v1 =	vshrl.u32 v1, $0x10  }
0x318: {  	s5 =	sshll.u32 s5, $0x3;
	v0 =	vor.u32 v1, v0  }
0x319: {  	s20 =	simm.s32 $0x16C00;
	s5 =	sadd.s32 s8, s5;
	[tilespmem:s15+$0x30] =	vst v0  }
0x31a: {  	[hbm4b:s5+s2] =	stream.linear.scatter [tilespmem:s20], [sflag:$0x13], $0x1400, $0x38;
	[tilespmem:$0x19400] =	vst v63  }
0x31b: {  	_ =	swait.ge [sflag:s0], $0x2800  }
.Ltmp7:
0x31c: {  	[sflag:s0] =	ssyncset.done $0x0;
	(pc) =	sbr.rel .LBB2_15-.Ltmp7, $4  }
0x31d: {  	[sflag:s0] =	ssyncadd.s32 $0xFFFFD800  }
0x31e: {  	_ =	swait.ge [sflag:s1], $0x2800  }
0x31f: {  	[sflag:s1] =	ssyncset.done $0x0  }
0x320: {  	[sflag:s1] =	ssyncadd.s32 $0xFFFFD800  }
.LBB2_13:
0x321: {  	s5 =	simm.s32 $0x3  }
0x322: {  	_ =	swait.ge [sflag:s5], $0x50  }
0x323: {  	[sflag:s5] =	ssyncset.done $0x0  }
0x324: {  	s9 =	simm.s32 $0x7;
	[sflag:s5] =	ssyncadd.s32 $0xFFFFFFB0  }
0x325: {  	_ =	swait.ge [sflag:s9], $0x50  }
0x326: {  	[sflag:s9] =	ssyncset.done $0x0  }
0x327: {  	s14 =	simm.s32 $0x100;
	[sflag:s9] =	ssyncadd.s32 $0xFFFFFFB0;
	s9 =	simm.s32 $0x5400  }
0x328: {  	[tilespmem:s9], [sflag:$0xB] =	stream.indirect.gather [hbm4b:s3+s12], $0x80, s14, s12, $0xb8;
	[tilespmem:$0x19400] =	vst v63  }
0x329: {  	s15 =	simm.s32 $0x300;
	s20 =	simm.s32 $0xF400  }
0x32a: {  	[tilespmem:s20], [sflag:$0xF] =	stream.indirect.gather [hbm4b:s4+s12], $0x80, s15, s12, $0xb8;
	[tilespmem:$0x19400] =	vst v63  }
0x32b: {  	_ =	swait.ge [sflag:s0], $0x2800  }
0x32c: {  	[sflag:s0] =	ssyncset.done $0x0  }
0x32d: {  	[sflag:s0] =	ssyncadd.s32 $0xFFFFD800  }
0x32e: {  	_ =	swait.ge [sflag:s1], $0x2800  }
0x32f: {  	s14 =	rddreg [dreg:$0xf]  }
0x330: {  	s5 =	sadd.s32 s19, s14  }
.Ltmp8:
0x331: {  	[sflag:s1] =	ssyncset.done $0x0;
	s5 =	sshrl.u32 s5, $0x3;
	(pc) =	sbr.rel @p0 .LBB2_16-.Ltmp8, $4  }
0x332: {  	[sflag:s1] =	ssyncadd.s32 $0xFFFFD800;
	s14 =	simm.s32 $0x180;
	s15 =	sadd.s32 s6, s5  }
0x333: {  	[tilespmem:s14], [sflag:$0x4] =	stream.linear.gather [hbm4b:s15+s2], $0x50, $0x38;
	[tilespmem:$0x19400] =	vst v63  }
0x334: {  	s20 =	simm.s32 $0x380;
	s5 =	sadd.s32 s7, s5  }
0x335: {  	[tilespmem:s20], [sflag:$0x8] =	stream.linear.gather [hbm4b:s5+s2], $0x50, $0x38;
	[tilespmem:$0x19400] =	vst v63  }
.LBB2_15:
0x336: {  	_ =	swait.ge [sflag:s17], $0x1400  }
0x337: {  	[sflag:s17] =	ssyncset.done $0x0  }
0x338: {  	[sflag:s17] =	ssyncadd.s32 $0xFFFFEC00  }
.LBB2_16:
0x339: {  	s9 =	simm.s32 $0xF0  }
0x33a: {  	v0 =	vld [tilespmem:s9+$0x11B20]  }
0x33b: {  	v1 =	vld [tilespmem:s9+$0x7B10]  }
0x33c: {  	v2 =	vld [tilespmem:s9+$0x7B20]  }
0x33d: {  	v3 =	vld [tilespmem:s9+$0x11B10];
	_ =	sdelay $0x4  }
0x33e: {  	v0 =	vadd.f32 v0, v2;
	v1 =	vadd.f32 v3, v1;
	_ =	sdelay $0x1  }
0x33f: {  	v2 =	vshrl.u32 v0, $0x10;
	v3 =	vshrl.u32 v1, $0x10  }
0x340: {  	v2 =	vand.u32 $0x1, v2;
	v3 =	vand.u32 $0x1, v3  }
0x341: {  	v0 =	vadd.s32 v2, v0;
	v1 =	vadd.s32 v3, v1  }
0x342: {  	v0 =	vadd.s32 $0x7FFF, v0;
	v1 =	vadd.s32 $0x7FFF, v1  }
0x343: {  	v0 =	vand.u32 $0xFFFF0000, v0;
	v1 =	vshrl.u32 v1, $0x10  }
0x344: {  	s14 =	simm.s32 $0x18040;
	v0 =	vor.u32 v1, v0  }
0x345: {  	[tilespmem:s14+$0xFFFFFFC0] =	vst v0  }
0x346: {  	v0 =	vld [tilespmem:s9+$0x11B40]  }
0x347: {  	v1 =	vld [tilespmem:s9+$0x11B30]  }
0x348: {  	v2 =	vld [tilespmem:s9+$0x7B30]  }
0x349: {  	v3 =	vld [tilespmem:s9+$0x7B40];
	_ =	sdelay $0x4  }
0x34a: {  	v1 =	vadd.f32 v1, v2;
	v0 =	vadd.f32 v0, v3;
	_ =	sdelay $0x1  }
0x34b: {  	v2 =	vshrl.u32 v1, $0x10;
	v3 =	vshrl.u32 v0, $0x10  }
0x34c: {  	v2 =	vand.u32 $0x1, v2;
	v3 =	vand.u32 $0x1, v3  }
0x34d: {  	v1 =	vadd.s32 v2, v1;
	v0 =	vadd.s32 v3, v0  }
0x34e: {  	v1 =	vadd.s32 $0x7FFF, v1;
	v0 =	vadd.s32 $0x7FFF, v0  }
0x34f: {  	v1 =	vshrl.u32 v1, $0x10;
	v0 =	vand.u32 $0xFFFF0000, v0  }
0x350: {  	v0 =	vor.u32 v1, v0  }
0x351: {  	[tilespmem:s14+$0xFFFFFFD0] =	vst v0  }
0x352: {  	v0 =	vld [tilespmem:s9+$0x11B50]  }
0x353: {  	v1 =	vld [tilespmem:s9+$0x11B60]  }
0x354: {  	v2 =	vld [tilespmem:s9+$0x7B60]  }
0x355: {  	v3 =	vld [tilespmem:s9+$0x7B50];
	_ =	sdelay $0x4  }
0x356: {  	v1 =	vadd.f32 v1, v2;
	v0 =	vadd.f32 v0, v3;
	_ =	sdelay $0x1  }
0x357: {  	v2 =	vshrl.u32 v1, $0x10;
	v3 =	vshrl.u32 v0, $0x10  }
0x358: {  	v2 =	vand.u32 $0x1, v2;
	v3 =	vand.u32 $0x1, v3  }
0x359: {  	v1 =	vadd.s32 v2, v1;
	v0 =	vadd.s32 v3, v0  }
0x35a: {  	v1 =	vadd.s32 $0x7FFF, v1;
	v0 =	vadd.s32 $0x7FFF, v0  }
0x35b: {  	v1 =	vand.u32 $0xFFFF0000, v1;
	v0 =	vshrl.u32 v0, $0x10  }
0x35c: {  	v0 =	vor.u32 v0, v1  }
0x35d: {  	[tilespmem:s14+$0xFFFFFFE0] =	vst v0  }
0x35e: {  	v0 =	vld [tilespmem:s9+$0x7B70]  }
0x35f: {  	v1 =	vld [tilespmem:s9+$0x11B70]  }
0x360: {  	v2 =	vld [tilespmem:s9+$0x11B80]  }
0x361: {  	v3 =	vld [tilespmem:s9+$0x7B80];
	_ =	sdelay $0x4  }
0x362: {  	v0 =	vadd.f32 v1, v0;
	v1 =	vadd.f32 v2, v3;
	_ =	sdelay $0x1  }
0x363: {  	v2 =	vshrl.u32 v0, $0x10;
	v3 =	vshrl.u32 v1, $0x10  }
0x364: {  	v2 =	vand.u32 $0x1, v2;
	v3 =	vand.u32 $0x1, v3  }
0x365: {  	v0 =	vadd.s32 v2, v0;
	v1 =	vadd.s32 v3, v1  }
0x366: {  	v0 =	vadd.s32 $0x7FFF, v0;
	v1 =	vadd.s32 $0x7FFF, v1  }
0x367: {  	v0 =	vshrl.u32 v0, $0x10;
	v1 =	vand.u32 $0xFFFF0000, v1  }
0x368: {  	v0 =	vor.u32 v0, v1  }
0x369: {  	[tilespmem:s14+$0xFFFFFFF0] =	vst v0  }
0x36a: {  	v0 =	vld [tilespmem:s9+$0x11BA0]  }
0x36b: {  	v1 =	vld [tilespmem:s9+$0x7B90]  }
0x36c: {  	v2 =	vld [tilespmem:s9+$0x7BA0]  }
0x36d: {  	v3 =	vld [tilespmem:s9+$0x11B90];
	_ =	sdelay $0x4  }
0x36e: {  	v0 =	vadd.f32 v0, v2;
	v1 =	vadd.f32 v3, v1;
	_ =	sdelay $0x1  }
0x36f: {  	v2 =	vshrl.u32 v0, $0x10;
	v3 =	vshrl.u32 v1, $0x10  }
0x370: {  	v2 =	vand.u32 $0x1, v2;
	v3 =	vand.u32 $0x1, v3  }
0x371: {  	v0 =	vadd.s32 v2, v0;
	v1 =	vadd.s32 v3, v1  }
0x372: {  	v0 =	vadd.s32 $0x7FFF, v0;
	v1 =	vadd.s32 $0x7FFF, v1  }
0x373: {  	v0 =	vand.u32 $0xFFFF0000, v0;
	v1 =	vshrl.u32 v1, $0x10  }
0x374: {  	v0 =	vor.u32 v1, v0  }
0x375: {  	[tilespmem:s14+$0x0] =	vst v0  }
0x376: {  	v0 =	vld [tilespmem:s9+$0x11BC0]  }
0x377: {  	v1 =	vld [tilespmem:s9+$0x11BB0]  }
0x378: {  	v2 =	vld [tilespmem:s9+$0x7BB0]  }
0x379: {  	v3 =	vld [tilespmem:s9+$0x7BC0];
	_ =	sdelay $0x4  }
0x37a: {  	v1 =	vadd.f32 v1, v2;
	v0 =	vadd.f32 v0, v3;
	_ =	sdelay $0x1  }
0x37b: {  	v2 =	vshrl.u32 v1, $0x10;
	v3 =	vshrl.u32 v0, $0x10  }
0x37c: {  	v2 =	vand.u32 $0x1, v2;
	v3 =	vand.u32 $0x1, v3  }
0x37d: {  	v1 =	vadd.s32 v2, v1;
	v0 =	vadd.s32 v3, v0  }
0x37e: {  	v1 =	vadd.s32 $0x7FFF, v1;
	v0 =	vadd.s32 $0x7FFF, v0  }
0x37f: {  	v1 =	vshrl.u32 v1, $0x10;
	v0 =	vand.u32 $0xFFFF0000, v0  }
0x380: {  	v0 =	vor.u32 v1, v0  }
0x381: {  	[tilespmem:s14+$0x10] =	vst v0  }
0x382: {  	v0 =	vld [tilespmem:s9+$0x7BD0]  }
0x383: {  	v1 =	vld [tilespmem:s9+$0x11BD0]  }
0x384: {  	v2 =	vld [tilespmem:s9+$0x7BE0]  }
0x385: {  	v3 =	vld [tilespmem:s9+$0x11BE0];
	_ =	sdelay $0x2  }
0x386: {  	v0 =	vadd.f32 v1, v0;
	_ =	sdelay $0x1  }
0x387: {  	s5 =	simm.s32 $0x7C0;
	s15 =	simm.s32 $0x18040;
	v1 =	vadd.f32 v3, v2;
	v2 =	vshrl.u32 v0, $0x10  }
.LBB2_17:
0x388: {  	p0 =	sne.s32 s5, $0x9FC0  }
0x389: {  	s14 =	sadd.s32 $0x80, s14;
	s20 =	smov.u32 s5;
	s5 =	sadd.s32 $0x400, s5  }
0x38a: {  	v3 =	vshrl.u32 v1, $0x10  }
0x38b: {  	v2 =	vand.u32 $0x1, v2;
	v3 =	vand.u32 $0x1, v3  }
0x38c: {  	v0 =	vadd.s32 v2, v0;
	v1 =	vadd.s32 v3, v1  }
0x38d: {  	v0 =	vadd.s32 $0x7FFF, v0;
	v1 =	vadd.s32 $0x7FFF, v1  }
0x38e: {  	v0 =	vshrl.u32 v0, $0x10;
	v1 =	vand.u32 $0xFFFF0000, v1  }
0x38f: {  	v0 =	vor.u32 v0, v1  }
0x390: {  	[tilespmem:s15+$0x20] =	vst v0  }
0x391: {  	v0 =	vld [tilespmem:s9+$0x11C00]  }
0x392: {  	v1 =	vld [tilespmem:s9+$0x7BF0]  }
0x393: {  	v2 =	vld [tilespmem:s9+$0x7C00]  }
0x394: {  	v3 =	vld [tilespmem:s9+$0x11BF0];
	_ =	sdelay $0x3  }
0x395: {  	v0 =	vadd.f32 v0, v2  }
0x396: {  	v1 =	vadd.f32 v3, v1  }
0x397: {  	v2 =	vshrl.u32 v0, $0x10  }
0x398: {  	v3 =	vshrl.u32 v1, $0x10;
	v2 =	vand.u32 $0x1, v2  }
0x399: {  	v3 =	vand.u32 $0x1, v3;
	v0 =	vadd.s32 v2, v0  }
0x39a: {  	v1 =	vadd.s32 v3, v1;
	v0 =	vadd.s32 $0x7FFF, v0  }
0x39b: {  	v1 =	vadd.s32 $0x7FFF, v1;
	v0 =	vand.u32 $0xFFFF0000, v0  }
0x39c: {  	v1 =	vshrl.u32 v1, $0x10  }
0x39d: {  	v0 =	vor.u32 v1, v0  }
0x39e: {  	s9 =	sshra.s32 s20, $0x2;
	[tilespmem:s15+$0x30] =	vst v0;
	s15 =	smov.u32 s14  }
0x39f: {  	v0 =	vld [tilespmem:s9+$0x11B20]  }
0x3a0: {  	v1 =	vld [tilespmem:s9+$0x7B10]  }
0x3a1: {  	v2 =	vld [tilespmem:s9+$0x7B20]  }
0x3a2: {  	v3 =	vld [tilespmem:s9+$0x11B10];
	_ =	sdelay $0x3  }
0x3a3: {  	v0 =	vadd.f32 v0, v2  }
0x3a4: {  	v1 =	vadd.f32 v3, v1  }
0x3a5: {  	v2 =	vshrl.u32 v0, $0x10  }
0x3a6: {  	v3 =	vshrl.u32 v1, $0x10;
	v2 =	vand.u32 $0x1, v2  }
0x3a7: {  	v3 =	vand.u32 $0x1, v3;
	v0 =	vadd.s32 v2, v0  }
0x3a8: {  	v1 =	vadd.s32 v3, v1;
	v0 =	vadd.s32 $0x7FFF, v0  }
0x3a9: {  	v1 =	vadd.s32 $0x7FFF, v1;
	v0 =	vand.u32 $0xFFFF0000, v0  }
0x3aa: {  	v1 =	vshrl.u32 v1, $0x10  }
0x3ab: {  	v0 =	vor.u32 v1, v0  }
0x3ac: {  	[tilespmem:s14+$0xFFFFFFC0] =	vst v0  }
0x3ad: {  	v0 =	vld [tilespmem:s9+$0x11B40]  }
0x3ae: {  	v1 =	vld [tilespmem:s9+$0x11B30]  }
0x3af: {  	v2 =	vld [tilespmem:s9+$0x7B30]  }
0x3b0: {  	v3 =	vld [tilespmem:s9+$0x7B40];
	_ =	sdelay $0x3  }
0x3b1: {  	v1 =	vadd.f32 v1, v2  }
0x3b2: {  	v0 =	vadd.f32 v0, v3  }
0x3b3: {  	v2 =	vshrl.u32 v1, $0x10  }
0x3b4: {  	v2 =	vand.u32 $0x1, v2;
	v3 =	vshrl.u32 v0, $0x10  }
0x3b5: {  	v1 =	vadd.s32 v2, v1;
	v2 =	vand.u32 $0x1, v3  }
0x3b6: {  	v1 =	vadd.s32 $0x7FFF, v1;
	v0 =	vadd.s32 v2, v0  }
0x3b7: {  	v0 =	vadd.s32 $0x7FFF, v0  }
0x3b8: {  	v1 =	vshrl.u32 v1, $0x10;
	v0 =	vand.u32 $0xFFFF0000, v0  }
0x3b9: {  	v0 =	vor.u32 v1, v0  }
0x3ba: {  	[tilespmem:s14+$0xFFFFFFD0] =	vst v0  }
0x3bb: {  	v0 =	vld [tilespmem:s9+$0x11B50]  }
0x3bc: {  	v1 =	vld [tilespmem:s9+$0x11B60]  }
0x3bd: {  	v2 =	vld [tilespmem:s9+$0x7B60]  }
0x3be: {  	v3 =	vld [tilespmem:s9+$0x7B50];
	_ =	sdelay $0x3  }
0x3bf: {  	v1 =	vadd.f32 v1, v2  }
0x3c0: {  	v0 =	vadd.f32 v0, v3  }
0x3c1: {  	v2 =	vshrl.u32 v1, $0x10  }
0x3c2: {  	v3 =	vshrl.u32 v0, $0x10;
	v2 =	vand.u32 $0x1, v2  }
0x3c3: {  	v3 =	vand.u32 $0x1, v3;
	v1 =	vadd.s32 v2, v1  }
0x3c4: {  	v0 =	vadd.s32 v3, v0;
	v1 =	vadd.s32 $0x7FFF, v1  }
0x3c5: {  	v0 =	vadd.s32 $0x7FFF, v0;
	v1 =	vand.u32 $0xFFFF0000, v1  }
0x3c6: {  	v0 =	vshrl.u32 v0, $0x10  }
0x3c7: {  	v0 =	vor.u32 v0, v1  }
0x3c8: {  	[tilespmem:s14+$0xFFFFFFE0] =	vst v0  }
0x3c9: {  	v0 =	vld [tilespmem:s9+$0x7B70]  }
0x3ca: {  	v1 =	vld [tilespmem:s9+$0x11B70]  }
0x3cb: {  	v2 =	vld [tilespmem:s9+$0x11B80]  }
0x3cc: {  	v3 =	vld [tilespmem:s9+$0x7B80];
	_ =	sdelay $0x2  }
0x3cd: {  	v0 =	vadd.f32 v1, v0;
	_ =	sdelay $0x1  }
0x3ce: {  	v1 =	vadd.f32 v2, v3;
	v2 =	vshrl.u32 v0, $0x10  }
0x3cf: {  	v2 =	vand.u32 $0x1, v2  }
0x3d0: {  	v0 =	vadd.s32 v2, v0;
	v2 =	vshrl.u32 v1, $0x10  }
0x3d1: {  	v0 =	vadd.s32 $0x7FFF, v0;
	v2 =	vand.u32 $0x1, v2  }
0x3d2: {  	v0 =	vshrl.u32 v0, $0x10;
	v1 =	vadd.s32 v2, v1  }
0x3d3: {  	v1 =	vadd.s32 $0x7FFF, v1  }
0x3d4: {  	v1 =	vand.u32 $0xFFFF0000, v1  }
0x3d5: {  	v0 =	vor.u32 v0, v1  }
0x3d6: {  	[tilespmem:s14+$0xFFFFFFF0] =	vst v0  }
0x3d7: {  	v0 =	vld [tilespmem:s9+$0x11BA0]  }
0x3d8: {  	v1 =	vld [tilespmem:s9+$0x7B90]  }
0x3d9: {  	v2 =	vld [tilespmem:s9+$0x7BA0]  }
0x3da: {  	v3 =	vld [tilespmem:s9+$0x11B90];
	_ =	sdelay $0x3  }
0x3db: {  	v0 =	vadd.f32 v0, v2  }
0x3dc: {  	v1 =	vadd.f32 v3, v1  }
0x3dd: {  	v2 =	vshrl.u32 v0, $0x10  }
0x3de: {  	v3 =	vshrl.u32 v1, $0x10;
	v2 =	vand.u32 $0x1, v2  }
0x3df: {  	v3 =	vand.u32 $0x1, v3;
	v0 =	vadd.s32 v2, v0  }
0x3e0: {  	v1 =	vadd.s32 v3, v1;
	v0 =	vadd.s32 $0x7FFF, v0  }
0x3e1: {  	v1 =	vadd.s32 $0x7FFF, v1;
	v0 =	vand.u32 $0xFFFF0000, v0  }
0x3e2: {  	v1 =	vshrl.u32 v1, $0x10  }
0x3e3: {  	v0 =	vor.u32 v1, v0  }
0x3e4: {  	[tilespmem:s14+$0x0] =	vst v0  }
0x3e5: {  	v0 =	vld [tilespmem:s9+$0x11BC0]  }
0x3e6: {  	v1 =	vld [tilespmem:s9+$0x11BB0]  }
0x3e7: {  	v2 =	vld [tilespmem:s9+$0x7BB0]  }
0x3e8: {  	v3 =	vld [tilespmem:s9+$0x7BC0];
	_ =	sdelay $0x3  }
0x3e9: {  	v1 =	vadd.f32 v1, v2  }
0x3ea: {  	v0 =	vadd.f32 v0, v3  }
0x3eb: {  	v2 =	vshrl.u32 v1, $0x10  }
0x3ec: {  	v2 =	vand.u32 $0x1, v2;
	v3 =	vshrl.u32 v0, $0x10  }
0x3ed: {  	v1 =	vadd.s32 v2, v1;
	v2 =	vand.u32 $0x1, v3  }
0x3ee: {  	v1 =	vadd.s32 $0x7FFF, v1;
	v0 =	vadd.s32 v2, v0  }
0x3ef: {  	v0 =	vadd.s32 $0x7FFF, v0  }
0x3f0: {  	v1 =	vshrl.u32 v1, $0x10;
	v0 =	vand.u32 $0xFFFF0000, v0  }
0x3f1: {  	v0 =	vor.u32 v1, v0  }
0x3f2: {  	[tilespmem:s14+$0x10] =	vst v0  }
0x3f3: {  	v0 =	vld [tilespmem:s9+$0x7BD0]  }
0x3f4: {  	v1 =	vld [tilespmem:s9+$0x11BD0]  }
0x3f5: {  	v2 =	vld [tilespmem:s9+$0x7BE0]  }
0x3f6: {  	v3 =	vld [tilespmem:s9+$0x11BE0]  }
.Ltmp9:
0x3f7: {  	(pc) =	sbr.rel @p0 .LBB2_17-.Ltmp9, $3  }
0x3f8: {  	_ = 	snop  }
0x3f9: {  	v0 =	vadd.f32 v1, v0;
	_ =	sdelay $0x1  }
0x3fa: {  	v1 =	vadd.f32 v3, v2;
	v2 =	vshrl.u32 v0, $0x10  }
0x3fb: {  	_ = 	snop  }
0x3fc: {  	v3 =	vshrl.u32 v1, $0x10  }
0x3fd: {  	v2 =	vand.u32 $0x1, v2;
	v3 =	vand.u32 $0x1, v3  }
0x3fe: {  	v0 =	vadd.s32 v2, v0;
	v60 =	vadd.s32 v3, v1  }
0x3ff: {  	v0 =	vadd.s32 $0x7FFF, v0;
	v1 =	vadd.s32 $0x7FFF, v60  }
0x400: {  	v0 =	vshrl.u32 v0, $0x10;
	v1 =	vand.u32 $0xFFFF0000, v1  }
0x401: {  	v0 =	vor.u32 v0, v1  }
0x402: {  	[tilespmem:s15+$0x20] =	vst v0  }
0x403: {  	v0 =	vld [tilespmem:s9+$0x11C00]  }
0x404: {  	v61 =	vld [tilespmem:s9+$0x7BF0]  }
0x405: {  	v62 =	vld [tilespmem:s9+$0x7C00]  }
0x406: {  	v63 =	vld [tilespmem:s9+$0x11BF0];
	_ =	sdelay $0x4  }
0x407: {  	v0 =	vadd.f32 v0, v62;
	v1 =	vadd.f32 v63, v61;
	_ =	sdelay $0x1  }
0x408: {  	v2 =	vshrl.u32 v0, $0x10;
	v3 =	vshrl.u32 v1, $0x10  }
0x409: {  	v2 =	vand.u32 $0x1, v2;
	v3 =	vand.u32 $0x1, v3  }
0x40a: {  	v0 =	vadd.s32 v2, v0;
	v1 =	vadd.s32 v3, v1  }
.Ltmp10:
0x40b: {  	v0 =	vadd.s32 $0x7FFF, v0;
	v1 =	vadd.s32 $0x7FFF, v1;
	(pc) =	sbr.rel @p1 .LBB2_20-.Ltmp10, $4  }
0x40c: {  	s5 =	sadd.s32 s19, s18;
	v0 =	vand.u32 $0xFFFF0000, v0;
	v1 =	vshrl.u32 v1, $0x10  }
0x40d: {  	s5 =	sshll.u32 s5, $0x3;
	v0 =	vor.u32 v1, v0  }
0x40e: {  	s20 =	simm.s32 $0x18000;
	s5 =	sadd.s32 s8, s5;
	[tilespmem:s15+$0x30] =	vst v0  }
0x40f: {  	[hbm4b:s5+s2] =	stream.linear.scatter [tilespmem:s20], [sflag:$0x14], $0x1400, $0x38;
	[tilespmem:$0x19400] =	vst v63  }
0x410: {  	_ =	swait.ge [sflag:s24], $0x50  }
0x411: {  	[sflag:s24] =	ssyncset.done $0x0  }
0x412: {  	[sflag:s24] =	ssyncadd.s32 $0xFFFFFFB0  }
0x413: {  	_ =	swait.ge [sflag:s28], $0x50  }
.Ltmp11:
0x414: {  	[sflag:s28] =	ssyncset.done $0x0;
	(pc) =	sbr.rel .LBB2_2-.Ltmp11, $4  }
0x415: {  	s5 =	simm.s32 $0x180;
	s9 =	simm.s32 $0x7C00;
	[sflag:s28] =	ssyncadd.s32 $0xFFFFFFB0  }
0x416: {  	[tilespmem:s9], [sflag:$0xC] =	stream.indirect.gather [hbm4b:s3+s12], $0x80, s5, s12, $0xb8;
	[tilespmem:$0x19400] =	vst v63  }
0x417: {  	s19 =	simm.s32 $0x380;
	s20 =	simm.s32 $0x11C00;
	s25 =	sadd.s32 $0x1, s25  }
0x418: {  	[tilespmem:s20], [sflag:$0x10] =	stream.indirect.gather [hbm4b:s4+s12], $0x80, s19, s12, $0xb8;
	[tilespmem:$0x19400] =	vst v63  }
.LBB2_20:
0x419: {  	_ =	swait.ge [sflag:s23], $0x2800  }
0x41a: {  	[sflag:s23] =	ssyncset.done $0x0  }
0x41b: {  	[sflag:s23] =	ssyncadd.s32 $0xFFFFD800  }
0x41c: {  	_ =	swait.ge [sflag:s29], $0x2800  }
0x41d: {  	[sflag:s29] =	ssyncset.done $0x0  }
0x41e: {  	s5 =	simm.s32 $0x11;
	[sflag:s29] =	ssyncadd.s32 $0xFFFFD800  }
0x41f: {  	_ =	swait.ge [sflag:s5], $0x1400  }
0x420: {  	[sflag:s5] =	ssyncset.done $0x0  }
0x421: {  	s9 =	simm.s32 $0xF0;
	[sflag:s5] =	ssyncadd.s32 $0xFFFFEC00  }
0x422: {  	v0 =	vld [tilespmem:s9+$0xA320]  }
0x423: {  	v1 =	vld [tilespmem:s9+$0x310]  }
0x424: {  	v2 =	vld [tilespmem:s9+$0x320]  }
0x425: {  	v3 =	vld [tilespmem:s9+$0xA310];
	_ =	sdelay $0x4  }
0x426: {  	v0 =	vadd.f32 v0, v2;
	v1 =	vadd.f32 v3, v1;
	_ =	sdelay $0x1  }
0x427: {  	v2 =	vshrl.u32 v0, $0x10;
	v3 =	vshrl.u32 v1, $0x10  }
0x428: {  	v2 =	vand.u32 $0x1, v2;
	v3 =	vand.u32 $0x1, v3  }
0x429: {  	v0 =	vadd.s32 v2, v0;
	v1 =	vadd.s32 v3, v1  }
0x42a: {  	v0 =	vadd.s32 $0x7FFF, v0;
	v1 =	vadd.s32 $0x7FFF, v1  }
0x42b: {  	v0 =	vand.u32 $0xFFFF0000, v0;
	v1 =	vshrl.u32 v1, $0x10  }
0x42c: {  	s14 =	simm.s32 $0x14440;
	v0 =	vor.u32 v1, v0  }
0x42d: {  	[tilespmem:s14+$0xFFFFFFC0] =	vst v0  }
0x42e: {  	v0 =	vld [tilespmem:s9+$0xA340]  }
0x42f: {  	v1 =	vld [tilespmem:s9+$0xA330]  }
0x430: {  	v2 =	vld [tilespmem:s9+$0x330]  }
0x431: {  	v3 =	vld [tilespmem:s9+$0x340];
	_ =	sdelay $0x4  }
0x432: {  	v1 =	vadd.f32 v1, v2;
	v0 =	vadd.f32 v0, v3;
	_ =	sdelay $0x1  }
0x433: {  	v2 =	vshrl.u32 v1, $0x10;
	v3 =	vshrl.u32 v0, $0x10  }
0x434: {  	v2 =	vand.u32 $0x1, v2;
	v3 =	vand.u32 $0x1, v3  }
0x435: {  	v1 =	vadd.s32 v2, v1;
	v0 =	vadd.s32 v3, v0  }
0x436: {  	v1 =	vadd.s32 $0x7FFF, v1;
	v0 =	vadd.s32 $0x7FFF, v0  }
0x437: {  	v1 =	vshrl.u32 v1, $0x10;
	v0 =	vand.u32 $0xFFFF0000, v0  }
0x438: {  	v0 =	vor.u32 v1, v0  }
0x439: {  	[tilespmem:s14+$0xFFFFFFD0] =	vst v0  }
0x43a: {  	v0 =	vld [tilespmem:s9+$0xA350]  }
0x43b: {  	v1 =	vld [tilespmem:s9+$0xA360]  }
0x43c: {  	v2 =	vld [tilespmem:s9+$0x360]  }
0x43d: {  	v3 =	vld [tilespmem:s9+$0x350];
	_ =	sdelay $0x4  }
0x43e: {  	v1 =	vadd.f32 v1, v2;
	v0 =	vadd.f32 v0, v3;
	_ =	sdelay $0x1  }
0x43f: {  	v2 =	vshrl.u32 v1, $0x10;
	v3 =	vshrl.u32 v0, $0x10  }
0x440: {  	v2 =	vand.u32 $0x1, v2;
	v3 =	vand.u32 $0x1, v3  }
0x441: {  	v1 =	vadd.s32 v2, v1;
	v0 =	vadd.s32 v3, v0  }
0x442: {  	v1 =	vadd.s32 $0x7FFF, v1;
	v0 =	vadd.s32 $0x7FFF, v0  }
0x443: {  	v1 =	vand.u32 $0xFFFF0000, v1;
	v0 =	vshrl.u32 v0, $0x10  }
0x444: {  	v0 =	vor.u32 v0, v1  }
0x445: {  	[tilespmem:s14+$0xFFFFFFE0] =	vst v0  }
0x446: {  	v0 =	vld [tilespmem:s9+$0x370]  }
0x447: {  	v1 =	vld [tilespmem:s9+$0xA370]  }
0x448: {  	v2 =	vld [tilespmem:s9+$0xA380]  }
0x449: {  	v3 =	vld [tilespmem:s9+$0x380];
	_ =	sdelay $0x4  }
0x44a: {  	v0 =	vadd.f32 v1, v0;
	v1 =	vadd.f32 v2, v3;
	_ =	sdelay $0x1  }
0x44b: {  	v2 =	vshrl.u32 v0, $0x10;
	v3 =	vshrl.u32 v1, $0x10  }
0x44c: {  	v2 =	vand.u32 $0x1, v2;
	v3 =	vand.u32 $0x1, v3  }
0x44d: {  	v0 =	vadd.s32 v2, v0;
	v1 =	vadd.s32 v3, v1  }
0x44e: {  	v0 =	vadd.s32 $0x7FFF, v0;
	v1 =	vadd.s32 $0x7FFF, v1  }
0x44f: {  	v0 =	vshrl.u32 v0, $0x10;
	v1 =	vand.u32 $0xFFFF0000, v1  }
0x450: {  	v0 =	vor.u32 v0, v1  }
0x451: {  	[tilespmem:s14+$0xFFFFFFF0] =	vst v0  }
0x452: {  	v0 =	vld [tilespmem:s9+$0xA3A0]  }
0x453: {  	v1 =	vld [tilespmem:s9+$0x390]  }
0x454: {  	v2 =	vld [tilespmem:s9+$0x3A0]  }
0x455: {  	v3 =	vld [tilespmem:s9+$0xA390];
	_ =	sdelay $0x4  }
0x456: {  	v0 =	vadd.f32 v0, v2;
	v1 =	vadd.f32 v3, v1;
	_ =	sdelay $0x1  }
0x457: {  	v2 =	vshrl.u32 v0, $0x10;
	v3 =	vshrl.u32 v1, $0x10  }
0x458: {  	v2 =	vand.u32 $0x1, v2;
	v3 =	vand.u32 $0x1, v3  }
0x459: {  	v0 =	vadd.s32 v2, v0;
	v1 =	vadd.s32 v3, v1  }
0x45a: {  	v0 =	vadd.s32 $0x7FFF, v0;
	v1 =	vadd.s32 $0x7FFF, v1  }
0x45b: {  	v0 =	vand.u32 $0xFFFF0000, v0;
	v1 =	vshrl.u32 v1, $0x10  }
0x45c: {  	v0 =	vor.u32 v1, v0  }
0x45d: {  	[tilespmem:s14+$0x0] =	vst v0  }
0x45e: {  	v0 =	vld [tilespmem:s9+$0xA3C0]  }
0x45f: {  	v1 =	vld [tilespmem:s9+$0xA3B0]  }
0x460: {  	v2 =	vld [tilespmem:s9+$0x3B0]  }
0x461: {  	v3 =	vld [tilespmem:s9+$0x3C0];
	_ =	sdelay $0x4  }
0x462: {  	v1 =	vadd.f32 v1, v2;
	v0 =	vadd.f32 v0, v3;
	_ =	sdelay $0x1  }
0x463: {  	v2 =	vshrl.u32 v1, $0x10;
	v3 =	vshrl.u32 v0, $0x10  }
0x464: {  	v2 =	vand.u32 $0x1, v2;
	v3 =	vand.u32 $0x1, v3  }
0x465: {  	v1 =	vadd.s32 v2, v1;
	v0 =	vadd.s32 v3, v0  }
0x466: {  	v1 =	vadd.s32 $0x7FFF, v1;
	v0 =	vadd.s32 $0x7FFF, v0  }
0x467: {  	v1 =	vshrl.u32 v1, $0x10;
	v0 =	vand.u32 $0xFFFF0000, v0  }
0x468: {  	v0 =	vor.u32 v1, v0  }
0x469: {  	[tilespmem:s14+$0x10] =	vst v0  }
0x46a: {  	v0 =	vld [tilespmem:s9+$0x3D0]  }
0x46b: {  	v1 =	vld [tilespmem:s9+$0xA3D0]  }
0x46c: {  	v2 =	vld [tilespmem:s9+$0x3E0]  }
0x46d: {  	v3 =	vld [tilespmem:s9+$0xA3E0];
	_ =	sdelay $0x2  }
0x46e: {  	v0 =	vadd.f32 v1, v0;
	_ =	sdelay $0x1  }
0x46f: {  	s15 =	simm.s32 $0x14440;
	s5 =	simm.s32 $0x7C0;
	v1 =	vadd.f32 v3, v2;
	v2 =	vshrl.u32 v0, $0x10  }
.LBB2_21:
0x470: {  	p0 =	sne.s32 s5, $0x9FC0  }
0x471: {  	s14 =	sadd.s32 $0x80, s14;
	s19 =	smov.u32 s5;
	s5 =	sadd.s32 $0x400, s5  }
0x472: {  	v3 =	vshrl.u32 v1, $0x10  }
0x473: {  	v2 =	vand.u32 $0x1, v2;
	v3 =	vand.u32 $0x1, v3  }
0x474: {  	v0 =	vadd.s32 v2, v0;
	v1 =	vadd.s32 v3, v1  }
0x475: {  	v0 =	vadd.s32 $0x7FFF, v0;
	v1 =	vadd.s32 $0x7FFF, v1  }
0x476: {  	v0 =	vshrl.u32 v0, $0x10;
	v1 =	vand.u32 $0xFFFF0000, v1  }
0x477: {  	v0 =	vor.u32 v0, v1  }
0x478: {  	[tilespmem:s15+$0x20] =	vst v0  }
0x479: {  	v0 =	vld [tilespmem:s9+$0xA400]  }
0x47a: {  	v1 =	vld [tilespmem:s9+$0x3F0]  }
0x47b: {  	v2 =	vld [tilespmem:s9+$0x400]  }
0x47c: {  	v3 =	vld [tilespmem:s9+$0xA3F0];
	_ =	sdelay $0x3  }
0x47d: {  	v0 =	vadd.f32 v0, v2  }
0x47e: {  	v1 =	vadd.f32 v3, v1  }
0x47f: {  	v2 =	vshrl.u32 v0, $0x10  }
0x480: {  	v3 =	vshrl.u32 v1, $0x10;
	v2 =	vand.u32 $0x1, v2  }
0x481: {  	v3 =	vand.u32 $0x1, v3;
	v0 =	vadd.s32 v2, v0  }
0x482: {  	v1 =	vadd.s32 v3, v1;
	v0 =	vadd.s32 $0x7FFF, v0  }
0x483: {  	v1 =	vadd.s32 $0x7FFF, v1;
	v0 =	vand.u32 $0xFFFF0000, v0  }
0x484: {  	v1 =	vshrl.u32 v1, $0x10  }
0x485: {  	v0 =	vor.u32 v1, v0  }
0x486: {  	s9 =	sshra.s32 s19, $0x2;
	[tilespmem:s15+$0x30] =	vst v0;
	s15 =	smov.u32 s14  }
0x487: {  	v0 =	vld [tilespmem:s9+$0xA320]  }
0x488: {  	v1 =	vld [tilespmem:s9+$0x310]  }
0x489: {  	v2 =	vld [tilespmem:s9+$0x320]  }
0x48a: {  	v3 =	vld [tilespmem:s9+$0xA310];
	_ =	sdelay $0x3  }
0x48b: {  	v0 =	vadd.f32 v0, v2  }
0x48c: {  	v1 =	vadd.f32 v3, v1  }
0x48d: {  	v2 =	vshrl.u32 v0, $0x10  }
0x48e: {  	v3 =	vshrl.u32 v1, $0x10;
	v2 =	vand.u32 $0x1, v2  }
0x48f: {  	v3 =	vand.u32 $0x1, v3;
	v0 =	vadd.s32 v2, v0  }
0x490: {  	v1 =	vadd.s32 v3, v1;
	v0 =	vadd.s32 $0x7FFF, v0  }
0x491: {  	v1 =	vadd.s32 $0x7FFF, v1;
	v0 =	vand.u32 $0xFFFF0000, v0  }
0x492: {  	v1 =	vshrl.u32 v1, $0x10  }
0x493: {  	v0 =	vor.u32 v1, v0  }
0x494: {  	[tilespmem:s14+$0xFFFFFFC0] =	vst v0  }
0x495: {  	v0 =	vld [tilespmem:s9+$0xA340]  }
0x496: {  	v1 =	vld [tilespmem:s9+$0xA330]  }
0x497: {  	v2 =	vld [tilespmem:s9+$0x330]  }
0x498: {  	v3 =	vld [tilespmem:s9+$0x340];
	_ =	sdelay $0x3  }
0x499: {  	v1 =	vadd.f32 v1, v2  }
0x49a: {  	v0 =	vadd.f32 v0, v3  }
0x49b: {  	v2 =	vshrl.u32 v1, $0x10  }
0x49c: {  	v2 =	vand.u32 $0x1, v2;
	v3 =	vshrl.u32 v0, $0x10  }
0x49d: {  	v1 =	vadd.s32 v2, v1;
	v2 =	vand.u32 $0x1, v3  }
0x49e: {  	v1 =	vadd.s32 $0x7FFF, v1;
	v0 =	vadd.s32 v2, v0  }
0x49f: {  	v0 =	vadd.s32 $0x7FFF, v0  }
0x4a0: {  	v1 =	vshrl.u32 v1, $0x10;
	v0 =	vand.u32 $0xFFFF0000, v0  }
0x4a1: {  	v0 =	vor.u32 v1, v0  }
0x4a2: {  	[tilespmem:s14+$0xFFFFFFD0] =	vst v0  }
0x4a3: {  	v0 =	vld [tilespmem:s9+$0xA350]  }
0x4a4: {  	v1 =	vld [tilespmem:s9+$0xA360]  }
0x4a5: {  	v2 =	vld [tilespmem:s9+$0x360]  }
0x4a6: {  	v3 =	vld [tilespmem:s9+$0x350];
	_ =	sdelay $0x3  }
0x4a7: {  	v1 =	vadd.f32 v1, v2  }
0x4a8: {  	v0 =	vadd.f32 v0, v3  }
0x4a9: {  	v2 =	vshrl.u32 v1, $0x10  }
0x4aa: {  	v3 =	vshrl.u32 v0, $0x10;
	v2 =	vand.u32 $0x1, v2  }
0x4ab: {  	v3 =	vand.u32 $0x1, v3;
	v1 =	vadd.s32 v2, v1  }
0x4ac: {  	v0 =	vadd.s32 v3, v0;
	v1 =	vadd.s32 $0x7FFF, v1  }
0x4ad: {  	v0 =	vadd.s32 $0x7FFF, v0;
	v1 =	vand.u32 $0xFFFF0000, v1  }
0x4ae: {  	v0 =	vshrl.u32 v0, $0x10  }
0x4af: {  	v0 =	vor.u32 v0, v1  }
0x4b0: {  	[tilespmem:s14+$0xFFFFFFE0] =	vst v0  }
0x4b1: {  	v0 =	vld [tilespmem:s9+$0x370]  }
0x4b2: {  	v1 =	vld [tilespmem:s9+$0xA370]  }
0x4b3: {  	v2 =	vld [tilespmem:s9+$0xA380]  }
0x4b4: {  	v3 =	vld [tilespmem:s9+$0x380];
	_ =	sdelay $0x2  }
0x4b5: {  	v0 =	vadd.f32 v1, v0;
	_ =	sdelay $0x1  }
0x4b6: {  	v1 =	vadd.f32 v2, v3;
	v2 =	vshrl.u32 v0, $0x10  }
0x4b7: {  	v2 =	vand.u32 $0x1, v2  }
0x4b8: {  	v0 =	vadd.s32 v2, v0;
	v2 =	vshrl.u32 v1, $0x10  }
0x4b9: {  	v0 =	vadd.s32 $0x7FFF, v0;
	v2 =	vand.u32 $0x1, v2  }
0x4ba: {  	v0 =	vshrl.u32 v0, $0x10;
	v1 =	vadd.s32 v2, v1  }
0x4bb: {  	v1 =	vadd.s32 $0x7FFF, v1  }
0x4bc: {  	v1 =	vand.u32 $0xFFFF0000, v1  }
0x4bd: {  	v0 =	vor.u32 v0, v1  }
0x4be: {  	[tilespmem:s14+$0xFFFFFFF0] =	vst v0  }
0x4bf: {  	v0 =	vld [tilespmem:s9+$0xA3A0]  }
0x4c0: {  	v1 =	vld [tilespmem:s9+$0x390]  }
0x4c1: {  	v2 =	vld [tilespmem:s9+$0x3A0]  }
0x4c2: {  	v3 =	vld [tilespmem:s9+$0xA390];
	_ =	sdelay $0x3  }
0x4c3: {  	v0 =	vadd.f32 v0, v2  }
0x4c4: {  	v1 =	vadd.f32 v3, v1  }
0x4c5: {  	v2 =	vshrl.u32 v0, $0x10  }
0x4c6: {  	v3 =	vshrl.u32 v1, $0x10;
	v2 =	vand.u32 $0x1, v2  }
0x4c7: {  	v3 =	vand.u32 $0x1, v3;
	v0 =	vadd.s32 v2, v0  }
0x4c8: {  	v1 =	vadd.s32 v3, v1;
	v0 =	vadd.s32 $0x7FFF, v0  }
0x4c9: {  	v1 =	vadd.s32 $0x7FFF, v1;
	v0 =	vand.u32 $0xFFFF0000, v0  }
0x4ca: {  	v1 =	vshrl.u32 v1, $0x10  }
0x4cb: {  	v0 =	vor.u32 v1, v0  }
0x4cc: {  	[tilespmem:s14+$0x0] =	vst v0  }
0x4cd: {  	v0 =	vld [tilespmem:s9+$0xA3C0]  }
0x4ce: {  	v1 =	vld [tilespmem:s9+$0xA3B0]  }
0x4cf: {  	v2 =	vld [tilespmem:s9+$0x3B0]  }
0x4d0: {  	v3 =	vld [tilespmem:s9+$0x3C0];
	_ =	sdelay $0x3  }
0x4d1: {  	v1 =	vadd.f32 v1, v2  }
0x4d2: {  	v0 =	vadd.f32 v0, v3  }
0x4d3: {  	v2 =	vshrl.u32 v1, $0x10  }
0x4d4: {  	v2 =	vand.u32 $0x1, v2;
	v3 =	vshrl.u32 v0, $0x10  }
0x4d5: {  	v1 =	vadd.s32 v2, v1;
	v2 =	vand.u32 $0x1, v3  }
0x4d6: {  	v1 =	vadd.s32 $0x7FFF, v1;
	v0 =	vadd.s32 v2, v0  }
0x4d7: {  	v0 =	vadd.s32 $0x7FFF, v0  }
0x4d8: {  	v1 =	vshrl.u32 v1, $0x10;
	v0 =	vand.u32 $0xFFFF0000, v0  }
0x4d9: {  	v0 =	vor.u32 v1, v0  }
0x4da: {  	[tilespmem:s14+$0x10] =	vst v0  }
0x4db: {  	v0 =	vld [tilespmem:s9+$0x3D0]  }
0x4dc: {  	v1 =	vld [tilespmem:s9+$0xA3D0]  }
0x4dd: {  	v2 =	vld [tilespmem:s9+$0x3E0]  }
0x4de: {  	v3 =	vld [tilespmem:s9+$0xA3E0]  }
.Ltmp12:
0x4df: {  	(pc) =	sbr.rel @p0 .LBB2_21-.Ltmp12, $3  }
0x4e0: {  	_ = 	snop  }
0x4e1: {  	v0 =	vadd.f32 v1, v0;
	_ =	sdelay $0x1  }
0x4e2: {  	v1 =	vadd.f32 v3, v2;
	v2 =	vshrl.u32 v0, $0x10  }
0x4e3: {  	_ = 	snop  }
0x4e4: {  	v3 =	vshrl.u32 v1, $0x10  }
0x4e5: {  	v2 =	vand.u32 $0x1, v2;
	v3 =	vand.u32 $0x1, v3  }
0x4e6: {  	v0 =	vadd.s32 v2, v0;
	v60 =	vadd.s32 v3, v1  }
0x4e7: {  	v0 =	vadd.s32 $0x7FFF, v0;
	v1 =	vadd.s32 $0x7FFF, v60  }
0x4e8: {  	v0 =	vshrl.u32 v0, $0x10;
	v1 =	vand.u32 $0xFFFF0000, v1  }
0x4e9: {  	v0 =	vor.u32 v0, v1  }
0x4ea: {  	[tilespmem:s15+$0x20] =	vst v0  }
0x4eb: {  	v0 =	vld [tilespmem:s9+$0xA400]  }
0x4ec: {  	v61 =	vld [tilespmem:s9+$0x3F0]  }
0x4ed: {  	v62 =	vld [tilespmem:s9+$0x400]  }
0x4ee: {  	v63 =	vld [tilespmem:s9+$0xA3F0];
	_ =	sdelay $0x4  }
0x4ef: {  	v0 =	vadd.f32 v0, v62;
	v1 =	vadd.f32 v63, v61;
	_ =	sdelay $0x1  }
0x4f0: {  	v2 =	vshrl.u32 v0, $0x10;
	v3 =	vshrl.u32 v1, $0x10  }
0x4f1: {  	v2 =	vand.u32 $0x1, v2;
	v3 =	vand.u32 $0x1, v3  }
0x4f2: {  	v0 =	vadd.s32 v2, v0;
	v1 =	vadd.s32 v3, v1  }
0x4f3: {  	v0 =	vadd.s32 $0x7FFF, v0;
	v1 =	vadd.s32 $0x7FFF, v1  }
0x4f4: {  	v0 =	vand.u32 $0xFFFF0000, v0;
	v1 =	vshrl.u32 v1, $0x10  }
0x4f5: {  	v0 =	vor.u32 v1, v0  }
0x4f6: {  	s5 =	rddreg [dreg:$0x10];
	s14 =	simm.s32 $0x14400;
	[tilespmem:s15+$0x30] =	vst v0;
	s15 =	simm.s32 $0x15  }
0x4f7: {  	[hbm4b:s5+s2] =	stream.linear.scatter [tilespmem:s14], [sflag:$0x15], $0x1400, $0x38;
	[tilespmem:$0x19400] =	vst v63  }
0x4f8: {  	_ =	swait.ge [sflag:s15], $0x1400  }
0x4f9: {  	[sflag:s15] =	ssyncset.done $0x0  }
0x4fa: {  	s19 =	simm.s32 $0x12;
	[sflag:s15] =	ssyncadd.s32 $0xFFFFEC00  }
0x4fb: {  	_ =	swait.ge [sflag:s19], $0x1400  }
0x4fc: {  	[sflag:s19] =	ssyncset.done $0x0  }
0x4fd: {  	[sflag:s19] =	ssyncadd.s32 $0xFFFFEC00  }
0x4fe: {  	_ =	swait.ge [sflag:s31], $0x1400  }
0x4ff: {  	[sflag:s31] =	ssyncset.done $0x0  }
0x500: {  	[sflag:s31] =	ssyncadd.s32 $0xFFFFEC00  }
0x501: {  	_ =	swait.ge [sflag:s17], $0x1400  }
0x502: {  	s20 =	rddreg [dreg:$0x12]  }
0x503: {  	s25 =	rddreg [dreg:$0x11];
	s9 =	sadd.s32 $0x1, s20  }
0x504: {  	p0 =	sne.s32 s9, s25  }
.Ltmp13:
0x505: {  	_ = 	snop;
	(pc) =	sbr.rel @p0 .LBB2_1-.Ltmp13, $3  }
0x506: {  	_ =	sdelay $0x1  }
0x507: {  	[sflag:s17] =	ssyncset.done $0x0  }
0x508: {  	[sflag:s17] =	ssyncadd.s32 $0xFFFFEC00  }
0x509: {  	_ =	sfence.sel $0x180000  }
0x50a: {  	[bflag:$0x0] =	sbarrier.arrive $0xFFFF  }
0x50b: {  	_ =	strace $0x90000047  }
0x50c: {  	s0 =	stileid.u32;
	[bflag:$0x2] =	sbarrier.arrive $0xFFFF  }
0x50d: {  	p0 =	sne.s32 s0, $0x0;
	s0 =	rddreg [dreg:$0x1]  }
0x50e: {  	s0 =	sadd.s32 @!p0 $0x100000, s0  }
0x50f: {  	[sflag:s0] =	ssyncadd.tile.s32 @!p0 $0x1;
	_ =	shalt  }
.Lfunc_end2:
_tile_overlayer_lowered:
.L_overlay_start_2:
0x510: {  	(tag) =	ssettag $0x2  }
0x511: {  	s0 =	rddreg [dreg:$0x0];
	s2 =	stileid.u32  }
0x512: {  	s1 =	rddreg [dreg:$0x1];
	p0 =	sne.s32 s2, $0x0  }
0x513: {  	s3 =	rddreg [dreg:$0x2];
	[bflag:$0x3] =	sbarrier.arrive $0xFFFF;
	s2 =	simm.s32 @!p0 $0x1C15  }
0x514: {  	[timem:s3], [sflag:s2] =	dma.local @!p0 [hbm:s0], s1  }
0x515: {  	s0 =	simm.s32 @!p0 $0x15  }
0x516: {  	_ =	swait.ge @!p0 [sflag:s0], s1  }
0x517: {  	s1 =	ssub.s32 @!p0 $0x0, s1;
	[sflag:s0] =	ssyncset.done @!p0 $0x0  }
0x518: {  	[sflag:s0] =	ssyncadd.s32 @!p0 s1  }
0x519: {  	[bflag:$0x3] =	sbarrier.arrive $0xFFFF  }
0x51a: {  	_ =	shalt  }

</sc_bundles>
